<compile_context>
chip_gen: v7x
topology: tpu7x:2x2x1
jax: 0.10.2.dev20260603
libtpu: 0.0.44.dev20260713+nightly
codegen_flags: <defaults>
</compile_context>

<pallas_src>
import jax
import jax.numpy as jnp
from jax import lax
from jax.experimental import pallas as pl
from jax.experimental.pallas import tpu as pltpu
from jax.experimental.pallas import tpu_sc as plsc

N = 100000
E = 1600000
NC, NS = 2, 16
NW = NC * NS
PW = E // NW
CG = 2000
NCH = PW // CG
SCW = 80
SROWS = CG // SCW
NZ = N // NS
RN = 2000
RE = 3200
RL = RE // 128
GE = E // RE
SCALE = 0.25
PREC = lax.Precision.DEFAULT

def _mk_mesh():
    return plsc.VectorSubcoreMesh(core_axis_name="c", subcore_axis_name="s",
                                  num_cores=NC, num_subcores=NS)


_SC_PARAMS = pltpu.CompilerParams(use_tc_tiling_on_sc=False)


def _dot(a, b):
    return jnp.dot(a, b, precision=PREC, preferred_element_type=jnp.float32)



def _gather2(tabA, idxA, tabB, idxB, DA, DB):

    def body(tabA_h, idxA_h, tabB_h, idxB_h, outA_h, outB_h,
             ia_v, ra_v, ib_v, rb_v, sa, sb):
        cid = lax.axis_index("c")
        sid = lax.axis_index("s")
        base = (cid * NS + sid) * PW

        def step(j, carry):
            off = base + j * CG
            pltpu.sync_copy(idxA_h.at[pl.ds(off, CG)], ia_v)
            pltpu.sync_copy(idxB_h.at[pl.ds(off, CG)], ib_v)
            ca = pltpu.async_copy(tabA_h.at[ia_v], ra_v, sa)
            cb = pltpu.async_copy(tabB_h.at[ib_v], rb_v, sb)
            ca.wait()
            cb.wait()
            pltpu.sync_copy(ra_v, outA_h.at[pl.ds(off, CG)])
            pltpu.sync_copy(rb_v, outB_h.at[pl.ds(off, CG)])
            return carry

        lax.fori_loop(0, NCH, step, 0)

    f = pl.kernel(
        body,
        out_type=(jax.ShapeDtypeStruct((E, DA), jnp.float32),
                  jax.ShapeDtypeStruct((E, DB), jnp.float32)),
        mesh=_mk_mesh(),
        scratch_types=[pltpu.VMEM((CG,), jnp.int32),
                       pltpu.VMEM((CG, DA), jnp.float32),
                       pltpu.VMEM((CG,), jnp.int32),
                       pltpu.VMEM((CG, DB), jnp.float32),
                       pltpu.SemaphoreType.DMA,
                       pltpu.SemaphoreType.DMA],
        compiler_params=_SC_PARAMS)
    return f(tabA, idxA, tabB, idxB)


NH = N // NC
HP = NH + 16
PWS = E // NS
NCHS = PWS // CG
NZH = NH // NS
NZP = HP // NS


def _scatter_add(rows, idx2d, zro):

    def body(rows_h, idx_h, z_h, out_h, iv, rv, acc):
        cid = lax.axis_index("c")
        sid = lax.axis_index("s")
        nbase = cid * NH
        pltpu.sync_copy(z_h.at[pl.ds(sid * NZP, NZP)],
                        acc.at[pl.ds(sid * NZP, NZP)])
        plsc.subcore_barrier()
        base = sid * PWS

        def step(j, carry):
            off = base + j * CG
            r0 = off // SCW
            pltpu.sync_copy(idx_h.at[pl.ds(r0, SROWS)], iv)
            pltpu.sync_copy(rows_h.at[pl.ds(off, CG)], rv)

            def remap(r, c3):
                def remap16(v, c4):
                    x = iv[r, pl.ds(v * 16, 16)] - nbase
                    ok = (x >= 0) & (x < NH)
                    iv[r, pl.ds(v * 16, 16)] = jnp.where(ok, x, NH)
                    return c4
                lax.fori_loop(0, SCW // 16, remap16, 0)
                return c3

            lax.fori_loop(0, SROWS, remap, 0)

            def sub(k, c2):
                pltpu.sync_copy(rv.at[pl.ds(k * SCW, SCW)],
                                acc.at[iv.at[k]], add=True)
                return c2

            lax.fori_loop(0, SROWS, sub, 0)
            return carry

        lax.fori_loop(0, NCHS, step, 0)
        plsc.subcore_barrier()
        pltpu.sync_copy(acc.at[pl.ds(sid * NZH, NZH)],
                        out_h.at[pl.ds(nbase + sid * NZH, NZH)])

    f = pl.kernel(
        body,
        out_type=jax.ShapeDtypeStruct((N, 16), jnp.float32),
        mesh=_mk_mesh(),
        scratch_types=[pltpu.VMEM((SROWS, SCW), jnp.int32),
                       pltpu.VMEM((CG, 16), jnp.float32),
                       pltpu.VMEM_SHARED((HP, 16), jnp.float32)],
        compiler_params=_SC_PARAMS)
    return f(rows, idx2d, zro)



def _norm_body(lo_ref, hi_ref, out_ref):
    s = (jnp.sum(jnp.abs(lo_ref[...])) +
         jnp.sum(jnp.abs(hi_ref[...]))) / E + 1e-9
    out_ref[...] = jnp.reshape(s, (1, 1))


def _norm_k(lo2, hi2):
    return pl.pallas_call(
        _norm_body,
        out_shape=jax.ShapeDtypeStruct((1, 1), jnp.float32))(lo2, hi2)


def _lp_norm(clp, n):
    col = lax.broadcasted_iota(jnp.int32, clp.shape, 1)
    return jnp.where(col == 4, clp / n, clp)


def _node_prep_body(cl, clp, vl, vlp, nrm,
                    Wq1, bq1, Ws1, bs1, Wk1, bk1, Wv1, bv1,
                    Wq2, bq2, Ws2, bs2,
                    qc, sc_, kvv, qv, sv):
    n = nrm[0, 0]
    clpn = _lp_norm(clp[...], n)
    cl_ = cl[...]
    vl_ = vl[...]
    vlp_ = vlp[...]
    qc[...] = _dot(cl_, Wq1[0:16]) + _dot(clpn, Wq1[16:21]) + bq1[...]
    sc_[...] = _dot(cl_, Ws1[0:16]) + _dot(clpn, Ws1[16:21]) + bs1[...]
    k = _dot(vl_, Wk1[0:16]) + _dot(vlp_, Wk1[16:18]) + bk1[...]
    v = _dot(vl_, Wv1[0:16]) + _dot(vlp_, Wv1[16:18]) + bv1[...]
    kvv[...] = jnp.concatenate([k, v], axis=1)
    qv[...] = _dot(vl_, Wq2[0:16]) + _dot(vlp_, Wq2[16:18]) + bq2[...]
    sv[...] = _dot(vl_, Ws2[0:16]) + _dot(vlp_, Ws2[16:18]) + bs2[...]


def _node_prep(cl, clp, vl, vlp, nrm, ws):
    g = N // RN
    rows = lambda d: pl.BlockSpec((RN, d), lambda i: (i, 0))
    full = lambda a: pl.BlockSpec(a.shape, lambda i: (0, 0))
    return pl.pallas_call(
        _node_prep_body,
        grid=(g,),
        in_specs=[rows(16), rows(5), rows(16), rows(2),
                  pl.BlockSpec((1, 1), lambda i: (0, 0))] + [full(w) for w in ws],
        out_specs=(rows(16), rows(16), rows(32), rows(16), rows(16)),
        out_shape=(jax.ShapeDtypeStruct((N, 16), jnp.float32),
                   jax.ShapeDtypeStruct((N, 16), jnp.float32),
                   jax.ShapeDtypeStruct((N, 32), jnp.float32),
                   jax.ShapeDtypeStruct((N, 16), jnp.float32),
                   jax.ShapeDtypeStruct((N, 16), jnp.float32)),
    )(cl, clp, vl, vlp, nrm, *ws)


def _ecomb_mm(el, lon, hin, elpn, W):
    return (_dot(el, W[0:16]) + lon * W[16:17] + hin * W[17:18]
            + _dot(elpn, W[18:22]))


def _edge_e_body(el, sc8, nrm, We1, be1, We2, be2, e1, e2):
    n = nrm[0, 0]
    b = sc8[...]
    lon = b[:, 4:5] / n
    hin = b[:, 5:6] / n
    col = lax.broadcasted_iota(jnp.int32, (RE, 4), 1)
    raw = b[:, 0:4]
    elpn = jnp.where(col == 3, raw / n, raw)
    el_ = el[...]
    e1[...] = _ecomb_mm(el_, lon, hin, elpn, We1) + be1[...]
    e2[...] = _ecomb_mm(el_, lon, hin, elpn, We2) + be2[...]


def _edge_e(el, sc8, nrm, We1, be1, We2, be2):
    rows = lambda d: pl.BlockSpec((RE, d), lambda i: (i, 0))
    full = lambda a: pl.BlockSpec(a.shape, lambda i: (0, 0))
    return pl.pallas_call(
        _edge_e_body,
        grid=(GE,),
        in_specs=[rows(16), rows(8),
                  pl.BlockSpec((1, 1), lambda i: (0, 0)),
                  full(We1), full(be1), full(We2), full(be2)],
        out_specs=(rows(16), rows(16)),
        out_shape=(jax.ShapeDtypeStruct((E, 16), jnp.float32),
                   jax.ShapeDtypeStruct((E, 16), jnp.float32)),
    )(el, sc8, nrm, We1, be1, We2, be2)


def _att_body(qg, kvg, e1, wrows, exrows):
    kv = kvg[...]
    e = e1[...]
    a = jnp.sum(qg[...] * (kv[:, 0:16] + e), axis=1, keepdims=True) * SCALE
    ex = jnp.exp(a)
    wrows[...] = (kv[:, 16:32] + e) * ex
    col = lax.broadcasted_iota(jnp.int32, (RE, 16), 1)
    exrows[...] = jnp.where(col == 0, ex,
                            jnp.where(col == 1, 1.0, 0.0))


def _att_k(qg, kvg, e1):
    g = E // RE
    rows = lambda d: pl.BlockSpec((RE, d), lambda i: (i, 0))
    return pl.pallas_call(
        _att_body,
        grid=(g,),
        in_specs=[rows(16), rows(32), rows(16)],
        out_specs=(rows(16), rows(16)),
        out_shape=(jax.ShapeDtypeStruct((E, 16), jnp.float32),
                   jax.ShapeDtypeStruct((E, 16), jnp.float32)),
    )(qg, kvg, e1)


def _combine_body(pw, pe, sk, out):
    w = pw[...]
    eb = pe[...]
    s = eb[:, 0:1]
    cnt = eb[:, 1:2]
    out[...] = jnp.maximum(
        w / (s + 1e-16) / jnp.maximum(cnt, 1.0) + sk[...], 0.0)


def _combine_k(pw, pe, sk):
    g = N // RN
    rows = lambda d: pl.BlockSpec((RN, d), lambda i: (i, 0))
    return pl.pallas_call(
        _combine_body,
        grid=(g,),
        in_specs=[rows(16), rows(16), rows(16)],
        out_specs=rows(16),
        out_shape=jax.ShapeDtypeStruct((N, 16), jnp.float32),
    )(pw, pe, sk)


def _kv2_body(cln, clp, nrm, Wk2, bk2, Wv2, bv2, kv2):
    n = nrm[0, 0]
    clpn = _lp_norm(clp[...], n)
    cl_ = cln[...]
    k = _dot(cl_, Wk2[0:16]) + _dot(clpn, Wk2[16:21]) + bk2[...]
    v = _dot(cl_, Wv2[0:16]) + _dot(clpn, Wv2[16:21]) + bv2[...]
    kv2[...] = jnp.concatenate([k, v], axis=1)


def _kv2_k(cln, clp, nrm, Wk2, bk2, Wv2, bv2):
    g = N // RN
    rows = lambda d: pl.BlockSpec((RN, d), lambda i: (i, 0))
    full = lambda a: pl.BlockSpec(a.shape, lambda i: (0, 0))
    return pl.pallas_call(
        _kv2_body,
        grid=(g,),
        in_specs=[rows(16), rows(5), pl.BlockSpec((1, 1), lambda i: (0, 0)),
                  full(Wk2), full(bk2), full(Wv2), full(bv2)],
        out_specs=rows(32),
        out_shape=jax.ShapeDtypeStruct((N, 32), jnp.float32),
    )(cln, clp, nrm, Wk2, bk2, Wv2, bv2)


def _vfcf_body(vln, vlp, cln, clp, nrm,
               vcW1, vcb1, vcW2, vcb2, ccW1, ccb1, ccW2, ccb2, vf, cf):
    n = nrm[0, 0]
    h = jnp.maximum(_dot(vln[...], vcW1[0:16]) + _dot(vlp[...], vcW1[16:18])
                    + vcb1[...], 0.0)
    vf[...] = jnp.maximum(_dot(h, vcW2[...]) + vcb2[...], 0.0)
    clpn = _lp_norm(clp[...], n)
    h2 = jnp.maximum(_dot(cln[...], ccW1[0:16]) + _dot(clpn, ccW1[16:21])
                     + ccb1[...], 0.0)
    cf[...] = jnp.maximum(_dot(h2, ccW2[...]) + ccb2[...], 0.0)


def _vfcf_k(vln, vlp, cln, clp, nrm, ws):
    g = N // RN
    rows = lambda d: pl.BlockSpec((RN, d), lambda i: (i, 0))
    full = lambda a: pl.BlockSpec(a.shape, lambda i: (0, 0))
    return pl.pallas_call(
        _vfcf_body,
        grid=(g,),
        in_specs=[rows(16), rows(2), rows(16), rows(5),
                  pl.BlockSpec((1, 1), lambda i: (0, 0))] + [full(w) for w in ws],
        out_specs=(rows(16), rows(16)),
        out_shape=(jax.ShapeDtypeStruct((N, 16), jnp.float32),
                   jax.ShapeDtypeStruct((N, 16), jnp.float32)),
    )(vln, vlp, cln, clp, nrm, *ws)


def _final_body(el, sc8, vfg, cfg, nrm,
                emW1, emb1, emW2, emb2, pW1, pb1, pW2, pb2,
                outb, eln):
    n = nrm[0, 0]
    b = sc8[...]
    lon = b[:, 4:5] / n
    hin = b[:, 5:6] / n
    col = lax.broadcasted_iota(jnp.int32, (RE, 4), 1)
    raw = b[:, 0:4]
    elpn = jnp.where(col == 3, raw / n, raw)
    h1 = jnp.maximum(
        _ecomb_mm(el[...], lon, hin, elpn, emW1)
        + _dot(vfg[...], emW1[22:38]) + _dot(cfg[...], emW1[38:54])
        + emb1[...], 0.0)
    e_new = jnp.maximum(_dot(h1, emW2[...]) + emb2[...], 0.0)
    eln[...] = e_new
    t = jnp.maximum(_ecomb_mm(e_new, lon, hin, elpn, pW1) + pb1[...], 0.0)
    pp = 0.1 * (_dot(t, pW2[...]) + pb2[...])
    loo = lon + jnp.maximum(pp + 0.005, 0.0)
    hio = hin + jnp.maximum(-pp + 0.005, 0.0)
    col8 = lax.broadcasted_iota(jnp.int32, (RE, 8), 1)
    outb[...] = jnp.where(col8 == 0, loo,
                          jnp.where(col8 == 1, hio,
                                    jnp.where(col8 == 2, pp, 0.0)))


def _final_k(el, sc8, vfg, cfg, nrm, ws):
    rows = lambda d: pl.BlockSpec((RE, d), lambda i: (i, 0))
    full = lambda a: pl.BlockSpec(a.shape, lambda i: (0, 0))
    return pl.pallas_call(
        _final_body,
        grid=(GE,),
        in_specs=[rows(16), rows(8), rows(16), rows(16),
                  pl.BlockSpec((1, 1), lambda i: (0, 0))] + [full(w) for w in ws],
        out_specs=(rows(8), rows(16)),
        out_shape=(jax.ShapeDtypeStruct((E, 8), jnp.float32),
                   jax.ShapeDtypeStruct((E, 16), jnp.float32)),
    )(el, sc8, vfg, cfg, nrm, *ws)



def kernel(var_lp_f, con_lp_f, lo_costs, hi_costs, def_mm, edge_lp_f_wo_ss,
           var_learned_f, con_learned_f, edge_learned_f, edge_index_var_con,
           batch_index_con, batch_index_edge, norms, params):
    del def_mm, batch_index_con, batch_index_edge, norms
    tc1 = params['con_updater']
    tc2 = params['var_updater']
    eu = params['eu']
    ppw = params['pp']
    r16 = lambda b: b.reshape(1, 16)

    src = edge_index_var_con[0]
    dst = edge_index_var_con[1]
    sc8 = jnp.concatenate(
        [edge_lp_f_wo_ss, lo_costs[:, None], hi_costs[:, None],
         jnp.zeros((E, 2), jnp.float32)], axis=1)

    nrm = _norm_k(lo_costs.reshape(3125, 512), hi_costs.reshape(3125, 512))

    q_con, s_con, kv_var, q_var, s_var = _node_prep(
        con_learned_f, con_lp_f, var_learned_f, var_lp_f, nrm,
        [tc1['Wq'], r16(tc1['bq']), tc1['Ws'], r16(tc1['bs']),
         tc1['Wk'], r16(tc1['bk']), tc1['Wv'], r16(tc1['bv']),
         tc2['Wq'], r16(tc2['bq']), tc2['Ws'], r16(tc2['bs'])])

    e1, e2 = _edge_e(edge_learned_f, sc8, nrm,
                     tc1['We'], r16(tc1['be']), tc2['We'], r16(tc2['be']))

    zro = jnp.zeros((HP, 16), jnp.float32)
    src2d = src.reshape(E // SCW, SCW)
    dst2d = dst.reshape(E // SCW, SCW)

    qg1, kvg1 = _gather2(q_con, dst, kv_var, src, 16, 32)
    w1, x1 = _att_k(qg1, kvg1, e1)
    pw1 = _scatter_add(w1, dst2d, zro)
    pe1 = _scatter_add(x1, dst2d, zro)
    con_ln = _combine_k(pw1, pe1, s_con)

    kv2 = _kv2_k(con_ln, con_lp_f, nrm,
                 tc2['Wk'], r16(tc2['bk']), tc2['Wv'], r16(tc2['bv']))
    qg2, kvg2 = _gather2(q_var, src, kv2, dst, 16, 32)
    w2, x2 = _att_k(qg2, kvg2, e2)
    pw2 = _scatter_add(w2, src2d, zro)
    pe2 = _scatter_add(x2, src2d, zro)
    var_ln = _combine_k(pw2, pe2, s_var)

    vf, cf = _vfcf_k(var_ln, var_lp_f, con_ln, con_lp_f, nrm,
                     [eu['vc_W1'], r16(eu['vc_b1']), eu['vc_W2'], r16(eu['vc_b2']),
                      eu['cc_W1'], r16(eu['cc_b1']), eu['cc_W2'], r16(eu['cc_b2'])])
    vfg, cfg = _gather2(vf, src, cf, dst, 16, 16)
    outb, eln = _final_k(
        edge_learned_f, sc8, vfg, cfg, nrm,
        [eu['em_W1'], r16(eu['em_b1']), eu['em_W2'], r16(eu['em_b2']),
         ppw['W1'], ppw['b1'].reshape(1, 22), ppw['W2'], ppw['b2'].reshape(1, 1)])

    return (outb[:, 0], outb[:, 1], var_ln, con_ln, eln, outb[:, 2])

# --- scband reference (transcript-rebuilt; emitter-appended) ---
"""Pipeline reference for scband-primal-perturbation-block-5016521802239 (READ-ONLY COPY).

The authoritative reference and input builder live on the scoring server;
editing this copy changes nothing except your own understanding.
"""

import jax, jax.numpy as jnp
import numpy as np

N_VAR = 100000
N_CON = 100000
E = 1600000
NB = 1
VAR_DIM = 16
CON_DIM = 16
EDGE_DIM = 16
NUM_VAR_LP = 2
NUM_CON_LP = 5
NUM_EDGE_LP = 4
NUM_EDGE_LP_SS = NUM_EDGE_LP + 2
MIN_PERT = 0.01
IDX_NEW_LB = 4
IDX_NEW_MM = 3


def _w(key, i, o):
    return jax.random.normal(key, (i, o), jnp.float32) * (1.0 / np.sqrt(i))


def _tc_params(key, in_src, in_dst, out, edim):
    ks = jax.random.split(key, 5)
    z = lambda: jnp.zeros((out,), jnp.float32)
    return {'Wq': _w(ks[0], in_dst, out), 'bq': z(),
            'Wk': _w(ks[1], in_src, out), 'bk': z(),
            'Wv': _w(ks[2], in_src, out), 'bv': z(),
            'We': _w(ks[3], edim, out), 'be': z(),
            'Ws': _w(ks[4], in_dst, out), 'bs': z()}


def _make_params(key):
    ks = jax.random.split(key, 10)
    d_var_comb = NUM_VAR_LP + VAR_DIM
    d_con_comb = NUM_CON_LP + CON_DIM
    d_edge_comb = NUM_EDGE_LP_SS + EDGE_DIM
    ze = lambda: jnp.zeros((EDGE_DIM,), jnp.float32)
    p = {}
    p['con_updater'] = _tc_params(ks[0], d_var_comb, d_con_comb, CON_DIM, d_edge_comb)
    p['var_updater'] = _tc_params(ks[1], d_con_comb, d_var_comb, VAR_DIM, d_edge_comb)
    p['eu'] = {'vc_W1': _w(ks[2], d_var_comb, EDGE_DIM), 'vc_b1': ze(),
               'vc_W2': _w(ks[3], EDGE_DIM, EDGE_DIM), 'vc_b2': ze(),
               'cc_W1': _w(ks[4], d_con_comb, EDGE_DIM), 'cc_b1': ze(),
               'cc_W2': _w(ks[5], EDGE_DIM, EDGE_DIM), 'cc_b2': ze(),
               'em_W1': _w(ks[6], d_edge_comb + 2 * EDGE_DIM, EDGE_DIM), 'em_b1': ze(),
               'em_W2': _w(ks[7], EDGE_DIM, EDGE_DIM), 'em_b2': ze()}
    p['pp'] = {'W1': _w(ks[8], d_edge_comb, d_edge_comb), 'b1': jnp.zeros((d_edge_comb,), jnp.float32),
               'W2': _w(ks[9], d_edge_comb, 1), 'b2': jnp.zeros((1,), jnp.float32)}
    return p


def setup_inputs(seed: int = 0):
    key = jax.random.key(seed)
    ks = jax.random.split(key, 12)
    return {
        'var_lp_f': jax.random.normal(ks[0], (N_VAR, NUM_VAR_LP), jnp.float32),
        'con_lp_f': jax.random.normal(ks[1], (N_CON, NUM_CON_LP), jnp.float32),
        'lo_costs': jax.random.uniform(ks[2], (E,), jnp.float32),
        'hi_costs': jax.random.uniform(ks[3], (E,), jnp.float32),
        'def_mm': jax.random.normal(ks[4], (E,), jnp.float32),
        'edge_lp_f_wo_ss': jax.random.normal(ks[5], (E, NUM_EDGE_LP), jnp.float32),
        'var_learned_f': jax.random.normal(ks[6], (N_VAR, VAR_DIM), jnp.float32),
        'con_learned_f': jax.random.normal(ks[7], (N_CON, CON_DIM), jnp.float32),
        'edge_learned_f': jax.random.normal(ks[8], (E, EDGE_DIM), jnp.float32),
        'edge_index_var_con': jax.random.randint(ks[9], (2, E), 0, N_VAR, jnp.int32),
        'batch_index_con': jnp.zeros((N_CON,), jnp.int32),
        'batch_index_edge': jnp.zeros((E,), jnp.int32),
        'norms': jnp.ones((NB,), jnp.float32),
        'params': _make_params(ks[10]),
    }


def _seg_softmax(logits, seg, n):
    m = jax.ops.segment_max(logits, seg, num_segments=n)
    m = jnp.where(jnp.isfinite(m), m, 0.0)
    ex = jnp.exp(logits - m[seg])
    s = jax.ops.segment_sum(ex, seg, num_segments=n)
    return ex / (s[seg] + 1e-16)


def _tconv(p, x_src, x_dst, src, dst, eattr, n_dst):
    q = x_dst @ p['Wq'] + p['bq']
    k = x_src @ p['Wk'] + p['bk']
    v = x_src @ p['Wv'] + p['bv']
    e = eattr @ p['We'] + p['be']
    ke = k[src] + e
    ve = v[src] + e
    scale = 1.0 / jnp.sqrt(jnp.float32(q.shape[-1]))
    alpha = jnp.sum(q[dst] * ke, axis=-1) * scale
    a = _seg_softmax(alpha, dst, n_dst)
    msg = ve * a[:, None]
    num = jax.ops.segment_sum(msg, dst, num_segments=n_dst)
    cnt = jax.ops.segment_sum(jnp.ones_like(a), dst, num_segments=n_dst)
    out = num / jnp.clip(cnt, 1.0)[:, None]
    return out + x_dst @ p['Ws'] + p['bs']


def _edge_update(p, var_comb, con_comb, edge_comb, src, dst):
    vf = jax.nn.relu(jax.nn.relu(var_comb @ p['vc_W1'] + p['vc_b1']) @ p['vc_W2'] + p['vc_b2'])
    cf = jax.nn.relu(jax.nn.relu(con_comb @ p['cc_W1'] + p['cc_b1']) @ p['cc_W2'] + p['cc_b2'])
    h = jnp.concatenate([edge_comb, vf[src], cf[dst]], axis=1)
    return jax.nn.relu(h @ p['em_W1'] + p['em_b1']) @ p['em_W2'] + p['em_b2']


def _forward(var_lp_f, con_lp_f, lo, hi, def_mm, edge_lp, var_l, con_l, edge_l, ei, bic, bie, params):
    prev_lb = con_lp_f[:, IDX_NEW_LB]
    prev_mm = edge_lp[:, IDX_NEW_MM]
    s = jax.ops.segment_sum(jnp.abs(lo) + jnp.abs(hi), bie, num_segments=NB)
    c = jax.ops.segment_sum(jnp.ones_like(lo), bie, num_segments=NB)
    norm = s / c + 1e-9
    lo = lo / norm[bie]
    hi = hi / norm[bie]
    def_mm = def_mm / norm[bie]
    con_lp_f = con_lp_f.at[:, IDX_NEW_LB].set(prev_lb / norm[bic])
    edge_lp = edge_lp.at[:, IDX_NEW_MM].set(prev_mm / norm[bie])
    src = ei[0]
    dst = ei[1]
    edge_comb = jnp.concatenate([edge_l, lo[:, None], hi[:, None], edge_lp], axis=1)
    var_comb = jnp.concatenate([var_l, var_lp_f], axis=1)
    con_comb = jnp.concatenate([con_l, con_lp_f], axis=1)
    con_l = jax.nn.relu(_tconv(params['con_updater'], var_comb, con_comb, src, dst, edge_comb, N_CON))
    con_comb = jnp.concatenate([con_l, con_lp_f], axis=1)
    var_l = jax.nn.relu(_tconv(params['var_updater'], con_comb, var_comb, dst, src, edge_comb, N_VAR))
    var_comb = jnp.concatenate([var_l, var_lp_f], axis=1)
    edge_l = jax.nn.relu(_edge_update(params['eu'], var_comb, con_comb, edge_comb, src, dst))
    pp_in = jnp.concatenate([edge_l, lo[:, None], hi[:, None], edge_lp], axis=1)
    pp = 0.1 * (jax.nn.relu(pp_in @ params['pp']['W1'] + params['pp']['b1']) @ params['pp']['W2'] + params['pp']['b2'])[:, 0]
    p_lo = jax.nn.relu(pp + MIN_PERT * 0.5)
    p_hi = jax.nn.relu(-pp + MIN_PERT * 0.5)
    return (lo + p_lo, hi + p_hi, var_l, con_l, edge_l, pp)


def reference(var_lp_f, con_lp_f, lo_costs, hi_costs, def_mm, edge_lp_f_wo_ss, var_learned_f, con_learned_f, edge_learned_f, edge_index_var_con, batch_index_con, batch_index_edge, norms, params):
    return _forward(var_lp_f, con_lp_f, lo_costs, hi_costs, def_mm, edge_lp_f_wo_ss, var_learned_f, con_learned_f, edge_learned_f, edge_index_var_con, batch_index_con, batch_index_edge, params)

if __name__ == "__main__":
    import jax
    _d = setup_inputs()
    print(jax.jit(kernel)(*tuple(_d.values())))

</pallas_src>

<mosaic_0001>
#map = affine_map<(d0, d1) -> (0, 0)>
module attributes {stable_mosaic.version = 14 : i64} {
  func.func @body(%arg0: i32, %arg1: i32, %arg2: memref<1600000x16xf32, #tpu.memory_space<hbm>>, %arg3: memref<20000x80xi32, #tpu.memory_space<hbm>>, %arg4: memref<50016x16xf32, #tpu.memory_space<hbm>>, %arg5: memref<100000x16xf32, #tpu.memory_space<hbm>>, %arg6: memref<25x80xi32, #tpu.memory_space<vmem>>, %arg7: memref<2000x16xf32, #tpu.memory_space<vmem>>, %arg8: memref<50016x16xf32, #tpu.memory_space<vmem_shared>>) attributes {dimension_semantics = [#tpu.dimension_semantics<core_parallel>, #tpu.dimension_semantics<subcore_parallel>], iteration_bounds = array<i64: 2, 16>, scalar_prefetch = 0 : i64, scratch_operands = 3 : i64, tpu.core_type = #tpu.core_type<sc_vector_subcore>, window_params = [{transform_indices = #map}, {transform_indices = #map}, {transform_indices = #map}, {transform_indices = #map}]} {
    %mul3A = arith.constant 50000 : i32
    %mul3A_0 = arith.muli %arg0, %mul3A : i32
    %mul3A_1 = arith.constant 3126 : i32
    %mul3A_2 = arith.muli %arg1, %mul3A_1 : i32
    %mul3A_3 = arith.constant 3126 : i32
    %mul3A_4 = arith.muli %arg1, %mul3A_3 : i32
    "tpu.region"() ({
      %run_scoped3A = tpu.sem_alloc : memref<!tpu.dma_semaphore, #tpu.memory_space<semaphore_mem>>
      %dma_start3A = arith.constant 0 : i32
      %dma_start3A_17 = tpu.memref_slice %arg8[%mul3A_4, %dma_start3A] : memref<50016x16xf32, #tpu.memory_space<vmem_shared>> -> memref<3126x16xf32, #tpu.memory_space<vmem_shared>>
      %dma_start3A_18 = arith.constant 0 : i32
      %dma_start3A_19 = tpu.memref_slice %arg4[%mul3A_2, %dma_start3A_18] : memref<50016x16xf32, #tpu.memory_space<hbm>> -> memref<3126x16xf32, #tpu.memory_space<hbm>>
      tpu.enqueue_dma source(%dma_start3A_19 : memref<3126x16xf32, #tpu.memory_space<hbm>>) target(%dma_start3A_17 : memref<3126x16xf32, #tpu.memory_space<vmem_shared>>) target_semaphore(%run_scoped3A : memref<!tpu.dma_semaphore, #tpu.memory_space<semaphore_mem>>)
      %dma_wait3A = arith.constant 0 : i32
      %dma_wait3A_20 = tpu.memref_slice %arg8[%mul3A_4, %dma_wait3A] : memref<50016x16xf32, #tpu.memory_space<vmem_shared>> -> memref<3126x16xf32, #tpu.memory_space<vmem_shared>>
      %dma_wait3A_21 = arith.constant 0 : i32
      %dma_wait3A_22 = tpu.memref_slice %arg4[%mul3A_2, %dma_wait3A_21] : memref<50016x16xf32, #tpu.memory_space<hbm>> -> memref<3126x16xf32, #tpu.memory_space<hbm>>
      tpu.wait_dma2 semaphore(%run_scoped3A : memref<!tpu.dma_semaphore, #tpu.memory_space<semaphore_mem>>) src(%dma_wait3A_22 : memref<3126x16xf32, #tpu.memory_space<hbm>>) dst(%dma_wait3A_20 : memref<3126x16xf32, #tpu.memory_space<vmem_shared>>)
      tpu.yield
    }) : () -> ()
    %barrier3A = arith.constant 0 : index
    tpu.barrier barrier_id(%barrier3A)
    %mul3A_5 = arith.constant 100000 : i32
    %mul3A_6 = arith.muli %arg1, %mul3A_5 : i32
    %scan3A = arith.constant 0 : i32
    %scan3A_7 = arith.constant 0 : i32
    %scan3A_8 = arith.constant 50 : i32
    %scan3A_9 = arith.addi %scan3A_7, %scan3A_8 : i32
    %scan3A_10 = arith.constant 1 : i32
    scf.for %scan3A_17 = %scan3A_7 to %scan3A_9 step %scan3A_10  : i32 {
      %mul3A_18 = arith.constant 2000 : i32
      %mul3A_19 = arith.muli %scan3A_17, %mul3A_18 : i32
      %add3A_20 = arith.addi %mul3A_6, %mul3A_19 : i32
      %jit3A = arith.constant 80 : i32
      %div3A = arith.divsi %add3A_20, %jit3A : i32
      %sign3A = arith.constant 0 : i32
      %sign3A_21 = arith.cmpi sgt, %add3A_20, %sign3A : i32
      %sign3A_22 = arith.extui %sign3A_21 : i1 to i32
      %sign3A_23 = arith.constant 0 : i32
      %sign3A_24 = arith.cmpi slt, %add3A_20, %sign3A_23 : i32
      %sign3A_25 = arith.extui %sign3A_24 : i1 to i32
      %sign3A_26 = arith.subi %sign3A_22, %sign3A_25 : i32
      %sign3A_27 = arith.constant 0 : i32
      %sign3A_28 = arith.cmpi sgt, %jit3A, %sign3A_27 : i32
      %sign3A_29 = arith.extui %sign3A_28 : i1 to i32
      %sign3A_30 = arith.constant 0 : i32
      %sign3A_31 = arith.cmpi slt, %jit3A, %sign3A_30 : i32
      %sign3A_32 = arith.extui %sign3A_31 : i1 to i32
      %sign3A_33 = arith.subi %sign3A_29, %sign3A_32 : i32
      %ne3A = arith.cmpi ne, %sign3A_26, %sign3A_33 : i32
      %rem3A = arith.remsi %add3A_20, %jit3A : i32
      %ne3A_34 = arith.constant 0 : i32
      %ne3A_35 = arith.cmpi ne, %rem3A, %ne3A_34 : i32
      %and3A = arith.andi %ne3A, %ne3A_35 : i1
      %sub3A = arith.constant 1 : i32
      %sub3A_36 = arith.subi %div3A, %sub3A : i32
      %select_n3A = arith.select %and3A, %sub3A_36, %div3A : i32
      "tpu.region"() ({
        %run_scoped3A = tpu.sem_alloc : memref<!tpu.dma_semaphore, #tpu.memory_space<semaphore_mem>>
        %dma_start3A = arith.constant 0 : i32
        %dma_start3A_49 = tpu.memref_slice %arg3[%select_n3A, %dma_start3A] : memref<20000x80xi32, #tpu.memory_space<hbm>> -> memref<25x80xi32, #tpu.memory_space<hbm>>
        %dma_start3A_50 = arith.constant 0 : i32
        %dma_start3A_51 = tpu.memref_slice %arg3[%select_n3A, %dma_start3A_50] : memref<20000x80xi32, #tpu.memory_space<hbm>> -> memref<25x80xi32, #tpu.memory_space<hbm>>
        tpu.enqueue_dma source(%dma_start3A_51 : memref<25x80xi32, #tpu.memory_space<hbm>>) target(%arg6 : memref<25x80xi32, #tpu.memory_space<vmem>>) target_semaphore(%run_scoped3A : memref<!tpu.dma_semaphore, #tpu.memory_space<semaphore_mem>>)
        %dma_wait3A = arith.constant 0 : i32
        %dma_wait3A_52 = tpu.memref_slice %arg3[%select_n3A, %dma_wait3A] : memref<20000x80xi32, #tpu.memory_space<hbm>> -> memref<25x80xi32, #tpu.memory_space<hbm>>
        %dma_wait3A_53 = arith.constant 0 : i32
        %dma_wait3A_54 = tpu.memref_slice %arg3[%select_n3A, %dma_wait3A_53] : memref<20000x80xi32, #tpu.memory_space<hbm>> -> memref<25x80xi32, #tpu.memory_space<hbm>>
        tpu.wait_dma2 semaphore(%run_scoped3A : memref<!tpu.dma_semaphore, #tpu.memory_space<semaphore_mem>>) src(%dma_wait3A_54 : memref<25x80xi32, #tpu.memory_space<hbm>>) dst(%arg6 : memref<25x80xi32, #tpu.memory_space<vmem>>)
        tpu.yield
      }) : () -> ()
      "tpu.region"() ({
        %run_scoped3A = tpu.sem_alloc : memref<!tpu.dma_semaphore, #tpu.memory_space<semaphore_mem>>
        %dma_start3A = arith.constant 0 : i32
        %dma_start3A_49 = tpu.memref_slice %arg2[%add3A_20, %dma_start3A] : memref<1600000x16xf32, #tpu.memory_space<hbm>> -> memref<2000x16xf32, #tpu.memory_space<hbm>>
        %dma_start3A_50 = arith.constant 0 : i32
        %dma_start3A_51 = tpu.memref_slice %arg2[%add3A_20, %dma_start3A_50] : memref<1600000x16xf32, #tpu.memory_space<hbm>> -> memref<2000x16xf32, #tpu.memory_space<hbm>>
        tpu.enqueue_dma source(%dma_start3A_51 : memref<2000x16xf32, #tpu.memory_space<hbm>>) target(%arg7 : memref<2000x16xf32, #tpu.memory_space<vmem>>) target_semaphore(%run_scoped3A : memref<!tpu.dma_semaphore, #tpu.memory_space<semaphore_mem>>)
        %dma_wait3A = arith.constant 0 : i32
        %dma_wait3A_52 = tpu.memref_slice %arg2[%add3A_20, %dma_wait3A] : memref<1600000x16xf32, #tpu.memory_space<hbm>> -> memref<2000x16xf32, #tpu.memory_space<hbm>>
        %dma_wait3A_53 = arith.constant 0 : i32
        %dma_wait3A_54 = tpu.memref_slice %arg2[%add3A_20, %dma_wait3A_53] : memref<1600000x16xf32, #tpu.memory_space<hbm>> -> memref<2000x16xf32, #tpu.memory_space<hbm>>
        tpu.wait_dma2 semaphore(%run_scoped3A : memref<!tpu.dma_semaphore, #tpu.memory_space<semaphore_mem>>) src(%dma_wait3A_54 : memref<2000x16xf32, #tpu.memory_space<hbm>>) dst(%arg7 : memref<2000x16xf32, #tpu.memory_space<vmem>>)
        tpu.yield
      }) : () -> ()
      %scan3A_37 = arith.constant 0 : i32
      %scan3A_38 = arith.constant 0 : i32
      %scan3A_39 = arith.constant 25 : i32
      %scan3A_40 = arith.addi %scan3A_38, %scan3A_39 : i32
      %scan3A_41 = arith.constant 1 : i32
      scf.for %scan3A_49 = %scan3A_38 to %scan3A_40 step %scan3A_41  : i32 {
        %scan3A_50 = arith.constant 0 : i32
        %scan3A_51 = arith.constant 0 : i32
        %scan3A_52 = arith.constant 5 : i32
        %scan3A_53 = arith.addi %scan3A_51, %scan3A_52 : i32
        %scan3A_54 = arith.constant 1 : i32
        scf.for %scan3A_56 = %scan3A_51 to %scan3A_53 step %scan3A_54  : i32 {
          %mul3A_57 = arith.constant 16 : i32
          %mul3A_58 = arith.muli %scan3A_56, %mul3A_57 : i32
          %get3A = arith.index_cast %scan3A_49 : i32 to index
          %get3A_59 = arith.index_cast %mul3A_58 : i32 to index
          %get3A_60 = tpu.vector_load %arg6[%get3A, %get3A_59] {strides = array<i32>} : memref<25x80xi32, #tpu.memory_space<vmem>>, vector<1x16xi32>,
          %get3A_61 = vector.shape_cast %get3A_60 : vector<1x16xi32> to vector<16xi32>
          %sub3A_62 = vector.broadcast %mul3A_0 : i32 to vector<16xi32>
          %sub3A_63 = arith.subi %get3A_61, %sub3A_62 : vector<16xi32>
          %ge3A = arith.constant 0 : i32
          %ge3A_64 = vector.broadcast %ge3A : i32 to vector<16xi32>
          %ge3A_65 = arith.cmpi sge, %sub3A_63, %ge3A_64 : vector<16xi32>
          %lt3A = arith.constant 50000 : i32
          %lt3A_66 = vector.broadcast %lt3A : i32 to vector<16xi32>
          %lt3A_67 = arith.cmpi slt, %sub3A_63, %lt3A_66 : vector<16xi32>
          %and3A_68 = arith.andi %ge3A_65, %lt3A_67 : vector<16xi1>
          %jit3A_69 = arith.constant 50000 : i32
          %broadcast_in_dim3A = vector.broadcast %jit3A_69 : i32 to vector<16xi32>
          %select_n3A_70 = arith.select %and3A_68, %sub3A_63, %broadcast_in_dim3A : vector<16xi1>, vector<16xi32>
          %mul3A_71 = arith.constant 16 : i32
          %mul3A_72 = arith.muli %scan3A_56, %mul3A_71 : i32
          %swap3A = arith.index_cast %scan3A_49 : i32 to index
          %swap3A_73 = arith.index_cast %mul3A_72 : i32 to index
          %swap3A_74 = tpu.vector_load %arg6[%swap3A, %swap3A_73] {strides = array<i32>} : memref<25x80xi32, #tpu.memory_space<vmem>>, vector<1x16xi32>,
          %swap3A_75 = vector.shape_cast %swap3A_74 : vector<1x16xi32> to vector<16xi32>
          %swap3A_76 = vector.shape_cast %select_n3A_70 : vector<16xi32> to vector<1x16xi32>
          tpu.vector_store %arg6[%swap3A, %swap3A_73], %swap3A_76 {strides = array<i32>} : memref<25x80xi32, #tpu.memory_space<vmem>>, vector<1x16xi32>,
        }
        %scan3A_55 = arith.constant 5 : i32
      }
      %scan3A_42 = arith.constant 25 : i32
      %scan3A_43 = arith.constant 0 : i32
      %scan3A_44 = arith.constant 0 : i32
      %scan3A_45 = arith.constant 25 : i32
      %scan3A_46 = arith.addi %scan3A_44, %scan3A_45 : i32
      %scan3A_47 = arith.constant 1 : i32
      scf.for %scan3A_49 = %scan3A_44 to %scan3A_46 step %scan3A_47  : i32 {
        %mul3A_50 = arith.constant 80 : i32
        %mul3A_51 = arith.muli %scan3A_49, %mul3A_50 : i32
        "tpu.region"() ({
          %run_scoped3A = tpu.sem_alloc : memref<!tpu.dma_semaphore, #tpu.memory_space<semaphore_mem>>
          %dma_start3A = arith.constant 0 : i32
          %dma_start3A_52 = tpu.memref_slice %arg7[%mul3A_51, %dma_start3A] : memref<2000x16xf32, #tpu.memory_space<vmem>> -> memref<80x16xf32, #tpu.memory_space<vmem>>
          %dma_start3A_53 = arith.constant 0 : i32
          %dma_start3A_54 = tpu.memref_slice %arg6[%scan3A_49, %dma_start3A_53] : memref<25x80xi32, #tpu.memory_space<vmem>> -> memref<1x80xi32, #tpu.memory_space<vmem>>
          %dma_start3A_55 = tpu.memref_squeeze %dma_start3A_54 : memref<1x80xi32, #tpu.memory_space<vmem>> -> memref<80xi32, #tpu.memory_space<vmem>>
          %dma_start3A_56 = arith.constant 0 : i32
          %dma_start3A_57 = arith.constant 0 : i32
          %dma_start3A_58 = tpu.memref_slice %arg8[%dma_start3A_56, %dma_start3A_57] : memref<50016x16xf32, #tpu.memory_space<vmem_shared>> -> memref<50016x16xf32, #tpu.memory_space<vmem_shared>>
          tpu.enqueue_indirect_dma source(%dma_start3A_52 : memref<80x16xf32, #tpu.memory_space<vmem>>) target(%dma_start3A_58 : memref<50016x16xf32, #tpu.memory_space<vmem_shared>>) offsets(%dma_start3A_55 : memref<80xi32, #tpu.memory_space<vmem>>) semaphore(%run_scoped3A : memref<!tpu.dma_semaphore, #tpu.memory_space<semaphore_mem>>) {add = true}
          %dma_wait3A = arith.constant 0 : i32
          %dma_wait3A_59 = tpu.memref_slice %arg7[%mul3A_51, %dma_wait3A] : memref<2000x16xf32, #tpu.memory_space<vmem>> -> memref<80x16xf32, #tpu.memory_space<vmem>>
          %dma_wait3A_60 = arith.constant 0 : i32
          %dma_wait3A_61 = tpu.memref_slice %arg6[%scan3A_49, %dma_wait3A_60] : memref<25x80xi32, #tpu.memory_space<vmem>> -> memref<1x80xi32, #tpu.memory_space<vmem>>
          %dma_wait3A_62 = tpu.memref_squeeze %dma_wait3A_61 : memref<1x80xi32, #tpu.memory_space<vmem>> -> memref<80xi32, #tpu.memory_space<vmem>>
          %dma_wait3A_63 = arith.constant 0 : i32
          %dma_wait3A_64 = arith.constant 0 : i32
          %dma_wait3A_65 = tpu.memref_slice %arg8[%dma_wait3A_63, %dma_wait3A_64] : memref<50016x16xf32, #tpu.memory_space<vmem_shared>> -> memref<50016x16xf32, #tpu.memory_space<vmem_shared>>
          tpu.wait_indirect_dma semaphore(%run_scoped3A : memref<!tpu.dma_semaphore, #tpu.memory_space<semaphore_mem>>) src(%dma_wait3A_59 : memref<80x16xf32, #tpu.memory_space<vmem>>) dst(%dma_wait3A_65 : memref<50016x16xf32, #tpu.memory_space<vmem_shared>>)
          tpu.yield
        }) : () -> ()
      }
      %scan3A_48 = arith.constant 25 : i32
    }
    %scan3A_11 = arith.constant 50 : i32
    %barrier3A_12 = arith.constant 0 : index
    tpu.barrier barrier_id(%barrier3A_12)
    %mul3A_13 = arith.constant 3125 : i32
    %mul3A_14 = arith.muli %arg1, %mul3A_13 : i32
    %mul3A_15 = arith.constant 3125 : i32
    %mul3A_16 = arith.muli %arg1, %mul3A_15 : i32
    %add3A = arith.addi %mul3A_0, %mul3A_16 : i32
    "tpu.region"() ({
      %run_scoped3A = tpu.sem_alloc : memref<!tpu.dma_semaphore, #tpu.memory_space<semaphore_mem>>
      %dma_start3A = arith.constant 0 : i32
      %dma_start3A_17 = tpu.memref_slice %arg5[%add3A, %dma_start3A] : memref<100000x16xf32, #tpu.memory_space<hbm>> -> memref<3125x16xf32, #tpu.memory_space<hbm>>
      %dma_start3A_18 = arith.constant 0 : i32
      %dma_start3A_19 = tpu.memref_slice %arg8[%mul3A_14, %dma_start3A_18] : memref<50016x16xf32, #tpu.memory_space<vmem_shared>> -> memref<3125x16xf32, #tpu.memory_space<vmem_shared>>
      tpu.enqueue_dma source(%dma_start3A_19 : memref<3125x16xf32, #tpu.memory_space<vmem_shared>>) target(%dma_start3A_17 : memref<3125x16xf32, #tpu.memory_space<hbm>>) target_semaphore(%run_scoped3A : memref<!tpu.dma_semaphore, #tpu.memory_space<semaphore_mem>>)
      %dma_wait3A = arith.constant 0 : i32
      %dma_wait3A_20 = tpu.memref_slice %arg5[%add3A, %dma_wait3A] : memref<100000x16xf32, #tpu.memory_space<hbm>> -> memref<3125x16xf32, #tpu.memory_space<hbm>>
      %dma_wait3A_21 = arith.constant 0 : i32
      %dma_wait3A_22 = tpu.memref_slice %arg8[%mul3A_14, %dma_wait3A_21] : memref<50016x16xf32, #tpu.memory_space<vmem_shared>> -> memref<3125x16xf32, #tpu.memory_space<vmem_shared>>
      tpu.wait_dma2 semaphore(%run_scoped3A : memref<!tpu.dma_semaphore, #tpu.memory_space<semaphore_mem>>) src(%dma_wait3A_22 : memref<3125x16xf32, #tpu.memory_space<vmem_shared>>) dst(%dma_wait3A_20 : memref<3125x16xf32, #tpu.memory_space<hbm>>)
      tpu.yield
    }) : () -> ()
    return
  }
}

#map = affine_map<(d0, d1) -> (0, 0)>
#map1 = affine_map<(d0, d1) -> (0)>
module attributes {stable_mosaic.version = 14 : i64} {
  func.func @body(%arg0: i32, %arg1: i32, %arg2: memref<100000x16xf32, #tpu.memory_space<hbm>>, %arg3: memref<1600000xi32, #tpu.memory_space<hbm>>, %arg4: memref<100000x32xf32, #tpu.memory_space<hbm>>, %arg5: memref<1600000xi32, #tpu.memory_space<hbm>>, %arg6: memref<1600000x16xf32, #tpu.memory_space<hbm>>, %arg7: memref<1600000x32xf32, #tpu.memory_space<hbm>>, %arg8: memref<2000xi32, #tpu.memory_space<vmem>>, %arg9: memref<2000x16xf32, #tpu.memory_space<vmem>>, %arg10: memref<2000xi32, #tpu.memory_space<vmem>>, %arg11: memref<2000x32xf32, #tpu.memory_space<vmem>>, %arg12: memref<!tpu.dma_semaphore, #tpu.memory_space<semaphore_mem>>, %arg13: memref<!tpu.dma_semaphore, #tpu.memory_space<semaphore_mem>>) attributes {dimension_semantics = [#tpu.dimension_semantics<core_parallel>, #tpu.dimension_semantics<subcore_parallel>], iteration_bounds = array<i64: 2, 16>, scalar_prefetch = 0 : i64, scratch_operands = 6 : i64, tpu.core_type = #tpu.core_type<sc_vector_subcore>, window_params = [{transform_indices = #map}, {transform_indices = #map1}, {transform_indices = #map}, {transform_indices = #map1}, {transform_indices = #map}, {transform_indices = #map}]} {
    %mul3A = arith.constant 16 : i32
    %mul3A_0 = arith.muli %arg0, %mul3A : i32
    %add3A = arith.addi %mul3A_0, %arg1 : i32
    %mul3A_1 = arith.constant 50000 : i32
    %mul3A_2 = arith.muli %add3A, %mul3A_1 : i32
    %scan3A = arith.constant 0 : i32
    %scan3A_3 = arith.constant 0 : i32
    %scan3A_4 = arith.constant 25 : i32
    %scan3A_5 = arith.addi %scan3A_3, %scan3A_4 : i32
    %scan3A_6 = arith.constant 1 : i32
    scf.for %scan3A_8 = %scan3A_3 to %scan3A_5 step %scan3A_6  : i32 {
      %mul3A_9 = arith.constant 2000 : i32
      %mul3A_10 = arith.muli %scan3A_8, %mul3A_9 : i32
      %add3A_11 = arith.addi %mul3A_2, %mul3A_10 : i32
      "tpu.region"() ({
        %run_scoped3A = tpu.sem_alloc : memref<!tpu.dma_semaphore, #tpu.memory_space<semaphore_mem>>
        %dma_start3A_22 = tpu.memref_slice %arg3[%add3A_11] : memref<1600000xi32, #tpu.memory_space<hbm>> -> memref<2000xi32, #tpu.memory_space<hbm>>
        %dma_start3A_23 = tpu.memref_slice %arg3[%add3A_11] : memref<1600000xi32, #tpu.memory_space<hbm>> -> memref<2000xi32, #tpu.memory_space<hbm>>
        tpu.enqueue_dma source(%dma_start3A_23 : memref<2000xi32, #tpu.memory_space<hbm>>) target(%arg8 : memref<2000xi32, #tpu.memory_space<vmem>>) target_semaphore(%run_scoped3A : memref<!tpu.dma_semaphore, #tpu.memory_space<semaphore_mem>>)
        %dma_wait3A_24 = tpu.memref_slice %arg3[%add3A_11] : memref<1600000xi32, #tpu.memory_space<hbm>> -> memref<2000xi32, #tpu.memory_space<hbm>>
        %dma_wait3A_25 = tpu.memref_slice %arg3[%add3A_11] : memref<1600000xi32, #tpu.memory_space<hbm>> -> memref<2000xi32, #tpu.memory_space<hbm>>
        tpu.wait_dma2 semaphore(%run_scoped3A : memref<!tpu.dma_semaphore, #tpu.memory_space<semaphore_mem>>) src(%dma_wait3A_25 : memref<2000xi32, #tpu.memory_space<hbm>>) dst(%arg8 : memref<2000xi32, #tpu.memory_space<vmem>>)
        tpu.yield
      }) : () -> ()
      "tpu.region"() ({
        %run_scoped3A = tpu.sem_alloc : memref<!tpu.dma_semaphore, #tpu.memory_space<semaphore_mem>>
        %dma_start3A_22 = tpu.memref_slice %arg5[%add3A_11] : memref<1600000xi32, #tpu.memory_space<hbm>> -> memref<2000xi32, #tpu.memory_space<hbm>>
        %dma_start3A_23 = tpu.memref_slice %arg5[%add3A_11] : memref<1600000xi32, #tpu.memory_space<hbm>> -> memref<2000xi32, #tpu.memory_space<hbm>>
        tpu.enqueue_dma source(%dma_start3A_23 : memref<2000xi32, #tpu.memory_space<hbm>>) target(%arg10 : memref<2000xi32, #tpu.memory_space<vmem>>) target_semaphore(%run_scoped3A : memref<!tpu.dma_semaphore, #tpu.memory_space<semaphore_mem>>)
        %dma_wait3A_24 = tpu.memref_slice %arg5[%add3A_11] : memref<1600000xi32, #tpu.memory_space<hbm>> -> memref<2000xi32, #tpu.memory_space<hbm>>
        %dma_wait3A_25 = tpu.memref_slice %arg5[%add3A_11] : memref<1600000xi32, #tpu.memory_space<hbm>> -> memref<2000xi32, #tpu.memory_space<hbm>>
        tpu.wait_dma2 semaphore(%run_scoped3A : memref<!tpu.dma_semaphore, #tpu.memory_space<semaphore_mem>>) src(%dma_wait3A_25 : memref<2000xi32, #tpu.memory_space<hbm>>) dst(%arg10 : memref<2000xi32, #tpu.memory_space<vmem>>)
        tpu.yield
      }) : () -> ()
      %dma_start3A = arith.constant 0 : i32
      %dma_start3A_12 = arith.constant 0 : i32
      %dma_start3A_13 = tpu.memref_slice %arg2[%dma_start3A, %dma_start3A_12] : memref<100000x16xf32, #tpu.memory_space<hbm>> -> memref<100000x16xf32, #tpu.memory_space<hbm>>
      tpu.enqueue_indirect_dma source(%dma_start3A_13 : memref<100000x16xf32, #tpu.memory_space<hbm>>) target(%arg9 : memref<2000x16xf32, #tpu.memory_space<vmem>>) offsets(%arg8 : memref<2000xi32, #tpu.memory_space<vmem>>) semaphore(%arg12 : memref<!tpu.dma_semaphore, #tpu.memory_space<semaphore_mem>>)
      %dma_start3A_14 = arith.constant 0 : i32
      %dma_start3A_15 = arith.constant 0 : i32
      %dma_start3A_16 = tpu.memref_slice %arg4[%dma_start3A_14, %dma_start3A_15] : memref<100000x32xf32, #tpu.memory_space<hbm>> -> memref<100000x32xf32, #tpu.memory_space<hbm>>
      tpu.enqueue_indirect_dma source(%dma_start3A_16 : memref<100000x32xf32, #tpu.memory_space<hbm>>) target(%arg11 : memref<2000x32xf32, #tpu.memory_space<vmem>>) offsets(%arg10 : memref<2000xi32, #tpu.memory_space<vmem>>) semaphore(%arg13 : memref<!tpu.dma_semaphore, #tpu.memory_space<semaphore_mem>>)
      %dma_wait3A = arith.constant 0 : i32
      %dma_wait3A_17 = arith.constant 0 : i32
      %dma_wait3A_18 = tpu.memref_slice %arg2[%dma_wait3A, %dma_wait3A_17] : memref<100000x16xf32, #tpu.memory_space<hbm>> -> memref<100000x16xf32, #tpu.memory_space<hbm>>
      tpu.wait_indirect_dma semaphore(%arg12 : memref<!tpu.dma_semaphore, #tpu.memory_space<semaphore_mem>>) src(%dma_wait3A_18 : memref<100000x16xf32, #tpu.memory_space<hbm>>) dst(%arg9 : memref<2000x16xf32, #tpu.memory_space<vmem>>)
      %dma_wait3A_19 = arith.constant 0 : i32
      %dma_wait3A_20 = arith.constant 0 : i32
      %dma_wait3A_21 = tpu.memref_slice %arg4[%dma_wait3A_19, %dma_wait3A_20] : memref<100000x32xf32, #tpu.memory_space<hbm>> -> memref<100000x32xf32, #tpu.memory_space<hbm>>
      tpu.wait_indirect_dma semaphore(%arg13 : memref<!tpu.dma_semaphore, #tpu.memory_space<semaphore_mem>>) src(%dma_wait3A_21 : memref<100000x32xf32, #tpu.memory_space<hbm>>) dst(%arg11 : memref<2000x32xf32, #tpu.memory_space<vmem>>)
      "tpu.region"() ({
        %run_scoped3A = tpu.sem_alloc : memref<!tpu.dma_semaphore, #tpu.memory_space<semaphore_mem>>
        %dma_start3A_22 = arith.constant 0 : i32
        %dma_start3A_23 = tpu.memref_slice %arg6[%add3A_11, %dma_start3A_22] : memref<1600000x16xf32, #tpu.memory_space<hbm>> -> memref<2000x16xf32, #tpu.memory_space<hbm>>
        %dma_start3A_24 = arith.constant 0 : i32
        %dma_start3A_25 = tpu.memref_slice %arg6[%add3A_11, %dma_start3A_24] : memref<1600000x16xf32, #tpu.memory_space<hbm>> -> memref<2000x16xf32, #tpu.memory_space<hbm>>
        tpu.enqueue_dma source(%arg9 : memref<2000x16xf32, #tpu.memory_space<vmem>>) target(%dma_start3A_25 : memref<2000x16xf32, #tpu.memory_space<hbm>>) target_semaphore(%run_scoped3A : memref<!tpu.dma_semaphore, #tpu.memory_space<semaphore_mem>>)
        %dma_wait3A_26 = arith.constant 0 : i32
        %dma_wait3A_27 = tpu.memref_slice %arg6[%add3A_11, %dma_wait3A_26] : memref<1600000x16xf32, #tpu.memory_space<hbm>> -> memref<2000x16xf32, #tpu.memory_space<hbm>>
        %dma_wait3A_28 = arith.constant 0 : i32
        %dma_wait3A_29 = tpu.memref_slice %arg6[%add3A_11, %dma_wait3A_28] : memref<1600000x16xf32, #tpu.memory_space<hbm>> -> memref<2000x16xf32, #tpu.memory_space<hbm>>
        tpu.wait_dma2 semaphore(%run_scoped3A : memref<!tpu.dma_semaphore, #tpu.memory_space<semaphore_mem>>) src(%arg9 : memref<2000x16xf32, #tpu.memory_space<vmem>>) dst(%dma_wait3A_29 : memref<2000x16xf32, #tpu.memory_space<hbm>>)
        tpu.yield
      }) : () -> ()
      "tpu.region"() ({
        %run_scoped3A = tpu.sem_alloc : memref<!tpu.dma_semaphore, #tpu.memory_space<semaphore_mem>>
        %dma_start3A_22 = arith.constant 0 : i32
        %dma_start3A_23 = tpu.memref_slice %arg7[%add3A_11, %dma_start3A_22] : memref<1600000x32xf32, #tpu.memory_space<hbm>> -> memref<2000x32xf32, #tpu.memory_space<hbm>>
        %dma_start3A_24 = arith.constant 0 : i32
        %dma_start3A_25 = tpu.memref_slice %arg7[%add3A_11, %dma_start3A_24] : memref<1600000x32xf32, #tpu.memory_space<hbm>> -> memref<2000x32xf32, #tpu.memory_space<hbm>>
        tpu.enqueue_dma source(%arg11 : memref<2000x32xf32, #tpu.memory_space<vmem>>) target(%dma_start3A_25 : memref<2000x32xf32, #tpu.memory_space<hbm>>) target_semaphore(%run_scoped3A : memref<!tpu.dma_semaphore, #tpu.memory_space<semaphore_mem>>)
        %dma_wait3A_26 = arith.constant 0 : i32
        %dma_wait3A_27 = tpu.memref_slice %arg7[%add3A_11, %dma_wait3A_26] : memref<1600000x32xf32, #tpu.memory_space<hbm>> -> memref<2000x32xf32, #tpu.memory_space<hbm>>
        %dma_wait3A_28 = arith.constant 0 : i32
        %dma_wait3A_29 = tpu.memref_slice %arg7[%add3A_11, %dma_wait3A_28] : memref<1600000x32xf32, #tpu.memory_space<hbm>> -> memref<2000x32xf32, #tpu.memory_space<hbm>>
        tpu.wait_dma2 semaphore(%run_scoped3A : memref<!tpu.dma_semaphore, #tpu.memory_space<semaphore_mem>>) src(%arg11 : memref<2000x32xf32, #tpu.memory_space<vmem>>) dst(%dma_wait3A_29 : memref<2000x32xf32, #tpu.memory_space<hbm>>)
        tpu.yield
      }) : () -> ()
    }
    %scan3A_7 = arith.constant 25 : i32
    return
  }
}

#map = affine_map<(d0, d1) -> (0, 0)>
#map1 = affine_map<(d0, d1) -> (0)>
module attributes {stable_mosaic.version = 14 : i64} {
  func.func @body(%arg0: i32, %arg1: i32, %arg2: memref<100000x16xf32, #tpu.memory_space<hbm>>, %arg3: memref<1600000xi32, #tpu.memory_space<hbm>>, %arg4: memref<100000x32xf32, #tpu.memory_space<hbm>>, %arg5: memref<1600000xi32, #tpu.memory_space<hbm>>, %arg6: memref<1600000x16xf32, #tpu.memory_space<hbm>>, %arg7: memref<1600000x32xf32, #tpu.memory_space<hbm>>, %arg8: memref<2000xi32, #tpu.memory_space<vmem>>, %arg9: memref<2000x16xf32, #tpu.memory_space<vmem>>, %arg10: memref<2000xi32, #tpu.memory_space<vmem>>, %arg11: memref<2000x32xf32, #tpu.memory_space<vmem>>, %arg12: memref<!tpu.dma_semaphore, #tpu.memory_space<semaphore_mem>>, %arg13: memref<!tpu.dma_semaphore, #tpu.memory_space<semaphore_mem>>) attributes {dimension_semantics = [#tpu.dimension_semantics<core_parallel>, #tpu.dimension_semantics<subcore_parallel>], iteration_bounds = array<i64: 2, 16>, scalar_prefetch = 0 : i64, scratch_operands = 6 : i64, tpu.core_type = #tpu.core_type<sc_vector_subcore>, window_params = [{transform_indices = #map}, {transform_indices = #map1}, {transform_indices = #map}, {transform_indices = #map1}, {transform_indices = #map}, {transform_indices = #map}]} {
    %mul3A = arith.constant 16 : i32
    %mul3A_0 = arith.muli %arg0, %mul3A : i32
    %add3A = arith.addi %mul3A_0, %arg1 : i32
    %mul3A_1 = arith.constant 50000 : i32
    %mul3A_2 = arith.muli %add3A, %mul3A_1 : i32
    %scan3A = arith.constant 0 : i32
    %scan3A_3 = arith.constant 0 : i32
    %scan3A_4 = arith.constant 25 : i32
    %scan3A_5 = arith.addi %scan3A_3, %scan3A_4 : i32
    %scan3A_6 = arith.constant 1 : i32
    scf.for %scan3A_8 = %scan3A_3 to %scan3A_5 step %scan3A_6  : i32 {
      %mul3A_9 = arith.constant 2000 : i32
      %mul3A_10 = arith.muli %scan3A_8, %mul3A_9 : i32
      %add3A_11 = arith.addi %mul3A_2, %mul3A_10 : i32
      "tpu.region"() ({
        %run_scoped3A = tpu.sem_alloc : memref<!tpu.dma_semaphore, #tpu.memory_space<semaphore_mem>>
        %dma_start3A_22 = tpu.memref_slice %arg3[%add3A_11] : memref<1600000xi32, #tpu.memory_space<hbm>> -> memref<2000xi32, #tpu.memory_space<hbm>>
        %dma_start3A_23 = tpu.memref_slice %arg3[%add3A_11] : memref<1600000xi32, #tpu.memory_space<hbm>> -> memref<2000xi32, #tpu.memory_space<hbm>>
        tpu.enqueue_dma source(%dma_start3A_23 : memref<2000xi32, #tpu.memory_space<hbm>>) target(%arg8 : memref<2000xi32, #tpu.memory_space<vmem>>) target_semaphore(%run_scoped3A : memref<!tpu.dma_semaphore, #tpu.memory_space<semaphore_mem>>)
        %dma_wait3A_24 = tpu.memref_slice %arg3[%add3A_11] : memref<1600000xi32, #tpu.memory_space<hbm>> -> memref<2000xi32, #tpu.memory_space<hbm>>
        %dma_wait3A_25 = tpu.memref_slice %arg3[%add3A_11] : memref<1600000xi32, #tpu.memory_space<hbm>> -> memref<2000xi32, #tpu.memory_space<hbm>>
        tpu.wait_dma2 semaphore(%run_scoped3A : memref<!tpu.dma_semaphore, #tpu.memory_space<semaphore_mem>>) src(%dma_wait3A_25 : memref<2000xi32, #tpu.memory_space<hbm>>) dst(%arg8 : memref<2000xi32, #tpu.memory_space<vmem>>)
        tpu.yield
      }) : () -> ()
      "tpu.region"() ({
        %run_scoped3A = tpu.sem_alloc : memref<!tpu.dma_semaphore, #tpu.memory_space<semaphore_mem>>
        %dma_start3A_22 = tpu.memref_slice %arg5[%add3A_11] : memref<1600000xi32, #tpu.memory_space<hbm>> -> memref<2000xi32, #tpu.memory_space<hbm>>
        %dma_start3A_23 = tpu.memref_slice %arg5[%add3A_11] : memref<1600000xi32, #tpu.memory_space<hbm>> -> memref<2000xi32, #tpu.memory_space<hbm>>
        tpu.enqueue_dma source(%dma_start3A_23 : memref<2000xi32, #tpu.memory_space<hbm>>) target(%arg10 : memref<2000xi32, #tpu.memory_space<vmem>>) target_semaphore(%run_scoped3A : memref<!tpu.dma_semaphore, #tpu.memory_space<semaphore_mem>>)
        %dma_wait3A_24 = tpu.memref_slice %arg5[%add3A_11] : memref<1600000xi32, #tpu.memory_space<hbm>> -> memref<2000xi32, #tpu.memory_space<hbm>>
        %dma_wait3A_25 = tpu.memref_slice %arg5[%add3A_11] : memref<1600000xi32, #tpu.memory_space<hbm>> -> memref<2000xi32, #tpu.memory_space<hbm>>
        tpu.wait_dma2 semaphore(%run_scoped3A : memref<!tpu.dma_semaphore, #tpu.memory_space<semaphore_mem>>) src(%dma_wait3A_25 : memref<2000xi32, #tpu.memory_space<hbm>>) dst(%arg10 : memref<2000xi32, #tpu.memory_space<vmem>>)
        tpu.yield
      }) : () -> ()
      %dma_start3A = arith.constant 0 : i32
      %dma_start3A_12 = arith.constant 0 : i32
      %dma_start3A_13 = tpu.memref_slice %arg2[%dma_start3A, %dma_start3A_12] : memref<100000x16xf32, #tpu.memory_space<hbm>> -> memref<100000x16xf32, #tpu.memory_space<hbm>>
      tpu.enqueue_indirect_dma source(%dma_start3A_13 : memref<100000x16xf32, #tpu.memory_space<hbm>>) target(%arg9 : memref<2000x16xf32, #tpu.memory_space<vmem>>) offsets(%arg8 : memref<2000xi32, #tpu.memory_space<vmem>>) semaphore(%arg12 : memref<!tpu.dma_semaphore, #tpu.memory_space<semaphore_mem>>)
      %dma_start3A_14 = arith.constant 0 : i32
      %dma_start3A_15 = arith.constant 0 : i32
      %dma_start3A_16 = tpu.memref_slice %arg4[%dma_start3A_14, %dma_start3A_15] : memref<100000x32xf32, #tpu.memory_space<hbm>> -> memref<100000x32xf32, #tpu.memory_space<hbm>>
      tpu.enqueue_indirect_dma source(%dma_start3A_16 : memref<100000x32xf32, #tpu.memory_space<hbm>>) target(%arg11 : memref<2000x32xf32, #tpu.memory_space<vmem>>) offsets(%arg10 : memref<2000xi32, #tpu.memory_space<vmem>>) semaphore(%arg13 : memref<!tpu.dma_semaphore, #tpu.memory_space<semaphore_mem>>)
      %dma_wait3A = arith.constant 0 : i32
      %dma_wait3A_17 = arith.constant 0 : i32
      %dma_wait3A_18 = tpu.memref_slice %arg2[%dma_wait3A, %dma_wait3A_17] : memref<100000x16xf32, #tpu.memory_space<hbm>> -> memref<100000x16xf32, #tpu.memory_space<hbm>>
      tpu.wait_indirect_dma semaphore(%arg12 : memref<!tpu.dma_semaphore, #tpu.memory_space<semaphore_mem>>) src(%dma_wait3A_18 : memref<100000x16xf32, #tpu.memory_space<hbm>>) dst(%arg9 : memref<2000x16xf32, #tpu.memory_space<vmem>>)
      %dma_wait3A_19 = arith.constant 0 : i32
      %dma_wait3A_20 = arith.constant 0 : i32
      %dma_wait3A_21 = tpu.memref_slice %arg4[%dma_wait3A_19, %dma_wait3A_20] : memref<100000x32xf32, #tpu.memory_space<hbm>> -> memref<100000x32xf32, #tpu.memory_space<hbm>>
      tpu.wait_indirect_dma semaphore(%arg13 : memref<!tpu.dma_semaphore, #tpu.memory_space<semaphore_mem>>) src(%dma_wait3A_21 : memref<100000x32xf32, #tpu.memory_space<hbm>>) dst(%arg11 : memref<2000x32xf32, #tpu.memory_space<vmem>>)
      "tpu.region"() ({
        %run_scoped3A = tpu.sem_alloc : memref<!tpu.dma_semaphore, #tpu.memory_space<semaphore_mem>>
        %dma_start3A_22 = arith.constant 0 : i32
        %dma_start3A_23 = tpu.memref_slice %arg6[%add3A_11, %dma_start3A_22] : memref<1600000x16xf32, #tpu.memory_space<hbm>> -> memref<2000x16xf32, #tpu.memory_space<hbm>>
        %dma_start3A_24 = arith.constant 0 : i32
        %dma_start3A_25 = tpu.memref_slice %arg6[%add3A_11, %dma_start3A_24] : memref<1600000x16xf32, #tpu.memory_space<hbm>> -> memref<2000x16xf32, #tpu.memory_space<hbm>>
        tpu.enqueue_dma source(%arg9 : memref<2000x16xf32, #tpu.memory_space<vmem>>) target(%dma_start3A_25 : memref<2000x16xf32, #tpu.memory_space<hbm>>) target_semaphore(%run_scoped3A : memref<!tpu.dma_semaphore, #tpu.memory_space<semaphore_mem>>)
        %dma_wait3A_26 = arith.constant 0 : i32
        %dma_wait3A_27 = tpu.memref_slice %arg6[%add3A_11, %dma_wait3A_26] : memref<1600000x16xf32, #tpu.memory_space<hbm>> -> memref<2000x16xf32, #tpu.memory_space<hbm>>
        %dma_wait3A_28 = arith.constant 0 : i32
        %dma_wait3A_29 = tpu.memref_slice %arg6[%add3A_11, %dma_wait3A_28] : memref<1600000x16xf32, #tpu.memory_space<hbm>> -> memref<2000x16xf32, #tpu.memory_space<hbm>>
        tpu.wait_dma2 semaphore(%run_scoped3A : memref<!tpu.dma_semaphore, #tpu.memory_space<semaphore_mem>>) src(%arg9 : memref<2000x16xf32, #tpu.memory_space<vmem>>) dst(%dma_wait3A_29 : memref<2000x16xf32, #tpu.memory_space<hbm>>)
        tpu.yield
      }) : () -> ()
      "tpu.region"() ({
        %run_scoped3A = tpu.sem_alloc : memref<!tpu.dma_semaphore, #tpu.memory_space<semaphore_mem>>
        %dma_start3A_22 = arith.constant 0 : i32
        %dma_start3A_23 = tpu.memref_slice %arg7[%add3A_11, %dma_start3A_22] : memref<1600000x32xf32, #tpu.memory_space<hbm>> -> memref<2000x32xf32, #tpu.memory_space<hbm>>
        %dma_start3A_24 = arith.constant 0 : i32
        %dma_start3A_25 = tpu.memref_slice %arg7[%add3A_11, %dma_start3A_24] : memref<1600000x32xf32, #tpu.memory_space<hbm>> -> memref<2000x32xf32, #tpu.memory_space<hbm>>
        tpu.enqueue_dma source(%arg11 : memref<2000x32xf32, #tpu.memory_space<vmem>>) target(%dma_start3A_25 : memref<2000x32xf32, #tpu.memory_space<hbm>>) target_semaphore(%run_scoped3A : memref<!tpu.dma_semaphore, #tpu.memory_space<semaphore_mem>>)
        %dma_wait3A_26 = arith.constant 0 : i32
        %dma_wait3A_27 = tpu.memref_slice %arg7[%add3A_11, %dma_wait3A_26] : memref<1600000x32xf32, #tpu.memory_space<hbm>> -> memref<2000x32xf32, #tpu.memory_space<hbm>>
        %dma_wait3A_28 = arith.constant 0 : i32
        %dma_wait3A_29 = tpu.memref_slice %arg7[%add3A_11, %dma_wait3A_28] : memref<1600000x32xf32, #tpu.memory_space<hbm>> -> memref<2000x32xf32, #tpu.memory_space<hbm>>
        tpu.wait_dma2 semaphore(%run_scoped3A : memref<!tpu.dma_semaphore, #tpu.memory_space<semaphore_mem>>) src(%arg11 : memref<2000x32xf32, #tpu.memory_space<vmem>>) dst(%dma_wait3A_29 : memref<2000x32xf32, #tpu.memory_space<hbm>>)
        tpu.yield
      }) : () -> ()
    }
    %scan3A_7 = arith.constant 25 : i32
    return
  }
}

#map = affine_map<(d0, d1) -> (0, 0)>
module attributes {stable_mosaic.version = 14 : i64} {
  func.func @body(%arg0: i32, %arg1: i32, %arg2: memref<1600000x16xf32, #tpu.memory_space<hbm>>, %arg3: memref<20000x80xi32, #tpu.memory_space<hbm>>, %arg4: memref<50016x16xf32, #tpu.memory_space<hbm>>, %arg5: memref<100000x16xf32, #tpu.memory_space<hbm>>, %arg6: memref<25x80xi32, #tpu.memory_space<vmem>>, %arg7: memref<2000x16xf32, #tpu.memory_space<vmem>>, %arg8: memref<50016x16xf32, #tpu.memory_space<vmem_shared>>) attributes {dimension_semantics = [#tpu.dimension_semantics<core_parallel>, #tpu.dimension_semantics<subcore_parallel>], iteration_bounds = array<i64: 2, 16>, scalar_prefetch = 0 : i64, scratch_operands = 3 : i64, tpu.core_type = #tpu.core_type<sc_vector_subcore>, window_params = [{transform_indices = #map}, {transform_indices = #map}, {transform_indices = #map}, {transform_indices = #map}]} {
    %mul3A = arith.constant 50000 : i32
    %mul3A_0 = arith.muli %arg0, %mul3A : i32
    %mul3A_1 = arith.constant 3126 : i32
    %mul3A_2 = arith.muli %arg1, %mul3A_1 : i32
    %mul3A_3 = arith.constant 3126 : i32
    %mul3A_4 = arith.muli %arg1, %mul3A_3 : i32
    "tpu.region"() ({
      %run_scoped3A = tpu.sem_alloc : memref<!tpu.dma_semaphore, #tpu.memory_space<semaphore_mem>>
      %dma_start3A = arith.constant 0 : i32
      %dma_start3A_17 = tpu.memref_slice %arg8[%mul3A_4, %dma_start3A] : memref<50016x16xf32, #tpu.memory_space<vmem_shared>> -> memref<3126x16xf32, #tpu.memory_space<vmem_shared>>
      %dma_start3A_18 = arith.constant 0 : i32
      %dma_start3A_19 = tpu.memref_slice %arg4[%mul3A_2, %dma_start3A_18] : memref<50016x16xf32, #tpu.memory_space<hbm>> -> memref<3126x16xf32, #tpu.memory_space<hbm>>
      tpu.enqueue_dma source(%dma_start3A_19 : memref<3126x16xf32, #tpu.memory_space<hbm>>) target(%dma_start3A_17 : memref<3126x16xf32, #tpu.memory_space<vmem_shared>>) target_semaphore(%run_scoped3A : memref<!tpu.dma_semaphore, #tpu.memory_space<semaphore_mem>>)
      %dma_wait3A = arith.constant 0 : i32
      %dma_wait3A_20 = tpu.memref_slice %arg8[%mul3A_4, %dma_wait3A] : memref<50016x16xf32, #tpu.memory_space<vmem_shared>> -> memref<3126x16xf32, #tpu.memory_space<vmem_shared>>
      %dma_wait3A_21 = arith.constant 0 : i32
      %dma_wait3A_22 = tpu.memref_slice %arg4[%mul3A_2, %dma_wait3A_21] : memref<50016x16xf32, #tpu.memory_space<hbm>> -> memref<3126x16xf32, #tpu.memory_space<hbm>>
      tpu.wait_dma2 semaphore(%run_scoped3A : memref<!tpu.dma_semaphore, #tpu.memory_space<semaphore_mem>>) src(%dma_wait3A_22 : memref<3126x16xf32, #tpu.memory_space<hbm>>) dst(%dma_wait3A_20 : memref<3126x16xf32, #tpu.memory_space<vmem_shared>>)
      tpu.yield
    }) : () -> ()
    %barrier3A = arith.constant 0 : index
    tpu.barrier barrier_id(%barrier3A)
    %mul3A_5 = arith.constant 100000 : i32
    %mul3A_6 = arith.muli %arg1, %mul3A_5 : i32
    %scan3A = arith.constant 0 : i32
    %scan3A_7 = arith.constant 0 : i32
    %scan3A_8 = arith.constant 50 : i32
    %scan3A_9 = arith.addi %scan3A_7, %scan3A_8 : i32
    %scan3A_10 = arith.constant 1 : i32
    scf.for %scan3A_17 = %scan3A_7 to %scan3A_9 step %scan3A_10  : i32 {
      %mul3A_18 = arith.constant 2000 : i32
      %mul3A_19 = arith.muli %scan3A_17, %mul3A_18 : i32
      %add3A_20 = arith.addi %mul3A_6, %mul3A_19 : i32
      %jit3A = arith.constant 80 : i32
      %div3A = arith.divsi %add3A_20, %jit3A : i32
      %sign3A = arith.constant 0 : i32
      %sign3A_21 = arith.cmpi sgt, %add3A_20, %sign3A : i32
      %sign3A_22 = arith.extui %sign3A_21 : i1 to i32
      %sign3A_23 = arith.constant 0 : i32
      %sign3A_24 = arith.cmpi slt, %add3A_20, %sign3A_23 : i32
      %sign3A_25 = arith.extui %sign3A_24 : i1 to i32
      %sign3A_26 = arith.subi %sign3A_22, %sign3A_25 : i32
      %sign3A_27 = arith.constant 0 : i32
      %sign3A_28 = arith.cmpi sgt, %jit3A, %sign3A_27 : i32
      %sign3A_29 = arith.extui %sign3A_28 : i1 to i32
      %sign3A_30 = arith.constant 0 : i32
      %sign3A_31 = arith.cmpi slt, %jit3A, %sign3A_30 : i32
      %sign3A_32 = arith.extui %sign3A_31 : i1 to i32
      %sign3A_33 = arith.subi %sign3A_29, %sign3A_32 : i32
      %ne3A = arith.cmpi ne, %sign3A_26, %sign3A_33 : i32
      %rem3A = arith.remsi %add3A_20, %jit3A : i32
      %ne3A_34 = arith.constant 0 : i32
      %ne3A_35 = arith.cmpi ne, %rem3A, %ne3A_34 : i32
      %and3A = arith.andi %ne3A, %ne3A_35 : i1
      %sub3A = arith.constant 1 : i32
      %sub3A_36 = arith.subi %div3A, %sub3A : i32
      %select_n3A = arith.select %and3A, %sub3A_36, %div3A : i32
      "tpu.region"() ({
        %run_scoped3A = tpu.sem_alloc : memref<!tpu.dma_semaphore, #tpu.memory_space<semaphore_mem>>
        %dma_start3A = arith.constant 0 : i32
        %dma_start3A_49 = tpu.memref_slice %arg3[%select_n3A, %dma_start3A] : memref<20000x80xi32, #tpu.memory_space<hbm>> -> memref<25x80xi32, #tpu.memory_space<hbm>>
        %dma_start3A_50 = arith.constant 0 : i32
        %dma_start3A_51 = tpu.memref_slice %arg3[%select_n3A, %dma_start3A_50] : memref<20000x80xi32, #tpu.memory_space<hbm>> -> memref<25x80xi32, #tpu.memory_space<hbm>>
        tpu.enqueue_dma source(%dma_start3A_51 : memref<25x80xi32, #tpu.memory_space<hbm>>) target(%arg6 : memref<25x80xi32, #tpu.memory_space<vmem>>) target_semaphore(%run_scoped3A : memref<!tpu.dma_semaphore, #tpu.memory_space<semaphore_mem>>)
        %dma_wait3A = arith.constant 0 : i32
        %dma_wait3A_52 = tpu.memref_slice %arg3[%select_n3A, %dma_wait3A] : memref<20000x80xi32, #tpu.memory_space<hbm>> -> memref<25x80xi32, #tpu.memory_space<hbm>>
        %dma_wait3A_53 = arith.constant 0 : i32
        %dma_wait3A_54 = tpu.memref_slice %arg3[%select_n3A, %dma_wait3A_53] : memref<20000x80xi32, #tpu.memory_space<hbm>> -> memref<25x80xi32, #tpu.memory_space<hbm>>
        tpu.wait_dma2 semaphore(%run_scoped3A : memref<!tpu.dma_semaphore, #tpu.memory_space<semaphore_mem>>) src(%dma_wait3A_54 : memref<25x80xi32, #tpu.memory_space<hbm>>) dst(%arg6 : memref<25x80xi32, #tpu.memory_space<vmem>>)
        tpu.yield
      }) : () -> ()
      "tpu.region"() ({
        %run_scoped3A = tpu.sem_alloc : memref<!tpu.dma_semaphore, #tpu.memory_space<semaphore_mem>>
        %dma_start3A = arith.constant 0 : i32
        %dma_start3A_49 = tpu.memref_slice %arg2[%add3A_20, %dma_start3A] : memref<1600000x16xf32, #tpu.memory_space<hbm>> -> memref<2000x16xf32, #tpu.memory_space<hbm>>
        %dma_start3A_50 = arith.constant 0 : i32
        %dma_start3A_51 = tpu.memref_slice %arg2[%add3A_20, %dma_start3A_50] : memref<1600000x16xf32, #tpu.memory_space<hbm>> -> memref<2000x16xf32, #tpu.memory_space<hbm>>
        tpu.enqueue_dma source(%dma_start3A_51 : memref<2000x16xf32, #tpu.memory_space<hbm>>) target(%arg7 : memref<2000x16xf32, #tpu.memory_space<vmem>>) target_semaphore(%run_scoped3A : memref<!tpu.dma_semaphore, #tpu.memory_space<semaphore_mem>>)
        %dma_wait3A = arith.constant 0 : i32
        %dma_wait3A_52 = tpu.memref_slice %arg2[%add3A_20, %dma_wait3A] : memref<1600000x16xf32, #tpu.memory_space<hbm>> -> memref<2000x16xf32, #tpu.memory_space<hbm>>
        %dma_wait3A_53 = arith.constant 0 : i32
        %dma_wait3A_54 = tpu.memref_slice %arg2[%add3A_20, %dma_wait3A_53] : memref<1600000x16xf32, #tpu.memory_space<hbm>> -> memref<2000x16xf32, #tpu.memory_space<hbm>>
        tpu.wait_dma2 semaphore(%run_scoped3A : memref<!tpu.dma_semaphore, #tpu.memory_space<semaphore_mem>>) src(%dma_wait3A_54 : memref<2000x16xf32, #tpu.memory_space<hbm>>) dst(%arg7 : memref<2000x16xf32, #tpu.memory_space<vmem>>)
        tpu.yield
      }) : () -> ()
      %scan3A_37 = arith.constant 0 : i32
      %scan3A_38 = arith.constant 0 : i32
      %scan3A_39 = arith.constant 25 : i32
      %scan3A_40 = arith.addi %scan3A_38, %scan3A_39 : i32
      %scan3A_41 = arith.constant 1 : i32
      scf.for %scan3A_49 = %scan3A_38 to %scan3A_40 step %scan3A_41  : i32 {
        %scan3A_50 = arith.constant 0 : i32
        %scan3A_51 = arith.constant 0 : i32
        %scan3A_52 = arith.constant 5 : i32
        %scan3A_53 = arith.addi %scan3A_51, %scan3A_52 : i32
        %scan3A_54 = arith.constant 1 : i32
        scf.for %scan3A_56 = %scan3A_51 to %scan3A_53 step %scan3A_54  : i32 {
          %mul3A_57 = arith.constant 16 : i32
          %mul3A_58 = arith.muli %scan3A_56, %mul3A_57 : i32
          %get3A = arith.index_cast %scan3A_49 : i32 to index
          %get3A_59 = arith.index_cast %mul3A_58 : i32 to index
          %get3A_60 = tpu.vector_load %arg6[%get3A, %get3A_59] {strides = array<i32>} : memref<25x80xi32, #tpu.memory_space<vmem>>, vector<1x16xi32>,
          %get3A_61 = vector.shape_cast %get3A_60 : vector<1x16xi32> to vector<16xi32>
          %sub3A_62 = vector.broadcast %mul3A_0 : i32 to vector<16xi32>
          %sub3A_63 = arith.subi %get3A_61, %sub3A_62 : vector<16xi32>
          %ge3A = arith.constant 0 : i32
          %ge3A_64 = vector.broadcast %ge3A : i32 to vector<16xi32>
          %ge3A_65 = arith.cmpi sge, %sub3A_63, %ge3A_64 : vector<16xi32>
          %lt3A = arith.constant 50000 : i32
          %lt3A_66 = vector.broadcast %lt3A : i32 to vector<16xi32>
          %lt3A_67 = arith.cmpi slt, %sub3A_63, %lt3A_66 : vector<16xi32>
          %and3A_68 = arith.andi %ge3A_65, %lt3A_67 : vector<16xi1>
          %jit3A_69 = arith.constant 50000 : i32
          %broadcast_in_dim3A = vector.broadcast %jit3A_69 : i32 to vector<16xi32>
          %select_n3A_70 = arith.select %and3A_68, %sub3A_63, %broadcast_in_dim3A : vector<16xi1>, vector<16xi32>
          %mul3A_71 = arith.constant 16 : i32
          %mul3A_72 = arith.muli %scan3A_56, %mul3A_71 : i32
          %swap3A = arith.index_cast %scan3A_49 : i32 to index
          %swap3A_73 = arith.index_cast %mul3A_72 : i32 to index
          %swap3A_74 = tpu.vector_load %arg6[%swap3A, %swap3A_73] {strides = array<i32>} : memref<25x80xi32, #tpu.memory_space<vmem>>, vector<1x16xi32>,
          %swap3A_75 = vector.shape_cast %swap3A_74 : vector<1x16xi32> to vector<16xi32>
          %swap3A_76 = vector.shape_cast %select_n3A_70 : vector<16xi32> to vector<1x16xi32>
          tpu.vector_store %arg6[%swap3A, %swap3A_73], %swap3A_76 {strides = array<i32>} : memref<25x80xi32, #tpu.memory_space<vmem>>, vector<1x16xi32>,
        }
        %scan3A_55 = arith.constant 5 : i32
      }
      %scan3A_42 = arith.constant 25 : i32
      %scan3A_43 = arith.constant 0 : i32
      %scan3A_44 = arith.constant 0 : i32
      %scan3A_45 = arith.constant 25 : i32
      %scan3A_46 = arith.addi %scan3A_44, %scan3A_45 : i32
      %scan3A_47 = arith.constant 1 : i32
      scf.for %scan3A_49 = %scan3A_44 to %scan3A_46 step %scan3A_47  : i32 {
        %mul3A_50 = arith.constant 80 : i32
        %mul3A_51 = arith.muli %scan3A_49, %mul3A_50 : i32
        "tpu.region"() ({
          %run_scoped3A = tpu.sem_alloc : memref<!tpu.dma_semaphore, #tpu.memory_space<semaphore_mem>>
          %dma_start3A = arith.constant 0 : i32
          %dma_start3A_52 = tpu.memref_slice %arg7[%mul3A_51, %dma_start3A] : memref<2000x16xf32, #tpu.memory_space<vmem>> -> memref<80x16xf32, #tpu.memory_space<vmem>>
          %dma_start3A_53 = arith.constant 0 : i32
          %dma_start3A_54 = tpu.memref_slice %arg6[%scan3A_49, %dma_start3A_53] : memref<25x80xi32, #tpu.memory_space<vmem>> -> memref<1x80xi32, #tpu.memory_space<vmem>>
          %dma_start3A_55 = tpu.memref_squeeze %dma_start3A_54 : memref<1x80xi32, #tpu.memory_space<vmem>> -> memref<80xi32, #tpu.memory_space<vmem>>
          %dma_start3A_56 = arith.constant 0 : i32
          %dma_start3A_57 = arith.constant 0 : i32
          %dma_start3A_58 = tpu.memref_slice %arg8[%dma_start3A_56, %dma_start3A_57] : memref<50016x16xf32, #tpu.memory_space<vmem_shared>> -> memref<50016x16xf32, #tpu.memory_space<vmem_shared>>
          tpu.enqueue_indirect_dma source(%dma_start3A_52 : memref<80x16xf32, #tpu.memory_space<vmem>>) target(%dma_start3A_58 : memref<50016x16xf32, #tpu.memory_space<vmem_shared>>) offsets(%dma_start3A_55 : memref<80xi32, #tpu.memory_space<vmem>>) semaphore(%run_scoped3A : memref<!tpu.dma_semaphore, #tpu.memory_space<semaphore_mem>>) {add = true}
          %dma_wait3A = arith.constant 0 : i32
          %dma_wait3A_59 = tpu.memref_slice %arg7[%mul3A_51, %dma_wait3A] : memref<2000x16xf32, #tpu.memory_space<vmem>> -> memref<80x16xf32, #tpu.memory_space<vmem>>
          %dma_wait3A_60 = arith.constant 0 : i32
          %dma_wait3A_61 = tpu.memref_slice %arg6[%scan3A_49, %dma_wait3A_60] : memref<25x80xi32, #tpu.memory_space<vmem>> -> memref<1x80xi32, #tpu.memory_space<vmem>>
          %dma_wait3A_62 = tpu.memref_squeeze %dma_wait3A_61 : memref<1x80xi32, #tpu.memory_space<vmem>> -> memref<80xi32, #tpu.memory_space<vmem>>
          %dma_wait3A_63 = arith.constant 0 : i32
          %dma_wait3A_64 = arith.constant 0 : i32
          %dma_wait3A_65 = tpu.memref_slice %arg8[%dma_wait3A_63, %dma_wait3A_64] : memref<50016x16xf32, #tpu.memory_space<vmem_shared>> -> memref<50016x16xf32, #tpu.memory_space<vmem_shared>>
          tpu.wait_indirect_dma semaphore(%run_scoped3A : memref<!tpu.dma_semaphore, #tpu.memory_space<semaphore_mem>>) src(%dma_wait3A_59 : memref<80x16xf32, #tpu.memory_space<vmem>>) dst(%dma_wait3A_65 : memref<50016x16xf32, #tpu.memory_space<vmem_shared>>)
          tpu.yield
        }) : () -> ()
      }
      %scan3A_48 = arith.constant 25 : i32
    }
    %scan3A_11 = arith.constant 50 : i32
    %barrier3A_12 = arith.constant 0 : index
    tpu.barrier barrier_id(%barrier3A_12)
    %mul3A_13 = arith.constant 3125 : i32
    %mul3A_14 = arith.muli %arg1, %mul3A_13 : i32
    %mul3A_15 = arith.constant 3125 : i32
    %mul3A_16 = arith.muli %arg1, %mul3A_15 : i32
    %add3A = arith.addi %mul3A_0, %mul3A_16 : i32
    "tpu.region"() ({
      %run_scoped3A = tpu.sem_alloc : memref<!tpu.dma_semaphore, #tpu.memory_space<semaphore_mem>>
      %dma_start3A = arith.constant 0 : i32
      %dma_start3A_17 = tpu.memref_slice %arg5[%add3A, %dma_start3A] : memref<100000x16xf32, #tpu.memory_space<hbm>> -> memref<3125x16xf32, #tpu.memory_space<hbm>>
      %dma_start3A_18 = arith.constant 0 : i32
      %dma_start3A_19 = tpu.memref_slice %arg8[%mul3A_14, %dma_start3A_18] : memref<50016x16xf32, #tpu.memory_space<vmem_shared>> -> memref<3125x16xf32, #tpu.memory_space<vmem_shared>>
      tpu.enqueue_dma source(%dma_start3A_19 : memref<3125x16xf32, #tpu.memory_space<vmem_shared>>) target(%dma_start3A_17 : memref<3125x16xf32, #tpu.memory_space<hbm>>) target_semaphore(%run_scoped3A : memref<!tpu.dma_semaphore, #tpu.memory_space<semaphore_mem>>)
      %dma_wait3A = arith.constant 0 : i32
      %dma_wait3A_20 = tpu.memref_slice %arg5[%add3A, %dma_wait3A] : memref<100000x16xf32, #tpu.memory_space<hbm>> -> memref<3125x16xf32, #tpu.memory_space<hbm>>
      %dma_wait3A_21 = arith.constant 0 : i32
      %dma_wait3A_22 = tpu.memref_slice %arg8[%mul3A_14, %dma_wait3A_21] : memref<50016x16xf32, #tpu.memory_space<vmem_shared>> -> memref<3125x16xf32, #tpu.memory_space<vmem_shared>>
      tpu.wait_dma2 semaphore(%run_scoped3A : memref<!tpu.dma_semaphore, #tpu.memory_space<semaphore_mem>>) src(%dma_wait3A_22 : memref<3125x16xf32, #tpu.memory_space<vmem_shared>>) dst(%dma_wait3A_20 : memref<3125x16xf32, #tpu.memory_space<hbm>>)
      tpu.yield
    }) : () -> ()
    return
  }
}

#map = affine_map<(d0, d1) -> (0, 0)>
module attributes {stable_mosaic.version = 14 : i64} {
  func.func @body(%arg0: i32, %arg1: i32, %arg2: memref<1600000x16xf32, #tpu.memory_space<hbm>>, %arg3: memref<20000x80xi32, #tpu.memory_space<hbm>>, %arg4: memref<50016x16xf32, #tpu.memory_space<hbm>>, %arg5: memref<100000x16xf32, #tpu.memory_space<hbm>>, %arg6: memref<25x80xi32, #tpu.memory_space<vmem>>, %arg7: memref<2000x16xf32, #tpu.memory_space<vmem>>, %arg8: memref<50016x16xf32, #tpu.memory_space<vmem_shared>>) attributes {dimension_semantics = [#tpu.dimension_semantics<core_parallel>, #tpu.dimension_semantics<subcore_parallel>], iteration_bounds = array<i64: 2, 16>, scalar_prefetch = 0 : i64, scratch_operands = 3 : i64, tpu.core_type = #tpu.core_type<sc_vector_subcore>, window_params = [{transform_indices = #map}, {transform_indices = #map}, {transform_indices = #map}, {transform_indices = #map}]} {
    %mul3A = arith.constant 50000 : i32
    %mul3A_0 = arith.muli %arg0, %mul3A : i32
    %mul3A_1 = arith.constant 3126 : i32
    %mul3A_2 = arith.muli %arg1, %mul3A_1 : i32
    %mul3A_3 = arith.constant 3126 : i32
    %mul3A_4 = arith.muli %arg1, %mul3A_3 : i32
    "tpu.region"() ({
      %run_scoped3A = tpu.sem_alloc : memref<!tpu.dma_semaphore, #tpu.memory_space<semaphore_mem>>
      %dma_start3A = arith.constant 0 : i32
      %dma_start3A_17 = tpu.memref_slice %arg8[%mul3A_4, %dma_start3A] : memref<50016x16xf32, #tpu.memory_space<vmem_shared>> -> memref<3126x16xf32, #tpu.memory_space<vmem_shared>>
      %dma_start3A_18 = arith.constant 0 : i32
      %dma_start3A_19 = tpu.memref_slice %arg4[%mul3A_2, %dma_start3A_18] : memref<50016x16xf32, #tpu.memory_space<hbm>> -> memref<3126x16xf32, #tpu.memory_space<hbm>>
      tpu.enqueue_dma source(%dma_start3A_19 : memref<3126x16xf32, #tpu.memory_space<hbm>>) target(%dma_start3A_17 : memref<3126x16xf32, #tpu.memory_space<vmem_shared>>) target_semaphore(%run_scoped3A : memref<!tpu.dma_semaphore, #tpu.memory_space<semaphore_mem>>)
      %dma_wait3A = arith.constant 0 : i32
      %dma_wait3A_20 = tpu.memref_slice %arg8[%mul3A_4, %dma_wait3A] : memref<50016x16xf32, #tpu.memory_space<vmem_shared>> -> memref<3126x16xf32, #tpu.memory_space<vmem_shared>>
      %dma_wait3A_21 = arith.constant 0 : i32
      %dma_wait3A_22 = tpu.memref_slice %arg4[%mul3A_2, %dma_wait3A_21] : memref<50016x16xf32, #tpu.memory_space<hbm>> -> memref<3126x16xf32, #tpu.memory_space<hbm>>
      tpu.wait_dma2 semaphore(%run_scoped3A : memref<!tpu.dma_semaphore, #tpu.memory_space<semaphore_mem>>) src(%dma_wait3A_22 : memref<3126x16xf32, #tpu.memory_space<hbm>>) dst(%dma_wait3A_20 : memref<3126x16xf32, #tpu.memory_space<vmem_shared>>)
      tpu.yield
    }) : () -> ()
    %barrier3A = arith.constant 0 : index
    tpu.barrier barrier_id(%barrier3A)
    %mul3A_5 = arith.constant 100000 : i32
    %mul3A_6 = arith.muli %arg1, %mul3A_5 : i32
    %scan3A = arith.constant 0 : i32
    %scan3A_7 = arith.constant 0 : i32
    %scan3A_8 = arith.constant 50 : i32
    %scan3A_9 = arith.addi %scan3A_7, %scan3A_8 : i32
    %scan3A_10 = arith.constant 1 : i32
    scf.for %scan3A_17 = %scan3A_7 to %scan3A_9 step %scan3A_10  : i32 {
      %mul3A_18 = arith.constant 2000 : i32
      %mul3A_19 = arith.muli %scan3A_17, %mul3A_18 : i32
      %add3A_20 = arith.addi %mul3A_6, %mul3A_19 : i32
      %jit3A = arith.constant 80 : i32
      %div3A = arith.divsi %add3A_20, %jit3A : i32
      %sign3A = arith.constant 0 : i32
      %sign3A_21 = arith.cmpi sgt, %add3A_20, %sign3A : i32
      %sign3A_22 = arith.extui %sign3A_21 : i1 to i32
      %sign3A_23 = arith.constant 0 : i32
      %sign3A_24 = arith.cmpi slt, %add3A_20, %sign3A_23 : i32
      %sign3A_25 = arith.extui %sign3A_24 : i1 to i32
      %sign3A_26 = arith.subi %sign3A_22, %sign3A_25 : i32
      %sign3A_27 = arith.constant 0 : i32
      %sign3A_28 = arith.cmpi sgt, %jit3A, %sign3A_27 : i32
      %sign3A_29 = arith.extui %sign3A_28 : i1 to i32
      %sign3A_30 = arith.constant 0 : i32
      %sign3A_31 = arith.cmpi slt, %jit3A, %sign3A_30 : i32
      %sign3A_32 = arith.extui %sign3A_31 : i1 to i32
      %sign3A_33 = arith.subi %sign3A_29, %sign3A_32 : i32
      %ne3A = arith.cmpi ne, %sign3A_26, %sign3A_33 : i32
      %rem3A = arith.remsi %add3A_20, %jit3A : i32
      %ne3A_34 = arith.constant 0 : i32
      %ne3A_35 = arith.cmpi ne, %rem3A, %ne3A_34 : i32
      %and3A = arith.andi %ne3A, %ne3A_35 : i1
      %sub3A = arith.constant 1 : i32
      %sub3A_36 = arith.subi %div3A, %sub3A : i32
      %select_n3A = arith.select %and3A, %sub3A_36, %div3A : i32
      "tpu.region"() ({
        %run_scoped3A = tpu.sem_alloc : memref<!tpu.dma_semaphore, #tpu.memory_space<semaphore_mem>>
        %dma_start3A = arith.constant 0 : i32
        %dma_start3A_49 = tpu.memref_slice %arg3[%select_n3A, %dma_start3A] : memref<20000x80xi32, #tpu.memory_space<hbm>> -> memref<25x80xi32, #tpu.memory_space<hbm>>
        %dma_start3A_50 = arith.constant 0 : i32
        %dma_start3A_51 = tpu.memref_slice %arg3[%select_n3A, %dma_start3A_50] : memref<20000x80xi32, #tpu.memory_space<hbm>> -> memref<25x80xi32, #tpu.memory_space<hbm>>
        tpu.enqueue_dma source(%dma_start3A_51 : memref<25x80xi32, #tpu.memory_space<hbm>>) target(%arg6 : memref<25x80xi32, #tpu.memory_space<vmem>>) target_semaphore(%run_scoped3A : memref<!tpu.dma_semaphore, #tpu.memory_space<semaphore_mem>>)
        %dma_wait3A = arith.constant 0 : i32
        %dma_wait3A_52 = tpu.memref_slice %arg3[%select_n3A, %dma_wait3A] : memref<20000x80xi32, #tpu.memory_space<hbm>> -> memref<25x80xi32, #tpu.memory_space<hbm>>
        %dma_wait3A_53 = arith.constant 0 : i32
        %dma_wait3A_54 = tpu.memref_slice %arg3[%select_n3A, %dma_wait3A_53] : memref<20000x80xi32, #tpu.memory_space<hbm>> -> memref<25x80xi32, #tpu.memory_space<hbm>>
        tpu.wait_dma2 semaphore(%run_scoped3A : memref<!tpu.dma_semaphore, #tpu.memory_space<semaphore_mem>>) src(%dma_wait3A_54 : memref<25x80xi32, #tpu.memory_space<hbm>>) dst(%arg6 : memref<25x80xi32, #tpu.memory_space<vmem>>)
        tpu.yield
      }) : () -> ()
      "tpu.region"() ({
        %run_scoped3A = tpu.sem_alloc : memref<!tpu.dma_semaphore, #tpu.memory_space<semaphore_mem>>
        %dma_start3A = arith.constant 0 : i32
        %dma_start3A_49 = tpu.memref_slice %arg2[%add3A_20, %dma_start3A] : memref<1600000x16xf32, #tpu.memory_space<hbm>> -> memref<2000x16xf32, #tpu.memory_space<hbm>>
        %dma_start3A_50 = arith.constant 0 : i32
        %dma_start3A_51 = tpu.memref_slice %arg2[%add3A_20, %dma_start3A_50] : memref<1600000x16xf32, #tpu.memory_space<hbm>> -> memref<2000x16xf32, #tpu.memory_space<hbm>>
        tpu.enqueue_dma source(%dma_start3A_51 : memref<2000x16xf32, #tpu.memory_space<hbm>>) target(%arg7 : memref<2000x16xf32, #tpu.memory_space<vmem>>) target_semaphore(%run_scoped3A : memref<!tpu.dma_semaphore, #tpu.memory_space<semaphore_mem>>)
        %dma_wait3A = arith.constant 0 : i32
        %dma_wait3A_52 = tpu.memref_slice %arg2[%add3A_20, %dma_wait3A] : memref<1600000x16xf32, #tpu.memory_space<hbm>> -> memref<2000x16xf32, #tpu.memory_space<hbm>>
        %dma_wait3A_53 = arith.constant 0 : i32
        %dma_wait3A_54 = tpu.memref_slice %arg2[%add3A_20, %dma_wait3A_53] : memref<1600000x16xf32, #tpu.memory_space<hbm>> -> memref<2000x16xf32, #tpu.memory_space<hbm>>
        tpu.wait_dma2 semaphore(%run_scoped3A : memref<!tpu.dma_semaphore, #tpu.memory_space<semaphore_mem>>) src(%dma_wait3A_54 : memref<2000x16xf32, #tpu.memory_space<hbm>>) dst(%arg7 : memref<2000x16xf32, #tpu.memory_space<vmem>>)
        tpu.yield
      }) : () -> ()
      %scan3A_37 = arith.constant 0 : i32
      %scan3A_38 = arith.constant 0 : i32
      %scan3A_39 = arith.constant 25 : i32
      %scan3A_40 = arith.addi %scan3A_38, %scan3A_39 : i32
      %scan3A_41 = arith.constant 1 : i32
      scf.for %scan3A_49 = %scan3A_38 to %scan3A_40 step %scan3A_41  : i32 {
        %scan3A_50 = arith.constant 0 : i32
        %scan3A_51 = arith.constant 0 : i32
        %scan3A_52 = arith.constant 5 : i32
        %scan3A_53 = arith.addi %scan3A_51, %scan3A_52 : i32
        %scan3A_54 = arith.constant 1 : i32
        scf.for %scan3A_56 = %scan3A_51 to %scan3A_53 step %scan3A_54  : i32 {
          %mul3A_57 = arith.constant 16 : i32
          %mul3A_58 = arith.muli %scan3A_56, %mul3A_57 : i32
          %get3A = arith.index_cast %scan3A_49 : i32 to index
          %get3A_59 = arith.index_cast %mul3A_58 : i32 to index
          %get3A_60 = tpu.vector_load %arg6[%get3A, %get3A_59] {strides = array<i32>} : memref<25x80xi32, #tpu.memory_space<vmem>>, vector<1x16xi32>,
          %get3A_61 = vector.shape_cast %get3A_60 : vector<1x16xi32> to vector<16xi32>
          %sub3A_62 = vector.broadcast %mul3A_0 : i32 to vector<16xi32>
          %sub3A_63 = arith.subi %get3A_61, %sub3A_62 : vector<16xi32>
          %ge3A = arith.constant 0 : i32
          %ge3A_64 = vector.broadcast %ge3A : i32 to vector<16xi32>
          %ge3A_65 = arith.cmpi sge, %sub3A_63, %ge3A_64 : vector<16xi32>
          %lt3A = arith.constant 50000 : i32
          %lt3A_66 = vector.broadcast %lt3A : i32 to vector<16xi32>
          %lt3A_67 = arith.cmpi slt, %sub3A_63, %lt3A_66 : vector<16xi32>
          %and3A_68 = arith.andi %ge3A_65, %lt3A_67 : vector<16xi1>
          %jit3A_69 = arith.constant 50000 : i32
          %broadcast_in_dim3A = vector.broadcast %jit3A_69 : i32 to vector<16xi32>
          %select_n3A_70 = arith.select %and3A_68, %sub3A_63, %broadcast_in_dim3A : vector<16xi1>, vector<16xi32>
          %mul3A_71 = arith.constant 16 : i32
          %mul3A_72 = arith.muli %scan3A_56, %mul3A_71 : i32
          %swap3A = arith.index_cast %scan3A_49 : i32 to index
          %swap3A_73 = arith.index_cast %mul3A_72 : i32 to index
          %swap3A_74 = tpu.vector_load %arg6[%swap3A, %swap3A_73] {strides = array<i32>} : memref<25x80xi32, #tpu.memory_space<vmem>>, vector<1x16xi32>,
          %swap3A_75 = vector.shape_cast %swap3A_74 : vector<1x16xi32> to vector<16xi32>
          %swap3A_76 = vector.shape_cast %select_n3A_70 : vector<16xi32> to vector<1x16xi32>
          tpu.vector_store %arg6[%swap3A, %swap3A_73], %swap3A_76 {strides = array<i32>} : memref<25x80xi32, #tpu.memory_space<vmem>>, vector<1x16xi32>,
        }
        %scan3A_55 = arith.constant 5 : i32
      }
      %scan3A_42 = arith.constant 25 : i32
      %scan3A_43 = arith.constant 0 : i32
      %scan3A_44 = arith.constant 0 : i32
      %scan3A_45 = arith.constant 25 : i32
      %scan3A_46 = arith.addi %scan3A_44, %scan3A_45 : i32
      %scan3A_47 = arith.constant 1 : i32
      scf.for %scan3A_49 = %scan3A_44 to %scan3A_46 step %scan3A_47  : i32 {
        %mul3A_50 = arith.constant 80 : i32
        %mul3A_51 = arith.muli %scan3A_49, %mul3A_50 : i32
        "tpu.region"() ({
          %run_scoped3A = tpu.sem_alloc : memref<!tpu.dma_semaphore, #tpu.memory_space<semaphore_mem>>
          %dma_start3A = arith.constant 0 : i32
          %dma_start3A_52 = tpu.memref_slice %arg7[%mul3A_51, %dma_start3A] : memref<2000x16xf32, #tpu.memory_space<vmem>> -> memref<80x16xf32, #tpu.memory_space<vmem>>
          %dma_start3A_53 = arith.constant 0 : i32
          %dma_start3A_54 = tpu.memref_slice %arg6[%scan3A_49, %dma_start3A_53] : memref<25x80xi32, #tpu.memory_space<vmem>> -> memref<1x80xi32, #tpu.memory_space<vmem>>
          %dma_start3A_55 = tpu.memref_squeeze %dma_start3A_54 : memref<1x80xi32, #tpu.memory_space<vmem>> -> memref<80xi32, #tpu.memory_space<vmem>>
          %dma_start3A_56 = arith.constant 0 : i32
          %dma_start3A_57 = arith.constant 0 : i32
          %dma_start3A_58 = tpu.memref_slice %arg8[%dma_start3A_56, %dma_start3A_57] : memref<50016x16xf32, #tpu.memory_space<vmem_shared>> -> memref<50016x16xf32, #tpu.memory_space<vmem_shared>>
          tpu.enqueue_indirect_dma source(%dma_start3A_52 : memref<80x16xf32, #tpu.memory_space<vmem>>) target(%dma_start3A_58 : memref<50016x16xf32, #tpu.memory_space<vmem_shared>>) offsets(%dma_start3A_55 : memref<80xi32, #tpu.memory_space<vmem>>) semaphore(%run_scoped3A : memref<!tpu.dma_semaphore, #tpu.memory_space<semaphore_mem>>) {add = true}
          %dma_wait3A = arith.constant 0 : i32
          %dma_wait3A_59 = tpu.memref_slice %arg7[%mul3A_51, %dma_wait3A] : memref<2000x16xf32, #tpu.memory_space<vmem>> -> memref<80x16xf32, #tpu.memory_space<vmem>>
          %dma_wait3A_60 = arith.constant 0 : i32
          %dma_wait3A_61 = tpu.memref_slice %arg6[%scan3A_49, %dma_wait3A_60] : memref<25x80xi32, #tpu.memory_space<vmem>> -> memref<1x80xi32, #tpu.memory_space<vmem>>
          %dma_wait3A_62 = tpu.memref_squeeze %dma_wait3A_61 : memref<1x80xi32, #tpu.memory_space<vmem>> -> memref<80xi32, #tpu.memory_space<vmem>>
          %dma_wait3A_63 = arith.constant 0 : i32
          %dma_wait3A_64 = arith.constant 0 : i32
          %dma_wait3A_65 = tpu.memref_slice %arg8[%dma_wait3A_63, %dma_wait3A_64] : memref<50016x16xf32, #tpu.memory_space<vmem_shared>> -> memref<50016x16xf32, #tpu.memory_space<vmem_shared>>
          tpu.wait_indirect_dma semaphore(%run_scoped3A : memref<!tpu.dma_semaphore, #tpu.memory_space<semaphore_mem>>) src(%dma_wait3A_59 : memref<80x16xf32, #tpu.memory_space<vmem>>) dst(%dma_wait3A_65 : memref<50016x16xf32, #tpu.memory_space<vmem_shared>>)
          tpu.yield
        }) : () -> ()
      }
      %scan3A_48 = arith.constant 25 : i32
    }
    %scan3A_11 = arith.constant 50 : i32
    %barrier3A_12 = arith.constant 0 : index
    tpu.barrier barrier_id(%barrier3A_12)
    %mul3A_13 = arith.constant 3125 : i32
    %mul3A_14 = arith.muli %arg1, %mul3A_13 : i32
    %mul3A_15 = arith.constant 3125 : i32
    %mul3A_16 = arith.muli %arg1, %mul3A_15 : i32
    %add3A = arith.addi %mul3A_0, %mul3A_16 : i32
    "tpu.region"() ({
      %run_scoped3A = tpu.sem_alloc : memref<!tpu.dma_semaphore, #tpu.memory_space<semaphore_mem>>
      %dma_start3A = arith.constant 0 : i32
      %dma_start3A_17 = tpu.memref_slice %arg5[%add3A, %dma_start3A] : memref<100000x16xf32, #tpu.memory_space<hbm>> -> memref<3125x16xf32, #tpu.memory_space<hbm>>
      %dma_start3A_18 = arith.constant 0 : i32
      %dma_start3A_19 = tpu.memref_slice %arg8[%mul3A_14, %dma_start3A_18] : memref<50016x16xf32, #tpu.memory_space<vmem_shared>> -> memref<3125x16xf32, #tpu.memory_space<vmem_shared>>
      tpu.enqueue_dma source(%dma_start3A_19 : memref<3125x16xf32, #tpu.memory_space<vmem_shared>>) target(%dma_start3A_17 : memref<3125x16xf32, #tpu.memory_space<hbm>>) target_semaphore(%run_scoped3A : memref<!tpu.dma_semaphore, #tpu.memory_space<semaphore_mem>>)
      %dma_wait3A = arith.constant 0 : i32
      %dma_wait3A_20 = tpu.memref_slice %arg5[%add3A, %dma_wait3A] : memref<100000x16xf32, #tpu.memory_space<hbm>> -> memref<3125x16xf32, #tpu.memory_space<hbm>>
      %dma_wait3A_21 = arith.constant 0 : i32
      %dma_wait3A_22 = tpu.memref_slice %arg8[%mul3A_14, %dma_wait3A_21] : memref<50016x16xf32, #tpu.memory_space<vmem_shared>> -> memref<3125x16xf32, #tpu.memory_space<vmem_shared>>
      tpu.wait_dma2 semaphore(%run_scoped3A : memref<!tpu.dma_semaphore, #tpu.memory_space<semaphore_mem>>) src(%dma_wait3A_22 : memref<3125x16xf32, #tpu.memory_space<vmem_shared>>) dst(%dma_wait3A_20 : memref<3125x16xf32, #tpu.memory_space<hbm>>)
      tpu.yield
    }) : () -> ()
    return
  }
}

#map = affine_map<(d0, d1) -> (0, 0)>
module attributes {stable_mosaic.version = 14 : i64} {
  func.func @body(%arg0: i32, %arg1: i32, %arg2: memref<1600000x16xf32, #tpu.memory_space<hbm>>, %arg3: memref<20000x80xi32, #tpu.memory_space<hbm>>, %arg4: memref<50016x16xf32, #tpu.memory_space<hbm>>, %arg5: memref<100000x16xf32, #tpu.memory_space<hbm>>, %arg6: memref<25x80xi32, #tpu.memory_space<vmem>>, %arg7: memref<2000x16xf32, #tpu.memory_space<vmem>>, %arg8: memref<50016x16xf32, #tpu.memory_space<vmem_shared>>) attributes {dimension_semantics = [#tpu.dimension_semantics<core_parallel>, #tpu.dimension_semantics<subcore_parallel>], iteration_bounds = array<i64: 2, 16>, scalar_prefetch = 0 : i64, scratch_operands = 3 : i64, tpu.core_type = #tpu.core_type<sc_vector_subcore>, window_params = [{transform_indices = #map}, {transform_indices = #map}, {transform_indices = #map}, {transform_indices = #map}]} {
    %mul3A = arith.constant 50000 : i32
    %mul3A_0 = arith.muli %arg0, %mul3A : i32
    %mul3A_1 = arith.constant 3126 : i32
    %mul3A_2 = arith.muli %arg1, %mul3A_1 : i32
    %mul3A_3 = arith.constant 3126 : i32
    %mul3A_4 = arith.muli %arg1, %mul3A_3 : i32
    "tpu.region"() ({
      %run_scoped3A = tpu.sem_alloc : memref<!tpu.dma_semaphore, #tpu.memory_space<semaphore_mem>>
      %dma_start3A = arith.constant 0 : i32
      %dma_start3A_17 = tpu.memref_slice %arg8[%mul3A_4, %dma_start3A] : memref<50016x16xf32, #tpu.memory_space<vmem_shared>> -> memref<3126x16xf32, #tpu.memory_space<vmem_shared>>
      %dma_start3A_18 = arith.constant 0 : i32
      %dma_start3A_19 = tpu.memref_slice %arg4[%mul3A_2, %dma_start3A_18] : memref<50016x16xf32, #tpu.memory_space<hbm>> -> memref<3126x16xf32, #tpu.memory_space<hbm>>
      tpu.enqueue_dma source(%dma_start3A_19 : memref<3126x16xf32, #tpu.memory_space<hbm>>) target(%dma_start3A_17 : memref<3126x16xf32, #tpu.memory_space<vmem_shared>>) target_semaphore(%run_scoped3A : memref<!tpu.dma_semaphore, #tpu.memory_space<semaphore_mem>>)
      %dma_wait3A = arith.constant 0 : i32
      %dma_wait3A_20 = tpu.memref_slice %arg8[%mul3A_4, %dma_wait3A] : memref<50016x16xf32, #tpu.memory_space<vmem_shared>> -> memref<3126x16xf32, #tpu.memory_space<vmem_shared>>
      %dma_wait3A_21 = arith.constant 0 : i32
      %dma_wait3A_22 = tpu.memref_slice %arg4[%mul3A_2, %dma_wait3A_21] : memref<50016x16xf32, #tpu.memory_space<hbm>> -> memref<3126x16xf32, #tpu.memory_space<hbm>>
      tpu.wait_dma2 semaphore(%run_scoped3A : memref<!tpu.dma_semaphore, #tpu.memory_space<semaphore_mem>>) src(%dma_wait3A_22 : memref<3126x16xf32, #tpu.memory_space<hbm>>) dst(%dma_wait3A_20 : memref<3126x16xf32, #tpu.memory_space<vmem_shared>>)
      tpu.yield
    }) : () -> ()
    %barrier3A = arith.constant 0 : index
    tpu.barrier barrier_id(%barrier3A)
    %mul3A_5 = arith.constant 100000 : i32
    %mul3A_6 = arith.muli %arg1, %mul3A_5 : i32
    %scan3A = arith.constant 0 : i32
    %scan3A_7 = arith.constant 0 : i32
    %scan3A_8 = arith.constant 50 : i32
    %scan3A_9 = arith.addi %scan3A_7, %scan3A_8 : i32
    %scan3A_10 = arith.constant 1 : i32
    scf.for %scan3A_17 = %scan3A_7 to %scan3A_9 step %scan3A_10  : i32 {
      %mul3A_18 = arith.constant 2000 : i32
      %mul3A_19 = arith.muli %scan3A_17, %mul3A_18 : i32
      %add3A_20 = arith.addi %mul3A_6, %mul3A_19 : i32
      %jit3A = arith.constant 80 : i32
      %div3A = arith.divsi %add3A_20, %jit3A : i32
      %sign3A = arith.constant 0 : i32
      %sign3A_21 = arith.cmpi sgt, %add3A_20, %sign3A : i32
      %sign3A_22 = arith.extui %sign3A_21 : i1 to i32
      %sign3A_23 = arith.constant 0 : i32
      %sign3A_24 = arith.cmpi slt, %add3A_20, %sign3A_23 : i32
      %sign3A_25 = arith.extui %sign3A_24 : i1 to i32
      %sign3A_26 = arith.subi %sign3A_22, %sign3A_25 : i32
      %sign3A_27 = arith.constant 0 : i32
      %sign3A_28 = arith.cmpi sgt, %jit3A, %sign3A_27 : i32
      %sign3A_29 = arith.extui %sign3A_28 : i1 to i32
      %sign3A_30 = arith.constant 0 : i32
      %sign3A_31 = arith.cmpi slt, %jit3A, %sign3A_30 : i32
      %sign3A_32 = arith.extui %sign3A_31 : i1 to i32
      %sign3A_33 = arith.subi %sign3A_29, %sign3A_32 : i32
      %ne3A = arith.cmpi ne, %sign3A_26, %sign3A_33 : i32
      %rem3A = arith.remsi %add3A_20, %jit3A : i32
      %ne3A_34 = arith.constant 0 : i32
      %ne3A_35 = arith.cmpi ne, %rem3A, %ne3A_34 : i32
      %and3A = arith.andi %ne3A, %ne3A_35 : i1
      %sub3A = arith.constant 1 : i32
      %sub3A_36 = arith.subi %div3A, %sub3A : i32
      %select_n3A = arith.select %and3A, %sub3A_36, %div3A : i32
      "tpu.region"() ({
        %run_scoped3A = tpu.sem_alloc : memref<!tpu.dma_semaphore, #tpu.memory_space<semaphore_mem>>
        %dma_start3A = arith.constant 0 : i32
        %dma_start3A_49 = tpu.memref_slice %arg3[%select_n3A, %dma_start3A] : memref<20000x80xi32, #tpu.memory_space<hbm>> -> memref<25x80xi32, #tpu.memory_space<hbm>>
        %dma_start3A_50 = arith.constant 0 : i32
        %dma_start3A_51 = tpu.memref_slice %arg3[%select_n3A, %dma_start3A_50] : memref<20000x80xi32, #tpu.memory_space<hbm>> -> memref<25x80xi32, #tpu.memory_space<hbm>>
        tpu.enqueue_dma source(%dma_start3A_51 : memref<25x80xi32, #tpu.memory_space<hbm>>) target(%arg6 : memref<25x80xi32, #tpu.memory_space<vmem>>) target_semaphore(%run_scoped3A : memref<!tpu.dma_semaphore, #tpu.memory_space<semaphore_mem>>)
        %dma_wait3A = arith.constant 0 : i32
        %dma_wait3A_52 = tpu.memref_slice %arg3[%select_n3A, %dma_wait3A] : memref<20000x80xi32, #tpu.memory_space<hbm>> -> memref<25x80xi32, #tpu.memory_space<hbm>>
        %dma_wait3A_53 = arith.constant 0 : i32
        %dma_wait3A_54 = tpu.memref_slice %arg3[%select_n3A, %dma_wait3A_53] : memref<20000x80xi32, #tpu.memory_space<hbm>> -> memref<25x80xi32, #tpu.memory_space<hbm>>
        tpu.wait_dma2 semaphore(%run_scoped3A : memref<!tpu.dma_semaphore, #tpu.memory_space<semaphore_mem>>) src(%dma_wait3A_54 : memref<25x80xi32, #tpu.memory_space<hbm>>) dst(%arg6 : memref<25x80xi32, #tpu.memory_space<vmem>>)
        tpu.yield
      }) : () -> ()
      "tpu.region"() ({
        %run_scoped3A = tpu.sem_alloc : memref<!tpu.dma_semaphore, #tpu.memory_space<semaphore_mem>>
        %dma_start3A = arith.constant 0 : i32
        %dma_start3A_49 = tpu.memref_slice %arg2[%add3A_20, %dma_start3A] : memref<1600000x16xf32, #tpu.memory_space<hbm>> -> memref<2000x16xf32, #tpu.memory_space<hbm>>
        %dma_start3A_50 = arith.constant 0 : i32
        %dma_start3A_51 = tpu.memref_slice %arg2[%add3A_20, %dma_start3A_50] : memref<1600000x16xf32, #tpu.memory_space<hbm>> -> memref<2000x16xf32, #tpu.memory_space<hbm>>
        tpu.enqueue_dma source(%dma_start3A_51 : memref<2000x16xf32, #tpu.memory_space<hbm>>) target(%arg7 : memref<2000x16xf32, #tpu.memory_space<vmem>>) target_semaphore(%run_scoped3A : memref<!tpu.dma_semaphore, #tpu.memory_space<semaphore_mem>>)
        %dma_wait3A = arith.constant 0 : i32
        %dma_wait3A_52 = tpu.memref_slice %arg2[%add3A_20, %dma_wait3A] : memref<1600000x16xf32, #tpu.memory_space<hbm>> -> memref<2000x16xf32, #tpu.memory_space<hbm>>
        %dma_wait3A_53 = arith.constant 0 : i32
        %dma_wait3A_54 = tpu.memref_slice %arg2[%add3A_20, %dma_wait3A_53] : memref<1600000x16xf32, #tpu.memory_space<hbm>> -> memref<2000x16xf32, #tpu.memory_space<hbm>>
        tpu.wait_dma2 semaphore(%run_scoped3A : memref<!tpu.dma_semaphore, #tpu.memory_space<semaphore_mem>>) src(%dma_wait3A_54 : memref<2000x16xf32, #tpu.memory_space<hbm>>) dst(%arg7 : memref<2000x16xf32, #tpu.memory_space<vmem>>)
        tpu.yield
      }) : () -> ()
      %scan3A_37 = arith.constant 0 : i32
      %scan3A_38 = arith.constant 0 : i32
      %scan3A_39 = arith.constant 25 : i32
      %scan3A_40 = arith.addi %scan3A_38, %scan3A_39 : i32
      %scan3A_41 = arith.constant 1 : i32
      scf.for %scan3A_49 = %scan3A_38 to %scan3A_40 step %scan3A_41  : i32 {
        %scan3A_50 = arith.constant 0 : i32
        %scan3A_51 = arith.constant 0 : i32
        %scan3A_52 = arith.constant 5 : i32
        %scan3A_53 = arith.addi %scan3A_51, %scan3A_52 : i32
        %scan3A_54 = arith.constant 1 : i32
        scf.for %scan3A_56 = %scan3A_51 to %scan3A_53 step %scan3A_54  : i32 {
          %mul3A_57 = arith.constant 16 : i32
          %mul3A_58 = arith.muli %scan3A_56, %mul3A_57 : i32
          %get3A = arith.index_cast %scan3A_49 : i32 to index
          %get3A_59 = arith.index_cast %mul3A_58 : i32 to index
          %get3A_60 = tpu.vector_load %arg6[%get3A, %get3A_59] {strides = array<i32>} : memref<25x80xi32, #tpu.memory_space<vmem>>, vector<1x16xi32>,
          %get3A_61 = vector.shape_cast %get3A_60 : vector<1x16xi32> to vector<16xi32>
          %sub3A_62 = vector.broadcast %mul3A_0 : i32 to vector<16xi32>
          %sub3A_63 = arith.subi %get3A_61, %sub3A_62 : vector<16xi32>
          %ge3A = arith.constant 0 : i32
          %ge3A_64 = vector.broadcast %ge3A : i32 to vector<16xi32>
          %ge3A_65 = arith.cmpi sge, %sub3A_63, %ge3A_64 : vector<16xi32>
          %lt3A = arith.constant 50000 : i32
          %lt3A_66 = vector.broadcast %lt3A : i32 to vector<16xi32>
          %lt3A_67 = arith.cmpi slt, %sub3A_63, %lt3A_66 : vector<16xi32>
          %and3A_68 = arith.andi %ge3A_65, %lt3A_67 : vector<16xi1>
          %jit3A_69 = arith.constant 50000 : i32
          %broadcast_in_dim3A = vector.broadcast %jit3A_69 : i32 to vector<16xi32>
          %select_n3A_70 = arith.select %and3A_68, %sub3A_63, %broadcast_in_dim3A : vector<16xi1>, vector<16xi32>
          %mul3A_71 = arith.constant 16 : i32
          %mul3A_72 = arith.muli %scan3A_56, %mul3A_71 : i32
          %swap3A = arith.index_cast %scan3A_49 : i32 to index
          %swap3A_73 = arith.index_cast %mul3A_72 : i32 to index
          %swap3A_74 = tpu.vector_load %arg6[%swap3A, %swap3A_73] {strides = array<i32>} : memref<25x80xi32, #tpu.memory_space<vmem>>, vector<1x16xi32>,
          %swap3A_75 = vector.shape_cast %swap3A_74 : vector<1x16xi32> to vector<16xi32>
          %swap3A_76 = vector.shape_cast %select_n3A_70 : vector<16xi32> to vector<1x16xi32>
          tpu.vector_store %arg6[%swap3A, %swap3A_73], %swap3A_76 {strides = array<i32>} : memref<25x80xi32, #tpu.memory_space<vmem>>, vector<1x16xi32>,
        }
        %scan3A_55 = arith.constant 5 : i32
      }
      %scan3A_42 = arith.constant 25 : i32
      %scan3A_43 = arith.constant 0 : i32
      %scan3A_44 = arith.constant 0 : i32
      %scan3A_45 = arith.constant 25 : i32
      %scan3A_46 = arith.addi %scan3A_44, %scan3A_45 : i32
      %scan3A_47 = arith.constant 1 : i32
      scf.for %scan3A_49 = %scan3A_44 to %scan3A_46 step %scan3A_47  : i32 {
        %mul3A_50 = arith.constant 80 : i32
        %mul3A_51 = arith.muli %scan3A_49, %mul3A_50 : i32
        "tpu.region"() ({
          %run_scoped3A = tpu.sem_alloc : memref<!tpu.dma_semaphore, #tpu.memory_space<semaphore_mem>>
          %dma_start3A = arith.constant 0 : i32
          %dma_start3A_52 = tpu.memref_slice %arg7[%mul3A_51, %dma_start3A] : memref<2000x16xf32, #tpu.memory_space<vmem>> -> memref<80x16xf32, #tpu.memory_space<vmem>>
          %dma_start3A_53 = arith.constant 0 : i32
          %dma_start3A_54 = tpu.memref_slice %arg6[%scan3A_49, %dma_start3A_53] : memref<25x80xi32, #tpu.memory_space<vmem>> -> memref<1x80xi32, #tpu.memory_space<vmem>>
          %dma_start3A_55 = tpu.memref_squeeze %dma_start3A_54 : memref<1x80xi32, #tpu.memory_space<vmem>> -> memref<80xi32, #tpu.memory_space<vmem>>
          %dma_start3A_56 = arith.constant 0 : i32
          %dma_start3A_57 = arith.constant 0 : i32
          %dma_start3A_58 = tpu.memref_slice %arg8[%dma_start3A_56, %dma_start3A_57] : memref<50016x16xf32, #tpu.memory_space<vmem_shared>> -> memref<50016x16xf32, #tpu.memory_space<vmem_shared>>
          tpu.enqueue_indirect_dma source(%dma_start3A_52 : memref<80x16xf32, #tpu.memory_space<vmem>>) target(%dma_start3A_58 : memref<50016x16xf32, #tpu.memory_space<vmem_shared>>) offsets(%dma_start3A_55 : memref<80xi32, #tpu.memory_space<vmem>>) semaphore(%run_scoped3A : memref<!tpu.dma_semaphore, #tpu.memory_space<semaphore_mem>>) {add = true}
          %dma_wait3A = arith.constant 0 : i32
          %dma_wait3A_59 = tpu.memref_slice %arg7[%mul3A_51, %dma_wait3A] : memref<2000x16xf32, #tpu.memory_space<vmem>> -> memref<80x16xf32, #tpu.memory_space<vmem>>
          %dma_wait3A_60 = arith.constant 0 : i32
          %dma_wait3A_61 = tpu.memref_slice %arg6[%scan3A_49, %dma_wait3A_60] : memref<25x80xi32, #tpu.memory_space<vmem>> -> memref<1x80xi32, #tpu.memory_space<vmem>>
          %dma_wait3A_62 = tpu.memref_squeeze %dma_wait3A_61 : memref<1x80xi32, #tpu.memory_space<vmem>> -> memref<80xi32, #tpu.memory_space<vmem>>
          %dma_wait3A_63 = arith.constant 0 : i32
          %dma_wait3A_64 = arith.constant 0 : i32
          %dma_wait3A_65 = tpu.memref_slice %arg8[%dma_wait3A_63, %dma_wait3A_64] : memref<50016x16xf32, #tpu.memory_space<vmem_shared>> -> memref<50016x16xf32, #tpu.memory_space<vmem_shared>>
          tpu.wait_indirect_dma semaphore(%run_scoped3A : memref<!tpu.dma_semaphore, #tpu.memory_space<semaphore_mem>>) src(%dma_wait3A_59 : memref<80x16xf32, #tpu.memory_space<vmem>>) dst(%dma_wait3A_65 : memref<50016x16xf32, #tpu.memory_space<vmem_shared>>)
          tpu.yield
        }) : () -> ()
      }
      %scan3A_48 = arith.constant 25 : i32
    }
    %scan3A_11 = arith.constant 50 : i32
    %barrier3A_12 = arith.constant 0 : index
    tpu.barrier barrier_id(%barrier3A_12)
    %mul3A_13 = arith.constant 3125 : i32
    %mul3A_14 = arith.muli %arg1, %mul3A_13 : i32
    %mul3A_15 = arith.constant 3125 : i32
    %mul3A_16 = arith.muli %arg1, %mul3A_15 : i32
    %add3A = arith.addi %mul3A_0, %mul3A_16 : i32
    "tpu.region"() ({
      %run_scoped3A = tpu.sem_alloc : memref<!tpu.dma_semaphore, #tpu.memory_space<semaphore_mem>>
      %dma_start3A = arith.constant 0 : i32
      %dma_start3A_17 = tpu.memref_slice %arg5[%add3A, %dma_start3A] : memref<100000x16xf32, #tpu.memory_space<hbm>> -> memref<3125x16xf32, #tpu.memory_space<hbm>>
      %dma_start3A_18 = arith.constant 0 : i32
      %dma_start3A_19 = tpu.memref_slice %arg8[%mul3A_14, %dma_start3A_18] : memref<50016x16xf32, #tpu.memory_space<vmem_shared>> -> memref<3125x16xf32, #tpu.memory_space<vmem_shared>>
      tpu.enqueue_dma source(%dma_start3A_19 : memref<3125x16xf32, #tpu.memory_space<vmem_shared>>) target(%dma_start3A_17 : memref<3125x16xf32, #tpu.memory_space<hbm>>) target_semaphore(%run_scoped3A : memref<!tpu.dma_semaphore, #tpu.memory_space<semaphore_mem>>)
      %dma_wait3A = arith.constant 0 : i32
      %dma_wait3A_20 = tpu.memref_slice %arg5[%add3A, %dma_wait3A] : memref<100000x16xf32, #tpu.memory_space<hbm>> -> memref<3125x16xf32, #tpu.memory_space<hbm>>
      %dma_wait3A_21 = arith.constant 0 : i32
      %dma_wait3A_22 = tpu.memref_slice %arg8[%mul3A_14, %dma_wait3A_21] : memref<50016x16xf32, #tpu.memory_space<vmem_shared>> -> memref<3125x16xf32, #tpu.memory_space<vmem_shared>>
      tpu.wait_dma2 semaphore(%run_scoped3A : memref<!tpu.dma_semaphore, #tpu.memory_space<semaphore_mem>>) src(%dma_wait3A_22 : memref<3125x16xf32, #tpu.memory_space<vmem_shared>>) dst(%dma_wait3A_20 : memref<3125x16xf32, #tpu.memory_space<hbm>>)
      tpu.yield
    }) : () -> ()
    return
  }
}

#map = affine_map<(d0, d1) -> (0, 0)>
#map1 = affine_map<(d0, d1) -> (0)>
module attributes {stable_mosaic.version = 14 : i64} {
  func.func @body(%arg0: i32, %arg1: i32, %arg2: memref<100000x16xf32, #tpu.memory_space<hbm>>, %arg3: memref<1600000xi32, #tpu.memory_space<hbm>>, %arg4: memref<100000x16xf32, #tpu.memory_space<hbm>>, %arg5: memref<1600000xi32, #tpu.memory_space<hbm>>, %arg6: memref<1600000x16xf32, #tpu.memory_space<hbm>>, %arg7: memref<1600000x16xf32, #tpu.memory_space<hbm>>, %arg8: memref<2000xi32, #tpu.memory_space<vmem>>, %arg9: memref<2000x16xf32, #tpu.memory_space<vmem>>, %arg10: memref<2000xi32, #tpu.memory_space<vmem>>, %arg11: memref<2000x16xf32, #tpu.memory_space<vmem>>, %arg12: memref<!tpu.dma_semaphore, #tpu.memory_space<semaphore_mem>>, %arg13: memref<!tpu.dma_semaphore, #tpu.memory_space<semaphore_mem>>) attributes {dimension_semantics = [#tpu.dimension_semantics<core_parallel>, #tpu.dimension_semantics<subcore_parallel>], iteration_bounds = array<i64: 2, 16>, scalar_prefetch = 0 : i64, scratch_operands = 6 : i64, tpu.core_type = #tpu.core_type<sc_vector_subcore>, window_params = [{transform_indices = #map}, {transform_indices = #map1}, {transform_indices = #map}, {transform_indices = #map1}, {transform_indices = #map}, {transform_indices = #map}]} {
    %mul3A = arith.constant 16 : i32
    %mul3A_0 = arith.muli %arg0, %mul3A : i32
    %add3A = arith.addi %mul3A_0, %arg1 : i32
    %mul3A_1 = arith.constant 50000 : i32
    %mul3A_2 = arith.muli %add3A, %mul3A_1 : i32
    %scan3A = arith.constant 0 : i32
    %scan3A_3 = arith.constant 0 : i32
    %scan3A_4 = arith.constant 25 : i32
    %scan3A_5 = arith.addi %scan3A_3, %scan3A_4 : i32
    %scan3A_6 = arith.constant 1 : i32
    scf.for %scan3A_8 = %scan3A_3 to %scan3A_5 step %scan3A_6  : i32 {
      %mul3A_9 = arith.constant 2000 : i32
      %mul3A_10 = arith.muli %scan3A_8, %mul3A_9 : i32
      %add3A_11 = arith.addi %mul3A_2, %mul3A_10 : i32
      "tpu.region"() ({
        %run_scoped3A = tpu.sem_alloc : memref<!tpu.dma_semaphore, #tpu.memory_space<semaphore_mem>>
        %dma_start3A_22 = tpu.memref_slice %arg3[%add3A_11] : memref<1600000xi32, #tpu.memory_space<hbm>> -> memref<2000xi32, #tpu.memory_space<hbm>>
        %dma_start3A_23 = tpu.memref_slice %arg3[%add3A_11] : memref<1600000xi32, #tpu.memory_space<hbm>> -> memref<2000xi32, #tpu.memory_space<hbm>>
        tpu.enqueue_dma source(%dma_start3A_23 : memref<2000xi32, #tpu.memory_space<hbm>>) target(%arg8 : memref<2000xi32, #tpu.memory_space<vmem>>) target_semaphore(%run_scoped3A : memref<!tpu.dma_semaphore, #tpu.memory_space<semaphore_mem>>)
        %dma_wait3A_24 = tpu.memref_slice %arg3[%add3A_11] : memref<1600000xi32, #tpu.memory_space<hbm>> -> memref<2000xi32, #tpu.memory_space<hbm>>
        %dma_wait3A_25 = tpu.memref_slice %arg3[%add3A_11] : memref<1600000xi32, #tpu.memory_space<hbm>> -> memref<2000xi32, #tpu.memory_space<hbm>>
        tpu.wait_dma2 semaphore(%run_scoped3A : memref<!tpu.dma_semaphore, #tpu.memory_space<semaphore_mem>>) src(%dma_wait3A_25 : memref<2000xi32, #tpu.memory_space<hbm>>) dst(%arg8 : memref<2000xi32, #tpu.memory_space<vmem>>)
        tpu.yield
      }) : () -> ()
      "tpu.region"() ({
        %run_scoped3A = tpu.sem_alloc : memref<!tpu.dma_semaphore, #tpu.memory_space<semaphore_mem>>
        %dma_start3A_22 = tpu.memref_slice %arg5[%add3A_11] : memref<1600000xi32, #tpu.memory_space<hbm>> -> memref<2000xi32, #tpu.memory_space<hbm>>
        %dma_start3A_23 = tpu.memref_slice %arg5[%add3A_11] : memref<1600000xi32, #tpu.memory_space<hbm>> -> memref<2000xi32, #tpu.memory_space<hbm>>
        tpu.enqueue_dma source(%dma_start3A_23 : memref<2000xi32, #tpu.memory_space<hbm>>) target(%arg10 : memref<2000xi32, #tpu.memory_space<vmem>>) target_semaphore(%run_scoped3A : memref<!tpu.dma_semaphore, #tpu.memory_space<semaphore_mem>>)
        %dma_wait3A_24 = tpu.memref_slice %arg5[%add3A_11] : memref<1600000xi32, #tpu.memory_space<hbm>> -> memref<2000xi32, #tpu.memory_space<hbm>>
        %dma_wait3A_25 = tpu.memref_slice %arg5[%add3A_11] : memref<1600000xi32, #tpu.memory_space<hbm>> -> memref<2000xi32, #tpu.memory_space<hbm>>
        tpu.wait_dma2 semaphore(%run_scoped3A : memref<!tpu.dma_semaphore, #tpu.memory_space<semaphore_mem>>) src(%dma_wait3A_25 : memref<2000xi32, #tpu.memory_space<hbm>>) dst(%arg10 : memref<2000xi32, #tpu.memory_space<vmem>>)
        tpu.yield
      }) : () -> ()
      %dma_start3A = arith.constant 0 : i32
      %dma_start3A_12 = arith.constant 0 : i32
      %dma_start3A_13 = tpu.memref_slice %arg2[%dma_start3A, %dma_start3A_12] : memref<100000x16xf32, #tpu.memory_space<hbm>> -> memref<100000x16xf32, #tpu.memory_space<hbm>>
      tpu.enqueue_indirect_dma source(%dma_start3A_13 : memref<100000x16xf32, #tpu.memory_space<hbm>>) target(%arg9 : memref<2000x16xf32, #tpu.memory_space<vmem>>) offsets(%arg8 : memref<2000xi32, #tpu.memory_space<vmem>>) semaphore(%arg12 : memref<!tpu.dma_semaphore, #tpu.memory_space<semaphore_mem>>)
      %dma_start3A_14 = arith.constant 0 : i32
      %dma_start3A_15 = arith.constant 0 : i32
      %dma_start3A_16 = tpu.memref_slice %arg4[%dma_start3A_14, %dma_start3A_15] : memref<100000x16xf32, #tpu.memory_space<hbm>> -> memref<100000x16xf32, #tpu.memory_space<hbm>>
      tpu.enqueue_indirect_dma source(%dma_start3A_16 : memref<100000x16xf32, #tpu.memory_space<hbm>>) target(%arg11 : memref<2000x16xf32, #tpu.memory_space<vmem>>) offsets(%arg10 : memref<2000xi32, #tpu.memory_space<vmem>>) semaphore(%arg13 : memref<!tpu.dma_semaphore, #tpu.memory_space<semaphore_mem>>)
      %dma_wait3A = arith.constant 0 : i32
      %dma_wait3A_17 = arith.constant 0 : i32
      %dma_wait3A_18 = tpu.memref_slice %arg2[%dma_wait3A, %dma_wait3A_17] : memref<100000x16xf32, #tpu.memory_space<hbm>> -> memref<100000x16xf32, #tpu.memory_space<hbm>>
      tpu.wait_indirect_dma semaphore(%arg12 : memref<!tpu.dma_semaphore, #tpu.memory_space<semaphore_mem>>) src(%dma_wait3A_18 : memref<100000x16xf32, #tpu.memory_space<hbm>>) dst(%arg9 : memref<2000x16xf32, #tpu.memory_space<vmem>>)
      %dma_wait3A_19 = arith.constant 0 : i32
      %dma_wait3A_20 = arith.constant 0 : i32
      %dma_wait3A_21 = tpu.memref_slice %arg4[%dma_wait3A_19, %dma_wait3A_20] : memref<100000x16xf32, #tpu.memory_space<hbm>> -> memref<100000x16xf32, #tpu.memory_space<hbm>>
      tpu.wait_indirect_dma semaphore(%arg13 : memref<!tpu.dma_semaphore, #tpu.memory_space<semaphore_mem>>) src(%dma_wait3A_21 : memref<100000x16xf32, #tpu.memory_space<hbm>>) dst(%arg11 : memref<2000x16xf32, #tpu.memory_space<vmem>>)
      "tpu.region"() ({
        %run_scoped3A = tpu.sem_alloc : memref<!tpu.dma_semaphore, #tpu.memory_space<semaphore_mem>>
        %dma_start3A_22 = arith.constant 0 : i32
        %dma_start3A_23 = tpu.memref_slice %arg6[%add3A_11, %dma_start3A_22] : memref<1600000x16xf32, #tpu.memory_space<hbm>> -> memref<2000x16xf32, #tpu.memory_space<hbm>>
        %dma_start3A_24 = arith.constant 0 : i32
        %dma_start3A_25 = tpu.memref_slice %arg6[%add3A_11, %dma_start3A_24] : memref<1600000x16xf32, #tpu.memory_space<hbm>> -> memref<2000x16xf32, #tpu.memory_space<hbm>>
        tpu.enqueue_dma source(%arg9 : memref<2000x16xf32, #tpu.memory_space<vmem>>) target(%dma_start3A_25 : memref<2000x16xf32, #tpu.memory_space<hbm>>) target_semaphore(%run_scoped3A : memref<!tpu.dma_semaphore, #tpu.memory_space<semaphore_mem>>)
        %dma_wait3A_26 = arith.constant 0 : i32
        %dma_wait3A_27 = tpu.memref_slice %arg6[%add3A_11, %dma_wait3A_26] : memref<1600000x16xf32, #tpu.memory_space<hbm>> -> memref<2000x16xf32, #tpu.memory_space<hbm>>
        %dma_wait3A_28 = arith.constant 0 : i32
        %dma_wait3A_29 = tpu.memref_slice %arg6[%add3A_11, %dma_wait3A_28] : memref<1600000x16xf32, #tpu.memory_space<hbm>> -> memref<2000x16xf32, #tpu.memory_space<hbm>>
        tpu.wait_dma2 semaphore(%run_scoped3A : memref<!tpu.dma_semaphore, #tpu.memory_space<semaphore_mem>>) src(%arg9 : memref<2000x16xf32, #tpu.memory_space<vmem>>) dst(%dma_wait3A_29 : memref<2000x16xf32, #tpu.memory_space<hbm>>)
        tpu.yield
      }) : () -> ()
      "tpu.region"() ({
        %run_scoped3A = tpu.sem_alloc : memref<!tpu.dma_semaphore, #tpu.memory_space<semaphore_mem>>
        %dma_start3A_22 = arith.constant 0 : i32
        %dma_start3A_23 = tpu.memref_slice %arg7[%add3A_11, %dma_start3A_22] : memref<1600000x16xf32, #tpu.memory_space<hbm>> -> memref<2000x16xf32, #tpu.memory_space<hbm>>
        %dma_start3A_24 = arith.constant 0 : i32
        %dma_start3A_25 = tpu.memref_slice %arg7[%add3A_11, %dma_start3A_24] : memref<1600000x16xf32, #tpu.memory_space<hbm>> -> memref<2000x16xf32, #tpu.memory_space<hbm>>
        tpu.enqueue_dma source(%arg11 : memref<2000x16xf32, #tpu.memory_space<vmem>>) target(%dma_start3A_25 : memref<2000x16xf32, #tpu.memory_space<hbm>>) target_semaphore(%run_scoped3A : memref<!tpu.dma_semaphore, #tpu.memory_space<semaphore_mem>>)
        %dma_wait3A_26 = arith.constant 0 : i32
        %dma_wait3A_27 = tpu.memref_slice %arg7[%add3A_11, %dma_wait3A_26] : memref<1600000x16xf32, #tpu.memory_space<hbm>> -> memref<2000x16xf32, #tpu.memory_space<hbm>>
        %dma_wait3A_28 = arith.constant 0 : i32
        %dma_wait3A_29 = tpu.memref_slice %arg7[%add3A_11, %dma_wait3A_28] : memref<1600000x16xf32, #tpu.memory_space<hbm>> -> memref<2000x16xf32, #tpu.memory_space<hbm>>
        tpu.wait_dma2 semaphore(%run_scoped3A : memref<!tpu.dma_semaphore, #tpu.memory_space<semaphore_mem>>) src(%arg11 : memref<2000x16xf32, #tpu.memory_space<vmem>>) dst(%dma_wait3A_29 : memref<2000x16xf32, #tpu.memory_space<hbm>>)
        tpu.yield
      }) : () -> ()
    }
    %scan3A_7 = arith.constant 25 : i32
    return
  }
}

module attributes {stable_mosaic.version = 14 : i64} {
  func.func @_norm_body(%arg0: memref<3125x512xf32, #tpu.memory_space<vmem>>, %arg1: memref<3125x512xf32, #tpu.memory_space<vmem>>, %arg2: memref<1x1xf32, #tpu.memory_space<vmem>>) attributes {dimension_semantics = [], scalar_prefetch = 0 : i64, scratch_operands = 0 : i64, tpu.core_type = #tpu.core_type<tc>} {
    %get3A = arith.constant 0 : index
    %get3A_0 = arith.constant 0 : index
    %get3A_1 = vector.load %arg0[%get3A, %get3A_0] : memref<3125x512xf32, #tpu.memory_space<vmem>>, vector<3125x512xf32>
    %abs3A = math.absf %get3A_1 : vector<3125x512xf32>
    %reduce_sum3A = vector.shape_cast %abs3A : vector<3125x512xf32> to vector<1x3125x512xf32>
    %reduce_sum3A_2 = arith.constant dense<0.000000e+00> : vector<1xf32>
    %reduce_sum3A_3 = vector.multi_reduction <add>, %reduce_sum3A, %reduce_sum3A_2 [1, 2] : vector<1x3125x512xf32> to vector<1xf32>
    %reduce_sum3A_4 = vector.shape_cast %reduce_sum3A_3 : vector<1xf32> to vector<1x1x1xf32>
    %reduce_sum3A_5 = vector.extract %reduce_sum3A_4[0, 0, 0] : f32 from vector<1x1x1xf32>
    %get3A_6 = arith.constant 0 : index
    %get3A_7 = arith.constant 0 : index
    %get3A_8 = vector.load %arg1[%get3A_6, %get3A_7] : memref<3125x512xf32, #tpu.memory_space<vmem>>, vector<3125x512xf32>
    %abs3A_9 = math.absf %get3A_8 : vector<3125x512xf32>
    %reduce_sum3A_10 = vector.shape_cast %abs3A_9 : vector<3125x512xf32> to vector<1x3125x512xf32>
    %reduce_sum3A_11 = arith.constant dense<0.000000e+00> : vector<1xf32>
    %reduce_sum3A_12 = vector.multi_reduction <add>, %reduce_sum3A_10, %reduce_sum3A_11 [1, 2] : vector<1x3125x512xf32> to vector<1xf32>
    %reduce_sum3A_13 = vector.shape_cast %reduce_sum3A_12 : vector<1xf32> to vector<1x1x1xf32>
    %reduce_sum3A_14 = vector.extract %reduce_sum3A_13[0, 0, 0] : f32 from vector<1x1x1xf32>
    %add3A = arith.addf %reduce_sum3A_5, %reduce_sum3A_14 : f32
    %div3A = arith.constant 1.600000e+06 : f32
    %div3A_15 = arith.divf %add3A, %div3A : f32
    %add3A_16 = arith.constant 9.99999971E-10 : f32
    %add3A_17 = arith.addf %div3A_15, %add3A_16 : f32
    %reshape3A = vector.broadcast %add3A_17 : f32 to vector<1x1xf32>
    %swap3A = arith.constant 0 : index
    %swap3A_18 = arith.constant 0 : index
    %swap3A_19 = vector.load %arg2[%swap3A, %swap3A_18] : memref<1x1xf32, #tpu.memory_space<vmem>>, vector<1x1xf32>
    tpu.vector_store %arg2[%swap3A, %swap3A_18], %reshape3A {strides = array<i32>} : memref<1x1xf32, #tpu.memory_space<vmem>>, vector<1x1xf32>,
    return
  }
}

module attributes {stable_mosaic.version = 14 : i64} {
  func.func @_node_prep_body(%arg0: i32, %arg1: memref<2000x16xf32, #tpu.memory_space<vmem>>, %arg2: memref<2000x5xf32, #tpu.memory_space<vmem>>, %arg3: memref<2000x16xf32, #tpu.memory_space<vmem>>, %arg4: memref<2000x2xf32, #tpu.memory_space<vmem>>, %arg5: memref<1x1xf32, #tpu.memory_space<vmem>>, %arg6: memref<21x16xf32, #tpu.memory_space<vmem>>, %arg7: memref<1x16xf32, #tpu.memory_space<vmem>>, %arg8: memref<21x16xf32, #tpu.memory_space<vmem>>, %arg9: memref<1x16xf32, #tpu.memory_space<vmem>>, %arg10: memref<18x16xf32, #tpu.memory_space<vmem>>, %arg11: memref<1x16xf32, #tpu.memory_space<vmem>>, %arg12: memref<18x16xf32, #tpu.memory_space<vmem>>, %arg13: memref<1x16xf32, #tpu.memory_space<vmem>>, %arg14: memref<18x16xf32, #tpu.memory_space<vmem>>, %arg15: memref<1x16xf32, #tpu.memory_space<vmem>>, %arg16: memref<18x16xf32, #tpu.memory_space<vmem>>, %arg17: memref<1x16xf32, #tpu.memory_space<vmem>>, %arg18: memref<2000x16xf32, #tpu.memory_space<vmem>>, %arg19: memref<2000x16xf32, #tpu.memory_space<vmem>>, %arg20: memref<2000x32xf32, #tpu.memory_space<vmem>>, %arg21: memref<2000x16xf32, #tpu.memory_space<vmem>>, %arg22: memref<2000x16xf32, #tpu.memory_space<vmem>>) attributes {dimension_semantics = [#tpu.dimension_semantics<arbitrary>], iteration_bounds = array<i64: 50>, scalar_prefetch = 0 : i64, scratch_operands = 0 : i64, tpu.core_type = #tpu.core_type<tc>, window_params = [{transform_indices = @transform_0, window_bounds = array<i64: 2000, 16>}, {transform_indices = @transform_1, window_bounds = array<i64: 2000, 5>}, {transform_indices = @transform_2, window_bounds = array<i64: 2000, 16>}, {transform_indices = @transform_3, window_bounds = array<i64: 2000, 2>}, {pipeline_mode = #tpu.pipeline_mode<synchronous>, transform_indices = @transform_4, window_bounds = array<i64: 1, 1>}, {pipeline_mode = #tpu.pipeline_mode<synchronous>, transform_indices = @transform_5, window_bounds = array<i64: 21, 16>}, {pipeline_mode = #tpu.pipeline_mode<synchronous>, transform_indices = @transform_6, window_bounds = array<i64: 1, 16>}, {pipeline_mode = #tpu.pipeline_mode<synchronous>, transform_indices = @transform_7, window_bounds = array<i64: 21, 16>}, {pipeline_mode = #tpu.pipeline_mode<synchronous>, transform_indices = @transform_8, window_bounds = array<i64: 1, 16>}, {pipeline_mode = #tpu.pipeline_mode<synchronous>, transform_indices = @transform_9, window_bounds = array<i64: 18, 16>}, {pipeline_mode = #tpu.pipeline_mode<synchronous>, transform_indices = @transform_10, window_bounds = array<i64: 1, 16>}, {pipeline_mode = #tpu.pipeline_mode<synchronous>, transform_indices = @transform_11, window_bounds = array<i64: 18, 16>}, {pipeline_mode = #tpu.pipeline_mode<synchronous>, transform_indices = @transform_12, window_bounds = array<i64: 1, 16>}, {pipeline_mode = #tpu.pipeline_mode<synchronous>, transform_indices = @transform_13, window_bounds = array<i64: 18, 16>}, {pipeline_mode = #tpu.pipeline_mode<synchronous>, transform_indices = @transform_14, window_bounds = array<i64: 1, 16>}, {pipeline_mode = #tpu.pipeline_mode<synchronous>, transform_indices = @transform_15, window_bounds = array<i64: 18, 16>}, {pipeline_mode = #tpu.pipeline_mode<synchronous>, transform_indices = @transform_16, window_bounds = array<i64: 1, 16>}, {transform_indices = @transform_17, window_bounds = array<i64: 2000, 16>}, {transform_indices = @transform_18, window_bounds = array<i64: 2000, 16>}, {transform_indices = @transform_19, window_bounds = array<i64: 2000, 32>}, {transform_indices = @transform_20, window_bounds = array<i64: 2000, 16>}, {transform_indices = @transform_21, window_bounds = array<i64: 2000, 16>}]} {
    %get3A = arith.constant 0 : index
    %get3A_0 = arith.constant 0 : index
    %get3A_1 = vector.load %arg5[%get3A, %get3A_0] : memref<1x1xf32, #tpu.memory_space<vmem>>, vector<1x1xf32>
    %get3A_2 = vector.extract %get3A_1[0, 0] : f32 from vector<1x1xf32>
    %get3A_3 = arith.constant 0 : index
    %get3A_4 = arith.constant 0 : index
    %get3A_5 = vector.load %arg2[%get3A_3, %get3A_4] : memref<2000x5xf32, #tpu.memory_space<vmem>>, vector<2000x5xf32>
    %iota3A = tpu.iota {dimensions = array<i32: 1>} : vector<2000x5xi32>
    %eq3A = arith.constant 4 : i32
    %eq3A_6 = vector.broadcast %eq3A : i32 to vector<2000x5xi32>
    %eq3A_7 = arith.cmpi eq, %iota3A, %eq3A_6 : vector<2000x5xi32>
    %div3A = vector.broadcast %get3A_2 : f32 to vector<2000x5xf32>
    %div3A_8 = arith.divf %get3A_5, %div3A : vector<2000x5xf32>
    %select_n3A = arith.select %eq3A_7, %div3A_8, %get3A_5 : vector<2000x5xi1>, vector<2000x5xf32>
    %get3A_9 = arith.constant 0 : index
    %get3A_10 = arith.constant 0 : index
    %get3A_11 = vector.load %arg1[%get3A_9, %get3A_10] : memref<2000x16xf32, #tpu.memory_space<vmem>>, vector<2000x16xf32>
    %get3A_12 = arith.constant 0 : index
    %get3A_13 = arith.constant 0 : index
    %get3A_14 = vector.load %arg3[%get3A_12, %get3A_13] : memref<2000x16xf32, #tpu.memory_space<vmem>>, vector<2000x16xf32>
    %get3A_15 = arith.constant 0 : index
    %get3A_16 = arith.constant 0 : index
    %get3A_17 = vector.load %arg4[%get3A_15, %get3A_16] : memref<2000x2xf32, #tpu.memory_space<vmem>>, vector<2000x2xf32>
    %get3A_18 = arith.constant 0 : index
    %get3A_19 = arith.constant 0 : index
    %get3A_20 = vector.load %arg6[%get3A_18, %get3A_19] : memref<21x16xf32, #tpu.memory_space<vmem>>, vector<16x16xf32>
    %dot_general3A = arith.constant dense<0.000000e+00> : vector<2000x16xf32>
    %dot_general3A_21 = tpu.matmul %get3A_11, %get3A_20, %dot_general3A {dimension_numbers = #tpu.dot_dimension_numbers<[1], [0], [0], [1], [0, 0, 1, 1], [], []>, transpose_lhs_hint = false} : vector<2000x16xf32>, vector<16x16xf32>, vector<2000x16xf32> -> vector<2000x16xf32>
    %get3A_22 = arith.constant 16 : index
    %get3A_23 = arith.constant 0 : index
    %get3A_24 = vector.load %arg6[%get3A_22, %get3A_23] : memref<21x16xf32, #tpu.memory_space<vmem>>, vector<5x16xf32>
    %dot_general3A_25 = arith.constant dense<0.000000e+00> : vector<2000x16xf32>
    %dot_general3A_26 = tpu.matmul %select_n3A, %get3A_24, %dot_general3A_25 {dimension_numbers = #tpu.dot_dimension_numbers<[1], [0], [0], [1], [0, 0, 1, 1], [], []>, transpose_lhs_hint = false} : vector<2000x5xf32>, vector<5x16xf32>, vector<2000x16xf32> -> vector<2000x16xf32>
    %add3A = arith.addf %dot_general3A_21, %dot_general3A_26 : vector<2000x16xf32>
    %get3A_27 = arith.constant 0 : index
    %get3A_28 = arith.constant 0 : index
    %get3A_29 = vector.load %arg7[%get3A_27, %get3A_28] : memref<1x16xf32, #tpu.memory_space<vmem>>, vector<1x16xf32>
    %add3A_30 = vector.broadcast %get3A_29 : vector<1x16xf32> to vector<2000x16xf32>
    %add3A_31 = arith.addf %add3A, %add3A_30 : vector<2000x16xf32>
    %swap3A = arith.constant 0 : index
    %swap3A_32 = arith.constant 0 : index
    %swap3A_33 = vector.load %arg18[%swap3A, %swap3A_32] : memref<2000x16xf32, #tpu.memory_space<vmem>>, vector<2000x16xf32>
    tpu.vector_store %arg18[%swap3A, %swap3A_32], %add3A_31 {strides = array<i32>} : memref<2000x16xf32, #tpu.memory_space<vmem>>, vector<2000x16xf32>,
    %get3A_34 = arith.constant 0 : index
    %get3A_35 = arith.constant 0 : index
    %get3A_36 = vector.load %arg8[%get3A_34, %get3A_35] : memref<21x16xf32, #tpu.memory_space<vmem>>, vector<16x16xf32>
    %dot_general3A_37 = arith.constant dense<0.000000e+00> : vector<2000x16xf32>
    %dot_general3A_38 = tpu.matmul %get3A_11, %get3A_36, %dot_general3A_37 {dimension_numbers = #tpu.dot_dimension_numbers<[1], [0], [0], [1], [0, 0, 1, 1], [], []>, transpose_lhs_hint = false} : vector<2000x16xf32>, vector<16x16xf32>, vector<2000x16xf32> -> vector<2000x16xf32>
    %get3A_39 = arith.constant 16 : index
    %get3A_40 = arith.constant 0 : index
    %get3A_41 = vector.load %arg8[%get3A_39, %get3A_40] : memref<21x16xf32, #tpu.memory_space<vmem>>, vector<5x16xf32>
    %dot_general3A_42 = arith.constant dense<0.000000e+00> : vector<2000x16xf32>
    %dot_general3A_43 = tpu.matmul %select_n3A, %get3A_41, %dot_general3A_42 {dimension_numbers = #tpu.dot_dimension_numbers<[1], [0], [0], [1], [0, 0, 1, 1], [], []>, transpose_lhs_hint = false} : vector<2000x5xf32>, vector<5x16xf32>, vector<2000x16xf32> -> vector<2000x16xf32>
    %add3A_44 = arith.addf %dot_general3A_38, %dot_general3A_43 : vector<2000x16xf32>
    %get3A_45 = arith.constant 0 : index
    %get3A_46 = arith.constant 0 : index
    %get3A_47 = vector.load %arg9[%get3A_45, %get3A_46] : memref<1x16xf32, #tpu.memory_space<vmem>>, vector<1x16xf32>
    %add3A_48 = vector.broadcast %get3A_47 : vector<1x16xf32> to vector<2000x16xf32>
    %add3A_49 = arith.addf %add3A_44, %add3A_48 : vector<2000x16xf32>
    %swap3A_50 = arith.constant 0 : index
    %swap3A_51 = arith.constant 0 : index
    %swap3A_52 = vector.load %arg19[%swap3A_50, %swap3A_51] : memref<2000x16xf32, #tpu.memory_space<vmem>>, vector<2000x16xf32>
    tpu.vector_store %arg19[%swap3A_50, %swap3A_51], %add3A_49 {strides = array<i32>} : memref<2000x16xf32, #tpu.memory_space<vmem>>, vector<2000x16xf32>,
    %get3A_53 = arith.constant 0 : index
    %get3A_54 = arith.constant 0 : index
    %get3A_55 = vector.load %arg10[%get3A_53, %get3A_54] : memref<18x16xf32, #tpu.memory_space<vmem>>, vector<16x16xf32>
    %dot_general3A_56 = arith.constant dense<0.000000e+00> : vector<2000x16xf32>
    %dot_general3A_57 = tpu.matmul %get3A_14, %get3A_55, %dot_general3A_56 {dimension_numbers = #tpu.dot_dimension_numbers<[1], [0], [0], [1], [0, 0, 1, 1], [], []>, transpose_lhs_hint = false} : vector<2000x16xf32>, vector<16x16xf32>, vector<2000x16xf32> -> vector<2000x16xf32>
    %get3A_58 = arith.constant 16 : index
    %get3A_59 = arith.constant 0 : index
    %get3A_60 = vector.load %arg10[%get3A_58, %get3A_59] : memref<18x16xf32, #tpu.memory_space<vmem>>, vector<2x16xf32>
    %dot_general3A_61 = arith.constant dense<0.000000e+00> : vector<2000x16xf32>
    %dot_general3A_62 = tpu.matmul %get3A_17, %get3A_60, %dot_general3A_61 {dimension_numbers = #tpu.dot_dimension_numbers<[1], [0], [0], [1], [0, 0, 1, 1], [], []>, transpose_lhs_hint = false} : vector<2000x2xf32>, vector<2x16xf32>, vector<2000x16xf32> -> vector<2000x16xf32>
    %add3A_63 = arith.addf %dot_general3A_57, %dot_general3A_62 : vector<2000x16xf32>
    %get3A_64 = arith.constant 0 : index
    %get3A_65 = arith.constant 0 : index
    %get3A_66 = vector.load %arg11[%get3A_64, %get3A_65] : memref<1x16xf32, #tpu.memory_space<vmem>>, vector<1x16xf32>
    %add3A_67 = vector.broadcast %get3A_66 : vector<1x16xf32> to vector<2000x16xf32>
    %add3A_68 = arith.addf %add3A_63, %add3A_67 : vector<2000x16xf32>
    %get3A_69 = arith.constant 0 : index
    %get3A_70 = arith.constant 0 : index
    %get3A_71 = vector.load %arg12[%get3A_69, %get3A_70] : memref<18x16xf32, #tpu.memory_space<vmem>>, vector<16x16xf32>
    %dot_general3A_72 = arith.constant dense<0.000000e+00> : vector<2000x16xf32>
    %dot_general3A_73 = tpu.matmul %get3A_14, %get3A_71, %dot_general3A_72 {dimension_numbers = #tpu.dot_dimension_numbers<[1], [0], [0], [1], [0, 0, 1, 1], [], []>, transpose_lhs_hint = false} : vector<2000x16xf32>, vector<16x16xf32>, vector<2000x16xf32> -> vector<2000x16xf32>
    %get3A_74 = arith.constant 16 : index
    %get3A_75 = arith.constant 0 : index
    %get3A_76 = vector.load %arg12[%get3A_74, %get3A_75] : memref<18x16xf32, #tpu.memory_space<vmem>>, vector<2x16xf32>
    %dot_general3A_77 = arith.constant dense<0.000000e+00> : vector<2000x16xf32>
    %dot_general3A_78 = tpu.matmul %get3A_17, %get3A_76, %dot_general3A_77 {dimension_numbers = #tpu.dot_dimension_numbers<[1], [0], [0], [1], [0, 0, 1, 1], [], []>, transpose_lhs_hint = false} : vector<2000x2xf32>, vector<2x16xf32>, vector<2000x16xf32> -> vector<2000x16xf32>
    %add3A_79 = arith.addf %dot_general3A_73, %dot_general3A_78 : vector<2000x16xf32>
    %get3A_80 = arith.constant 0 : index
    %get3A_81 = arith.constant 0 : index
    %get3A_82 = vector.load %arg13[%get3A_80, %get3A_81] : memref<1x16xf32, #tpu.memory_space<vmem>>, vector<1x16xf32>
    %add3A_83 = vector.broadcast %get3A_82 : vector<1x16xf32> to vector<2000x16xf32>
    %add3A_84 = arith.addf %add3A_79, %add3A_83 : vector<2000x16xf32>
    %concatenate3A = tpu.concatenate %add3A_68, %add3A_84 in 1 : vector<2000x16xf32>, vector<2000x16xf32> -> vector<2000x32xf32>
    %swap3A_85 = arith.constant 0 : index
    %swap3A_86 = arith.constant 0 : index
    %swap3A_87 = vector.load %arg20[%swap3A_85, %swap3A_86] : memref<2000x32xf32, #tpu.memory_space<vmem>>, vector<2000x32xf32>
    tpu.vector_store %arg20[%swap3A_85, %swap3A_86], %concatenate3A {strides = array<i32>} : memref<2000x32xf32, #tpu.memory_space<vmem>>, vector<2000x32xf32>,
    %get3A_88 = arith.constant 0 : index
    %get3A_89 = arith.constant 0 : index
    %get3A_90 = vector.load %arg14[%get3A_88, %get3A_89] : memref<18x16xf32, #tpu.memory_space<vmem>>, vector<16x16xf32>
    %dot_general3A_91 = arith.constant dense<0.000000e+00> : vector<2000x16xf32>
    %dot_general3A_92 = tpu.matmul %get3A_14, %get3A_90, %dot_general3A_91 {dimension_numbers = #tpu.dot_dimension_numbers<[1], [0], [0], [1], [0, 0, 1, 1], [], []>, transpose_lhs_hint = false} : vector<2000x16xf32>, vector<16x16xf32>, vector<2000x16xf32> -> vector<2000x16xf32>
    %get3A_93 = arith.constant 16 : index
    %get3A_94 = arith.constant 0 : index
    %get3A_95 = vector.load %arg14[%get3A_93, %get3A_94] : memref<18x16xf32, #tpu.memory_space<vmem>>, vector<2x16xf32>
    %dot_general3A_96 = arith.constant dense<0.000000e+00> : vector<2000x16xf32>
    %dot_general3A_97 = tpu.matmul %get3A_17, %get3A_95, %dot_general3A_96 {dimension_numbers = #tpu.dot_dimension_numbers<[1], [0], [0], [1], [0, 0, 1, 1], [], []>, transpose_lhs_hint = false} : vector<2000x2xf32>, vector<2x16xf32>, vector<2000x16xf32> -> vector<2000x16xf32>
    %add3A_98 = arith.addf %dot_general3A_92, %dot_general3A_97 : vector<2000x16xf32>
    %get3A_99 = arith.constant 0 : index
    %get3A_100 = arith.constant 0 : index
    %get3A_101 = vector.load %arg15[%get3A_99, %get3A_100] : memref<1x16xf32, #tpu.memory_space<vmem>>, vector<1x16xf32>
    %add3A_102 = vector.broadcast %get3A_101 : vector<1x16xf32> to vector<2000x16xf32>
    %add3A_103 = arith.addf %add3A_98, %add3A_102 : vector<2000x16xf32>
    %swap3A_104 = arith.constant 0 : index
    %swap3A_105 = arith.constant 0 : index
    %swap3A_106 = vector.load %arg21[%swap3A_104, %swap3A_105] : memref<2000x16xf32, #tpu.memory_space<vmem>>, vector<2000x16xf32>
    tpu.vector_store %arg21[%swap3A_104, %swap3A_105], %add3A_103 {strides = array<i32>} : memref<2000x16xf32, #tpu.memory_space<vmem>>, vector<2000x16xf32>,
    %get3A_107 = arith.constant 0 : index
    %get3A_108 = arith.constant 0 : index
    %get3A_109 = vector.load %arg16[%get3A_107, %get3A_108] : memref<18x16xf32, #tpu.memory_space<vmem>>, vector<16x16xf32>
    %dot_general3A_110 = arith.constant dense<0.000000e+00> : vector<2000x16xf32>
    %dot_general3A_111 = tpu.matmul %get3A_14, %get3A_109, %dot_general3A_110 {dimension_numbers = #tpu.dot_dimension_numbers<[1], [0], [0], [1], [0, 0, 1, 1], [], []>, transpose_lhs_hint = false} : vector<2000x16xf32>, vector<16x16xf32>, vector<2000x16xf32> -> vector<2000x16xf32>
    %get3A_112 = arith.constant 16 : index
    %get3A_113 = arith.constant 0 : index
    %get3A_114 = vector.load %arg16[%get3A_112, %get3A_113] : memref<18x16xf32, #tpu.memory_space<vmem>>, vector<2x16xf32>
    %dot_general3A_115 = arith.constant dense<0.000000e+00> : vector<2000x16xf32>
    %dot_general3A_116 = tpu.matmul %get3A_17, %get3A_114, %dot_general3A_115 {dimension_numbers = #tpu.dot_dimension_numbers<[1], [0], [0], [1], [0, 0, 1, 1], [], []>, transpose_lhs_hint = false} : vector<2000x2xf32>, vector<2x16xf32>, vector<2000x16xf32> -> vector<2000x16xf32>
    %add3A_117 = arith.addf %dot_general3A_111, %dot_general3A_116 : vector<2000x16xf32>
    %get3A_118 = arith.constant 0 : index
    %get3A_119 = arith.constant 0 : index
    %get3A_120 = vector.load %arg17[%get3A_118, %get3A_119] : memref<1x16xf32, #tpu.memory_space<vmem>>, vector<1x16xf32>
    %add3A_121 = vector.broadcast %get3A_120 : vector<1x16xf32> to vector<2000x16xf32>
    %add3A_122 = arith.addf %add3A_117, %add3A_121 : vector<2000x16xf32>
    %swap3A_123 = arith.constant 0 : index
    %swap3A_124 = arith.constant 0 : index
    %swap3A_125 = vector.load %arg22[%swap3A_123, %swap3A_124] : memref<2000x16xf32, #tpu.memory_space<vmem>>, vector<2000x16xf32>
    tpu.vector_store %arg22[%swap3A_123, %swap3A_124], %add3A_122 {strides = array<i32>} : memref<2000x16xf32, #tpu.memory_space<vmem>>, vector<2000x16xf32>,
    return
  }
  func.func @transform_0(%arg0: i32) -> (i32, i32) {
    %c0_i32 = arith.constant 0 : i32
    %c0_i32_0 = arith.constant 0 : i32
    return %arg0, %c0_i32 : i32, i32
  }
  func.func @transform_1(%arg0: i32) -> (i32, i32) {
    %c0_i32 = arith.constant 0 : i32
    %c0_i32_0 = arith.constant 0 : i32
    return %arg0, %c0_i32 : i32, i32
  }
  func.func @transform_2(%arg0: i32) -> (i32, i32) {
    %c0_i32 = arith.constant 0 : i32
    %c0_i32_0 = arith.constant 0 : i32
    return %arg0, %c0_i32 : i32, i32
  }
  func.func @transform_3(%arg0: i32) -> (i32, i32) {
    %c0_i32 = arith.constant 0 : i32
    %c0_i32_0 = arith.constant 0 : i32
    return %arg0, %c0_i32 : i32, i32
  }
  func.func @transform_4(%arg0: i32) -> (i32, i32) {
    %c0_i32 = arith.constant 0 : i32
    %c0_i32_0 = arith.constant 0 : i32
    %c0_i32_1 = arith.constant 0 : i32
    return %c0_i32, %c0_i32_0 : i32, i32
  }
  func.func @transform_5(%arg0: i32) -> (i32, i32) {
    %c0_i32 = arith.constant 0 : i32
    %c0_i32_0 = arith.constant 0 : i32
    %c0_i32_1 = arith.constant 0 : i32
    return %c0_i32, %c0_i32_0 : i32, i32
  }
  func.func @transform_6(%arg0: i32) -> (i32, i32) {
    %c0_i32 = arith.constant 0 : i32
    %c0_i32_0 = arith.constant 0 : i32
    %c0_i32_1 = arith.constant 0 : i32
    return %c0_i32, %c0_i32_0 : i32, i32
  }
  func.func @transform_7(%arg0: i32) -> (i32, i32) {
    %c0_i32 = arith.constant 0 : i32
    %c0_i32_0 = arith.constant 0 : i32
    %c0_i32_1 = arith.constant 0 : i32
    return %c0_i32, %c0_i32_0 : i32, i32
  }
  func.func @transform_8(%arg0: i32) -> (i32, i32) {
    %c0_i32 = arith.constant 0 : i32
    %c0_i32_0 = arith.constant 0 : i32
    %c0_i32_1 = arith.constant 0 : i32
    return %c0_i32, %c0_i32_0 : i32, i32
  }
  func.func @transform_9(%arg0: i32) -> (i32, i32) {
    %c0_i32 = arith.constant 0 : i32
    %c0_i32_0 = arith.constant 0 : i32
    %c0_i32_1 = arith.constant 0 : i32
    return %c0_i32, %c0_i32_0 : i32, i32
  }
  func.func @transform_10(%arg0: i32) -> (i32, i32) {
    %c0_i32 = arith.constant 0 : i32
    %c0_i32_0 = arith.constant 0 : i32
    %c0_i32_1 = arith.constant 0 : i32
    return %c0_i32, %c0_i32_0 : i32, i32
  }
  func.func @transform_11(%arg0: i32) -> (i32, i32) {
    %c0_i32 = arith.constant 0 : i32
    %c0_i32_0 = arith.constant 0 : i32
    %c0_i32_1 = arith.constant 0 : i32
    return %c0_i32, %c0_i32_0 : i32, i32
  }
  func.func @transform_12(%arg0: i32) -> (i32, i32) {
    %c0_i32 = arith.constant 0 : i32
    %c0_i32_0 = arith.constant 0 : i32
    %c0_i32_1 = arith.constant 0 : i32
    return %c0_i32, %c0_i32_0 : i32, i32
  }
  func.func @transform_13(%arg0: i32) -> (i32, i32) {
    %c0_i32 = arith.constant 0 : i32
    %c0_i32_0 = arith.constant 0 : i32
    %c0_i32_1 = arith.constant 0 : i32
    return %c0_i32, %c0_i32_0 : i32, i32
  }
  func.func @transform_14(%arg0: i32) -> (i32, i32) {
    %c0_i32 = arith.constant 0 : i32
    %c0_i32_0 = arith.constant 0 : i32
    %c0_i32_1 = arith.constant 0 : i32
    return %c0_i32, %c0_i32_0 : i32, i32
  }
  func.func @transform_15(%arg0: i32) -> (i32, i32) {
    %c0_i32 = arith.constant 0 : i32
    %c0_i32_0 = arith.constant 0 : i32
    %c0_i32_1 = arith.constant 0 : i32
    return %c0_i32, %c0_i32_0 : i32, i32
  }
  func.func @transform_16(%arg0: i32) -> (i32, i32) {
    %c0_i32 = arith.constant 0 : i32
    %c0_i32_0 = arith.constant 0 : i32
    %c0_i32_1 = arith.constant 0 : i32
    return %c0_i32, %c0_i32_0 : i32, i32
  }
  func.func @transform_17(%arg0: i32) -> (i32, i32) {
    %c0_i32 = arith.constant 0 : i32
    %c0_i32_0 = arith.constant 0 : i32
    return %arg0, %c0_i32 : i32, i32
  }
  func.func @transform_18(%arg0: i32) -> (i32, i32) {
    %c0_i32 = arith.constant 0 : i32
    %c0_i32_0 = arith.constant 0 : i32
    return %arg0, %c0_i32 : i32, i32
  }
  func.func @transform_19(%arg0: i32) -> (i32, i32) {
    %c0_i32 = arith.constant 0 : i32
    %c0_i32_0 = arith.constant 0 : i32
    return %arg0, %c0_i32 : i32, i32
  }
  func.func @transform_20(%arg0: i32) -> (i32, i32) {
    %c0_i32 = arith.constant 0 : i32
    %c0_i32_0 = arith.constant 0 : i32
    return %arg0, %c0_i32 : i32, i32
  }
  func.func @transform_21(%arg0: i32) -> (i32, i32) {
    %c0_i32 = arith.constant 0 : i32
    %c0_i32_0 = arith.constant 0 : i32
    return %arg0, %c0_i32 : i32, i32
  }
}

module attributes {stable_mosaic.version = 14 : i64} {
  func.func @_edge_e_body(%arg0: i32, %arg1: memref<3200x16xf32, #tpu.memory_space<vmem>>, %arg2: memref<3200x8xf32, #tpu.memory_space<vmem>>, %arg3: memref<1x1xf32, #tpu.memory_space<vmem>>, %arg4: memref<22x16xf32, #tpu.memory_space<vmem>>, %arg5: memref<1x16xf32, #tpu.memory_space<vmem>>, %arg6: memref<22x16xf32, #tpu.memory_space<vmem>>, %arg7: memref<1x16xf32, #tpu.memory_space<vmem>>, %arg8: memref<3200x16xf32, #tpu.memory_space<vmem>>, %arg9: memref<3200x16xf32, #tpu.memory_space<vmem>>) attributes {dimension_semantics = [#tpu.dimension_semantics<arbitrary>], iteration_bounds = array<i64: 500>, scalar_prefetch = 0 : i64, scratch_operands = 0 : i64, tpu.core_type = #tpu.core_type<tc>, window_params = [{transform_indices = @transform_0, window_bounds = array<i64: 3200, 16>}, {transform_indices = @transform_1, window_bounds = array<i64: 3200, 8>}, {pipeline_mode = #tpu.pipeline_mode<synchronous>, transform_indices = @transform_2, window_bounds = array<i64: 1, 1>}, {pipeline_mode = #tpu.pipeline_mode<synchronous>, transform_indices = @transform_3, window_bounds = array<i64: 22, 16>}, {pipeline_mode = #tpu.pipeline_mode<synchronous>, transform_indices = @transform_4, window_bounds = array<i64: 1, 16>}, {pipeline_mode = #tpu.pipeline_mode<synchronous>, transform_indices = @transform_5, window_bounds = array<i64: 22, 16>}, {pipeline_mode = #tpu.pipeline_mode<synchronous>, transform_indices = @transform_6, window_bounds = array<i64: 1, 16>}, {transform_indices = @transform_7, window_bounds = array<i64: 3200, 16>}, {transform_indices = @transform_8, window_bounds = array<i64: 3200, 16>}]} {
    %get3A = arith.constant 0 : index
    %get3A_0 = arith.constant 0 : index
    %get3A_1 = vector.load %arg3[%get3A, %get3A_0] : memref<1x1xf32, #tpu.memory_space<vmem>>, vector<1x1xf32>
    %get3A_2 = vector.extract %get3A_1[0, 0] : f32 from vector<1x1xf32>
    %get3A_3 = arith.constant 0 : index
    %get3A_4 = arith.constant 0 : index
    %get3A_5 = vector.load %arg2[%get3A_3, %get3A_4] : memref<3200x8xf32, #tpu.memory_space<vmem>>, vector<3200x8xf32>
    %slice3A = vector.extract_strided_slice %get3A_5 {offsets = [0, 4], sizes = [3200, 1], strides = [1, 1]} : vector<3200x8xf32> to vector<3200x1xf32>
    %div3A = vector.broadcast %get3A_2 : f32 to vector<3200x1xf32>
    %div3A_6 = arith.divf %slice3A, %div3A : vector<3200x1xf32>
    %slice3A_7 = vector.extract_strided_slice %get3A_5 {offsets = [0, 5], sizes = [3200, 1], strides = [1, 1]} : vector<3200x8xf32> to vector<3200x1xf32>
    %div3A_8 = vector.broadcast %get3A_2 : f32 to vector<3200x1xf32>
    %div3A_9 = arith.divf %slice3A_7, %div3A_8 : vector<3200x1xf32>
    %iota3A = tpu.iota {dimensions = array<i32: 1>} : vector<3200x4xi32>
    %slice3A_10 = vector.extract_strided_slice %get3A_5 {offsets = [0, 0], sizes = [3200, 4], strides = [1, 1]} : vector<3200x8xf32> to vector<3200x4xf32>
    %eq3A = arith.constant 3 : i32
    %eq3A_11 = vector.broadcast %eq3A : i32 to vector<3200x4xi32>
    %eq3A_12 = arith.cmpi eq, %iota3A, %eq3A_11 : vector<3200x4xi32>
    %div3A_13 = vector.broadcast %get3A_2 : f32 to vector<3200x4xf32>
    %div3A_14 = arith.divf %slice3A_10, %div3A_13 : vector<3200x4xf32>
    %select_n3A = arith.select %eq3A_12, %div3A_14, %slice3A_10 : vector<3200x4xi1>, vector<3200x4xf32>
    %get3A_15 = arith.constant 0 : index
    %get3A_16 = arith.constant 0 : index
    %get3A_17 = vector.load %arg1[%get3A_15, %get3A_16] : memref<3200x16xf32, #tpu.memory_space<vmem>>, vector<3200x16xf32>
    %get3A_18 = arith.constant 0 : index
    %get3A_19 = arith.constant 0 : index
    %get3A_20 = vector.load %arg4[%get3A_18, %get3A_19] : memref<22x16xf32, #tpu.memory_space<vmem>>, vector<16x16xf32>
    %dot_general3A = arith.constant dense<0.000000e+00> : vector<3200x16xf32>
    %dot_general3A_21 = tpu.matmul %get3A_17, %get3A_20, %dot_general3A {dimension_numbers = #tpu.dot_dimension_numbers<[1], [0], [0], [1], [0, 0, 1, 1], [], []>, transpose_lhs_hint = false} : vector<3200x16xf32>, vector<16x16xf32>, vector<3200x16xf32> -> vector<3200x16xf32>
    %get3A_22 = arith.constant 16 : index
    %get3A_23 = arith.constant 0 : index
    %get3A_24 = vector.load %arg4[%get3A_22, %get3A_23] : memref<22x16xf32, #tpu.memory_space<vmem>>, vector<1x16xf32>
    %mul3A = vector.broadcast %div3A_6 : vector<3200x1xf32> to vector<3200x16xf32>
    %mul3A_25 = vector.broadcast %get3A_24 : vector<1x16xf32> to vector<3200x16xf32>
    %mul3A_26 = arith.mulf %mul3A, %mul3A_25 : vector<3200x16xf32>
    %add3A = arith.addf %dot_general3A_21, %mul3A_26 : vector<3200x16xf32>
    %get3A_27 = arith.constant 17 : index
    %get3A_28 = arith.constant 0 : index
    %get3A_29 = vector.load %arg4[%get3A_27, %get3A_28] : memref<22x16xf32, #tpu.memory_space<vmem>>, vector<1x16xf32>
    %mul3A_30 = vector.broadcast %div3A_9 : vector<3200x1xf32> to vector<3200x16xf32>
    %mul3A_31 = vector.broadcast %get3A_29 : vector<1x16xf32> to vector<3200x16xf32>
    %mul3A_32 = arith.mulf %mul3A_30, %mul3A_31 : vector<3200x16xf32>
    %add3A_33 = arith.addf %add3A, %mul3A_32 : vector<3200x16xf32>
    %get3A_34 = arith.constant 18 : index
    %get3A_35 = arith.constant 0 : index
    %get3A_36 = vector.load %arg4[%get3A_34, %get3A_35] : memref<22x16xf32, #tpu.memory_space<vmem>>, vector<4x16xf32>
    %dot_general3A_37 = arith.constant dense<0.000000e+00> : vector<3200x16xf32>
    %dot_general3A_38 = tpu.matmul %select_n3A, %get3A_36, %dot_general3A_37 {dimension_numbers = #tpu.dot_dimension_numbers<[1], [0], [0], [1], [0, 0, 1, 1], [], []>, transpose_lhs_hint = false} : vector<3200x4xf32>, vector<4x16xf32>, vector<3200x16xf32> -> vector<3200x16xf32>
    %add3A_39 = arith.addf %add3A_33, %dot_general3A_38 : vector<3200x16xf32>
    %get3A_40 = arith.constant 0 : index
    %get3A_41 = arith.constant 0 : index
    %get3A_42 = vector.load %arg5[%get3A_40, %get3A_41] : memref<1x16xf32, #tpu.memory_space<vmem>>, vector<1x16xf32>
    %add3A_43 = vector.broadcast %get3A_42 : vector<1x16xf32> to vector<3200x16xf32>
    %add3A_44 = arith.addf %add3A_39, %add3A_43 : vector<3200x16xf32>
    %swap3A = arith.constant 0 : index
    %swap3A_45 = arith.constant 0 : index
    %swap3A_46 = vector.load %arg8[%swap3A, %swap3A_45] : memref<3200x16xf32, #tpu.memory_space<vmem>>, vector<3200x16xf32>
    tpu.vector_store %arg8[%swap3A, %swap3A_45], %add3A_44 {strides = array<i32>} : memref<3200x16xf32, #tpu.memory_space<vmem>>, vector<3200x16xf32>,
    %get3A_47 = arith.constant 0 : index
    %get3A_48 = arith.constant 0 : index
    %get3A_49 = vector.load %arg6[%get3A_47, %get3A_48] : memref<22x16xf32, #tpu.memory_space<vmem>>, vector<16x16xf32>
    %dot_general3A_50 = arith.constant dense<0.000000e+00> : vector<3200x16xf32>
    %dot_general3A_51 = tpu.matmul %get3A_17, %get3A_49, %dot_general3A_50 {dimension_numbers = #tpu.dot_dimension_numbers<[1], [0], [0], [1], [0, 0, 1, 1], [], []>, transpose_lhs_hint = false} : vector<3200x16xf32>, vector<16x16xf32>, vector<3200x16xf32> -> vector<3200x16xf32>
    %get3A_52 = arith.constant 16 : index
    %get3A_53 = arith.constant 0 : index
    %get3A_54 = vector.load %arg6[%get3A_52, %get3A_53] : memref<22x16xf32, #tpu.memory_space<vmem>>, vector<1x16xf32>
    %mul3A_55 = vector.broadcast %div3A_6 : vector<3200x1xf32> to vector<3200x16xf32>
    %mul3A_56 = vector.broadcast %get3A_54 : vector<1x16xf32> to vector<3200x16xf32>
    %mul3A_57 = arith.mulf %mul3A_55, %mul3A_56 : vector<3200x16xf32>
    %add3A_58 = arith.addf %dot_general3A_51, %mul3A_57 : vector<3200x16xf32>
    %get3A_59 = arith.constant 17 : index
    %get3A_60 = arith.constant 0 : index
    %get3A_61 = vector.load %arg6[%get3A_59, %get3A_60] : memref<22x16xf32, #tpu.memory_space<vmem>>, vector<1x16xf32>
    %mul3A_62 = vector.broadcast %div3A_9 : vector<3200x1xf32> to vector<3200x16xf32>
    %mul3A_63 = vector.broadcast %get3A_61 : vector<1x16xf32> to vector<3200x16xf32>
    %mul3A_64 = arith.mulf %mul3A_62, %mul3A_63 : vector<3200x16xf32>
    %add3A_65 = arith.addf %add3A_58, %mul3A_64 : vector<3200x16xf32>
    %get3A_66 = arith.constant 18 : index
    %get3A_67 = arith.constant 0 : index
    %get3A_68 = vector.load %arg6[%get3A_66, %get3A_67] : memref<22x16xf32, #tpu.memory_space<vmem>>, vector<4x16xf32>
    %dot_general3A_69 = arith.constant dense<0.000000e+00> : vector<3200x16xf32>
    %dot_general3A_70 = tpu.matmul %select_n3A, %get3A_68, %dot_general3A_69 {dimension_numbers = #tpu.dot_dimension_numbers<[1], [0], [0], [1], [0, 0, 1, 1], [], []>, transpose_lhs_hint = false} : vector<3200x4xf32>, vector<4x16xf32>, vector<3200x16xf32> -> vector<3200x16xf32>
    %add3A_71 = arith.addf %add3A_65, %dot_general3A_70 : vector<3200x16xf32>
    %get3A_72 = arith.constant 0 : index
    %get3A_73 = arith.constant 0 : index
    %get3A_74 = vector.load %arg7[%get3A_72, %get3A_73] : memref<1x16xf32, #tpu.memory_space<vmem>>, vector<1x16xf32>
    %add3A_75 = vector.broadcast %get3A_74 : vector<1x16xf32> to vector<3200x16xf32>
    %add3A_76 = arith.addf %add3A_71, %add3A_75 : vector<3200x16xf32>
    %swap3A_77 = arith.constant 0 : index
    %swap3A_78 = arith.constant 0 : index
    %swap3A_79 = vector.load %arg9[%swap3A_77, %swap3A_78] : memref<3200x16xf32, #tpu.memory_space<vmem>>, vector<3200x16xf32>
    tpu.vector_store %arg9[%swap3A_77, %swap3A_78], %add3A_76 {strides = array<i32>} : memref<3200x16xf32, #tpu.memory_space<vmem>>, vector<3200x16xf32>,
    return
  }
  func.func @transform_0(%arg0: i32) -> (i32, i32) {
    %c0_i32 = arith.constant 0 : i32
    %c0_i32_0 = arith.constant 0 : i32
    return %arg0, %c0_i32 : i32, i32
  }
  func.func @transform_1(%arg0: i32) -> (i32, i32) {
    %c0_i32 = arith.constant 0 : i32
    %c0_i32_0 = arith.constant 0 : i32
    return %arg0, %c0_i32 : i32, i32
  }
  func.func @transform_2(%arg0: i32) -> (i32, i32) {
    %c0_i32 = arith.constant 0 : i32
    %c0_i32_0 = arith.constant 0 : i32
    %c0_i32_1 = arith.constant 0 : i32
    return %c0_i32, %c0_i32_0 : i32, i32
  }
  func.func @transform_3(%arg0: i32) -> (i32, i32) {
    %c0_i32 = arith.constant 0 : i32
    %c0_i32_0 = arith.constant 0 : i32
    %c0_i32_1 = arith.constant 0 : i32
    return %c0_i32, %c0_i32_0 : i32, i32
  }
  func.func @transform_4(%arg0: i32) -> (i32, i32) {
    %c0_i32 = arith.constant 0 : i32
    %c0_i32_0 = arith.constant 0 : i32
    %c0_i32_1 = arith.constant 0 : i32
    return %c0_i32, %c0_i32_0 : i32, i32
  }
  func.func @transform_5(%arg0: i32) -> (i32, i32) {
    %c0_i32 = arith.constant 0 : i32
    %c0_i32_0 = arith.constant 0 : i32
    %c0_i32_1 = arith.constant 0 : i32
    return %c0_i32, %c0_i32_0 : i32, i32
  }
  func.func @transform_6(%arg0: i32) -> (i32, i32) {
    %c0_i32 = arith.constant 0 : i32
    %c0_i32_0 = arith.constant 0 : i32
    %c0_i32_1 = arith.constant 0 : i32
    return %c0_i32, %c0_i32_0 : i32, i32
  }
  func.func @transform_7(%arg0: i32) -> (i32, i32) {
    %c0_i32 = arith.constant 0 : i32
    %c0_i32_0 = arith.constant 0 : i32
    return %arg0, %c0_i32 : i32, i32
  }
  func.func @transform_8(%arg0: i32) -> (i32, i32) {
    %c0_i32 = arith.constant 0 : i32
    %c0_i32_0 = arith.constant 0 : i32
    return %arg0, %c0_i32 : i32, i32
  }
}

module attributes {stable_mosaic.version = 14 : i64} {
  func.func @_att_body(%arg0: i32, %arg1: memref<3200x16xf32, #tpu.memory_space<vmem>>, %arg2: memref<3200x32xf32, #tpu.memory_space<vmem>>, %arg3: memref<3200x16xf32, #tpu.memory_space<vmem>>, %arg4: memref<3200x16xf32, #tpu.memory_space<vmem>>, %arg5: memref<3200x16xf32, #tpu.memory_space<vmem>>) attributes {dimension_semantics = [#tpu.dimension_semantics<arbitrary>], iteration_bounds = array<i64: 500>, scalar_prefetch = 0 : i64, scratch_operands = 0 : i64, tpu.core_type = #tpu.core_type<tc>, window_params = [{transform_indices = @transform_0, window_bounds = array<i64: 3200, 16>}, {transform_indices = @transform_1, window_bounds = array<i64: 3200, 32>}, {transform_indices = @transform_2, window_bounds = array<i64: 3200, 16>}, {transform_indices = @transform_3, window_bounds = array<i64: 3200, 16>}, {transform_indices = @transform_4, window_bounds = array<i64: 3200, 16>}]} {
    %get3A = arith.constant 0 : index
    %get3A_0 = arith.constant 0 : index
    %get3A_1 = vector.load %arg2[%get3A, %get3A_0] : memref<3200x32xf32, #tpu.memory_space<vmem>>, vector<3200x32xf32>
    %get3A_2 = arith.constant 0 : index
    %get3A_3 = arith.constant 0 : index
    %get3A_4 = vector.load %arg3[%get3A_2, %get3A_3] : memref<3200x16xf32, #tpu.memory_space<vmem>>, vector<3200x16xf32>
    %get3A_5 = arith.constant 0 : index
    %get3A_6 = arith.constant 0 : index
    %get3A_7 = vector.load %arg1[%get3A_5, %get3A_6] : memref<3200x16xf32, #tpu.memory_space<vmem>>, vector<3200x16xf32>
    %slice3A = vector.extract_strided_slice %get3A_1 {offsets = [0, 0], sizes = [3200, 16], strides = [1, 1]} : vector<3200x32xf32> to vector<3200x16xf32>
    %add3A = arith.addf %slice3A, %get3A_4 : vector<3200x16xf32>
    %mul3A = arith.mulf %get3A_7, %add3A : vector<3200x16xf32>
    %reduce_sum3A = arith.constant dense<0.000000e+00> : vector<3200xf32>
    %reduce_sum3A_8 = vector.multi_reduction <add>, %mul3A, %reduce_sum3A [1] : vector<3200x16xf32> to vector<3200xf32>
    %broadcast_in_dim3A = vector.shape_cast %reduce_sum3A_8 : vector<3200xf32> to vector<3200x1xf32>
    %mul3A_9 = arith.constant 2.500000e-01 : f32
    %mul3A_10 = vector.broadcast %mul3A_9 : f32 to vector<3200x1xf32>
    %mul3A_11 = arith.mulf %broadcast_in_dim3A, %mul3A_10 : vector<3200x1xf32>
    %exp3A = math.exp %mul3A_11 : vector<3200x1xf32>
    %slice3A_12 = vector.extract_strided_slice %get3A_1 {offsets = [0, 16], sizes = [3200, 16], strides = [1, 1]} : vector<3200x32xf32> to vector<3200x16xf32>
    %add3A_13 = arith.addf %slice3A_12, %get3A_4 : vector<3200x16xf32>
    %mul3A_14 = vector.broadcast %exp3A : vector<3200x1xf32> to vector<3200x16xf32>
    %mul3A_15 = arith.mulf %add3A_13, %mul3A_14 : vector<3200x16xf32>
    %swap3A = arith.constant 0 : index
    %swap3A_16 = arith.constant 0 : index
    %swap3A_17 = vector.load %arg4[%swap3A, %swap3A_16] : memref<3200x16xf32, #tpu.memory_space<vmem>>, vector<3200x16xf32>
    tpu.vector_store %arg4[%swap3A, %swap3A_16], %mul3A_15 {strides = array<i32>} : memref<3200x16xf32, #tpu.memory_space<vmem>>, vector<3200x16xf32>,
    %iota3A = tpu.iota {dimensions = array<i32: 1>} : vector<3200x16xi32>
    %eq3A = arith.constant 0 : i32
    %eq3A_18 = vector.broadcast %eq3A : i32 to vector<3200x16xi32>
    %eq3A_19 = arith.cmpi eq, %iota3A, %eq3A_18 : vector<3200x16xi32>
    %eq3A_20 = arith.constant 1 : i32
    %eq3A_21 = vector.broadcast %eq3A_20 : i32 to vector<3200x16xi32>
    %eq3A_22 = arith.cmpi eq, %iota3A, %eq3A_21 : vector<3200x16xi32>
    %jit3A = arith.constant 1.000000e+00 : f32
    %jit3A_23 = arith.constant 0.000000e+00 : f32
    %broadcast_in_dim3A_24 = vector.broadcast %jit3A : f32 to vector<3200x16xf32>
    %broadcast_in_dim3A_25 = vector.broadcast %jit3A_23 : f32 to vector<3200x16xf32>
    %select_n3A = arith.select %eq3A_22, %broadcast_in_dim3A_24, %broadcast_in_dim3A_25 : vector<3200x16xi1>, vector<3200x16xf32>
    %broadcast_in_dim3A_26 = vector.shape_cast %exp3A : vector<3200x1xf32> to vector<3200x1xf32>
    %broadcast_in_dim3A_27 = vector.broadcast %broadcast_in_dim3A_26 : vector<3200x1xf32> to vector<3200x16xf32>
    %select_n3A_28 = arith.select %eq3A_19, %broadcast_in_dim3A_27, %select_n3A : vector<3200x16xi1>, vector<3200x16xf32>
    %swap3A_29 = arith.constant 0 : index
    %swap3A_30 = arith.constant 0 : index
    %swap3A_31 = vector.load %arg5[%swap3A_29, %swap3A_30] : memref<3200x16xf32, #tpu.memory_space<vmem>>, vector<3200x16xf32>
    tpu.vector_store %arg5[%swap3A_29, %swap3A_30], %select_n3A_28 {strides = array<i32>} : memref<3200x16xf32, #tpu.memory_space<vmem>>, vector<3200x16xf32>,
    return
  }
  func.func @transform_0(%arg0: i32) -> (i32, i32) {
    %c0_i32 = arith.constant 0 : i32
    %c0_i32_0 = arith.constant 0 : i32
    return %arg0, %c0_i32 : i32, i32
  }
  func.func @transform_1(%arg0: i32) -> (i32, i32) {
    %c0_i32 = arith.constant 0 : i32
    %c0_i32_0 = arith.constant 0 : i32
    return %arg0, %c0_i32 : i32, i32
  }
  func.func @transform_2(%arg0: i32) -> (i32, i32) {
    %c0_i32 = arith.constant 0 : i32
    %c0_i32_0 = arith.constant 0 : i32
    return %arg0, %c0_i32 : i32, i32
  }
  func.func @transform_3(%arg0: i32) -> (i32, i32) {
    %c0_i32 = arith.constant 0 : i32
    %c0_i32_0 = arith.constant 0 : i32
    return %arg0, %c0_i32 : i32, i32
  }
  func.func @transform_4(%arg0: i32) -> (i32, i32) {
    %c0_i32 = arith.constant 0 : i32
    %c0_i32_0 = arith.constant 0 : i32
    return %arg0, %c0_i32 : i32, i32
  }
}

module attributes {stable_mosaic.version = 14 : i64} {
  func.func @_combine_body(%arg0: i32, %arg1: memref<2000x16xf32, #tpu.memory_space<vmem>>, %arg2: memref<2000x16xf32, #tpu.memory_space<vmem>>, %arg3: memref<2000x16xf32, #tpu.memory_space<vmem>>, %arg4: memref<2000x16xf32, #tpu.memory_space<vmem>>) attributes {dimension_semantics = [#tpu.dimension_semantics<arbitrary>], iteration_bounds = array<i64: 50>, scalar_prefetch = 0 : i64, scratch_operands = 0 : i64, tpu.core_type = #tpu.core_type<tc>, window_params = [{transform_indices = @transform_0, window_bounds = array<i64: 2000, 16>}, {transform_indices = @transform_1, window_bounds = array<i64: 2000, 16>}, {transform_indices = @transform_2, window_bounds = array<i64: 2000, 16>}, {transform_indices = @transform_3, window_bounds = array<i64: 2000, 16>}]} {
    %get3A = arith.constant 0 : index
    %get3A_0 = arith.constant 0 : index
    %get3A_1 = vector.load %arg1[%get3A, %get3A_0] : memref<2000x16xf32, #tpu.memory_space<vmem>>, vector<2000x16xf32>
    %get3A_2 = arith.constant 0 : index
    %get3A_3 = arith.constant 0 : index
    %get3A_4 = vector.load %arg2[%get3A_2, %get3A_3] : memref<2000x16xf32, #tpu.memory_space<vmem>>, vector<2000x16xf32>
    %slice3A = vector.extract_strided_slice %get3A_4 {offsets = [0, 0], sizes = [2000, 1], strides = [1, 1]} : vector<2000x16xf32> to vector<2000x1xf32>
    %slice3A_5 = vector.extract_strided_slice %get3A_4 {offsets = [0, 1], sizes = [2000, 1], strides = [1, 1]} : vector<2000x16xf32> to vector<2000x1xf32>
    %add3A = arith.constant 1.000000e-16 : f32
    %add3A_6 = vector.broadcast %add3A : f32 to vector<2000x1xf32>
    %add3A_7 = arith.addf %slice3A, %add3A_6 : vector<2000x1xf32>
    %div3A = vector.broadcast %add3A_7 : vector<2000x1xf32> to vector<2000x16xf32>
    %div3A_8 = arith.divf %get3A_1, %div3A : vector<2000x16xf32>
    %max3A = arith.constant 1.000000e+00 : f32
    %max3A_9 = vector.broadcast %max3A : f32 to vector<2000x1xf32>
    %max3A_10 = arith.maximumf %slice3A_5, %max3A_9 : vector<2000x1xf32>
    %div3A_11 = vector.broadcast %max3A_10 : vector<2000x1xf32> to vector<2000x16xf32>
    %div3A_12 = arith.divf %div3A_8, %div3A_11 : vector<2000x16xf32>
    %get3A_13 = arith.constant 0 : index
    %get3A_14 = arith.constant 0 : index
    %get3A_15 = vector.load %arg3[%get3A_13, %get3A_14] : memref<2000x16xf32, #tpu.memory_space<vmem>>, vector<2000x16xf32>
    %add3A_16 = arith.addf %div3A_12, %get3A_15 : vector<2000x16xf32>
    %max3A_17 = arith.constant 0.000000e+00 : f32
    %max3A_18 = vector.broadcast %max3A_17 : f32 to vector<2000x16xf32>
    %max3A_19 = arith.maximumf %add3A_16, %max3A_18 : vector<2000x16xf32>
    %swap3A = arith.constant 0 : index
    %swap3A_20 = arith.constant 0 : index
    %swap3A_21 = vector.load %arg4[%swap3A, %swap3A_20] : memref<2000x16xf32, #tpu.memory_space<vmem>>, vector<2000x16xf32>
    tpu.vector_store %arg4[%swap3A, %swap3A_20], %max3A_19 {strides = array<i32>} : memref<2000x16xf32, #tpu.memory_space<vmem>>, vector<2000x16xf32>,
    return
  }
  func.func @transform_0(%arg0: i32) -> (i32, i32) {
    %c0_i32 = arith.constant 0 : i32
    %c0_i32_0 = arith.constant 0 : i32
    return %arg0, %c0_i32 : i32, i32
  }
  func.func @transform_1(%arg0: i32) -> (i32, i32) {
    %c0_i32 = arith.constant 0 : i32
    %c0_i32_0 = arith.constant 0 : i32
    return %arg0, %c0_i32 : i32, i32
  }
  func.func @transform_2(%arg0: i32) -> (i32, i32) {
    %c0_i32 = arith.constant 0 : i32
    %c0_i32_0 = arith.constant 0 : i32
    return %arg0, %c0_i32 : i32, i32
  }
  func.func @transform_3(%arg0: i32) -> (i32, i32) {
    %c0_i32 = arith.constant 0 : i32
    %c0_i32_0 = arith.constant 0 : i32
    return %arg0, %c0_i32 : i32, i32
  }
}

module attributes {stable_mosaic.version = 14 : i64} {
  func.func @_kv2_body(%arg0: i32, %arg1: memref<2000x16xf32, #tpu.memory_space<vmem>>, %arg2: memref<2000x5xf32, #tpu.memory_space<vmem>>, %arg3: memref<1x1xf32, #tpu.memory_space<vmem>>, %arg4: memref<21x16xf32, #tpu.memory_space<vmem>>, %arg5: memref<1x16xf32, #tpu.memory_space<vmem>>, %arg6: memref<21x16xf32, #tpu.memory_space<vmem>>, %arg7: memref<1x16xf32, #tpu.memory_space<vmem>>, %arg8: memref<2000x32xf32, #tpu.memory_space<vmem>>) attributes {dimension_semantics = [#tpu.dimension_semantics<arbitrary>], iteration_bounds = array<i64: 50>, scalar_prefetch = 0 : i64, scratch_operands = 0 : i64, tpu.core_type = #tpu.core_type<tc>, window_params = [{transform_indices = @transform_0, window_bounds = array<i64: 2000, 16>}, {transform_indices = @transform_1, window_bounds = array<i64: 2000, 5>}, {pipeline_mode = #tpu.pipeline_mode<synchronous>, transform_indices = @transform_2, window_bounds = array<i64: 1, 1>}, {pipeline_mode = #tpu.pipeline_mode<synchronous>, transform_indices = @transform_3, window_bounds = array<i64: 21, 16>}, {pipeline_mode = #tpu.pipeline_mode<synchronous>, transform_indices = @transform_4, window_bounds = array<i64: 1, 16>}, {pipeline_mode = #tpu.pipeline_mode<synchronous>, transform_indices = @transform_5, window_bounds = array<i64: 21, 16>}, {pipeline_mode = #tpu.pipeline_mode<synchronous>, transform_indices = @transform_6, window_bounds = array<i64: 1, 16>}, {transform_indices = @transform_7, window_bounds = array<i64: 2000, 32>}]} {
    %get3A = arith.constant 0 : index
    %get3A_0 = arith.constant 0 : index
    %get3A_1 = vector.load %arg3[%get3A, %get3A_0] : memref<1x1xf32, #tpu.memory_space<vmem>>, vector<1x1xf32>
    %get3A_2 = vector.extract %get3A_1[0, 0] : f32 from vector<1x1xf32>
    %get3A_3 = arith.constant 0 : index
    %get3A_4 = arith.constant 0 : index
    %get3A_5 = vector.load %arg2[%get3A_3, %get3A_4] : memref<2000x5xf32, #tpu.memory_space<vmem>>, vector<2000x5xf32>
    %iota3A = tpu.iota {dimensions = array<i32: 1>} : vector<2000x5xi32>
    %eq3A = arith.constant 4 : i32
    %eq3A_6 = vector.broadcast %eq3A : i32 to vector<2000x5xi32>
    %eq3A_7 = arith.cmpi eq, %iota3A, %eq3A_6 : vector<2000x5xi32>
    %div3A = vector.broadcast %get3A_2 : f32 to vector<2000x5xf32>
    %div3A_8 = arith.divf %get3A_5, %div3A : vector<2000x5xf32>
    %select_n3A = arith.select %eq3A_7, %div3A_8, %get3A_5 : vector<2000x5xi1>, vector<2000x5xf32>
    %get3A_9 = arith.constant 0 : index
    %get3A_10 = arith.constant 0 : index
    %get3A_11 = vector.load %arg1[%get3A_9, %get3A_10] : memref<2000x16xf32, #tpu.memory_space<vmem>>, vector<2000x16xf32>
    %get3A_12 = arith.constant 0 : index
    %get3A_13 = arith.constant 0 : index
    %get3A_14 = vector.load %arg4[%get3A_12, %get3A_13] : memref<21x16xf32, #tpu.memory_space<vmem>>, vector<16x16xf32>
    %dot_general3A = arith.constant dense<0.000000e+00> : vector<2000x16xf32>
    %dot_general3A_15 = tpu.matmul %get3A_11, %get3A_14, %dot_general3A {dimension_numbers = #tpu.dot_dimension_numbers<[1], [0], [0], [1], [0, 0, 1, 1], [], []>, transpose_lhs_hint = false} : vector<2000x16xf32>, vector<16x16xf32>, vector<2000x16xf32> -> vector<2000x16xf32>
    %get3A_16 = arith.constant 16 : index
    %get3A_17 = arith.constant 0 : index
    %get3A_18 = vector.load %arg4[%get3A_16, %get3A_17] : memref<21x16xf32, #tpu.memory_space<vmem>>, vector<5x16xf32>
    %dot_general3A_19 = arith.constant dense<0.000000e+00> : vector<2000x16xf32>
    %dot_general3A_20 = tpu.matmul %select_n3A, %get3A_18, %dot_general3A_19 {dimension_numbers = #tpu.dot_dimension_numbers<[1], [0], [0], [1], [0, 0, 1, 1], [], []>, transpose_lhs_hint = false} : vector<2000x5xf32>, vector<5x16xf32>, vector<2000x16xf32> -> vector<2000x16xf32>
    %add3A = arith.addf %dot_general3A_15, %dot_general3A_20 : vector<2000x16xf32>
    %get3A_21 = arith.constant 0 : index
    %get3A_22 = arith.constant 0 : index
    %get3A_23 = vector.load %arg5[%get3A_21, %get3A_22] : memref<1x16xf32, #tpu.memory_space<vmem>>, vector<1x16xf32>
    %add3A_24 = vector.broadcast %get3A_23 : vector<1x16xf32> to vector<2000x16xf32>
    %add3A_25 = arith.addf %add3A, %add3A_24 : vector<2000x16xf32>
    %get3A_26 = arith.constant 0 : index
    %get3A_27 = arith.constant 0 : index
    %get3A_28 = vector.load %arg6[%get3A_26, %get3A_27] : memref<21x16xf32, #tpu.memory_space<vmem>>, vector<16x16xf32>
    %dot_general3A_29 = arith.constant dense<0.000000e+00> : vector<2000x16xf32>
    %dot_general3A_30 = tpu.matmul %get3A_11, %get3A_28, %dot_general3A_29 {dimension_numbers = #tpu.dot_dimension_numbers<[1], [0], [0], [1], [0, 0, 1, 1], [], []>, transpose_lhs_hint = false} : vector<2000x16xf32>, vector<16x16xf32>, vector<2000x16xf32> -> vector<2000x16xf32>
    %get3A_31 = arith.constant 16 : index
    %get3A_32 = arith.constant 0 : index
    %get3A_33 = vector.load %arg6[%get3A_31, %get3A_32] : memref<21x16xf32, #tpu.memory_space<vmem>>, vector<5x16xf32>
    %dot_general3A_34 = arith.constant dense<0.000000e+00> : vector<2000x16xf32>
    %dot_general3A_35 = tpu.matmul %select_n3A, %get3A_33, %dot_general3A_34 {dimension_numbers = #tpu.dot_dimension_numbers<[1], [0], [0], [1], [0, 0, 1, 1], [], []>, transpose_lhs_hint = false} : vector<2000x5xf32>, vector<5x16xf32>, vector<2000x16xf32> -> vector<2000x16xf32>
    %add3A_36 = arith.addf %dot_general3A_30, %dot_general3A_35 : vector<2000x16xf32>
    %get3A_37 = arith.constant 0 : index
    %get3A_38 = arith.constant 0 : index
    %get3A_39 = vector.load %arg7[%get3A_37, %get3A_38] : memref<1x16xf32, #tpu.memory_space<vmem>>, vector<1x16xf32>
    %add3A_40 = vector.broadcast %get3A_39 : vector<1x16xf32> to vector<2000x16xf32>
    %add3A_41 = arith.addf %add3A_36, %add3A_40 : vector<2000x16xf32>
    %concatenate3A = tpu.concatenate %add3A_25, %add3A_41 in 1 : vector<2000x16xf32>, vector<2000x16xf32> -> vector<2000x32xf32>
    %swap3A = arith.constant 0 : index
    %swap3A_42 = arith.constant 0 : index
    %swap3A_43 = vector.load %arg8[%swap3A, %swap3A_42] : memref<2000x32xf32, #tpu.memory_space<vmem>>, vector<2000x32xf32>
    tpu.vector_store %arg8[%swap3A, %swap3A_42], %concatenate3A {strides = array<i32>} : memref<2000x32xf32, #tpu.memory_space<vmem>>, vector<2000x32xf32>,
    return
  }
  func.func @transform_0(%arg0: i32) -> (i32, i32) {
    %c0_i32 = arith.constant 0 : i32
    %c0_i32_0 = arith.constant 0 : i32
    return %arg0, %c0_i32 : i32, i32
  }
  func.func @transform_1(%arg0: i32) -> (i32, i32) {
    %c0_i32 = arith.constant 0 : i32
    %c0_i32_0 = arith.constant 0 : i32
    return %arg0, %c0_i32 : i32, i32
  }
  func.func @transform_2(%arg0: i32) -> (i32, i32) {
    %c0_i32 = arith.constant 0 : i32
    %c0_i32_0 = arith.constant 0 : i32
    %c0_i32_1 = arith.constant 0 : i32
    return %c0_i32, %c0_i32_0 : i32, i32
  }
  func.func @transform_3(%arg0: i32) -> (i32, i32) {
    %c0_i32 = arith.constant 0 : i32
    %c0_i32_0 = arith.constant 0 : i32
    %c0_i32_1 = arith.constant 0 : i32
    return %c0_i32, %c0_i32_0 : i32, i32
  }
  func.func @transform_4(%arg0: i32) -> (i32, i32) {
    %c0_i32 = arith.constant 0 : i32
    %c0_i32_0 = arith.constant 0 : i32
    %c0_i32_1 = arith.constant 0 : i32
    return %c0_i32, %c0_i32_0 : i32, i32
  }
  func.func @transform_5(%arg0: i32) -> (i32, i32) {
    %c0_i32 = arith.constant 0 : i32
    %c0_i32_0 = arith.constant 0 : i32
    %c0_i32_1 = arith.constant 0 : i32
    return %c0_i32, %c0_i32_0 : i32, i32
  }
  func.func @transform_6(%arg0: i32) -> (i32, i32) {
    %c0_i32 = arith.constant 0 : i32
    %c0_i32_0 = arith.constant 0 : i32
    %c0_i32_1 = arith.constant 0 : i32
    return %c0_i32, %c0_i32_0 : i32, i32
  }
  func.func @transform_7(%arg0: i32) -> (i32, i32) {
    %c0_i32 = arith.constant 0 : i32
    %c0_i32_0 = arith.constant 0 : i32
    return %arg0, %c0_i32 : i32, i32
  }
}

module attributes {stable_mosaic.version = 14 : i64} {
  func.func @_vfcf_body(%arg0: i32, %arg1: memref<2000x16xf32, #tpu.memory_space<vmem>>, %arg2: memref<2000x2xf32, #tpu.memory_space<vmem>>, %arg3: memref<2000x16xf32, #tpu.memory_space<vmem>>, %arg4: memref<2000x5xf32, #tpu.memory_space<vmem>>, %arg5: memref<1x1xf32, #tpu.memory_space<vmem>>, %arg6: memref<18x16xf32, #tpu.memory_space<vmem>>, %arg7: memref<1x16xf32, #tpu.memory_space<vmem>>, %arg8: memref<16x16xf32, #tpu.memory_space<vmem>>, %arg9: memref<1x16xf32, #tpu.memory_space<vmem>>, %arg10: memref<21x16xf32, #tpu.memory_space<vmem>>, %arg11: memref<1x16xf32, #tpu.memory_space<vmem>>, %arg12: memref<16x16xf32, #tpu.memory_space<vmem>>, %arg13: memref<1x16xf32, #tpu.memory_space<vmem>>, %arg14: memref<2000x16xf32, #tpu.memory_space<vmem>>, %arg15: memref<2000x16xf32, #tpu.memory_space<vmem>>) attributes {dimension_semantics = [#tpu.dimension_semantics<arbitrary>], iteration_bounds = array<i64: 50>, scalar_prefetch = 0 : i64, scratch_operands = 0 : i64, tpu.core_type = #tpu.core_type<tc>, window_params = [{transform_indices = @transform_0, window_bounds = array<i64: 2000, 16>}, {transform_indices = @transform_1, window_bounds = array<i64: 2000, 2>}, {transform_indices = @transform_2, window_bounds = array<i64: 2000, 16>}, {transform_indices = @transform_3, window_bounds = array<i64: 2000, 5>}, {pipeline_mode = #tpu.pipeline_mode<synchronous>, transform_indices = @transform_4, window_bounds = array<i64: 1, 1>}, {pipeline_mode = #tpu.pipeline_mode<synchronous>, transform_indices = @transform_5, window_bounds = array<i64: 18, 16>}, {pipeline_mode = #tpu.pipeline_mode<synchronous>, transform_indices = @transform_6, window_bounds = array<i64: 1, 16>}, {pipeline_mode = #tpu.pipeline_mode<synchronous>, transform_indices = @transform_7, window_bounds = array<i64: 16, 16>}, {pipeline_mode = #tpu.pipeline_mode<synchronous>, transform_indices = @transform_8, window_bounds = array<i64: 1, 16>}, {pipeline_mode = #tpu.pipeline_mode<synchronous>, transform_indices = @transform_9, window_bounds = array<i64: 21, 16>}, {pipeline_mode = #tpu.pipeline_mode<synchronous>, transform_indices = @transform_10, window_bounds = array<i64: 1, 16>}, {pipeline_mode = #tpu.pipeline_mode<synchronous>, transform_indices = @transform_11, window_bounds = array<i64: 16, 16>}, {pipeline_mode = #tpu.pipeline_mode<synchronous>, transform_indices = @transform_12, window_bounds = array<i64: 1, 16>}, {transform_indices = @transform_13, window_bounds = array<i64: 2000, 16>}, {transform_indices = @transform_14, window_bounds = array<i64: 2000, 16>}]} {
    %get3A = arith.constant 0 : index
    %get3A_0 = arith.constant 0 : index
    %get3A_1 = vector.load %arg5[%get3A, %get3A_0] : memref<1x1xf32, #tpu.memory_space<vmem>>, vector<1x1xf32>
    %get3A_2 = vector.extract %get3A_1[0, 0] : f32 from vector<1x1xf32>
    %get3A_3 = arith.constant 0 : index
    %get3A_4 = arith.constant 0 : index
    %get3A_5 = vector.load %arg1[%get3A_3, %get3A_4] : memref<2000x16xf32, #tpu.memory_space<vmem>>, vector<2000x16xf32>
    %get3A_6 = arith.constant 0 : index
    %get3A_7 = arith.constant 0 : index
    %get3A_8 = vector.load %arg6[%get3A_6, %get3A_7] : memref<18x16xf32, #tpu.memory_space<vmem>>, vector<16x16xf32>
    %dot_general3A = arith.constant dense<0.000000e+00> : vector<2000x16xf32>
    %dot_general3A_9 = tpu.matmul %get3A_5, %get3A_8, %dot_general3A {dimension_numbers = #tpu.dot_dimension_numbers<[1], [0], [0], [1], [0, 0, 1, 1], [], []>, transpose_lhs_hint = false} : vector<2000x16xf32>, vector<16x16xf32>, vector<2000x16xf32> -> vector<2000x16xf32>
    %get3A_10 = arith.constant 0 : index
    %get3A_11 = arith.constant 0 : index
    %get3A_12 = vector.load %arg2[%get3A_10, %get3A_11] : memref<2000x2xf32, #tpu.memory_space<vmem>>, vector<2000x2xf32>
    %get3A_13 = arith.constant 16 : index
    %get3A_14 = arith.constant 0 : index
    %get3A_15 = vector.load %arg6[%get3A_13, %get3A_14] : memref<18x16xf32, #tpu.memory_space<vmem>>, vector<2x16xf32>
    %dot_general3A_16 = arith.constant dense<0.000000e+00> : vector<2000x16xf32>
    %dot_general3A_17 = tpu.matmul %get3A_12, %get3A_15, %dot_general3A_16 {dimension_numbers = #tpu.dot_dimension_numbers<[1], [0], [0], [1], [0, 0, 1, 1], [], []>, transpose_lhs_hint = false} : vector<2000x2xf32>, vector<2x16xf32>, vector<2000x16xf32> -> vector<2000x16xf32>
    %add3A = arith.addf %dot_general3A_9, %dot_general3A_17 : vector<2000x16xf32>
    %get3A_18 = arith.constant 0 : index
    %get3A_19 = arith.constant 0 : index
    %get3A_20 = vector.load %arg7[%get3A_18, %get3A_19] : memref<1x16xf32, #tpu.memory_space<vmem>>, vector<1x16xf32>
    %add3A_21 = vector.broadcast %get3A_20 : vector<1x16xf32> to vector<2000x16xf32>
    %add3A_22 = arith.addf %add3A, %add3A_21 : vector<2000x16xf32>
    %max3A = arith.constant 0.000000e+00 : f32
    %max3A_23 = vector.broadcast %max3A : f32 to vector<2000x16xf32>
    %max3A_24 = arith.maximumf %add3A_22, %max3A_23 : vector<2000x16xf32>
    %get3A_25 = arith.constant 0 : index
    %get3A_26 = arith.constant 0 : index
    %get3A_27 = vector.load %arg8[%get3A_25, %get3A_26] : memref<16x16xf32, #tpu.memory_space<vmem>>, vector<16x16xf32>
    %dot_general3A_28 = arith.constant dense<0.000000e+00> : vector<2000x16xf32>
    %dot_general3A_29 = tpu.matmul %max3A_24, %get3A_27, %dot_general3A_28 {dimension_numbers = #tpu.dot_dimension_numbers<[1], [0], [0], [1], [0, 0, 1, 1], [], []>, transpose_lhs_hint = false} : vector<2000x16xf32>, vector<16x16xf32>, vector<2000x16xf32> -> vector<2000x16xf32>
    %get3A_30 = arith.constant 0 : index
    %get3A_31 = arith.constant 0 : index
    %get3A_32 = vector.load %arg9[%get3A_30, %get3A_31] : memref<1x16xf32, #tpu.memory_space<vmem>>, vector<1x16xf32>
    %add3A_33 = vector.broadcast %get3A_32 : vector<1x16xf32> to vector<2000x16xf32>
    %add3A_34 = arith.addf %dot_general3A_29, %add3A_33 : vector<2000x16xf32>
    %max3A_35 = arith.constant 0.000000e+00 : f32
    %max3A_36 = vector.broadcast %max3A_35 : f32 to vector<2000x16xf32>
    %max3A_37 = arith.maximumf %add3A_34, %max3A_36 : vector<2000x16xf32>
    %swap3A = arith.constant 0 : index
    %swap3A_38 = arith.constant 0 : index
    %swap3A_39 = vector.load %arg14[%swap3A, %swap3A_38] : memref<2000x16xf32, #tpu.memory_space<vmem>>, vector<2000x16xf32>
    tpu.vector_store %arg14[%swap3A, %swap3A_38], %max3A_37 {strides = array<i32>} : memref<2000x16xf32, #tpu.memory_space<vmem>>, vector<2000x16xf32>,
    %get3A_40 = arith.constant 0 : index
    %get3A_41 = arith.constant 0 : index
    %get3A_42 = vector.load %arg4[%get3A_40, %get3A_41] : memref<2000x5xf32, #tpu.memory_space<vmem>>, vector<2000x5xf32>
    %iota3A = tpu.iota {dimensions = array<i32: 1>} : vector<2000x5xi32>
    %eq3A = arith.constant 4 : i32
    %eq3A_43 = vector.broadcast %eq3A : i32 to vector<2000x5xi32>
    %eq3A_44 = arith.cmpi eq, %iota3A, %eq3A_43 : vector<2000x5xi32>
    %div3A = vector.broadcast %get3A_2 : f32 to vector<2000x5xf32>
    %div3A_45 = arith.divf %get3A_42, %div3A : vector<2000x5xf32>
    %select_n3A = arith.select %eq3A_44, %div3A_45, %get3A_42 : vector<2000x5xi1>, vector<2000x5xf32>
    %get3A_46 = arith.constant 0 : index
    %get3A_47 = arith.constant 0 : index
    %get3A_48 = vector.load %arg3[%get3A_46, %get3A_47] : memref<2000x16xf32, #tpu.memory_space<vmem>>, vector<2000x16xf32>
    %get3A_49 = arith.constant 0 : index
    %get3A_50 = arith.constant 0 : index
    %get3A_51 = vector.load %arg10[%get3A_49, %get3A_50] : memref<21x16xf32, #tpu.memory_space<vmem>>, vector<16x16xf32>
    %dot_general3A_52 = arith.constant dense<0.000000e+00> : vector<2000x16xf32>
    %dot_general3A_53 = tpu.matmul %get3A_48, %get3A_51, %dot_general3A_52 {dimension_numbers = #tpu.dot_dimension_numbers<[1], [0], [0], [1], [0, 0, 1, 1], [], []>, transpose_lhs_hint = false} : vector<2000x16xf32>, vector<16x16xf32>, vector<2000x16xf32> -> vector<2000x16xf32>
    %get3A_54 = arith.constant 16 : index
    %get3A_55 = arith.constant 0 : index
    %get3A_56 = vector.load %arg10[%get3A_54, %get3A_55] : memref<21x16xf32, #tpu.memory_space<vmem>>, vector<5x16xf32>
    %dot_general3A_57 = arith.constant dense<0.000000e+00> : vector<2000x16xf32>
    %dot_general3A_58 = tpu.matmul %select_n3A, %get3A_56, %dot_general3A_57 {dimension_numbers = #tpu.dot_dimension_numbers<[1], [0], [0], [1], [0, 0, 1, 1], [], []>, transpose_lhs_hint = false} : vector<2000x5xf32>, vector<5x16xf32>, vector<2000x16xf32> -> vector<2000x16xf32>
    %add3A_59 = arith.addf %dot_general3A_53, %dot_general3A_58 : vector<2000x16xf32>
    %get3A_60 = arith.constant 0 : index
    %get3A_61 = arith.constant 0 : index
    %get3A_62 = vector.load %arg11[%get3A_60, %get3A_61] : memref<1x16xf32, #tpu.memory_space<vmem>>, vector<1x16xf32>
    %add3A_63 = vector.broadcast %get3A_62 : vector<1x16xf32> to vector<2000x16xf32>
    %add3A_64 = arith.addf %add3A_59, %add3A_63 : vector<2000x16xf32>
    %max3A_65 = arith.constant 0.000000e+00 : f32
    %max3A_66 = vector.broadcast %max3A_65 : f32 to vector<2000x16xf32>
    %max3A_67 = arith.maximumf %add3A_64, %max3A_66 : vector<2000x16xf32>
    %get3A_68 = arith.constant 0 : index
    %get3A_69 = arith.constant 0 : index
    %get3A_70 = vector.load %arg12[%get3A_68, %get3A_69] : memref<16x16xf32, #tpu.memory_space<vmem>>, vector<16x16xf32>
    %dot_general3A_71 = arith.constant dense<0.000000e+00> : vector<2000x16xf32>
    %dot_general3A_72 = tpu.matmul %max3A_67, %get3A_70, %dot_general3A_71 {dimension_numbers = #tpu.dot_dimension_numbers<[1], [0], [0], [1], [0, 0, 1, 1], [], []>, transpose_lhs_hint = false} : vector<2000x16xf32>, vector<16x16xf32>, vector<2000x16xf32> -> vector<2000x16xf32>
    %get3A_73 = arith.constant 0 : index
    %get3A_74 = arith.constant 0 : index
    %get3A_75 = vector.load %arg13[%get3A_73, %get3A_74] : memref<1x16xf32, #tpu.memory_space<vmem>>, vector<1x16xf32>
    %add3A_76 = vector.broadcast %get3A_75 : vector<1x16xf32> to vector<2000x16xf32>
    %add3A_77 = arith.addf %dot_general3A_72, %add3A_76 : vector<2000x16xf32>
    %max3A_78 = arith.constant 0.000000e+00 : f32
    %max3A_79 = vector.broadcast %max3A_78 : f32 to vector<2000x16xf32>
    %max3A_80 = arith.maximumf %add3A_77, %max3A_79 : vector<2000x16xf32>
    %swap3A_81 = arith.constant 0 : index
    %swap3A_82 = arith.constant 0 : index
    %swap3A_83 = vector.load %arg15[%swap3A_81, %swap3A_82] : memref<2000x16xf32, #tpu.memory_space<vmem>>, vector<2000x16xf32>
    tpu.vector_store %arg15[%swap3A_81, %swap3A_82], %max3A_80 {strides = array<i32>} : memref<2000x16xf32, #tpu.memory_space<vmem>>, vector<2000x16xf32>,
    return
  }
  func.func @transform_0(%arg0: i32) -> (i32, i32) {
    %c0_i32 = arith.constant 0 : i32
    %c0_i32_0 = arith.constant 0 : i32
    return %arg0, %c0_i32 : i32, i32
  }
  func.func @transform_1(%arg0: i32) -> (i32, i32) {
    %c0_i32 = arith.constant 0 : i32
    %c0_i32_0 = arith.constant 0 : i32
    return %arg0, %c0_i32 : i32, i32
  }
  func.func @transform_2(%arg0: i32) -> (i32, i32) {
    %c0_i32 = arith.constant 0 : i32
    %c0_i32_0 = arith.constant 0 : i32
    return %arg0, %c0_i32 : i32, i32
  }
  func.func @transform_3(%arg0: i32) -> (i32, i32) {
    %c0_i32 = arith.constant 0 : i32
    %c0_i32_0 = arith.constant 0 : i32
    return %arg0, %c0_i32 : i32, i32
  }
  func.func @transform_4(%arg0: i32) -> (i32, i32) {
    %c0_i32 = arith.constant 0 : i32
    %c0_i32_0 = arith.constant 0 : i32
    %c0_i32_1 = arith.constant 0 : i32
    return %c0_i32, %c0_i32_0 : i32, i32
  }
  func.func @transform_5(%arg0: i32) -> (i32, i32) {
    %c0_i32 = arith.constant 0 : i32
    %c0_i32_0 = arith.constant 0 : i32
    %c0_i32_1 = arith.constant 0 : i32
    return %c0_i32, %c0_i32_0 : i32, i32
  }
  func.func @transform_6(%arg0: i32) -> (i32, i32) {
    %c0_i32 = arith.constant 0 : i32
    %c0_i32_0 = arith.constant 0 : i32
    %c0_i32_1 = arith.constant 0 : i32
    return %c0_i32, %c0_i32_0 : i32, i32
  }
  func.func @transform_7(%arg0: i32) -> (i32, i32) {
    %c0_i32 = arith.constant 0 : i32
    %c0_i32_0 = arith.constant 0 : i32
    %c0_i32_1 = arith.constant 0 : i32
    return %c0_i32, %c0_i32_0 : i32, i32
  }
  func.func @transform_8(%arg0: i32) -> (i32, i32) {
    %c0_i32 = arith.constant 0 : i32
    %c0_i32_0 = arith.constant 0 : i32
    %c0_i32_1 = arith.constant 0 : i32
    return %c0_i32, %c0_i32_0 : i32, i32
  }
  func.func @transform_9(%arg0: i32) -> (i32, i32) {
    %c0_i32 = arith.constant 0 : i32
    %c0_i32_0 = arith.constant 0 : i32
    %c0_i32_1 = arith.constant 0 : i32
    return %c0_i32, %c0_i32_0 : i32, i32
  }
  func.func @transform_10(%arg0: i32) -> (i32, i32) {
    %c0_i32 = arith.constant 0 : i32
    %c0_i32_0 = arith.constant 0 : i32
    %c0_i32_1 = arith.constant 0 : i32
    return %c0_i32, %c0_i32_0 : i32, i32
  }
  func.func @transform_11(%arg0: i32) -> (i32, i32) {
    %c0_i32 = arith.constant 0 : i32
    %c0_i32_0 = arith.constant 0 : i32
    %c0_i32_1 = arith.constant 0 : i32
    return %c0_i32, %c0_i32_0 : i32, i32
  }
  func.func @transform_12(%arg0: i32) -> (i32, i32) {
    %c0_i32 = arith.constant 0 : i32
    %c0_i32_0 = arith.constant 0 : i32
    %c0_i32_1 = arith.constant 0 : i32
    return %c0_i32, %c0_i32_0 : i32, i32
  }
  func.func @transform_13(%arg0: i32) -> (i32, i32) {
    %c0_i32 = arith.constant 0 : i32
    %c0_i32_0 = arith.constant 0 : i32
    return %arg0, %c0_i32 : i32, i32
  }
  func.func @transform_14(%arg0: i32) -> (i32, i32) {
    %c0_i32 = arith.constant 0 : i32
    %c0_i32_0 = arith.constant 0 : i32
    return %arg0, %c0_i32 : i32, i32
  }
}

module attributes {stable_mosaic.version = 14 : i64} {
  func.func @_final_body(%arg0: i32, %arg1: memref<3200x16xf32, #tpu.memory_space<vmem>>, %arg2: memref<3200x8xf32, #tpu.memory_space<vmem>>, %arg3: memref<3200x16xf32, #tpu.memory_space<vmem>>, %arg4: memref<3200x16xf32, #tpu.memory_space<vmem>>, %arg5: memref<1x1xf32, #tpu.memory_space<vmem>>, %arg6: memref<54x16xf32, #tpu.memory_space<vmem>>, %arg7: memref<1x16xf32, #tpu.memory_space<vmem>>, %arg8: memref<16x16xf32, #tpu.memory_space<vmem>>, %arg9: memref<1x16xf32, #tpu.memory_space<vmem>>, %arg10: memref<22x22xf32, #tpu.memory_space<vmem>>, %arg11: memref<1x22xf32, #tpu.memory_space<vmem>>, %arg12: memref<22x1xf32, #tpu.memory_space<vmem>>, %arg13: memref<1x1xf32, #tpu.memory_space<vmem>>, %arg14: memref<3200x8xf32, #tpu.memory_space<vmem>>, %arg15: memref<3200x16xf32, #tpu.memory_space<vmem>>) attributes {dimension_semantics = [#tpu.dimension_semantics<arbitrary>], iteration_bounds = array<i64: 500>, scalar_prefetch = 0 : i64, scratch_operands = 0 : i64, tpu.core_type = #tpu.core_type<tc>, window_params = [{transform_indices = @transform_0, window_bounds = array<i64: 3200, 16>}, {transform_indices = @transform_1, window_bounds = array<i64: 3200, 8>}, {transform_indices = @transform_2, window_bounds = array<i64: 3200, 16>}, {transform_indices = @transform_3, window_bounds = array<i64: 3200, 16>}, {pipeline_mode = #tpu.pipeline_mode<synchronous>, transform_indices = @transform_4, window_bounds = array<i64: 1, 1>}, {pipeline_mode = #tpu.pipeline_mode<synchronous>, transform_indices = @transform_5, window_bounds = array<i64: 54, 16>}, {pipeline_mode = #tpu.pipeline_mode<synchronous>, transform_indices = @transform_6, window_bounds = array<i64: 1, 16>}, {pipeline_mode = #tpu.pipeline_mode<synchronous>, transform_indices = @transform_7, window_bounds = array<i64: 16, 16>}, {pipeline_mode = #tpu.pipeline_mode<synchronous>, transform_indices = @transform_8, window_bounds = array<i64: 1, 16>}, {pipeline_mode = #tpu.pipeline_mode<synchronous>, transform_indices = @transform_9, window_bounds = array<i64: 22, 22>}, {pipeline_mode = #tpu.pipeline_mode<synchronous>, transform_indices = @transform_10, window_bounds = array<i64: 1, 22>}, {pipeline_mode = #tpu.pipeline_mode<synchronous>, transform_indices = @transform_11, window_bounds = array<i64: 22, 1>}, {pipeline_mode = #tpu.pipeline_mode<synchronous>, transform_indices = @transform_12, window_bounds = array<i64: 1, 1>}, {transform_indices = @transform_13, window_bounds = array<i64: 3200, 8>}, {transform_indices = @transform_14, window_bounds = array<i64: 3200, 16>}]} {
    %get3A = arith.constant 0 : index
    %get3A_0 = arith.constant 0 : index
    %get3A_1 = vector.load %arg5[%get3A, %get3A_0] : memref<1x1xf32, #tpu.memory_space<vmem>>, vector<1x1xf32>
    %get3A_2 = vector.extract %get3A_1[0, 0] : f32 from vector<1x1xf32>
    %get3A_3 = arith.constant 0 : index
    %get3A_4 = arith.constant 0 : index
    %get3A_5 = vector.load %arg2[%get3A_3, %get3A_4] : memref<3200x8xf32, #tpu.memory_space<vmem>>, vector<3200x8xf32>
    %slice3A = vector.extract_strided_slice %get3A_5 {offsets = [0, 4], sizes = [3200, 1], strides = [1, 1]} : vector<3200x8xf32> to vector<3200x1xf32>
    %div3A = vector.broadcast %get3A_2 : f32 to vector<3200x1xf32>
    %div3A_6 = arith.divf %slice3A, %div3A : vector<3200x1xf32>
    %slice3A_7 = vector.extract_strided_slice %get3A_5 {offsets = [0, 5], sizes = [3200, 1], strides = [1, 1]} : vector<3200x8xf32> to vector<3200x1xf32>
    %div3A_8 = vector.broadcast %get3A_2 : f32 to vector<3200x1xf32>
    %div3A_9 = arith.divf %slice3A_7, %div3A_8 : vector<3200x1xf32>
    %iota3A = tpu.iota {dimensions = array<i32: 1>} : vector<3200x4xi32>
    %slice3A_10 = vector.extract_strided_slice %get3A_5 {offsets = [0, 0], sizes = [3200, 4], strides = [1, 1]} : vector<3200x8xf32> to vector<3200x4xf32>
    %eq3A = arith.constant 3 : i32
    %eq3A_11 = vector.broadcast %eq3A : i32 to vector<3200x4xi32>
    %eq3A_12 = arith.cmpi eq, %iota3A, %eq3A_11 : vector<3200x4xi32>
    %div3A_13 = vector.broadcast %get3A_2 : f32 to vector<3200x4xf32>
    %div3A_14 = arith.divf %slice3A_10, %div3A_13 : vector<3200x4xf32>
    %select_n3A = arith.select %eq3A_12, %div3A_14, %slice3A_10 : vector<3200x4xi1>, vector<3200x4xf32>
    %get3A_15 = arith.constant 0 : index
    %get3A_16 = arith.constant 0 : index
    %get3A_17 = vector.load %arg1[%get3A_15, %get3A_16] : memref<3200x16xf32, #tpu.memory_space<vmem>>, vector<3200x16xf32>
    %get3A_18 = arith.constant 0 : index
    %get3A_19 = arith.constant 0 : index
    %get3A_20 = vector.load %arg6[%get3A_18, %get3A_19] : memref<54x16xf32, #tpu.memory_space<vmem>>, vector<16x16xf32>
    %dot_general3A = arith.constant dense<0.000000e+00> : vector<3200x16xf32>
    %dot_general3A_21 = tpu.matmul %get3A_17, %get3A_20, %dot_general3A {dimension_numbers = #tpu.dot_dimension_numbers<[1], [0], [0], [1], [0, 0, 1, 1], [], []>, transpose_lhs_hint = false} : vector<3200x16xf32>, vector<16x16xf32>, vector<3200x16xf32> -> vector<3200x16xf32>
    %get3A_22 = arith.constant 16 : index
    %get3A_23 = arith.constant 0 : index
    %get3A_24 = vector.load %arg6[%get3A_22, %get3A_23] : memref<54x16xf32, #tpu.memory_space<vmem>>, vector<1x16xf32>
    %mul3A = vector.broadcast %div3A_6 : vector<3200x1xf32> to vector<3200x16xf32>
    %mul3A_25 = vector.broadcast %get3A_24 : vector<1x16xf32> to vector<3200x16xf32>
    %mul3A_26 = arith.mulf %mul3A, %mul3A_25 : vector<3200x16xf32>
    %add3A = arith.addf %dot_general3A_21, %mul3A_26 : vector<3200x16xf32>
    %get3A_27 = arith.constant 17 : index
    %get3A_28 = arith.constant 0 : index
    %get3A_29 = vector.load %arg6[%get3A_27, %get3A_28] : memref<54x16xf32, #tpu.memory_space<vmem>>, vector<1x16xf32>
    %mul3A_30 = vector.broadcast %div3A_9 : vector<3200x1xf32> to vector<3200x16xf32>
    %mul3A_31 = vector.broadcast %get3A_29 : vector<1x16xf32> to vector<3200x16xf32>
    %mul3A_32 = arith.mulf %mul3A_30, %mul3A_31 : vector<3200x16xf32>
    %add3A_33 = arith.addf %add3A, %mul3A_32 : vector<3200x16xf32>
    %get3A_34 = arith.constant 18 : index
    %get3A_35 = arith.constant 0 : index
    %get3A_36 = vector.load %arg6[%get3A_34, %get3A_35] : memref<54x16xf32, #tpu.memory_space<vmem>>, vector<4x16xf32>
    %dot_general3A_37 = arith.constant dense<0.000000e+00> : vector<3200x16xf32>
    %dot_general3A_38 = tpu.matmul %select_n3A, %get3A_36, %dot_general3A_37 {dimension_numbers = #tpu.dot_dimension_numbers<[1], [0], [0], [1], [0, 0, 1, 1], [], []>, transpose_lhs_hint = false} : vector<3200x4xf32>, vector<4x16xf32>, vector<3200x16xf32> -> vector<3200x16xf32>
    %add3A_39 = arith.addf %add3A_33, %dot_general3A_38 : vector<3200x16xf32>
    %get3A_40 = arith.constant 0 : index
    %get3A_41 = arith.constant 0 : index
    %get3A_42 = vector.load %arg3[%get3A_40, %get3A_41] : memref<3200x16xf32, #tpu.memory_space<vmem>>, vector<3200x16xf32>
    %get3A_43 = arith.constant 22 : index
    %get3A_44 = arith.constant 0 : index
    %get3A_45 = vector.load %arg6[%get3A_43, %get3A_44] : memref<54x16xf32, #tpu.memory_space<vmem>>, vector<16x16xf32>
    %dot_general3A_46 = arith.constant dense<0.000000e+00> : vector<3200x16xf32>
    %dot_general3A_47 = tpu.matmul %get3A_42, %get3A_45, %dot_general3A_46 {dimension_numbers = #tpu.dot_dimension_numbers<[1], [0], [0], [1], [0, 0, 1, 1], [], []>, transpose_lhs_hint = false} : vector<3200x16xf32>, vector<16x16xf32>, vector<3200x16xf32> -> vector<3200x16xf32>
    %add3A_48 = arith.addf %add3A_39, %dot_general3A_47 : vector<3200x16xf32>
    %get3A_49 = arith.constant 0 : index
    %get3A_50 = arith.constant 0 : index
    %get3A_51 = vector.load %arg4[%get3A_49, %get3A_50] : memref<3200x16xf32, #tpu.memory_space<vmem>>, vector<3200x16xf32>
    %get3A_52 = arith.constant 38 : index
    %get3A_53 = arith.constant 0 : index
    %get3A_54 = vector.load %arg6[%get3A_52, %get3A_53] : memref<54x16xf32, #tpu.memory_space<vmem>>, vector<16x16xf32>
    %dot_general3A_55 = arith.constant dense<0.000000e+00> : vector<3200x16xf32>
    %dot_general3A_56 = tpu.matmul %get3A_51, %get3A_54, %dot_general3A_55 {dimension_numbers = #tpu.dot_dimension_numbers<[1], [0], [0], [1], [0, 0, 1, 1], [], []>, transpose_lhs_hint = false} : vector<3200x16xf32>, vector<16x16xf32>, vector<3200x16xf32> -> vector<3200x16xf32>
    %add3A_57 = arith.addf %add3A_48, %dot_general3A_56 : vector<3200x16xf32>
    %get3A_58 = arith.constant 0 : index
    %get3A_59 = arith.constant 0 : index
    %get3A_60 = vector.load %arg7[%get3A_58, %get3A_59] : memref<1x16xf32, #tpu.memory_space<vmem>>, vector<1x16xf32>
    %add3A_61 = vector.broadcast %get3A_60 : vector<1x16xf32> to vector<3200x16xf32>
    %add3A_62 = arith.addf %add3A_57, %add3A_61 : vector<3200x16xf32>
    %max3A = arith.constant 0.000000e+00 : f32
    %max3A_63 = vector.broadcast %max3A : f32 to vector<3200x16xf32>
    %max3A_64 = arith.maximumf %add3A_62, %max3A_63 : vector<3200x16xf32>
    %get3A_65 = arith.constant 0 : index
    %get3A_66 = arith.constant 0 : index
    %get3A_67 = vector.load %arg8[%get3A_65, %get3A_66] : memref<16x16xf32, #tpu.memory_space<vmem>>, vector<16x16xf32>
    %dot_general3A_68 = arith.constant dense<0.000000e+00> : vector<3200x16xf32>
    %dot_general3A_69 = tpu.matmul %max3A_64, %get3A_67, %dot_general3A_68 {dimension_numbers = #tpu.dot_dimension_numbers<[1], [0], [0], [1], [0, 0, 1, 1], [], []>, transpose_lhs_hint = false} : vector<3200x16xf32>, vector<16x16xf32>, vector<3200x16xf32> -> vector<3200x16xf32>
    %get3A_70 = arith.constant 0 : index
    %get3A_71 = arith.constant 0 : index
    %get3A_72 = vector.load %arg9[%get3A_70, %get3A_71] : memref<1x16xf32, #tpu.memory_space<vmem>>, vector<1x16xf32>
    %add3A_73 = vector.broadcast %get3A_72 : vector<1x16xf32> to vector<3200x16xf32>
    %add3A_74 = arith.addf %dot_general3A_69, %add3A_73 : vector<3200x16xf32>
    %max3A_75 = arith.constant 0.000000e+00 : f32
    %max3A_76 = vector.broadcast %max3A_75 : f32 to vector<3200x16xf32>
    %max3A_77 = arith.maximumf %add3A_74, %max3A_76 : vector<3200x16xf32>
    %swap3A = arith.constant 0 : index
    %swap3A_78 = arith.constant 0 : index
    %swap3A_79 = vector.load %arg15[%swap3A, %swap3A_78] : memref<3200x16xf32, #tpu.memory_space<vmem>>, vector<3200x16xf32>
    tpu.vector_store %arg15[%swap3A, %swap3A_78], %max3A_77 {strides = array<i32>} : memref<3200x16xf32, #tpu.memory_space<vmem>>, vector<3200x16xf32>,
    %get3A_80 = arith.constant 0 : index
    %get3A_81 = arith.constant 0 : index
    %get3A_82 = vector.load %arg10[%get3A_80, %get3A_81] : memref<22x22xf32, #tpu.memory_space<vmem>>, vector<16x22xf32>
    %dot_general3A_83 = arith.constant dense<0.000000e+00> : vector<3200x22xf32>
    %dot_general3A_84 = tpu.matmul %max3A_77, %get3A_82, %dot_general3A_83 {dimension_numbers = #tpu.dot_dimension_numbers<[1], [0], [0], [1], [0, 0, 1, 1], [], []>, transpose_lhs_hint = false} : vector<3200x16xf32>, vector<16x22xf32>, vector<3200x22xf32> -> vector<3200x22xf32>
    %get3A_85 = arith.constant 16 : index
    %get3A_86 = arith.constant 0 : index
    %get3A_87 = vector.load %arg10[%get3A_85, %get3A_86] : memref<22x22xf32, #tpu.memory_space<vmem>>, vector<1x22xf32>
    %mul3A_88 = vector.broadcast %div3A_6 : vector<3200x1xf32> to vector<3200x22xf32>
    %mul3A_89 = vector.broadcast %get3A_87 : vector<1x22xf32> to vector<3200x22xf32>
    %mul3A_90 = arith.mulf %mul3A_88, %mul3A_89 : vector<3200x22xf32>
    %add3A_91 = arith.addf %dot_general3A_84, %mul3A_90 : vector<3200x22xf32>
    %get3A_92 = arith.constant 17 : index
    %get3A_93 = arith.constant 0 : index
    %get3A_94 = vector.load %arg10[%get3A_92, %get3A_93] : memref<22x22xf32, #tpu.memory_space<vmem>>, vector<1x22xf32>
    %mul3A_95 = vector.broadcast %div3A_9 : vector<3200x1xf32> to vector<3200x22xf32>
    %mul3A_96 = vector.broadcast %get3A_94 : vector<1x22xf32> to vector<3200x22xf32>
    %mul3A_97 = arith.mulf %mul3A_95, %mul3A_96 : vector<3200x22xf32>
    %add3A_98 = arith.addf %add3A_91, %mul3A_97 : vector<3200x22xf32>
    %get3A_99 = arith.constant 18 : index
    %get3A_100 = arith.constant 0 : index
    %get3A_101 = vector.load %arg10[%get3A_99, %get3A_100] : memref<22x22xf32, #tpu.memory_space<vmem>>, vector<4x22xf32>
    %dot_general3A_102 = arith.constant dense<0.000000e+00> : vector<3200x22xf32>
    %dot_general3A_103 = tpu.matmul %select_n3A, %get3A_101, %dot_general3A_102 {dimension_numbers = #tpu.dot_dimension_numbers<[1], [0], [0], [1], [0, 0, 1, 1], [], []>, transpose_lhs_hint = false} : vector<3200x4xf32>, vector<4x22xf32>, vector<3200x22xf32> -> vector<3200x22xf32>
    %add3A_104 = arith.addf %add3A_98, %dot_general3A_103 : vector<3200x22xf32>
    %get3A_105 = arith.constant 0 : index
    %get3A_106 = arith.constant 0 : index
    %get3A_107 = vector.load %arg11[%get3A_105, %get3A_106] : memref<1x22xf32, #tpu.memory_space<vmem>>, vector<1x22xf32>
    %add3A_108 = vector.broadcast %get3A_107 : vector<1x22xf32> to vector<3200x22xf32>
    %add3A_109 = arith.addf %add3A_104, %add3A_108 : vector<3200x22xf32>
    %max3A_110 = arith.constant 0.000000e+00 : f32
    %max3A_111 = vector.broadcast %max3A_110 : f32 to vector<3200x22xf32>
    %max3A_112 = arith.maximumf %add3A_109, %max3A_111 : vector<3200x22xf32>
    %get3A_113 = arith.constant 0 : index
    %get3A_114 = arith.constant 0 : index
    %get3A_115 = vector.load %arg12[%get3A_113, %get3A_114] : memref<22x1xf32, #tpu.memory_space<vmem>>, vector<22x1xf32>
    %dot_general3A_116 = arith.constant dense<0.000000e+00> : vector<3200x1xf32>
    %dot_general3A_117 = tpu.matmul %max3A_112, %get3A_115, %dot_general3A_116 {dimension_numbers = #tpu.dot_dimension_numbers<[1], [0], [0], [1], [0, 0, 1, 1], [], []>, transpose_lhs_hint = false} : vector<3200x22xf32>, vector<22x1xf32>, vector<3200x1xf32> -> vector<3200x1xf32>
    %get3A_118 = arith.constant 0 : index
    %get3A_119 = arith.constant 0 : index
    %get3A_120 = vector.load %arg13[%get3A_118, %get3A_119] : memref<1x1xf32, #tpu.memory_space<vmem>>, vector<1x1xf32>
    %add3A_121 = vector.broadcast %get3A_120 : vector<1x1xf32> to vector<3200x1xf32>
    %add3A_122 = arith.addf %dot_general3A_117, %add3A_121 : vector<3200x1xf32>
    %mul3A_123 = arith.constant 1.000000e-01 : f32
    %mul3A_124 = vector.broadcast %mul3A_123 : f32 to vector<3200x1xf32>
    %mul3A_125 = arith.mulf %mul3A_124, %add3A_122 : vector<3200x1xf32>
    %add3A_126 = arith.constant 5.000000e-03 : f32
    %add3A_127 = vector.broadcast %add3A_126 : f32 to vector<3200x1xf32>
    %add3A_128 = arith.addf %mul3A_125, %add3A_127 : vector<3200x1xf32>
    %max3A_129 = arith.constant 0.000000e+00 : f32
    %max3A_130 = vector.broadcast %max3A_129 : f32 to vector<3200x1xf32>
    %max3A_131 = arith.maximumf %add3A_128, %max3A_130 : vector<3200x1xf32>
    %add3A_132 = arith.addf %div3A_6, %max3A_131 : vector<3200x1xf32>
    %neg3A = arith.constant 0.000000e+00 : f32
    %neg3A_133 = vector.broadcast %neg3A : f32 to vector<3200x1xf32>
    %neg3A_134 = arith.subf %neg3A_133, %mul3A_125 : vector<3200x1xf32>
    %add3A_135 = arith.constant 5.000000e-03 : f32
    %add3A_136 = vector.broadcast %add3A_135 : f32 to vector<3200x1xf32>
    %add3A_137 = arith.addf %neg3A_134, %add3A_136 : vector<3200x1xf32>
    %max3A_138 = arith.constant 0.000000e+00 : f32
    %max3A_139 = vector.broadcast %max3A_138 : f32 to vector<3200x1xf32>
    %max3A_140 = arith.maximumf %add3A_137, %max3A_139 : vector<3200x1xf32>
    %add3A_141 = arith.addf %div3A_9, %max3A_140 : vector<3200x1xf32>
    %iota3A_142 = tpu.iota {dimensions = array<i32: 1>} : vector<3200x8xi32>
    %eq3A_143 = arith.constant 0 : i32
    %eq3A_144 = vector.broadcast %eq3A_143 : i32 to vector<3200x8xi32>
    %eq3A_145 = arith.cmpi eq, %iota3A_142, %eq3A_144 : vector<3200x8xi32>
    %eq3A_146 = arith.constant 1 : i32
    %eq3A_147 = vector.broadcast %eq3A_146 : i32 to vector<3200x8xi32>
    %eq3A_148 = arith.cmpi eq, %iota3A_142, %eq3A_147 : vector<3200x8xi32>
    %eq3A_149 = arith.constant 2 : i32
    %eq3A_150 = vector.broadcast %eq3A_149 : i32 to vector<3200x8xi32>
    %eq3A_151 = arith.cmpi eq, %iota3A_142, %eq3A_150 : vector<3200x8xi32>
    %jit3A = arith.constant 0.000000e+00 : f32
    %broadcast_in_dim3A = vector.shape_cast %mul3A_125 : vector<3200x1xf32> to vector<3200x1xf32>
    %broadcast_in_dim3A_152 = vector.broadcast %broadcast_in_dim3A : vector<3200x1xf32> to vector<3200x8xf32>
    %broadcast_in_dim3A_153 = vector.broadcast %jit3A : f32 to vector<3200x8xf32>
    %select_n3A_154 = arith.select %eq3A_151, %broadcast_in_dim3A_152, %broadcast_in_dim3A_153 : vector<3200x8xi1>, vector<3200x8xf32>
    %broadcast_in_dim3A_155 = vector.shape_cast %add3A_141 : vector<3200x1xf32> to vector<3200x1xf32>
    %broadcast_in_dim3A_156 = vector.broadcast %broadcast_in_dim3A_155 : vector<3200x1xf32> to vector<3200x8xf32>
    %select_n3A_157 = arith.select %eq3A_148, %broadcast_in_dim3A_156, %select_n3A_154 : vector<3200x8xi1>, vector<3200x8xf32>
    %broadcast_in_dim3A_158 = vector.shape_cast %add3A_132 : vector<3200x1xf32> to vector<3200x1xf32>
    %broadcast_in_dim3A_159 = vector.broadcast %broadcast_in_dim3A_158 : vector<3200x1xf32> to vector<3200x8xf32>
    %select_n3A_160 = arith.select %eq3A_145, %broadcast_in_dim3A_159, %select_n3A_157 : vector<3200x8xi1>, vector<3200x8xf32>
    %swap3A_161 = arith.constant 0 : index
    %swap3A_162 = arith.constant 0 : index
    %swap3A_163 = vector.load %arg14[%swap3A_161, %swap3A_162] : memref<3200x8xf32, #tpu.memory_space<vmem>>, vector<3200x8xf32>
    tpu.vector_store %arg14[%swap3A_161, %swap3A_162], %select_n3A_160 {strides = array<i32>} : memref<3200x8xf32, #tpu.memory_space<vmem>>, vector<3200x8xf32>,
    return
  }
  func.func @transform_0(%arg0: i32) -> (i32, i32) {
    %c0_i32 = arith.constant 0 : i32
    %c0_i32_0 = arith.constant 0 : i32
    return %arg0, %c0_i32 : i32, i32
  }
  func.func @transform_1(%arg0: i32) -> (i32, i32) {
    %c0_i32 = arith.constant 0 : i32
    %c0_i32_0 = arith.constant 0 : i32
    return %arg0, %c0_i32 : i32, i32
  }
  func.func @transform_2(%arg0: i32) -> (i32, i32) {
    %c0_i32 = arith.constant 0 : i32
    %c0_i32_0 = arith.constant 0 : i32
    return %arg0, %c0_i32 : i32, i32
  }
  func.func @transform_3(%arg0: i32) -> (i32, i32) {
    %c0_i32 = arith.constant 0 : i32
    %c0_i32_0 = arith.constant 0 : i32
    return %arg0, %c0_i32 : i32, i32
  }
  func.func @transform_4(%arg0: i32) -> (i32, i32) {
    %c0_i32 = arith.constant 0 : i32
    %c0_i32_0 = arith.constant 0 : i32
    %c0_i32_1 = arith.constant 0 : i32
    return %c0_i32, %c0_i32_0 : i32, i32
  }
  func.func @transform_5(%arg0: i32) -> (i32, i32) {
    %c0_i32 = arith.constant 0 : i32
    %c0_i32_0 = arith.constant 0 : i32
    %c0_i32_1 = arith.constant 0 : i32
    return %c0_i32, %c0_i32_0 : i32, i32
  }
  func.func @transform_6(%arg0: i32) -> (i32, i32) {
    %c0_i32 = arith.constant 0 : i32
    %c0_i32_0 = arith.constant 0 : i32
    %c0_i32_1 = arith.constant 0 : i32
    return %c0_i32, %c0_i32_0 : i32, i32
  }
  func.func @transform_7(%arg0: i32) -> (i32, i32) {
    %c0_i32 = arith.constant 0 : i32
    %c0_i32_0 = arith.constant 0 : i32
    %c0_i32_1 = arith.constant 0 : i32
    return %c0_i32, %c0_i32_0 : i32, i32
  }
  func.func @transform_8(%arg0: i32) -> (i32, i32) {
    %c0_i32 = arith.constant 0 : i32
    %c0_i32_0 = arith.constant 0 : i32
    %c0_i32_1 = arith.constant 0 : i32
    return %c0_i32, %c0_i32_0 : i32, i32
  }
  func.func @transform_9(%arg0: i32) -> (i32, i32) {
    %c0_i32 = arith.constant 0 : i32
    %c0_i32_0 = arith.constant 0 : i32
    %c0_i32_1 = arith.constant 0 : i32
    return %c0_i32, %c0_i32_0 : i32, i32
  }
  func.func @transform_10(%arg0: i32) -> (i32, i32) {
    %c0_i32 = arith.constant 0 : i32
    %c0_i32_0 = arith.constant 0 : i32
    %c0_i32_1 = arith.constant 0 : i32
    return %c0_i32, %c0_i32_0 : i32, i32
  }
  func.func @transform_11(%arg0: i32) -> (i32, i32) {
    %c0_i32 = arith.constant 0 : i32
    %c0_i32_0 = arith.constant 0 : i32
    %c0_i32_1 = arith.constant 0 : i32
    return %c0_i32, %c0_i32_0 : i32, i32
  }
  func.func @transform_12(%arg0: i32) -> (i32, i32) {
    %c0_i32 = arith.constant 0 : i32
    %c0_i32_0 = arith.constant 0 : i32
    %c0_i32_1 = arith.constant 0 : i32
    return %c0_i32, %c0_i32_0 : i32, i32
  }
  func.func @transform_13(%arg0: i32) -> (i32, i32) {
    %c0_i32 = arith.constant 0 : i32
    %c0_i32_0 = arith.constant 0 : i32
    return %arg0, %c0_i32 : i32, i32
  }
  func.func @transform_14(%arg0: i32) -> (i32, i32) {
    %c0_i32 = arith.constant 0 : i32
    %c0_i32_0 = arith.constant 0 : i32
    return %arg0, %c0_i32 : i32, i32
  }
}

</mosaic_0001>

<sc_bundles>
// kernel: kernel.19.cloned.1.call-start
scs
__scs_entry_jumppad:
0x0: {  	(pc) =	sbr.rel $0x88, $3  }
0x1: {  	(tag) =	ssettag $0x0;
	lr =	simm.s32 $0x1  }
0x2: {  	[smem:$0x3F74] =	sst lr;
	_ =	strace $0xD0000000  }
0x3: {  	_ = 	snop  }
0x4: {  	_ = 	snop  }
0x5: {  	_ = 	snop  }
0x6: {  	_ = 	snop  }
0x7: {  	_ = 	snop  }
__scs_overlays_trampoline_lowered:
0x8: {  	[smem:$0x3F83] =	sst s0  }
0x9: {  	[smem:$0x3F84] =	sst s1  }
0xa: {  	[smem:$0x3F85] =	sst s2  }
0xb: {  	[smem:$0x3F86] =	sst s3  }
0xc: {  	[smem:$0x3F87] =	sst s4  }
0xd: {  	[smem:$0x3F88] =	sst s5  }
0xe: {  	[smem:$0x3F89] =	sst s6  }
0xf: {  	[smem:$0x3F8A] =	sst s7  }
0x10: {  	[smem:$0x3F8B] =	sst s8  }
0x11: {  	[smem:$0x3F8C] =	sst s9;
	s0 =	simm.s32 @!p0 $0x0  }
0x12: {  	s1 =	sld [smem:$0x3F72];
	s0 =	simm.s32 @p0 $0x1  }
0x13: {  	[smem:$0x3F8D] =	sst s0;
	s0 =	simm.s32 @!p1 $0x0  }
0x14: {  	s2 =	sld [smem:$0x3F71];
	s0 =	simm.s32 @p1 $0x1  }
0x15: {  	[smem:$0x3F8E] =	sst s0;
	s0 =	simm.s32 @!p2 $0x0  }
0x16: {  	s3 =	sld [smem:$0x3FDB];
	s0 =	simm.s32 @p2 $0x1  }
0x17: {  	s4 =	simm.s32 $0x1BF5;
	[smem:$0x3F90] =	sst s0  }
0x18: {  	s0 =	sld [smem:$0x3F73];
	_ =	swait.ge [sflag:s4], $0x0  }
0x19: {  	s7 =	sld [smem:$0x3F74]  }
0x1a: {  	s8 =	sadd.s32 $0xFFFFE003, lr  }
0x1b: {  	s9 =	sadd.s32 $0xFFFFFEF7, lr;
	s5 =	simm.s32 $0xFFFFFFFF;
	p2 =	slt.u32 s8, $0xFFFFF086  }
0x1c: {  	p1 =	slt.u32 s9, $0xF7A;
	s5 =	simm.s32 @!p2 $0x0  }
0x1d: {  	s5 =	simm.s32 @p1 $0x1;
	p0 =	seq.s32 s7, s2  }
0x1e: {  	s7 =	smul.u32 @!p0 $0xF7A, s2;
	p2 =	seq.s32 @!p0 s5, $0x0  }
0x1f: {  	s9 =	smul.u32 $0xF7A, s1;
	s8 =	simm.s32 @!p0 $0x1BF5;
	p2 =	por !p2, p0  }
0x20: {  	[sflag:s8] =	ssyncset.s32 @!p0 $0xFFFFF086;
	s6 =	sadd.s32 @!p0 s3, s7;
	s7 =	simm.s32 @!p0 $0x108  }
0x21: {  	s3 =	sadd.s32 s3, s9;
	s6 =	sadd.s32 @!p0 $0x88, s6;
	s7 =	simm.s32 @p2 $0x1082  }
0x22: {  	[simem:s7], [sflag:s8] =	dma.local @!p0 [hbm:s6], $0xF7A  }
0x23: {  	s9 =	sor.u32 $0xD0000000, s2;
	s6 =	simm.s32 $0x108;
	_ =	swait.ge @!p0 [sflag:s8], $0x0  }
0x24: {  	s3 =	sadd.s32 $0x88, s3;
	s6 =	simm.s32 @!p1 $0x1082;
	[sflag:s4] =	ssyncset.s32 $0xFFFFF086  }
0x25: {  	[simem:s6], [sflag:s4] =	dma.local [hbm:s3], $0xF7A  }
0x26: {  	[smem:$0x3F74] =	sst s1;
	(tag) =	ssettag s2;
	_ =	strace s9  }
0x27: {  	s1 =	sld [smem:$0x3F84]  }
0x28: {  	s2 =	sld [smem:$0x3F85]  }
0x29: {  	s4 =	sld [smem:$0x3F87]  }
0x2a: {  	p0 =	seq.s32 s5, $0x0;
	s5 =	sld [smem:$0x3F88]  }
0x2b: {  	s6 =	sld [smem:$0x3F89]  }
0x2c: {  	s7 =	sld [smem:$0x3F8A]  }
0x2d: {  	s3 =	simm.s32 $0x108;
	s8 =	sld [smem:$0x3F8B]  }
0x2e: {  	s3 =	simm.s32 @!p0 $0x1082;
	s9 =	sld [smem:$0x3F8C]  }
0x2f: {  	lr =	sadd.s32 s0, s3;
	s0 =	sld [smem:$0x3F83]  }
0x30: {  	s3 =	sld [smem:$0x3F86]  }
0x31: {  	[smem:$0x3F8F] =	sst s10  }
0x32: {  	s10 =	sld [smem:$0x3F8D];
	_ =	sdelay $0x3  }
0x33: {  	p0 =	seq.s32 s10, $0x1;
	s10 =	sld [smem:$0x3F8F];
	_ =	sdelay $0x3  }
0x34: {  	[smem:$0x3F8F] =	sst s10  }
0x35: {  	s10 =	sld [smem:$0x3F8E];
	_ =	sdelay $0x3  }
0x36: {  	p1 =	seq.s32 s10, $0x1;
	s10 =	sld [smem:$0x3F8F];
	_ =	sdelay $0x3  }
0x37: {  	[smem:$0x3F8F] =	sst s10  }
0x38: {  	s10 =	sld [smem:$0x3F90]  }
0x39: {  	_ = 	snop;
	(pc) =	sbr.ind lr, $3  }
0x3a: {  	_ = 	snop  }
0x3b: {  	_ = 	snop  }
0x3c: {  	p2 =	seq.s32 s10, $0x1;
	s10 =	sld [smem:$0x3F8F]  }
0x3d: {  	_ =	shalt  }
0x3e: {  	_ =	shalt  }
0x3f: {  	_ =	shalt  }
0x40: {  	_ =	shalt  }
0x41: {  	_ =	shalt  }
0x42: {  	_ =	shalt  }
0x43: {  	_ =	shalt  }
0x44: {  	_ =	shalt  }
0x45: {  	_ =	shalt  }
0x46: {  	_ =	shalt  }
0x47: {  	_ =	shalt  }
0x48: {  	_ =	shalt  }
0x49: {  	_ =	shalt  }
0x4a: {  	_ =	shalt  }
0x4b: {  	_ =	shalt  }
0x4c: {  	_ =	shalt  }
0x4d: {  	_ =	shalt  }
0x4e: {  	_ =	shalt  }
0x4f: {  	_ =	shalt  }
0x50: {  	_ =	shalt  }
0x51: {  	_ =	shalt  }
0x52: {  	_ =	shalt  }
0x53: {  	_ =	shalt  }
0x54: {  	_ =	shalt  }
0x55: {  	_ =	shalt  }
0x56: {  	_ =	shalt  }
0x57: {  	_ =	shalt  }
0x58: {  	_ =	shalt  }
0x59: {  	_ =	shalt  }
0x5a: {  	_ =	shalt  }
0x5b: {  	_ =	shalt  }
0x5c: {  	_ =	shalt  }
0x5d: {  	_ =	shalt  }
0x5e: {  	_ =	shalt  }
0x5f: {  	_ =	shalt  }
0x60: {  	_ =	shalt  }
0x61: {  	_ =	shalt  }
0x62: {  	_ =	shalt  }
0x63: {  	_ =	shalt  }
0x64: {  	_ =	shalt  }
0x65: {  	_ =	shalt  }
0x66: {  	_ =	shalt  }
0x67: {  	_ =	shalt  }
0x68: {  	_ =	shalt  }
0x69: {  	_ =	shalt  }
0x6a: {  	_ =	shalt  }
0x6b: {  	_ =	shalt  }
0x6c: {  	_ =	shalt  }
0x6d: {  	_ =	shalt  }
0x6e: {  	_ =	shalt  }
0x6f: {  	_ =	shalt  }
0x70: {  	_ =	shalt  }
0x71: {  	_ =	shalt  }
0x72: {  	_ =	shalt  }
0x73: {  	_ =	shalt  }
0x74: {  	_ =	shalt  }
0x75: {  	_ =	shalt  }
0x76: {  	_ =	shalt  }
0x77: {  	_ =	shalt  }
0x78: {  	_ =	shalt  }
0x79: {  	_ =	shalt  }
0x7a: {  	_ =	shalt  }
0x7b: {  	_ =	shalt  }
0x7c: {  	_ =	shalt  }
0x7d: {  	_ =	shalt  }
0x7e: {  	_ =	shalt  }
0x7f: {  	_ =	shalt  }
0x80: {  	_ =	shalt  }
0x81: {  	_ =	shalt  }
0x82: {  	_ =	shalt  }
0x83: {  	_ =	shalt  }
0x84: {  	_ =	shalt  }
0x85: {  	_ =	shalt  }
0x86: {  	_ =	shalt  }
0x87: {  	_ =	shalt  }
.Lfunc_end0:
.L_simem_size_0:
called_computation_lowered:
.L_overlay_start_0:
0x88: {  	s2 =	sld [smem:$0x3FD9]  }
0x89: {  	s3 =	sld [smem:$0x3FFE];
	_ =	sdelay $0x1  }
0x8a: {  	s1 =	srdreg.scid  }
0x8b: {  	s0 =	sand.u32 $0x1, s1  }
0x8c: {  	s14 =	sshll.u32 s0, $0xA;
	s2 =	sadd.s32 s3, s2  }
0x8d: {  	s2 =	sadd.s32 s2, s14  }
0x8e: {  	[smem:$0x3F9B] =	sst s2  }
0x8f: {  	_ = 	snop  }
0x90: {  	s2 =	sld [smem:$0x3FD0];
	_ =	sdelay $0x2  }
0x91: {  	s15 =	simm.s32 $0xB;
	s4 =	simm.s32 $0x10  }
0x92: {  	[smem:s4], [sflag:s15] =	dma.local [hbm:s2], $0x1  }
0x93: {  	_ =	swait.eq [sflag:s15], $0x1  }
0x94: {  	s16 =	sld [smem:$0x10]  }
0x95: {  	s17 =	sld [smem:$0x11];
	[sflag:s15] =	ssyncset.done $0x0  }
0x96: {  	s5 =	sld [smem:$0x14];
	[sflag:s15] =	ssyncadd.s32 $0xFFFFFFFF  }
0x97: {  	s18 =	sld [smem:$0x15];
	(tm) =	ssettm $0x1  }
0x98: {  	s6 =	sld [smem:$0x3FFB];
	_ =	sdelay $0x3  }
0x99: {  	_ =	strace s6  }
0x9a: {  	s6 =	sld [smem:$0x3FFC];
	_ =	sdelay $0x3  }
0x9b: {  	_ =	strace s6  }
0x9c: {  	s6 =	sld [smem:$0x3FFD];
	_ =	sdelay $0x3  }
0x9d: {  	_ =	strace s6  }
0x9e: {  	_ =	strace $0x8FFFFFFF  }
0x9f: {  	s19 =	sld [smem:$0x3FDB];
	_ =	sdelay $0x1  }
0xa0: {  	s7 =	simm.s32 $_scs_section_size  }
0xa1: {  	s8 =	simm.s32 $_size__tile_overlayer_lowered;
	s9 =	simm.s32 $_tile_overlayer_lowered  }
0xa2: {  	s22 =	simm.s32 $0x1BFF;
	s21 =	sshll.u32 s9, $0x1;
	s6 =	sadd.s32 s7, s19  }
0xa3: {  	s10 =	simm.s32 $0x0;
	s20 =	sshll.u32 s8, $0x1;
	s8 =	sadd.s32 s21, s6  }
0xa4: {  	[timem:s10], [sflag:s22] =	dma.local [hbm:s8], s20  }
0xa5: {  	_ =	swait.ge [sflag:s22], s20  }
0xa6: {  	s7 =	ssub.s32 $0x0, s20;
	[sflag:s22] =	ssyncset.done $0x0  }
0xa7: {  	[sflag:s22] =	ssyncadd.s32 s7;
	_ =	sdelay $0x1  }
0xa8: {  	s23 =	simm.s32 $0x1B8B  }
0xa9: {  	_ =	swait.ge [sflag:s23], $0x1  }
0xaa: {  	[sflag:s23] =	ssyncset.done $0x0  }
0xab: {  	s25 =	simm.s32 $0x1B8E;
	s24 =	sld [smem:$0x3FFE];
	[sflag:s23] =	ssyncadd.s32 $0xFFFFFFFF  }
0xac: {  	s26 =	simm.s32 $execute0_lowered;
	[smem:$0x3FD2] =	sst s25  }
0xad: {  	s8 =	sshll.u32 s26, $0x1;
	_ =	strace $0x80000046;
	[dreg:$0x1] =	wrdreg $0xFFFFFFFF  }
0xae: {  	s28 =	simm.s32 $_size_execute0_lowered;
	s6 =	sadd.s32 s6, s8;
	[dreg:$0x0] =	wrdreg $0x0  }
0xaf: {  	s8 =	sshll.u32 s28, $0x1;
	[dreg:$0x2] =	wrdreg s6  }
0xb0: {  	[dreg:$0x3] =	wrdreg s8  }
0xb1: {  	[dreg:$0x4] =	wrdreg $0xC0  }
0xb2: {  	_ =	task [dreg:s10], $0x5FFFF  }
0xb3: {  	[dreg:$0x1] =	wrdreg $0xFFFFFFFF  }
0xb4: {  	[dreg:$0x0] =	wrdreg $0x60  }
0xb5: {  	[dreg:$0x2] =	wrdreg s16  }
0xb6: {  	[dreg:$0x3] =	wrdreg s17  }
0xb7: {  	[dreg:$0x4] =	wrdreg s24  }
0xb8: {  	[dreg:$0x5] =	wrdreg s18  }
0xb9: {  	[dreg:$0x6] =	wrdreg s5  }
0xba: {  	[dreg:$0x7] =	wrdreg $0x9  }
0xbb: {  	_ =	task.clear_ibuf [dreg:s10], $0x8FFFF;
	_ =	strace $0x90000046  }
0xbc: {  	s29 =	simm.s32 $0x9;
	_ =	strace $0x80000048  }
0xbd: {  	_ =	swait.ge [sflag:s29], $0x1  }
0xbe: {  	[sflag:s29] =	ssyncadd.s32 $0xFFFFFFFF  }
0xbf: {  	_ =	strace $0x90000048  }
0xc0: {  	_ =	sfence  }
0xc1: {  	s30 =	sld [smem:$0x0];
	_ =	sdelay $0x2  }
0xc2: {  	s31 =	sshll.u32 s1, $0xD;
	s1 =	sshrl.u32 s1, $0x2  }
0xc3: {  	s3 =	sand.u32 $0x4000, s31;
	s1 =	sadd.s32 s1, s30  }
0xc4: {  	s0 =	sor.u32 s3, s0;
	s1 =	sshll.u32 s1, $0x11  }
0xc5: {  	s0 =	sor.u32 s1, s0  }
0xc6: {  	s0 =	sadd.s32 $0x8F2B, s0  }
0xc7: {  	[sflag:s0] =	ssyncadd.remote.s32 $0x1  }
0xc8: {  	_ =	sfence.sel $0xFFFF  }
0xc9: {  	[dreg:$0x0] =	wrdreg $0xFFFFFFFF;
	(pc) =	sbr.abs _section_cstart, $3  }
0xca: {  	[dreg:$0x1] =	wrdreg $0xFFFFFFFF  }
0xcb: {  	_ =	task.clear_ibuf [dreg:s10], $0x2FFFF;
	_ =	strace $0x9FFFFFFF  }
0xcc: {  	(tm) =	ssettm $0x7FFFFFFF  }
0xcd: {  	_ =	shalt  }
tec
execute0_lowered:
.L_overlay_start_1:
0x0: {  	(tag) =	ssettag $0x1  }
0x1: {  	s0 =	rddreg [dreg:$0x0]  }
0x2: {  	s9 =	rddreg [dreg:$0x1]  }
0x3: {  	s5 =	rddreg [dreg:$0x2]  }
0x4: {  	s8 =	rddreg [dreg:$0x3];
	s2 =	stileid.u32  }
0x5: {  	s1 =	srdreg.scid;
	s10 =	smul.u32 $0x30D40, s2  }
0x6: {  	s6 =	rddreg [dreg:$0x4];
	s26 =	smul.u32 $0xC350, s2  }
0x7: {  	s3 =	simm.s32 $0x0;
	s4 =	sand.u32 $0x1, s1;
	s28 =	smul.u32 $0x186A0, s2  }
0x8: {  	s15 =	simm.s32 $0x2;
	s16 =	simm.s32 $0x0;
	s7 =	smul.u32 $0x30D400, s4  }
0x9: {  	s1 =	rddreg [dreg:$0x5];
	s11 =	ssub.s32 $0x2, s4;
	s12 =	smul.u32 $0x186A00, s4  }
0xa: {  	[smem:$0x7FF] =	sst s3;
	s14 =	smul.u32 $0xC3500, s4;
	s13 =	sshrl.u32 s11, $0x1  }
0xb: {  	_ =	strace $0x80000047;
	s4 =	sadd.s32 $0x18F000, s5;
	s11 =	ssub.s32 s11, s13  }
0xc: {  	s7 =	sadd.s32 s7, s5;
	s29 =	sadd.s32 s12, s6;
	s30 =	sadd.s32 s26, s14  }
0xd: {  	s12 =	simm.s32 $0x7D0;
	s13 =	simm.s32 $0x8CA0;
	s14 =	simm.s32 $0x1  }
0xe: {  	s5 =	smax.u32 s11, $0x1;
	s7 =	sadd.s32 s10, s7;
	s31 =	sshrl.u32 s30, $0x3  }
0xf: {  	s10 =	simm.s32 $0x3;
	s11 =	simm.s32 $0x84D0;
	s6 =	sadd.s32 $0xC3D800, s7  }
0x10: {  	s7 =	sadd.s32 s28, s29;
	s8 =	sadd.s32 s31, s8;
	s9 =	sadd.s32 s31, s9  }
.LBB2_1:
0x11: {  	s17 =	sadd.s32 $0x0, s9  }
0x12: {  	[tilespmem:s3], [sflag:$0x3] =	stream.linear.gather [hbm4b:s17+s3], $0x7D0, $0x38;
	[tilespmem:$0x186A0] =	vst v63  }
0x13: {  	_ =	swait.ge [sflag:s10], $0x7D0  }
0x14: {  	[sflag:s10] =	ssyncset.done $0x0  }
0x15: {  	s31 =	sadd.s32 $0x0, s8;
	[sflag:s10] =	ssyncadd.s32 $0xFFFFF830  }
0x16: {  	[tilespmem:s11], [sflag:$0x3] =	stream.linear.gather [hbm4b:s31+s3], $0x7D0, $0x38;
	[tilespmem:$0x186A0] =	vst v63  }
0x17: {  	_ =	swait.ge [sflag:s10], $0x7D0  }
0x18: {  	[sflag:s10] =	ssyncset.done $0x0  }
0x19: {  	[sflag:s10] =	ssyncadd.s32 $0xFFFFF830  }
0x1a: {  	[tilespmem:s12], [sflag:$0x1] =	stream.indirect.gather [hbm4b:s0+s12], $0x10, s3, s12, $0xb8;
	[tilespmem:$0x186A0] =	vst v63  }
0x1b: {  	_ = 	snop  }
0x1c: {  	[tilespmem:s13], [sflag:$0x2] =	stream.indirect.gather [hbm4b:s4+s12], $0x20, s11, s12, $0xb8;
	[tilespmem:$0x186A0] =	vst v63  }
0x1d: {  	_ =	swait.ge [sflag:s14], $0x7D00  }
0x1e: {  	[sflag:s14] =	ssyncset.done $0x0  }
0x1f: {  	[sflag:s14] =	ssyncadd.s32 $0xFFFF8300  }
0x20: {  	_ =	swait.ge [sflag:s15], $0xFA00  }
0x21: {  	[sflag:s15] =	ssyncset.done $0x0  }
0x22: {  	[sflag:s15] =	ssyncadd.s32 $0xFFFF0600  }
0x23: {  	[hbm4b:s7+s3] =	stream.linear.scatter [tilespmem:s12], [sflag:$0x3], $0x7D00, $0x38;
	[tilespmem:$0x186A0] =	vst v63  }
0x24: {  	_ =	swait.ge [sflag:s10], $0x7D00  }
0x25: {  	[sflag:s10] =	ssyncset.done $0x0  }
0x26: {  	[sflag:s10] =	ssyncadd.s32 $0xFFFF8300  }
0x27: {  	[hbm4b:s6+s3] =	stream.linear.scatter [tilespmem:s13], [sflag:$0x3], $0xFA00, $0x38;
	[tilespmem:$0x186A0] =	vst v63  }
0x28: {  	s19 =	simm.s32 $0xFA;
	s20 =	simm.s32 $0x1F4;
	_ =	swait.ge [sflag:s10], $0xFA00  }
0x29: {  	s18 =	sadd.s32 $0xFA0, s7;
	s17 =	sadd.s32 $0x1F40, s6;
	[sflag:s10] =	ssyncset.done $0x0  }
.LBB2_2:
0x2a: {  	s21 =	sadd.s32 s19, s9  }
0x2b: {  	[sflag:s10] =	ssyncadd.s32 $0xFFFF0600;
	s22 =	smov.u32 s20;
	s23 =	sadd.s32 $0xFA, s20  }
0x2c: {  	[tilespmem:s3], [sflag:$0x3] =	stream.linear.gather [hbm4b:s21+s3], $0x7D0, $0x38;
	[tilespmem:$0x186A0] =	vst v63  }
0x2d: {  	p0 =	sne.s32 s20, $0x1770;
	_ =	swait.ge [sflag:s10], $0x7D0  }
0x2e: {  	[sflag:s10] =	ssyncset.done $0x0  }
0x2f: {  	s20 =	sadd.s32 s19, s8;
	s19 =	smov.u32 s22;
	[sflag:s10] =	ssyncadd.s32 $0xFFFFF830  }
0x30: {  	[tilespmem:s11], [sflag:$0x3] =	stream.linear.gather [hbm4b:s20+s3], $0x7D0, $0x38;
	[tilespmem:$0x186A0] =	vst v63  }
0x31: {  	_ =	swait.ge [sflag:s10], $0x7D0  }
0x32: {  	[sflag:s10] =	ssyncset.done $0x0  }
0x33: {  	[sflag:s10] =	ssyncadd.s32 $0xFFFFF830  }
0x34: {  	[tilespmem:s12], [sflag:$0x1] =	stream.indirect.gather [hbm4b:s0+s12], $0x10, s3, s12, $0xb8;
	[tilespmem:$0x186A0] =	vst v63  }
0x35: {  	_ = 	snop  }
0x36: {  	[tilespmem:s13], [sflag:$0x2] =	stream.indirect.gather [hbm4b:s4+s12], $0x20, s11, s12, $0xb8;
	[tilespmem:$0x186A0] =	vst v63  }
0x37: {  	_ =	swait.ge [sflag:s14], $0x7D00  }
0x38: {  	[sflag:s14] =	ssyncset.done $0x0  }
0x39: {  	[sflag:s14] =	ssyncadd.s32 $0xFFFF8300  }
0x3a: {  	_ =	swait.ge [sflag:s15], $0xFA00  }
0x3b: {  	[sflag:s15] =	ssyncset.done $0x0  }
0x3c: {  	[sflag:s15] =	ssyncadd.s32 $0xFFFF0600  }
0x3d: {  	[hbm4b:s18+s3] =	stream.linear.scatter [tilespmem:s12], [sflag:$0x3], $0x7D00, $0x38;
	[tilespmem:$0x186A0] =	vst v63  }
0x3e: {  	_ =	swait.ge [sflag:s10], $0x7D00  }
.Ltmp0:
0x3f: {  	[sflag:s10] =	ssyncset.done $0x0;
	(pc) =	sbr.rel @p0 .LBB2_2-.Ltmp0, $4  }
0x40: {  	[sflag:s10] =	ssyncadd.s32 $0xFFFF8300  }
0x41: {  	[hbm4b:s17+s3] =	stream.linear.scatter [tilespmem:s13], [sflag:$0x3], $0xFA00, $0x38;
	[tilespmem:$0x186A0] =	vst v63  }
0x42: {  	s20 =	smov.u32 s23;
	_ =	swait.ge [sflag:s10], $0xFA00  }
0x43: {  	s18 =	sadd.s32 $0xFA0, s18;
	s17 =	sadd.s32 $0x1F40, s17;
	[sflag:s10] =	ssyncset.done $0x0  }
0x44: {  	s20 =	sadd.s32 s19, s9;
	[sflag:s10] =	ssyncadd.s32 $0xFFFF0600  }
0x45: {  	[tilespmem:s3], [sflag:$0x3] =	stream.linear.gather [hbm4b:s20+s3], $0x7D0, $0x38;
	[tilespmem:$0x186A0] =	vst v63  }
0x46: {  	_ =	swait.ge [sflag:s10], $0x7D0  }
0x47: {  	[sflag:s10] =	ssyncset.done $0x0  }
0x48: {  	s31 =	sadd.s32 s19, s8;
	[sflag:s10] =	ssyncadd.s32 $0xFFFFF830  }
0x49: {  	[tilespmem:s11], [sflag:$0x3] =	stream.linear.gather [hbm4b:s31+s3], $0x7D0, $0x38;
	[tilespmem:$0x186A0] =	vst v63  }
0x4a: {  	_ =	swait.ge [sflag:s10], $0x7D0  }
0x4b: {  	[sflag:s10] =	ssyncset.done $0x0  }
0x4c: {  	[sflag:s10] =	ssyncadd.s32 $0xFFFFF830  }
0x4d: {  	[tilespmem:s12], [sflag:$0x1] =	stream.indirect.gather [hbm4b:s0+s12], $0x10, s3, s12, $0xb8;
	[tilespmem:$0x186A0] =	vst v63  }
0x4e: {  	_ = 	snop  }
0x4f: {  	[tilespmem:s13], [sflag:$0x2] =	stream.indirect.gather [hbm4b:s4+s12], $0x20, s11, s12, $0xb8;
	[tilespmem:$0x186A0] =	vst v63  }
0x50: {  	_ =	swait.ge [sflag:s14], $0x7D00  }
0x51: {  	[sflag:s14] =	ssyncset.done $0x0  }
0x52: {  	[sflag:s14] =	ssyncadd.s32 $0xFFFF8300  }
0x53: {  	_ =	swait.ge [sflag:s15], $0xFA00  }
0x54: {  	[sflag:s15] =	ssyncset.done $0x0  }
0x55: {  	[sflag:s15] =	ssyncadd.s32 $0xFFFF0600  }
0x56: {  	[hbm4b:s18+s3] =	stream.linear.scatter [tilespmem:s12], [sflag:$0x3], $0x7D00, $0x38;
	[tilespmem:$0x186A0] =	vst v63  }
0x57: {  	s16 =	sadd.s32 $0x1, s16;
	_ =	swait.ge [sflag:s10], $0x7D00  }
0x58: {  	p0 =	sne.s32 s16, s5;
	[sflag:s10] =	ssyncset.done $0x0  }
.Ltmp1:
0x59: {  	[sflag:s10] =	ssyncadd.s32 $0xFFFF8300;
	(pc) =	sbr.rel @p0 .LBB2_1-.Ltmp1, $4  }
0x5a: {  	[hbm4b:s17+s3] =	stream.linear.scatter [tilespmem:s13], [sflag:$0x3], $0xFA00, $0x38;
	[tilespmem:$0x186A0] =	vst v63  }
0x5b: {  	_ =	swait.ge [sflag:s10], $0xFA00  }
0x5c: {  	[sflag:s10] =	ssyncset.done $0x0  }
0x5d: {  	[sflag:s10] =	ssyncadd.s32 $0xFFFF0600  }
0x5e: {  	_ =	sfence.sel $0x180000  }
0x5f: {  	[bflag:$0x0] =	sbarrier.arrive $0xFFFF  }
0x60: {  	p0 =	sne.s32 s2, $0x0;
	_ =	strace $0x90000047  }
0x61: {  	s0 =	sadd.s32 @!p0 $0x100000, s1;
	[bflag:$0x2] =	sbarrier.arrive $0xFFFF  }
0x62: {  	[sflag:s0] =	ssyncadd.tile.s32 @!p0 $0x1;
	_ =	shalt  }
.Lfunc_end2:
_tile_overlayer_lowered:
.L_overlay_start_2:
0x63: {  	(tag) =	ssettag $0x2  }
0x64: {  	s0 =	rddreg [dreg:$0x0];
	s2 =	stileid.u32  }
0x65: {  	s1 =	rddreg [dreg:$0x1];
	p0 =	sne.s32 s2, $0x0  }
0x66: {  	s3 =	rddreg [dreg:$0x2];
	[bflag:$0x3] =	sbarrier.arrive $0xFFFF;
	s2 =	simm.s32 @!p0 $0x1C03  }
0x67: {  	[timem:s3], [sflag:s2] =	dma.local @!p0 [hbm:s0], s1  }
0x68: {  	s0 =	simm.s32 @!p0 $0x3  }
0x69: {  	_ =	swait.ge @!p0 [sflag:s0], s1  }
0x6a: {  	s1 =	ssub.s32 @!p0 $0x0, s1;
	[sflag:s0] =	ssyncset.done @!p0 $0x0  }
0x6b: {  	[sflag:s0] =	ssyncadd.s32 @!p0 s1  }
0x6c: {  	[bflag:$0x3] =	sbarrier.arrive $0xFFFF  }
0x6d: {  	_ =	shalt  }

// kernel: kernel.22.cloned.1.call-start
scs
__scs_entry_jumppad:
0x0: {  	(pc) =	sbr.rel $0x88, $3  }
0x1: {  	(tag) =	ssettag $0x0;
	lr =	simm.s32 $0x1  }
0x2: {  	[smem:$0x3F74] =	sst lr;
	_ =	strace $0xD0000000  }
0x3: {  	_ = 	snop  }
0x4: {  	_ = 	snop  }
0x5: {  	_ = 	snop  }
0x6: {  	_ = 	snop  }
0x7: {  	_ = 	snop  }
__scs_overlays_trampoline_lowered:
0x8: {  	[smem:$0x3F83] =	sst s0  }
0x9: {  	[smem:$0x3F84] =	sst s1  }
0xa: {  	[smem:$0x3F85] =	sst s2  }
0xb: {  	[smem:$0x3F86] =	sst s3  }
0xc: {  	[smem:$0x3F87] =	sst s4  }
0xd: {  	[smem:$0x3F88] =	sst s5  }
0xe: {  	[smem:$0x3F89] =	sst s6  }
0xf: {  	[smem:$0x3F8A] =	sst s7  }
0x10: {  	[smem:$0x3F8B] =	sst s8  }
0x11: {  	[smem:$0x3F8C] =	sst s9;
	s0 =	simm.s32 @!p0 $0x0  }
0x12: {  	s1 =	sld [smem:$0x3F72];
	s0 =	simm.s32 @p0 $0x1  }
0x13: {  	[smem:$0x3F8D] =	sst s0;
	s0 =	simm.s32 @!p1 $0x0  }
0x14: {  	s2 =	sld [smem:$0x3F71];
	s0 =	simm.s32 @p1 $0x1  }
0x15: {  	[smem:$0x3F8E] =	sst s0;
	s0 =	simm.s32 @!p2 $0x0  }
0x16: {  	s3 =	sld [smem:$0x3FDB];
	s0 =	simm.s32 @p2 $0x1  }
0x17: {  	s4 =	simm.s32 $0x1BF5;
	[smem:$0x3F90] =	sst s0  }
0x18: {  	s0 =	sld [smem:$0x3F73];
	_ =	swait.ge [sflag:s4], $0x0  }
0x19: {  	s7 =	sld [smem:$0x3F74]  }
0x1a: {  	s8 =	sadd.s32 $0xFFFFE003, lr  }
0x1b: {  	s9 =	sadd.s32 $0xFFFFFEF7, lr;
	s5 =	simm.s32 $0xFFFFFFFF;
	p2 =	slt.u32 s8, $0xFFFFF086  }
0x1c: {  	p1 =	slt.u32 s9, $0xF7A;
	s5 =	simm.s32 @!p2 $0x0  }
0x1d: {  	s5 =	simm.s32 @p1 $0x1;
	p0 =	seq.s32 s7, s2  }
0x1e: {  	s7 =	smul.u32 @!p0 $0xF7A, s2;
	p2 =	seq.s32 @!p0 s5, $0x0  }
0x1f: {  	s9 =	smul.u32 $0xF7A, s1;
	s8 =	simm.s32 @!p0 $0x1BF5;
	p2 =	por !p2, p0  }
0x20: {  	[sflag:s8] =	ssyncset.s32 @!p0 $0xFFFFF086;
	s6 =	sadd.s32 @!p0 s3, s7;
	s7 =	simm.s32 @!p0 $0x108  }
0x21: {  	s3 =	sadd.s32 s3, s9;
	s6 =	sadd.s32 @!p0 $0x88, s6;
	s7 =	simm.s32 @p2 $0x1082  }
0x22: {  	[simem:s7], [sflag:s8] =	dma.local @!p0 [hbm:s6], $0xF7A  }
0x23: {  	s9 =	sor.u32 $0xD0000000, s2;
	s6 =	simm.s32 $0x108;
	_ =	swait.ge @!p0 [sflag:s8], $0x0  }
0x24: {  	s3 =	sadd.s32 $0x88, s3;
	s6 =	simm.s32 @!p1 $0x1082;
	[sflag:s4] =	ssyncset.s32 $0xFFFFF086  }
0x25: {  	[simem:s6], [sflag:s4] =	dma.local [hbm:s3], $0xF7A  }
0x26: {  	[smem:$0x3F74] =	sst s1;
	(tag) =	ssettag s2;
	_ =	strace s9  }
0x27: {  	s1 =	sld [smem:$0x3F84]  }
0x28: {  	s2 =	sld [smem:$0x3F85]  }
0x29: {  	s4 =	sld [smem:$0x3F87]  }
0x2a: {  	p0 =	seq.s32 s5, $0x0;
	s5 =	sld [smem:$0x3F88]  }
0x2b: {  	s6 =	sld [smem:$0x3F89]  }
0x2c: {  	s7 =	sld [smem:$0x3F8A]  }
0x2d: {  	s3 =	simm.s32 $0x108;
	s8 =	sld [smem:$0x3F8B]  }
0x2e: {  	s3 =	simm.s32 @!p0 $0x1082;
	s9 =	sld [smem:$0x3F8C]  }
0x2f: {  	lr =	sadd.s32 s0, s3;
	s0 =	sld [smem:$0x3F83]  }
0x30: {  	s3 =	sld [smem:$0x3F86]  }
0x31: {  	[smem:$0x3F8F] =	sst s10  }
0x32: {  	s10 =	sld [smem:$0x3F8D];
	_ =	sdelay $0x3  }
0x33: {  	p0 =	seq.s32 s10, $0x1;
	s10 =	sld [smem:$0x3F8F];
	_ =	sdelay $0x3  }
0x34: {  	[smem:$0x3F8F] =	sst s10  }
0x35: {  	s10 =	sld [smem:$0x3F8E];
	_ =	sdelay $0x3  }
0x36: {  	p1 =	seq.s32 s10, $0x1;
	s10 =	sld [smem:$0x3F8F];
	_ =	sdelay $0x3  }
0x37: {  	[smem:$0x3F8F] =	sst s10  }
0x38: {  	s10 =	sld [smem:$0x3F90]  }
0x39: {  	_ = 	snop;
	(pc) =	sbr.ind lr, $3  }
0x3a: {  	_ = 	snop  }
0x3b: {  	_ = 	snop  }
0x3c: {  	p2 =	seq.s32 s10, $0x1;
	s10 =	sld [smem:$0x3F8F]  }
0x3d: {  	_ =	shalt  }
0x3e: {  	_ =	shalt  }
0x3f: {  	_ =	shalt  }
0x40: {  	_ =	shalt  }
0x41: {  	_ =	shalt  }
0x42: {  	_ =	shalt  }
0x43: {  	_ =	shalt  }
0x44: {  	_ =	shalt  }
0x45: {  	_ =	shalt  }
0x46: {  	_ =	shalt  }
0x47: {  	_ =	shalt  }
0x48: {  	_ =	shalt  }
0x49: {  	_ =	shalt  }
0x4a: {  	_ =	shalt  }
0x4b: {  	_ =	shalt  }
0x4c: {  	_ =	shalt  }
0x4d: {  	_ =	shalt  }
0x4e: {  	_ =	shalt  }
0x4f: {  	_ =	shalt  }
0x50: {  	_ =	shalt  }
0x51: {  	_ =	shalt  }
0x52: {  	_ =	shalt  }
0x53: {  	_ =	shalt  }
0x54: {  	_ =	shalt  }
0x55: {  	_ =	shalt  }
0x56: {  	_ =	shalt  }
0x57: {  	_ =	shalt  }
0x58: {  	_ =	shalt  }
0x59: {  	_ =	shalt  }
0x5a: {  	_ =	shalt  }
0x5b: {  	_ =	shalt  }
0x5c: {  	_ =	shalt  }
0x5d: {  	_ =	shalt  }
0x5e: {  	_ =	shalt  }
0x5f: {  	_ =	shalt  }
0x60: {  	_ =	shalt  }
0x61: {  	_ =	shalt  }
0x62: {  	_ =	shalt  }
0x63: {  	_ =	shalt  }
0x64: {  	_ =	shalt  }
0x65: {  	_ =	shalt  }
0x66: {  	_ =	shalt  }
0x67: {  	_ =	shalt  }
0x68: {  	_ =	shalt  }
0x69: {  	_ =	shalt  }
0x6a: {  	_ =	shalt  }
0x6b: {  	_ =	shalt  }
0x6c: {  	_ =	shalt  }
0x6d: {  	_ =	shalt  }
0x6e: {  	_ =	shalt  }
0x6f: {  	_ =	shalt  }
0x70: {  	_ =	shalt  }
0x71: {  	_ =	shalt  }
0x72: {  	_ =	shalt  }
0x73: {  	_ =	shalt  }
0x74: {  	_ =	shalt  }
0x75: {  	_ =	shalt  }
0x76: {  	_ =	shalt  }
0x77: {  	_ =	shalt  }
0x78: {  	_ =	shalt  }
0x79: {  	_ =	shalt  }
0x7a: {  	_ =	shalt  }
0x7b: {  	_ =	shalt  }
0x7c: {  	_ =	shalt  }
0x7d: {  	_ =	shalt  }
0x7e: {  	_ =	shalt  }
0x7f: {  	_ =	shalt  }
0x80: {  	_ =	shalt  }
0x81: {  	_ =	shalt  }
0x82: {  	_ =	shalt  }
0x83: {  	_ =	shalt  }
0x84: {  	_ =	shalt  }
0x85: {  	_ =	shalt  }
0x86: {  	_ =	shalt  }
0x87: {  	_ =	shalt  }
.Lfunc_end0:
.L_simem_size_0:
called_computation.1_lowered:
.L_overlay_start_0:
0x88: {  	s2 =	sld [smem:$0x3FD9]  }
0x89: {  	s3 =	sld [smem:$0x3FFE];
	_ =	sdelay $0x1  }
0x8a: {  	s1 =	srdreg.scid  }
0x8b: {  	s0 =	sand.u32 $0x1, s1  }
0x8c: {  	s14 =	sshll.u32 s0, $0xA;
	s2 =	sadd.s32 s3, s2  }
0x8d: {  	s2 =	sadd.s32 s2, s14  }
0x8e: {  	[smem:$0x3F9B] =	sst s2  }
0x8f: {  	_ = 	snop  }
0x90: {  	s2 =	sld [smem:$0x3FD0];
	_ =	sdelay $0x2  }
0x91: {  	s15 =	simm.s32 $0xB;
	s4 =	simm.s32 $0x10  }
0x92: {  	[smem:s4], [sflag:s15] =	dma.local [hbm:s2], $0x1  }
0x93: {  	_ =	swait.eq [sflag:s15], $0x1  }
0x94: {  	s16 =	sld [smem:$0x11];
	[sflag:s15] =	ssyncset.done $0x0  }
0x95: {  	s17 =	sld [smem:$0x12];
	[sflag:s15] =	ssyncadd.s32 $0xFFFFFFFF  }
0x96: {  	s18 =	sld [smem:$0x14];
	(tm) =	ssettm $0x1  }
0x97: {  	s5 =	sld [smem:$0x3FFB];
	_ =	sdelay $0x3  }
0x98: {  	_ =	strace s5  }
0x99: {  	s5 =	sld [smem:$0x3FFC];
	_ =	sdelay $0x3  }
0x9a: {  	_ =	strace s5  }
0x9b: {  	s5 =	sld [smem:$0x3FFD];
	_ =	sdelay $0x3  }
0x9c: {  	_ =	strace s5  }
0x9d: {  	_ =	strace $0x8FFFFFFF  }
0x9e: {  	s19 =	sld [smem:$0x3FDB];
	_ =	sdelay $0x1  }
0x9f: {  	s6 =	simm.s32 $_scs_section_size  }
0xa0: {  	s7 =	simm.s32 $_size__tile_overlayer_lowered;
	s8 =	simm.s32 $_tile_overlayer_lowered  }
0xa1: {  	s22 =	simm.s32 $0x1BFF;
	s21 =	sshll.u32 s8, $0x1;
	s5 =	sadd.s32 s6, s19  }
0xa2: {  	s9 =	simm.s32 $0x0;
	s20 =	sshll.u32 s7, $0x1;
	s7 =	sadd.s32 s21, s5  }
0xa3: {  	[timem:s9], [sflag:s22] =	dma.local [hbm:s7], s20  }
0xa4: {  	_ =	swait.ge [sflag:s22], s20  }
0xa5: {  	s6 =	ssub.s32 $0x0, s20;
	[sflag:s22] =	ssyncset.done $0x0  }
0xa6: {  	[sflag:s22] =	ssyncadd.s32 s6;
	_ =	sdelay $0x1  }
0xa7: {  	s23 =	simm.s32 $0x1B8B  }
0xa8: {  	_ =	swait.ge [sflag:s23], $0x1  }
0xa9: {  	[sflag:s23] =	ssyncset.done $0x0  }
0xaa: {  	s25 =	simm.s32 $0x1B8E;
	s24 =	sld [smem:$0x3FFE];
	[sflag:s23] =	ssyncadd.s32 $0xFFFFFFFF  }
0xab: {  	s26 =	simm.s32 $execute0_lowered;
	[smem:$0x3FD2] =	sst s25  }
0xac: {  	s7 =	sshll.u32 s26, $0x1;
	_ =	strace $0x80000049;
	[dreg:$0x1] =	wrdreg $0xFFFFFFFF  }
0xad: {  	s28 =	simm.s32 $_size_execute0_lowered;
	s5 =	sadd.s32 s5, s7;
	[dreg:$0x0] =	wrdreg $0x0  }
0xae: {  	s7 =	sshll.u32 s28, $0x1;
	[dreg:$0x2] =	wrdreg s5  }
0xaf: {  	[dreg:$0x3] =	wrdreg s7  }
0xb0: {  	[dreg:$0x4] =	wrdreg $0xC0  }
0xb1: {  	_ =	task [dreg:s9], $0x5FFFF  }
0xb2: {  	[dreg:$0x1] =	wrdreg $0xFFFFFFFF  }
0xb3: {  	[dreg:$0x0] =	wrdreg $0x60  }
0xb4: {  	[dreg:$0x2] =	wrdreg s18  }
0xb5: {  	[dreg:$0x3] =	wrdreg s16  }
0xb6: {  	[dreg:$0x4] =	wrdreg s24  }
0xb7: {  	[dreg:$0x5] =	wrdreg s17  }
0xb8: {  	[dreg:$0x6] =	wrdreg $0x84D00  }
0xb9: {  	[dreg:$0x7] =	wrdreg $0x9  }
0xba: {  	_ =	task.clear_ibuf [dreg:s9], $0x8FFFF;
	_ =	strace $0x90000049  }
0xbb: {  	s29 =	simm.s32 $0x9;
	_ =	strace $0x8000004B  }
0xbc: {  	_ =	swait.ge [sflag:s29], $0x1  }
0xbd: {  	[sflag:s29] =	ssyncadd.s32 $0xFFFFFFFF  }
0xbe: {  	_ =	strace $0x9000004B  }
0xbf: {  	_ =	sfence  }
0xc0: {  	s30 =	sld [smem:$0x0];
	_ =	sdelay $0x2  }
0xc1: {  	s31 =	sshll.u32 s1, $0xD;
	s1 =	sshrl.u32 s1, $0x2  }
0xc2: {  	s3 =	sand.u32 $0x4000, s31;
	s1 =	sadd.s32 s1, s30  }
0xc3: {  	s0 =	sor.u32 s3, s0;
	s1 =	sshll.u32 s1, $0x11  }
0xc4: {  	s0 =	sor.u32 s1, s0  }
0xc5: {  	s0 =	sadd.s32 $0x8F2B, s0  }
0xc6: {  	[sflag:s0] =	ssyncadd.remote.s32 $0x1  }
0xc7: {  	_ =	sfence.sel $0xFFFF  }
0xc8: {  	[dreg:$0x0] =	wrdreg $0xFFFFFFFF;
	(pc) =	sbr.abs _section_cstart, $3  }
0xc9: {  	[dreg:$0x1] =	wrdreg $0xFFFFFFFF  }
0xca: {  	_ =	task.clear_ibuf [dreg:s9], $0x2FFFF;
	_ =	strace $0x9FFFFFFF  }
0xcb: {  	(tm) =	ssettm $0x7FFFFFFF  }
tec
execute0_lowered:
.L_overlay_start_1:
0x0: {  	(tag) =	ssettag $0x1  }
0x1: {  	s1 =	rddreg [dreg:$0x0]  }
0x2: {  	s2 =	rddreg [dreg:$0x1]  }
0x3: {  	s6 =	rddreg [dreg:$0x2]  }
0x4: {  	s9 =	rddreg [dreg:$0x3]  }
0x5: {  	s4 =	rddreg [dreg:$0x4];
	s3 =	stileid.u32  }
0x6: {  	s0 =	rddreg [dreg:$0x5];
	s7 =	smul.u32 $0xC360, s3  }
0x7: {  	s8 =	srdreg.scid;
	s29 =	smul.u32 $0xC35, s3  }
0x8: {  	s5 =	simm.s32 $0x0;
	s8 =	sand.u32 $0x1, s8;
	s30 =	smul.u32 $0x30D40, s3  }
0x9: {  	[smem:$0x7FF] =	sst s5;
	s31 =	sshll.u32 s3, $0x6;
	s13 =	smul.u32 $0xC350, s8  }
0xa: {  	_ =	strace $0x8000004A;
	s11 =	ssub.s32 $0x2, s8;
	s8 =	smul.u32 $0x186A0, s3  }
0xb: {  	s10 =	sshrl.u32 s7, $0x3;
	s28 =	sshrl.u32 s11, $0x1;
	s12 =	sadd.s32 s7, s4  }
0xc: {  	s7 =	sor.u32 $0x1C01, s31;
	s14 =	sshrl.u32 s30, $0x2;
	s6 =	sadd.s32 s10, s6  }
0xd: {  	s11 =	ssub.s32 s11, s28;
	s10 =	sadd.s32 s29, s13;
	s15 =	sadd.s32 s14, s4  }
0xe: {  	v0 =	vmov s13;
	s13 =	simm.s32 $0x7D0;
	s14 =	simm.s32 $0x50;
	s10 =	sshll.u32 s10, $0x1  }
0xf: {  	s6 =	sadd.s32 $0x18F000, s6;
	s15 =	sshrl.u32 s15, $0x3;
	s9 =	sadd.s32 s9, s10  }
0x10: {  	s10 =	smax.u32 s11, $0x1;
	s11 =	sshrl.u32 s12, $0x3;
	s12 =	simm.s32 $0x1  }
.LBB2_1:
0x11: {  	[spmem:s11], [sflag:s7] =	dma.local [hbm:s6], $0x186C  }
0x12: {  	_ =	swait.ge [sflag:s12], $0x186C  }
0x13: {  	[sflag:s12] =	ssyncset.done $0x0  }
0x14: {  	[sflag:s12] =	ssyncadd.s32 $0xFFFFE794  }
0x15: {  	s16 =	simm.s32 $0x0;
	[bflag:$0x0] =	sbarrier.arrive $0xFFFF  }
.LBB2_2:
0x16: {  	s17 =	smul.u32 $0x7D0, s16;
	_ =	sdelay $0x1  }
0x17: {  	s17 =	sadd.s32 s8, s17  }
0x18: {  	s18 =	smulhi.u32 $0xCCCCCCCD, s17;
	_ =	sdelay $0x1  }
0x19: {  	s18 =	sshrl.u32 s18, $0x6  }
0x1a: {  	s18 =	smul.u32 $0x50, s18;
	_ =	sdelay $0x1  }
0x1b: {  	s18 =	sshrl.u32 s18, $0x3  }
0x1c: {  	s19 =	simm.s32 $0x0;
	s18 =	sadd.s32 s2, s18  }
0x1d: {  	[tilespmem:s19], [sflag:$0x1] =	stream.linear.gather [hbm4b:s18+s19], $0x7D0, $0x38;
	[tilespmem:$0x14830] =	vst v63  }
0x1e: {  	s17 =	sshll.u32 s17, $0x1;
	_ =	swait.ge [sflag:s12], $0x7D0  }
0x1f: {  	s17 =	sand.u32 $0x1FFFFFE0, s17;
	[sflag:s12] =	ssyncset.done $0x0  }
0x20: {  	s17 =	sadd.s32 s1, s17;
	[sflag:s12] =	ssyncadd.s32 $0xFFFFF830  }
0x21: {  	[tilespmem:s13], [sflag:$0x1] =	stream.linear.gather [hbm4b:s17+s19], $0x7D00, $0x38;
	[tilespmem:$0x14830] =	vst v63  }
0x22: {  	_ =	swait.ge [sflag:s12], $0x7D00  }
0x23: {  	[sflag:s12] =	ssyncset.done $0x0  }
0x24: {  	s17 =	simm.s32 $0x0;
	[sflag:s12] =	ssyncadd.s32 $0xFFFF8300  }
0x25: {  	v3 =	vld [tilespmem:s17+$0x0]  }
0x26: {  	v4 =	vld [tilespmem:s17+$0x10]  }
0x27: {  	v2 =	vld [tilespmem:s17+$0x20]  }
0x28: {  	s18 =	simm.s32 $0x0;
	s19 =	simm.s32 $0x140;
	v1 =	vld [tilespmem:s17+$0x30]  }
.LBB2_3:
0x29: {  	p0 =	sne.s32 s19, $0x1E00;
	v5 =	vld [tilespmem:s18+$0x40]  }
0x2a: {  	v3 =	vsub.s32 v3, v0  }
0x2b: {  	v3 =	vmin.u32 v3, $0xC350;
	v4 =	vsub.s32 v4, v0  }
.Ltmp0:
0x2c: {  	s20 =	sshra.s32 s19, $0x2;
	[tilespmem:s18+$0x0] =	vst v3;
	v4 =	vmin.u32 v4, $0xC350;
	v2 =	vsub.s32 v2, v0;
	(pc) =	sbr.rel @p0 .LBB2_3-.Ltmp0, $4  }
0x2d: {  	v3 =	vld [tilespmem:s20+$0x0];
	[tilespmem:s18+$0x10] =	vst v4;
	v2 =	vmin.u32 v2, $0xC350;
	v1 =	vsub.s32 v1, v0  }
0x2e: {  	v4 =	vld [tilespmem:s20+$0x10];
	[tilespmem:s18+$0x20] =	vst v2;
	v1 =	vmin.u32 v1, $0xC350;
	v5 =	vsub.s32 v5, v0  }
0x2f: {  	v2 =	vld [tilespmem:s20+$0x20];
	[tilespmem:s18+$0x30] =	vst v1;
	v5 =	vmin.u32 v5, $0xC350  }
0x30: {  	s19 =	sadd.s32 $0x140, s19;
	v1 =	vld [tilespmem:s20+$0x30];
	[tilespmem:s18+$0x40] =	vst v5;
	s18 =	smov.u32 s20  }
0x31: {  	v5 =	vld [tilespmem:s18+$0x40]  }
0x32: {  	v3 =	vsub.s32 v3, v0  }
0x33: {  	v3 =	vmin.u32 v3, $0xC350;
	v4 =	vsub.s32 v4, v0  }
0x34: {  	[tilespmem:s18+$0x0] =	vst v3;
	v3 =	vmin.u32 v4, $0xC350;
	v2 =	vsub.s32 v2, v0  }
0x35: {  	[tilespmem:s18+$0x10] =	vst v3;
	v2 =	vmin.u32 v2, $0xC350;
	v1 =	vsub.s32 v1, v0  }
0x36: {  	[tilespmem:s18+$0x20] =	vst v2;
	v1 =	vmin.u32 v1, $0xC350;
	v2 =	vsub.s32 v5, v0  }
0x37: {  	[tilespmem:s18+$0x30] =	vst v1;
	v1 =	vmin.u32 v2, $0xC350  }
0x38: {  	[tilespmem:s18+$0x40] =	vst v1;
	s18 =	simm.s32 $0x7D0  }
0x39: {  	[spmem:s4] =	stream.indirect.scatter.add.f32 [tilespmem:s18], [sflag:$0x1], $0x10, s17, s14, $0xb8;
	[tilespmem:$0x14830] =	vst v63  }
0x3a: {  	_ =	swait.ge [sflag:s12], $0x500  }
0x3b: {  	s17 =	simm.s32 $0x140;
	[sflag:s12] =	ssyncset.done $0x0  }
.LBB2_5:
0x3c: {  	s19 =	sshra.s32 s17, $0x2  }
0x3d: {  	[sflag:s12] =	ssyncadd.s32 $0xFFFFFB00;
	s18 =	sadd.s32 $0x500, s18;
	p0 =	sne.s32 s17, $0x1E00  }
0x3e: {  	[spmem:s4] =	stream.indirect.scatter.add.f32 [tilespmem:s18], [sflag:$0x1], $0x10, s19, s14, $0xb8;
	[tilespmem:$0x14830] =	vst v63  }
.Ltmp1:
0x3f: {  	_ = 	snop;
	(pc) =	sbr.rel @p0 .LBB2_5-.Ltmp1, $4  }
0x40: {  	_ = 	snop  }
0x41: {  	s17 =	sadd.s32 $0x140, s17  }
0x42: {  	_ =	swait.ge [sflag:s12], $0x500  }
0x43: {  	[sflag:s12] =	ssyncset.done $0x0  }
0x44: {  	s16 =	sadd.s32 $0x1, s16  }
0x45: {  	p0 =	sne.s32 s16, $0x32  }
.Ltmp2:
0x46: {  	_ = 	snop;
	(pc) =	sbr.rel @p0 .LBB2_2-.Ltmp2, $2  }
0x47: {  	_ =	sdelay $0x2  }
0x48: {  	[sflag:s12] =	ssyncadd.s32 $0xFFFFFB00  }
0x49: {  	s5 =	sadd.s32 $0x1, s5  }
0x4a: {  	p0 =	sne.s32 s5, s10  }
.Ltmp3:
0x4b: {  	[bflag:$0x0] =	sbarrier.arrive $0xFFFF;
	(pc) =	sbr.rel @p0 .LBB2_1-.Ltmp3, $4  }
0x4c: {  	[hbm:s9], [sflag:s7] =	dma.local [spmem:s15], $0x186A  }
0x4d: {  	_ =	swait.ge [sflag:s12], $0x186A  }
0x4e: {  	[sflag:s12] =	ssyncset.done $0x0  }
0x4f: {  	[sflag:s12] =	ssyncadd.s32 $0xFFFFE796  }
0x50: {  	_ =	sfence.sel $0x180000  }
0x51: {  	[bflag:$0x0] =	sbarrier.arrive $0xFFFF  }
0x52: {  	p0 =	sne.s32 s3, $0x0;
	_ =	strace $0x9000004A  }
0x53: {  	s0 =	sadd.s32 @!p0 $0x100000, s0;
	[bflag:$0x2] =	sbarrier.arrive $0xFFFF  }
0x54: {  	[sflag:s0] =	ssyncadd.tile.s32 @!p0 $0x1;
	_ =	shalt  }
.Lfunc_end2:
_tile_overlayer_lowered:
.L_overlay_start_2:
0x55: {  	(tag) =	ssettag $0x2  }
0x56: {  	s0 =	rddreg [dreg:$0x0];
	s2 =	stileid.u32  }
0x57: {  	s1 =	rddreg [dreg:$0x1];
	p0 =	sne.s32 s2, $0x0  }
0x58: {  	s3 =	rddreg [dreg:$0x2];
	[bflag:$0x3] =	sbarrier.arrive $0xFFFF;
	s2 =	simm.s32 @!p0 $0x1C01  }
0x59: {  	[timem:s3], [sflag:s2] =	dma.local @!p0 [hbm:s0], s1  }
0x5a: {  	s0 =	simm.s32 @!p0 $0x1  }
0x5b: {  	_ =	swait.ge @!p0 [sflag:s0], s1  }
0x5c: {  	s1 =	ssub.s32 @!p0 $0x0, s1;
	[sflag:s0] =	ssyncset.done @!p0 $0x0  }
0x5d: {  	[sflag:s0] =	ssyncadd.s32 @!p0 s1  }
0x5e: {  	[bflag:$0x3] =	sbarrier.arrive $0xFFFF  }
0x5f: {  	_ =	shalt  }

// kernel: kernel.25.cloned.1.call-start
scs
__scs_entry_jumppad:
0x0: {  	(pc) =	sbr.rel $0x88, $3  }
0x1: {  	(tag) =	ssettag $0x0;
	lr =	simm.s32 $0x1  }
0x2: {  	[smem:$0x3F74] =	sst lr;
	_ =	strace $0xD0000000  }
0x3: {  	_ = 	snop  }
0x4: {  	_ = 	snop  }
0x5: {  	_ = 	snop  }
0x6: {  	_ = 	snop  }
0x7: {  	_ = 	snop  }
__scs_overlays_trampoline_lowered:
0x8: {  	[smem:$0x3F83] =	sst s0  }
0x9: {  	[smem:$0x3F84] =	sst s1  }
0xa: {  	[smem:$0x3F85] =	sst s2  }
0xb: {  	[smem:$0x3F86] =	sst s3  }
0xc: {  	[smem:$0x3F87] =	sst s4  }
0xd: {  	[smem:$0x3F88] =	sst s5  }
0xe: {  	[smem:$0x3F89] =	sst s6  }
0xf: {  	[smem:$0x3F8A] =	sst s7  }
0x10: {  	[smem:$0x3F8B] =	sst s8  }
0x11: {  	[smem:$0x3F8C] =	sst s9;
	s0 =	simm.s32 @!p0 $0x0  }
0x12: {  	s1 =	sld [smem:$0x3F72];
	s0 =	simm.s32 @p0 $0x1  }
0x13: {  	[smem:$0x3F8D] =	sst s0;
	s0 =	simm.s32 @!p1 $0x0  }
0x14: {  	s2 =	sld [smem:$0x3F71];
	s0 =	simm.s32 @p1 $0x1  }
0x15: {  	[smem:$0x3F8E] =	sst s0;
	s0 =	simm.s32 @!p2 $0x0  }
0x16: {  	s3 =	sld [smem:$0x3FDB];
	s0 =	simm.s32 @p2 $0x1  }
0x17: {  	s4 =	simm.s32 $0x1BF5;
	[smem:$0x3F90] =	sst s0  }
0x18: {  	s0 =	sld [smem:$0x3F73];
	_ =	swait.ge [sflag:s4], $0x0  }
0x19: {  	s7 =	sld [smem:$0x3F74]  }
0x1a: {  	s8 =	sadd.s32 $0xFFFFE003, lr  }
0x1b: {  	s9 =	sadd.s32 $0xFFFFFEF7, lr;
	s5 =	simm.s32 $0xFFFFFFFF;
	p2 =	slt.u32 s8, $0xFFFFF086  }
0x1c: {  	p1 =	slt.u32 s9, $0xF7A;
	s5 =	simm.s32 @!p2 $0x0  }
0x1d: {  	s5 =	simm.s32 @p1 $0x1;
	p0 =	seq.s32 s7, s2  }
0x1e: {  	s7 =	smul.u32 @!p0 $0xF7A, s2;
	p2 =	seq.s32 @!p0 s5, $0x0  }
0x1f: {  	s9 =	smul.u32 $0xF7A, s1;
	s8 =	simm.s32 @!p0 $0x1BF5;
	p2 =	por !p2, p0  }
0x20: {  	[sflag:s8] =	ssyncset.s32 @!p0 $0xFFFFF086;
	s6 =	sadd.s32 @!p0 s3, s7;
	s7 =	simm.s32 @!p0 $0x108  }
0x21: {  	s3 =	sadd.s32 s3, s9;
	s6 =	sadd.s32 @!p0 $0x88, s6;
	s7 =	simm.s32 @p2 $0x1082  }
0x22: {  	[simem:s7], [sflag:s8] =	dma.local @!p0 [hbm:s6], $0xF7A  }
0x23: {  	s9 =	sor.u32 $0xD0000000, s2;
	s6 =	simm.s32 $0x108;
	_ =	swait.ge @!p0 [sflag:s8], $0x0  }
0x24: {  	s3 =	sadd.s32 $0x88, s3;
	s6 =	simm.s32 @!p1 $0x1082;
	[sflag:s4] =	ssyncset.s32 $0xFFFFF086  }
0x25: {  	[simem:s6], [sflag:s4] =	dma.local [hbm:s3], $0xF7A  }
0x26: {  	[smem:$0x3F74] =	sst s1;
	(tag) =	ssettag s2;
	_ =	strace s9  }
0x27: {  	s1 =	sld [smem:$0x3F84]  }
0x28: {  	s2 =	sld [smem:$0x3F85]  }
0x29: {  	s4 =	sld [smem:$0x3F87]  }
0x2a: {  	p0 =	seq.s32 s5, $0x0;
	s5 =	sld [smem:$0x3F88]  }
0x2b: {  	s6 =	sld [smem:$0x3F89]  }
0x2c: {  	s7 =	sld [smem:$0x3F8A]  }
0x2d: {  	s3 =	simm.s32 $0x108;
	s8 =	sld [smem:$0x3F8B]  }
0x2e: {  	s3 =	simm.s32 @!p0 $0x1082;
	s9 =	sld [smem:$0x3F8C]  }
0x2f: {  	lr =	sadd.s32 s0, s3;
	s0 =	sld [smem:$0x3F83]  }
0x30: {  	s3 =	sld [smem:$0x3F86]  }
0x31: {  	[smem:$0x3F8F] =	sst s10  }
0x32: {  	s10 =	sld [smem:$0x3F8D];
	_ =	sdelay $0x3  }
0x33: {  	p0 =	seq.s32 s10, $0x1;
	s10 =	sld [smem:$0x3F8F];
	_ =	sdelay $0x3  }
0x34: {  	[smem:$0x3F8F] =	sst s10  }
0x35: {  	s10 =	sld [smem:$0x3F8E];
	_ =	sdelay $0x3  }
0x36: {  	p1 =	seq.s32 s10, $0x1;
	s10 =	sld [smem:$0x3F8F];
	_ =	sdelay $0x3  }
0x37: {  	[smem:$0x3F8F] =	sst s10  }
0x38: {  	s10 =	sld [smem:$0x3F90]  }
0x39: {  	_ = 	snop;
	(pc) =	sbr.ind lr, $3  }
0x3a: {  	_ = 	snop  }
0x3b: {  	_ = 	snop  }
0x3c: {  	p2 =	seq.s32 s10, $0x1;
	s10 =	sld [smem:$0x3F8F]  }
0x3d: {  	_ =	shalt  }
0x3e: {  	_ =	shalt  }
0x3f: {  	_ =	shalt  }
0x40: {  	_ =	shalt  }
0x41: {  	_ =	shalt  }
0x42: {  	_ =	shalt  }
0x43: {  	_ =	shalt  }
0x44: {  	_ =	shalt  }
0x45: {  	_ =	shalt  }
0x46: {  	_ =	shalt  }
0x47: {  	_ =	shalt  }
0x48: {  	_ =	shalt  }
0x49: {  	_ =	shalt  }
0x4a: {  	_ =	shalt  }
0x4b: {  	_ =	shalt  }
0x4c: {  	_ =	shalt  }
0x4d: {  	_ =	shalt  }
0x4e: {  	_ =	shalt  }
0x4f: {  	_ =	shalt  }
0x50: {  	_ =	shalt  }
0x51: {  	_ =	shalt  }
0x52: {  	_ =	shalt  }
0x53: {  	_ =	shalt  }
0x54: {  	_ =	shalt  }
0x55: {  	_ =	shalt  }
0x56: {  	_ =	shalt  }
0x57: {  	_ =	shalt  }
0x58: {  	_ =	shalt  }
0x59: {  	_ =	shalt  }
0x5a: {  	_ =	shalt  }
0x5b: {  	_ =	shalt  }
0x5c: {  	_ =	shalt  }
0x5d: {  	_ =	shalt  }
0x5e: {  	_ =	shalt  }
0x5f: {  	_ =	shalt  }
0x60: {  	_ =	shalt  }
0x61: {  	_ =	shalt  }
0x62: {  	_ =	shalt  }
0x63: {  	_ =	shalt  }
0x64: {  	_ =	shalt  }
0x65: {  	_ =	shalt  }
0x66: {  	_ =	shalt  }
0x67: {  	_ =	shalt  }
0x68: {  	_ =	shalt  }
0x69: {  	_ =	shalt  }
0x6a: {  	_ =	shalt  }
0x6b: {  	_ =	shalt  }
0x6c: {  	_ =	shalt  }
0x6d: {  	_ =	shalt  }
0x6e: {  	_ =	shalt  }
0x6f: {  	_ =	shalt  }
0x70: {  	_ =	shalt  }
0x71: {  	_ =	shalt  }
0x72: {  	_ =	shalt  }
0x73: {  	_ =	shalt  }
0x74: {  	_ =	shalt  }
0x75: {  	_ =	shalt  }
0x76: {  	_ =	shalt  }
0x77: {  	_ =	shalt  }
0x78: {  	_ =	shalt  }
0x79: {  	_ =	shalt  }
0x7a: {  	_ =	shalt  }
0x7b: {  	_ =	shalt  }
0x7c: {  	_ =	shalt  }
0x7d: {  	_ =	shalt  }
0x7e: {  	_ =	shalt  }
0x7f: {  	_ =	shalt  }
0x80: {  	_ =	shalt  }
0x81: {  	_ =	shalt  }
0x82: {  	_ =	shalt  }
0x83: {  	_ =	shalt  }
0x84: {  	_ =	shalt  }
0x85: {  	_ =	shalt  }
0x86: {  	_ =	shalt  }
0x87: {  	_ =	shalt  }
.Lfunc_end0:
.L_simem_size_0:
called_computation.2_lowered:
.L_overlay_start_0:
0x88: {  	s2 =	sld [smem:$0x3FD9]  }
0x89: {  	s3 =	sld [smem:$0x3FFE];
	_ =	sdelay $0x1  }
0x8a: {  	s1 =	srdreg.scid  }
0x8b: {  	s0 =	sand.u32 $0x1, s1  }
0x8c: {  	s15 =	sshll.u32 s0, $0xA;
	s2 =	sadd.s32 s3, s2  }
0x8d: {  	s2 =	sadd.s32 s2, s15  }
0x8e: {  	[smem:$0x3F9B] =	sst s2  }
0x8f: {  	_ = 	snop  }
0x90: {  	s2 =	sld [smem:$0x3FD0];
	_ =	sdelay $0x2  }
0x91: {  	s4 =	simm.s32 $0xB;
	s16 =	simm.s32 $0x10  }
0x92: {  	[smem:s16], [sflag:s4] =	dma.local [hbm:s2], $0x1  }
0x93: {  	_ =	swait.eq [sflag:s4], $0x1  }
0x94: {  	[sflag:s4] =	ssyncset.done $0x0  }
0x95: {  	s17 =	sld [smem:$0x11];
	[sflag:s4] =	ssyncadd.s32 $0xFFFFFFFF  }
0x96: {  	s18 =	sld [smem:$0x13];
	(tm) =	ssettm $0x1  }
0x97: {  	s19 =	sld [smem:$0x3FFB];
	_ =	sdelay $0x3  }
0x98: {  	_ =	strace s19  }
0x99: {  	s2 =	sld [smem:$0x3FFC];
	_ =	sdelay $0x3  }
0x9a: {  	_ =	strace s2  }
0x9b: {  	s2 =	sld [smem:$0x3FFD];
	_ =	sdelay $0x3  }
0x9c: {  	_ =	strace s2  }
0x9d: {  	_ =	strace $0x8FFFFFFF  }
0x9e: {  	s20 =	sld [smem:$0x3FDB];
	_ =	sdelay $0x1  }
0x9f: {  	s5 =	simm.s32 $_scs_section_size  }
0xa0: {  	s6 =	simm.s32 $_size__tile_overlayer_lowered;
	s7 =	simm.s32 $_tile_overlayer_lowered  }
0xa1: {  	s8 =	simm.s32 $0x1BFF;
	s21 =	sshll.u32 s7, $0x1;
	s5 =	sadd.s32 s5, s20  }
0xa2: {  	s22 =	simm.s32 $0x0;
	s6 =	sshll.u32 s6, $0x1;
	s7 =	sadd.s32 s21, s5  }
0xa3: {  	[timem:s22], [sflag:s8] =	dma.local [hbm:s7], s6  }
0xa4: {  	_ =	swait.ge [sflag:s8], s6  }
0xa5: {  	s6 =	ssub.s32 $0x0, s6;
	[sflag:s8] =	ssyncset.done $0x0  }
0xa6: {  	[sflag:s8] =	ssyncadd.s32 s6;
	_ =	sdelay $0x1  }
0xa7: {  	s23 =	simm.s32 $0x1B8B  }
0xa8: {  	_ =	swait.ge [sflag:s23], $0x1  }
0xa9: {  	[sflag:s23] =	ssyncset.done $0x0  }
0xaa: {  	[sflag:s23] =	ssyncadd.s32 $0xFFFFFFFF  }
0xab: {  	s6 =	sld [smem:$0x0]  }
0xac: {  	s7 =	sand.u32 $0xFFFFFFFE, s1  }
0xad: {  	p0 =	sne.s32 s1, s7  }
0xae: {  	s7 =	sshll.u32 @p0 s7, $0xE  }
0xaf: {  	s7 =	sadd.s32 @p0 $0x11B8D, s7;
	s8 =	sshll.u32 @p0 s6, $0x11  }
0xb0: {  	s7 =	sor.u32 @p0 s8, s7  }
0xb1: {  	[sflag:s7] =	ssyncadd.remote.s32 @p0 $0x1;
	_ =	sdelay $0x1  }
0xb2: {  	s7 =	simm.s32 @p0 $0x1B8D  }
0xb3: {  	_ =	swait.eq @p0 [sflag:s7], $0x1  }
0xb4: {  	[sflag:s7] =	ssyncadd.s32 @p0 $0xFFFFFFFF  }
0xb5: {  	s8 =	sshll.u32 @!p0 s1, $0xE  }
0xb6: {  	s8 =	sor.u32 @!p0 $0x4000, s8;
	s7 =	simm.s32 @!p0 $0x1B8D  }
0xb7: {  	s6 =	sshll.u32 @!p0 s6, $0x11;
	s8 =	sadd.s32 @!p0 $0x11B8D, s8;
	_ =	swait.eq @!p0 [sflag:s7], $0x1  }
0xb8: {  	s6 =	sor.u32 @!p0 s6, s8;
	[sflag:s7] =	ssyncadd.s32 @!p0 $0xFFFFFFFF  }
0xb9: {  	s25 =	simm.s32 $0x1B8E;
	s24 =	sld [smem:$0x3FFE];
	[sflag:s6] =	ssyncadd.remote.s32 @!p0 $0x1  }
0xba: {  	s26 =	simm.s32 $execute0_lowered;
	[smem:$0x3FD2] =	sst s25  }
0xbb: {  	s7 =	sshll.u32 s26, $0x1;
	_ =	strace $0x8000004C;
	[dreg:$0x1] =	wrdreg $0xFFFFFFFF  }
0xbc: {  	s28 =	simm.s32 $_size_execute0_lowered;
	s5 =	sadd.s32 s5, s7;
	[dreg:$0x0] =	wrdreg $0x0  }
0xbd: {  	s7 =	sshll.u32 s28, $0x1;
	[dreg:$0x2] =	wrdreg s5  }
0xbe: {  	[dreg:$0x3] =	wrdreg s7  }
0xbf: {  	[dreg:$0x4] =	wrdreg $0xC0  }
0xc0: {  	_ =	task [dreg:s22], $0x5FFFF  }
0xc1: {  	[dreg:$0x1] =	wrdreg $0xFFFFFFFF  }
0xc2: {  	[dreg:$0x0] =	wrdreg $0x60  }
0xc3: {  	[dreg:$0x2] =	wrdreg s24  }
0xc4: {  	[dreg:$0x3] =	wrdreg s17  }
0xc5: {  	[dreg:$0x4] =	wrdreg s18  }
0xc6: {  	[dreg:$0x5] =	wrdreg $0x84D00  }
0xc7: {  	[dreg:$0x6] =	wrdreg $0xA  }
0xc8: {  	_ =	task.clear_ibuf [dreg:s22], $0x7FFFF;
	_ =	strace $0x9000004C  }
0xc9: {  	s29 =	simm.s32 $0xA;
	_ =	strace $0x8000004E  }
0xca: {  	_ =	swait.ge [sflag:s29], $0x1  }
0xcb: {  	[sflag:s29] =	ssyncadd.s32 $0xFFFFFFFF  }
0xcc: {  	_ =	strace $0x9000004E  }
0xcd: {  	_ =	sfence  }
0xce: {  	s30 =	sld [smem:$0x0];
	_ =	sdelay $0x2  }
0xcf: {  	s31 =	sshll.u32 s1, $0xD;
	s1 =	sshrl.u32 s1, $0x2  }
0xd0: {  	s4 =	sand.u32 $0x4000, s31;
	s1 =	sadd.s32 s1, s30  }
0xd1: {  	s0 =	sor.u32 s4, s0;
	s1 =	sshll.u32 s1, $0x11  }
0xd2: {  	s0 =	sor.u32 s1, s0  }
0xd3: {  	s0 =	sadd.s32 $0x8F2B, s0  }
0xd4: {  	[sflag:s0] =	ssyncadd.remote.s32 $0x1  }
0xd5: {  	_ =	sfence.sel $0xFFFF  }
0xd6: {  	[dreg:$0x0] =	wrdreg $0xFFFFFFFF;
	(pc) =	sbr.abs _section_cstart, $3  }
0xd7: {  	[dreg:$0x1] =	wrdreg $0xFFFFFFFF  }
0xd8: {  	_ =	task.clear_ibuf [dreg:s22], $0x2FFFF;
	_ =	strace $0x9FFFFFFF  }
0xd9: {  	(tm) =	ssettm $0x7FFFFFFF  }
tec
execute0_lowered:
.L_overlay_start_1:
0x0: {  	(tag) =	ssettag $0x1  }
0x1: {  	s6 =	rddreg [dreg:$0x0]  }
0x2: {  	s1 =	rddreg [dreg:$0x1]  }
0x3: {  	s9 =	rddreg [dreg:$0x2]  }
0x4: {  	s3 =	rddreg [dreg:$0x3];
	s2 =	stileid.u32  }
0x5: {  	s0 =	rddreg [dreg:$0x4];
	s7 =	smul.u32 $0xC360, s2  }
0x6: {  	s4 =	simm.s32 $0x0;
	s8 =	srdreg.scid;
	s29 =	smul.u32 $0xC35, s2  }
0x7: {  	[smem:$0x7FF] =	sst s4;
	s8 =	sand.u32 $0x1, s8;
	s30 =	smul.u32 $0x30D40, s2  }
0x8: {  	s5 =	sadd.s32 $0x49C600, s6;
	s31 =	sshll.u32 s2, $0x6;
	s13 =	smul.u32 $0xC350, s8  }
0x9: {  	_ =	strace $0x8000004D;
	s11 =	ssub.s32 $0x2, s8;
	s8 =	smul.u32 $0x186A0, s2  }
0xa: {  	s10 =	sshrl.u32 s7, $0x3;
	s28 =	sshrl.u32 s11, $0x1;
	s12 =	sadd.s32 s7, s3  }
0xb: {  	s7 =	sor.u32 $0x1C01, s31;
	s14 =	sshrl.u32 s30, $0x2;
	s6 =	sadd.s32 s10, s6  }
0xc: {  	s11 =	ssub.s32 s11, s28;
	s10 =	sadd.s32 s29, s13;
	s15 =	sadd.s32 s14, s3  }
0xd: {  	v0 =	vmov s13;
	s13 =	simm.s32 $0x7D0;
	s14 =	simm.s32 $0x50;
	s10 =	sshll.u32 s10, $0x1  }
0xe: {  	s6 =	sadd.s32 $0x18F000, s6;
	s15 =	sshrl.u32 s15, $0x3;
	s9 =	sadd.s32 s9, s10  }
0xf: {  	s10 =	smax.u32 s11, $0x1;
	s11 =	sshrl.u32 s12, $0x3;
	s12 =	simm.s32 $0x1  }
.LBB2_1:
0x10: {  	[spmem:s11], [sflag:s7] =	dma.local [hbm:s6], $0x186C  }
0x11: {  	_ =	swait.ge [sflag:s12], $0x186C  }
0x12: {  	[sflag:s12] =	ssyncset.done $0x0  }
0x13: {  	[sflag:s12] =	ssyncadd.s32 $0xFFFFE794  }
0x14: {  	s16 =	simm.s32 $0x0;
	[bflag:$0x0] =	sbarrier.arrive $0xFFFF  }
.LBB2_2:
0x15: {  	s17 =	smul.u32 $0x7D0, s16;
	_ =	sdelay $0x1  }
0x16: {  	s17 =	sadd.s32 s8, s17  }
0x17: {  	s18 =	smulhi.u32 $0xCCCCCCCD, s17;
	_ =	sdelay $0x1  }
0x18: {  	s18 =	sshrl.u32 s18, $0x6  }
0x19: {  	s18 =	smul.u32 $0x50, s18;
	_ =	sdelay $0x1  }
0x1a: {  	s18 =	sshrl.u32 s18, $0x3  }
0x1b: {  	s19 =	simm.s32 $0x0;
	s18 =	sadd.s32 s1, s18  }
0x1c: {  	[tilespmem:s19], [sflag:$0x1] =	stream.linear.gather [hbm4b:s18+s19], $0x7D0, $0x38;
	[tilespmem:$0x14830] =	vst v63  }
0x1d: {  	s17 =	sshll.u32 s17, $0x1;
	_ =	swait.ge [sflag:s12], $0x7D0  }
0x1e: {  	s17 =	sand.u32 $0x1FFFFFE0, s17;
	[sflag:s12] =	ssyncset.done $0x0  }
0x1f: {  	s17 =	sadd.s32 s5, s17;
	[sflag:s12] =	ssyncadd.s32 $0xFFFFF830  }
0x20: {  	[tilespmem:s13], [sflag:$0x1] =	stream.linear.gather [hbm4b:s17+s19], $0x7D00, $0x38;
	[tilespmem:$0x14830] =	vst v63  }
0x21: {  	_ =	swait.ge [sflag:s12], $0x7D00  }
0x22: {  	[sflag:s12] =	ssyncset.done $0x0  }
0x23: {  	s17 =	simm.s32 $0x0;
	[sflag:s12] =	ssyncadd.s32 $0xFFFF8300  }
0x24: {  	v3 =	vld [tilespmem:s17+$0x0]  }
0x25: {  	v4 =	vld [tilespmem:s17+$0x10]  }
0x26: {  	v2 =	vld [tilespmem:s17+$0x20]  }
0x27: {  	s18 =	simm.s32 $0x0;
	s19 =	simm.s32 $0x140;
	v1 =	vld [tilespmem:s17+$0x30]  }
.LBB2_3:
0x28: {  	p0 =	sne.s32 s19, $0x1E00;
	v5 =	vld [tilespmem:s18+$0x40]  }
0x29: {  	v3 =	vsub.s32 v3, v0  }
0x2a: {  	v3 =	vmin.u32 v3, $0xC350;
	v4 =	vsub.s32 v4, v0  }
.Ltmp0:
0x2b: {  	s20 =	sshra.s32 s19, $0x2;
	[tilespmem:s18+$0x0] =	vst v3;
	v4 =	vmin.u32 v4, $0xC350;
	v2 =	vsub.s32 v2, v0;
	(pc) =	sbr.rel @p0 .LBB2_3-.Ltmp0, $4  }
0x2c: {  	v3 =	vld [tilespmem:s20+$0x0];
	[tilespmem:s18+$0x10] =	vst v4;
	v2 =	vmin.u32 v2, $0xC350;
	v1 =	vsub.s32 v1, v0  }
0x2d: {  	v4 =	vld [tilespmem:s20+$0x10];
	[tilespmem:s18+$0x20] =	vst v2;
	v1 =	vmin.u32 v1, $0xC350;
	v5 =	vsub.s32 v5, v0  }
0x2e: {  	v2 =	vld [tilespmem:s20+$0x20];
	[tilespmem:s18+$0x30] =	vst v1;
	v5 =	vmin.u32 v5, $0xC350  }
0x2f: {  	s19 =	sadd.s32 $0x140, s19;
	v1 =	vld [tilespmem:s20+$0x30];
	[tilespmem:s18+$0x40] =	vst v5;
	s18 =	smov.u32 s20  }
0x30: {  	v5 =	vld [tilespmem:s18+$0x40]  }
0x31: {  	v3 =	vsub.s32 v3, v0  }
0x32: {  	v3 =	vmin.u32 v3, $0xC350;
	v4 =	vsub.s32 v4, v0  }
0x33: {  	[tilespmem:s18+$0x0] =	vst v3;
	v3 =	vmin.u32 v4, $0xC350;
	v2 =	vsub.s32 v2, v0  }
0x34: {  	[tilespmem:s18+$0x10] =	vst v3;
	v2 =	vmin.u32 v2, $0xC350;
	v1 =	vsub.s32 v1, v0  }
0x35: {  	[tilespmem:s18+$0x20] =	vst v2;
	v1 =	vmin.u32 v1, $0xC350;
	v2 =	vsub.s32 v5, v0  }
0x36: {  	[tilespmem:s18+$0x30] =	vst v1;
	v1 =	vmin.u32 v2, $0xC350  }
0x37: {  	[tilespmem:s18+$0x40] =	vst v1;
	s18 =	simm.s32 $0x7D0  }
0x38: {  	[spmem:s3] =	stream.indirect.scatter.add.f32 [tilespmem:s18], [sflag:$0x1], $0x10, s17, s14, $0xb8;
	[tilespmem:$0x14830] =	vst v63  }
0x39: {  	_ =	swait.ge [sflag:s12], $0x500  }
0x3a: {  	s17 =	simm.s32 $0x140;
	[sflag:s12] =	ssyncset.done $0x0  }
.LBB2_5:
0x3b: {  	s19 =	sshra.s32 s17, $0x2  }
0x3c: {  	[sflag:s12] =	ssyncadd.s32 $0xFFFFFB00;
	s18 =	sadd.s32 $0x500, s18;
	p0 =	sne.s32 s17, $0x1E00  }
0x3d: {  	[spmem:s3] =	stream.indirect.scatter.add.f32 [tilespmem:s18], [sflag:$0x1], $0x10, s19, s14, $0xb8;
	[tilespmem:$0x14830] =	vst v63  }
.Ltmp1:
0x3e: {  	_ = 	snop;
	(pc) =	sbr.rel @p0 .LBB2_5-.Ltmp1, $4  }
0x3f: {  	_ = 	snop  }
0x40: {  	s17 =	sadd.s32 $0x140, s17  }
0x41: {  	_ =	swait.ge [sflag:s12], $0x500  }
0x42: {  	[sflag:s12] =	ssyncset.done $0x0  }
0x43: {  	s16 =	sadd.s32 $0x1, s16  }
0x44: {  	p0 =	sne.s32 s16, $0x32  }
.Ltmp2:
0x45: {  	_ = 	snop;
	(pc) =	sbr.rel @p0 .LBB2_2-.Ltmp2, $2  }
0x46: {  	_ =	sdelay $0x2  }
0x47: {  	[sflag:s12] =	ssyncadd.s32 $0xFFFFFB00  }
0x48: {  	s4 =	sadd.s32 $0x1, s4  }
0x49: {  	p0 =	sne.s32 s4, s10  }
.Ltmp3:
0x4a: {  	[bflag:$0x0] =	sbarrier.arrive $0xFFFF;
	(pc) =	sbr.rel @p0 .LBB2_1-.Ltmp3, $4  }
0x4b: {  	[hbm:s9], [sflag:s7] =	dma.local [spmem:s15], $0x186A  }
0x4c: {  	_ =	swait.ge [sflag:s12], $0x186A  }
0x4d: {  	[sflag:s12] =	ssyncset.done $0x0  }
0x4e: {  	[sflag:s12] =	ssyncadd.s32 $0xFFFFE796  }
0x4f: {  	_ =	sfence.sel $0x180000  }
0x50: {  	[bflag:$0x0] =	sbarrier.arrive $0xFFFF  }
0x51: {  	p0 =	sne.s32 s2, $0x0;
	_ =	strace $0x9000004D  }
0x52: {  	s0 =	sadd.s32 @!p0 $0x100000, s0;
	[bflag:$0x2] =	sbarrier.arrive $0xFFFF  }
0x53: {  	[sflag:s0] =	ssyncadd.tile.s32 @!p0 $0x1;
	_ =	shalt  }
.Lfunc_end2:
_tile_overlayer_lowered:
.L_overlay_start_2:
0x54: {  	(tag) =	ssettag $0x2  }
0x55: {  	s0 =	rddreg [dreg:$0x0];
	s2 =	stileid.u32  }
0x56: {  	s1 =	rddreg [dreg:$0x1];
	p0 =	sne.s32 s2, $0x0  }
0x57: {  	s3 =	rddreg [dreg:$0x2];
	[bflag:$0x3] =	sbarrier.arrive $0xFFFF;
	s2 =	simm.s32 @!p0 $0x1C01  }
0x58: {  	[timem:s3], [sflag:s2] =	dma.local @!p0 [hbm:s0], s1  }
0x59: {  	s0 =	simm.s32 @!p0 $0x1  }
0x5a: {  	_ =	swait.ge @!p0 [sflag:s0], s1  }
0x5b: {  	s1 =	ssub.s32 @!p0 $0x0, s1;
	[sflag:s0] =	ssyncset.done @!p0 $0x0  }
0x5c: {  	[sflag:s0] =	ssyncadd.s32 @!p0 s1  }
0x5d: {  	[bflag:$0x3] =	sbarrier.arrive $0xFFFF  }
0x5e: {  	_ =	shalt  }

// kernel: kernel.28.cloned.1.call-start
scs
__scs_entry_jumppad:
0x0: {  	(pc) =	sbr.rel $0x88, $3  }
0x1: {  	(tag) =	ssettag $0x0;
	lr =	simm.s32 $0x1  }
0x2: {  	[smem:$0x3F74] =	sst lr;
	_ =	strace $0xD0000000  }
0x3: {  	_ = 	snop  }
0x4: {  	_ = 	snop  }
0x5: {  	_ = 	snop  }
0x6: {  	_ = 	snop  }
0x7: {  	_ = 	snop  }
__scs_overlays_trampoline_lowered:
0x8: {  	[smem:$0x3F83] =	sst s0  }
0x9: {  	[smem:$0x3F84] =	sst s1  }
0xa: {  	[smem:$0x3F85] =	sst s2  }
0xb: {  	[smem:$0x3F86] =	sst s3  }
0xc: {  	[smem:$0x3F87] =	sst s4  }
0xd: {  	[smem:$0x3F88] =	sst s5  }
0xe: {  	[smem:$0x3F89] =	sst s6  }
0xf: {  	[smem:$0x3F8A] =	sst s7  }
0x10: {  	[smem:$0x3F8B] =	sst s8  }
0x11: {  	[smem:$0x3F8C] =	sst s9;
	s0 =	simm.s32 @!p0 $0x0  }
0x12: {  	s1 =	sld [smem:$0x3F72];
	s0 =	simm.s32 @p0 $0x1  }
0x13: {  	[smem:$0x3F8D] =	sst s0;
	s0 =	simm.s32 @!p1 $0x0  }
0x14: {  	s2 =	sld [smem:$0x3F71];
	s0 =	simm.s32 @p1 $0x1  }
0x15: {  	[smem:$0x3F8E] =	sst s0;
	s0 =	simm.s32 @!p2 $0x0  }
0x16: {  	s3 =	sld [smem:$0x3FDB];
	s0 =	simm.s32 @p2 $0x1  }
0x17: {  	s4 =	simm.s32 $0x1BF5;
	[smem:$0x3F90] =	sst s0  }
0x18: {  	s0 =	sld [smem:$0x3F73];
	_ =	swait.ge [sflag:s4], $0x0  }
0x19: {  	s7 =	sld [smem:$0x3F74]  }
0x1a: {  	s8 =	sadd.s32 $0xFFFFE003, lr  }
0x1b: {  	s9 =	sadd.s32 $0xFFFFFEF7, lr;
	s5 =	simm.s32 $0xFFFFFFFF;
	p2 =	slt.u32 s8, $0xFFFFF086  }
0x1c: {  	p1 =	slt.u32 s9, $0xF7A;
	s5 =	simm.s32 @!p2 $0x0  }
0x1d: {  	s5 =	simm.s32 @p1 $0x1;
	p0 =	seq.s32 s7, s2  }
0x1e: {  	s7 =	smul.u32 @!p0 $0xF7A, s2;
	p2 =	seq.s32 @!p0 s5, $0x0  }
0x1f: {  	s9 =	smul.u32 $0xF7A, s1;
	s8 =	simm.s32 @!p0 $0x1BF5;
	p2 =	por !p2, p0  }
0x20: {  	[sflag:s8] =	ssyncset.s32 @!p0 $0xFFFFF086;
	s6 =	sadd.s32 @!p0 s3, s7;
	s7 =	simm.s32 @!p0 $0x108  }
0x21: {  	s3 =	sadd.s32 s3, s9;
	s6 =	sadd.s32 @!p0 $0x88, s6;
	s7 =	simm.s32 @p2 $0x1082  }
0x22: {  	[simem:s7], [sflag:s8] =	dma.local @!p0 [hbm:s6], $0xF7A  }
0x23: {  	s9 =	sor.u32 $0xD0000000, s2;
	s6 =	simm.s32 $0x108;
	_ =	swait.ge @!p0 [sflag:s8], $0x0  }
0x24: {  	s3 =	sadd.s32 $0x88, s3;
	s6 =	simm.s32 @!p1 $0x1082;
	[sflag:s4] =	ssyncset.s32 $0xFFFFF086  }
0x25: {  	[simem:s6], [sflag:s4] =	dma.local [hbm:s3], $0xF7A  }
0x26: {  	[smem:$0x3F74] =	sst s1;
	(tag) =	ssettag s2;
	_ =	strace s9  }
0x27: {  	s1 =	sld [smem:$0x3F84]  }
0x28: {  	s2 =	sld [smem:$0x3F85]  }
0x29: {  	s4 =	sld [smem:$0x3F87]  }
0x2a: {  	p0 =	seq.s32 s5, $0x0;
	s5 =	sld [smem:$0x3F88]  }
0x2b: {  	s6 =	sld [smem:$0x3F89]  }
0x2c: {  	s7 =	sld [smem:$0x3F8A]  }
0x2d: {  	s3 =	simm.s32 $0x108;
	s8 =	sld [smem:$0x3F8B]  }
0x2e: {  	s3 =	simm.s32 @!p0 $0x1082;
	s9 =	sld [smem:$0x3F8C]  }
0x2f: {  	lr =	sadd.s32 s0, s3;
	s0 =	sld [smem:$0x3F83]  }
0x30: {  	s3 =	sld [smem:$0x3F86]  }
0x31: {  	[smem:$0x3F8F] =	sst s10  }
0x32: {  	s10 =	sld [smem:$0x3F8D];
	_ =	sdelay $0x3  }
0x33: {  	p0 =	seq.s32 s10, $0x1;
	s10 =	sld [smem:$0x3F8F];
	_ =	sdelay $0x3  }
0x34: {  	[smem:$0x3F8F] =	sst s10  }
0x35: {  	s10 =	sld [smem:$0x3F8E];
	_ =	sdelay $0x3  }
0x36: {  	p1 =	seq.s32 s10, $0x1;
	s10 =	sld [smem:$0x3F8F];
	_ =	sdelay $0x3  }
0x37: {  	[smem:$0x3F8F] =	sst s10  }
0x38: {  	s10 =	sld [smem:$0x3F90]  }
0x39: {  	_ = 	snop;
	(pc) =	sbr.ind lr, $3  }
0x3a: {  	_ = 	snop  }
0x3b: {  	_ = 	snop  }
0x3c: {  	p2 =	seq.s32 s10, $0x1;
	s10 =	sld [smem:$0x3F8F]  }
0x3d: {  	_ =	shalt  }
0x3e: {  	_ =	shalt  }
0x3f: {  	_ =	shalt  }
0x40: {  	_ =	shalt  }
0x41: {  	_ =	shalt  }
0x42: {  	_ =	shalt  }
0x43: {  	_ =	shalt  }
0x44: {  	_ =	shalt  }
0x45: {  	_ =	shalt  }
0x46: {  	_ =	shalt  }
0x47: {  	_ =	shalt  }
0x48: {  	_ =	shalt  }
0x49: {  	_ =	shalt  }
0x4a: {  	_ =	shalt  }
0x4b: {  	_ =	shalt  }
0x4c: {  	_ =	shalt  }
0x4d: {  	_ =	shalt  }
0x4e: {  	_ =	shalt  }
0x4f: {  	_ =	shalt  }
0x50: {  	_ =	shalt  }
0x51: {  	_ =	shalt  }
0x52: {  	_ =	shalt  }
0x53: {  	_ =	shalt  }
0x54: {  	_ =	shalt  }
0x55: {  	_ =	shalt  }
0x56: {  	_ =	shalt  }
0x57: {  	_ =	shalt  }
0x58: {  	_ =	shalt  }
0x59: {  	_ =	shalt  }
0x5a: {  	_ =	shalt  }
0x5b: {  	_ =	shalt  }
0x5c: {  	_ =	shalt  }
0x5d: {  	_ =	shalt  }
0x5e: {  	_ =	shalt  }
0x5f: {  	_ =	shalt  }
0x60: {  	_ =	shalt  }
0x61: {  	_ =	shalt  }
0x62: {  	_ =	shalt  }
0x63: {  	_ =	shalt  }
0x64: {  	_ =	shalt  }
0x65: {  	_ =	shalt  }
0x66: {  	_ =	shalt  }
0x67: {  	_ =	shalt  }
0x68: {  	_ =	shalt  }
0x69: {  	_ =	shalt  }
0x6a: {  	_ =	shalt  }
0x6b: {  	_ =	shalt  }
0x6c: {  	_ =	shalt  }
0x6d: {  	_ =	shalt  }
0x6e: {  	_ =	shalt  }
0x6f: {  	_ =	shalt  }
0x70: {  	_ =	shalt  }
0x71: {  	_ =	shalt  }
0x72: {  	_ =	shalt  }
0x73: {  	_ =	shalt  }
0x74: {  	_ =	shalt  }
0x75: {  	_ =	shalt  }
0x76: {  	_ =	shalt  }
0x77: {  	_ =	shalt  }
0x78: {  	_ =	shalt  }
0x79: {  	_ =	shalt  }
0x7a: {  	_ =	shalt  }
0x7b: {  	_ =	shalt  }
0x7c: {  	_ =	shalt  }
0x7d: {  	_ =	shalt  }
0x7e: {  	_ =	shalt  }
0x7f: {  	_ =	shalt  }
0x80: {  	_ =	shalt  }
0x81: {  	_ =	shalt  }
0x82: {  	_ =	shalt  }
0x83: {  	_ =	shalt  }
0x84: {  	_ =	shalt  }
0x85: {  	_ =	shalt  }
0x86: {  	_ =	shalt  }
0x87: {  	_ =	shalt  }
.Lfunc_end0:
.L_simem_size_0:
called_computation.3_lowered:
.L_overlay_start_0:
0x88: {  	s2 =	sld [smem:$0x3FD9]  }
0x89: {  	s3 =	sld [smem:$0x3FFE];
	_ =	sdelay $0x1  }
0x8a: {  	s1 =	srdreg.scid  }
0x8b: {  	s0 =	sand.u32 $0x1, s1  }
0x8c: {  	s14 =	sshll.u32 s0, $0xA;
	s2 =	sadd.s32 s3, s2  }
0x8d: {  	s2 =	sadd.s32 s2, s14  }
0x8e: {  	[smem:$0x3F9B] =	sst s2  }
0x8f: {  	_ = 	snop  }
0x90: {  	s2 =	sld [smem:$0x3FD0];
	_ =	sdelay $0x2  }
0x91: {  	s15 =	simm.s32 $0xB;
	s4 =	simm.s32 $0x10  }
0x92: {  	[smem:s4], [sflag:s15] =	dma.local [hbm:s2], $0x1  }
0x93: {  	_ =	swait.eq [sflag:s15], $0x1  }
0x94: {  	s16 =	sld [smem:$0x10]  }
0x95: {  	s17 =	sld [smem:$0x11];
	[sflag:s15] =	ssyncset.done $0x0  }
0x96: {  	s5 =	sld [smem:$0x14];
	[sflag:s15] =	ssyncadd.s32 $0xFFFFFFFF  }
0x97: {  	s18 =	sld [smem:$0x15];
	(tm) =	ssettm $0x1  }
0x98: {  	s6 =	sld [smem:$0x3FFB];
	_ =	sdelay $0x3  }
0x99: {  	_ =	strace s6  }
0x9a: {  	s6 =	sld [smem:$0x3FFC];
	_ =	sdelay $0x3  }
0x9b: {  	_ =	strace s6  }
0x9c: {  	s6 =	sld [smem:$0x3FFD];
	_ =	sdelay $0x3  }
0x9d: {  	_ =	strace s6  }
0x9e: {  	_ =	strace $0x8FFFFFFF  }
0x9f: {  	s19 =	sld [smem:$0x3FDB];
	_ =	sdelay $0x1  }
0xa0: {  	s7 =	simm.s32 $_scs_section_size  }
0xa1: {  	s8 =	simm.s32 $_size__tile_overlayer_lowered;
	s9 =	simm.s32 $_tile_overlayer_lowered  }
0xa2: {  	s22 =	simm.s32 $0x1BFF;
	s21 =	sshll.u32 s9, $0x1;
	s6 =	sadd.s32 s7, s19  }
0xa3: {  	s10 =	simm.s32 $0x0;
	s20 =	sshll.u32 s8, $0x1;
	s8 =	sadd.s32 s21, s6  }
0xa4: {  	[timem:s10], [sflag:s22] =	dma.local [hbm:s8], s20  }
0xa5: {  	_ =	swait.ge [sflag:s22], s20  }
0xa6: {  	s7 =	ssub.s32 $0x0, s20;
	[sflag:s22] =	ssyncset.done $0x0  }
0xa7: {  	[sflag:s22] =	ssyncadd.s32 s7;
	_ =	sdelay $0x1  }
0xa8: {  	s23 =	simm.s32 $0x1B8B  }
0xa9: {  	_ =	swait.ge [sflag:s23], $0x1  }
0xaa: {  	[sflag:s23] =	ssyncset.done $0x0  }
0xab: {  	s25 =	simm.s32 $0x1B8E;
	s24 =	sld [smem:$0x3FFE];
	[sflag:s23] =	ssyncadd.s32 $0xFFFFFFFF  }
0xac: {  	s26 =	simm.s32 $execute0_lowered;
	[smem:$0x3FD2] =	sst s25  }
0xad: {  	s8 =	sshll.u32 s26, $0x1;
	_ =	strace $0x8000004F;
	[dreg:$0x1] =	wrdreg $0xFFFFFFFF  }
0xae: {  	s28 =	simm.s32 $_size_execute0_lowered;
	s6 =	sadd.s32 s6, s8;
	[dreg:$0x0] =	wrdreg $0x0  }
0xaf: {  	s8 =	sshll.u32 s28, $0x1;
	[dreg:$0x2] =	wrdreg s6  }
0xb0: {  	[dreg:$0x3] =	wrdreg s8  }
0xb1: {  	[dreg:$0x4] =	wrdreg $0xC0  }
0xb2: {  	_ =	task [dreg:s10], $0x5FFFF  }
0xb3: {  	[dreg:$0x1] =	wrdreg $0xFFFFFFFF  }
0xb4: {  	[dreg:$0x0] =	wrdreg $0x60  }
0xb5: {  	[dreg:$0x2] =	wrdreg s16  }
0xb6: {  	[dreg:$0x3] =	wrdreg s18  }
0xb7: {  	[dreg:$0x4] =	wrdreg s24  }
0xb8: {  	[dreg:$0x5] =	wrdreg s17  }
0xb9: {  	[dreg:$0x6] =	wrdreg s5  }
0xba: {  	[dreg:$0x7] =	wrdreg $0x9  }
0xbb: {  	_ =	task.clear_ibuf [dreg:s10], $0x8FFFF;
	_ =	strace $0x9000004F  }
0xbc: {  	s29 =	simm.s32 $0x9;
	_ =	strace $0x80000051  }
0xbd: {  	_ =	swait.ge [sflag:s29], $0x1  }
0xbe: {  	[sflag:s29] =	ssyncadd.s32 $0xFFFFFFFF  }
0xbf: {  	_ =	strace $0x90000051  }
0xc0: {  	_ =	sfence  }
0xc1: {  	s30 =	sld [smem:$0x0];
	_ =	sdelay $0x2  }
0xc2: {  	s31 =	sshll.u32 s1, $0xD;
	s1 =	sshrl.u32 s1, $0x2  }
0xc3: {  	s3 =	sand.u32 $0x4000, s31;
	s1 =	sadd.s32 s1, s30  }
0xc4: {  	s0 =	sor.u32 s3, s0;
	s1 =	sshll.u32 s1, $0x11  }
0xc5: {  	s0 =	sor.u32 s1, s0  }
0xc6: {  	s0 =	sadd.s32 $0x8F2B, s0  }
0xc7: {  	[sflag:s0] =	ssyncadd.remote.s32 $0x1  }
0xc8: {  	_ =	sfence.sel $0xFFFF  }
0xc9: {  	[dreg:$0x0] =	wrdreg $0xFFFFFFFF;
	(pc) =	sbr.abs _section_cstart, $3  }
0xca: {  	[dreg:$0x1] =	wrdreg $0xFFFFFFFF  }
0xcb: {  	_ =	task.clear_ibuf [dreg:s10], $0x2FFFF;
	_ =	strace $0x9FFFFFFF  }
0xcc: {  	(tm) =	ssettm $0x7FFFFFFF  }
0xcd: {  	_ =	shalt  }
tec
execute0_lowered:
.L_overlay_start_1:
0x0: {  	(tag) =	ssettag $0x1  }
0x1: {  	s0 =	rddreg [dreg:$0x0]  }
0x2: {  	s9 =	rddreg [dreg:$0x1]  }
0x3: {  	s5 =	rddreg [dreg:$0x2]  }
0x4: {  	s8 =	rddreg [dreg:$0x3];
	s2 =	stileid.u32  }
0x5: {  	s1 =	srdreg.scid;
	s10 =	smul.u32 $0x30D40, s2  }
0x6: {  	s6 =	rddreg [dreg:$0x4];
	s26 =	smul.u32 $0xC350, s2  }
0x7: {  	s3 =	simm.s32 $0x0;
	s4 =	sand.u32 $0x1, s1;
	s28 =	smul.u32 $0x186A0, s2  }
0x8: {  	s15 =	simm.s32 $0x2;
	s16 =	simm.s32 $0x0;
	s7 =	smul.u32 $0x30D400, s4  }
0x9: {  	s1 =	rddreg [dreg:$0x5];
	s11 =	ssub.s32 $0x2, s4;
	s12 =	smul.u32 $0x186A00, s4  }
0xa: {  	[smem:$0x7FF] =	sst s3;
	s14 =	smul.u32 $0xC3500, s4;
	s13 =	sshrl.u32 s11, $0x1  }
0xb: {  	_ =	strace $0x80000050;
	s4 =	sadd.s32 $0x1A7800, s5;
	s11 =	ssub.s32 s11, s13  }
0xc: {  	s7 =	sadd.s32 s7, s5;
	s29 =	sadd.s32 s12, s6;
	s30 =	sadd.s32 s26, s14  }
0xd: {  	s12 =	simm.s32 $0x7D0;
	s13 =	simm.s32 $0x8CA0;
	s14 =	simm.s32 $0x1  }
0xe: {  	s5 =	smax.u32 s11, $0x1;
	s7 =	sadd.s32 s10, s7;
	s31 =	sshrl.u32 s30, $0x3  }
0xf: {  	s10 =	simm.s32 $0x3;
	s11 =	simm.s32 $0x84D0;
	s6 =	sadd.s32 $0xC3D800, s7  }
0x10: {  	s7 =	sadd.s32 s28, s29;
	s8 =	sadd.s32 s31, s8;
	s9 =	sadd.s32 s31, s9  }
.LBB2_1:
0x11: {  	s17 =	sadd.s32 $0x0, s9  }
0x12: {  	[tilespmem:s3], [sflag:$0x3] =	stream.linear.gather [hbm4b:s17+s3], $0x7D0, $0x38;
	[tilespmem:$0x186A0] =	vst v63  }
0x13: {  	_ =	swait.ge [sflag:s10], $0x7D0  }
0x14: {  	[sflag:s10] =	ssyncset.done $0x0  }
0x15: {  	s31 =	sadd.s32 $0x0, s8;
	[sflag:s10] =	ssyncadd.s32 $0xFFFFF830  }
0x16: {  	[tilespmem:s11], [sflag:$0x3] =	stream.linear.gather [hbm4b:s31+s3], $0x7D0, $0x38;
	[tilespmem:$0x186A0] =	vst v63  }
0x17: {  	_ =	swait.ge [sflag:s10], $0x7D0  }
0x18: {  	[sflag:s10] =	ssyncset.done $0x0  }
0x19: {  	[sflag:s10] =	ssyncadd.s32 $0xFFFFF830  }
0x1a: {  	[tilespmem:s12], [sflag:$0x1] =	stream.indirect.gather [hbm4b:s0+s12], $0x10, s3, s12, $0xb8;
	[tilespmem:$0x186A0] =	vst v63  }
0x1b: {  	_ = 	snop  }
0x1c: {  	[tilespmem:s13], [sflag:$0x2] =	stream.indirect.gather [hbm4b:s4+s12], $0x20, s11, s12, $0xb8;
	[tilespmem:$0x186A0] =	vst v63  }
0x1d: {  	_ =	swait.ge [sflag:s14], $0x7D00  }
0x1e: {  	[sflag:s14] =	ssyncset.done $0x0  }
0x1f: {  	[sflag:s14] =	ssyncadd.s32 $0xFFFF8300  }
0x20: {  	_ =	swait.ge [sflag:s15], $0xFA00  }
0x21: {  	[sflag:s15] =	ssyncset.done $0x0  }
0x22: {  	[sflag:s15] =	ssyncadd.s32 $0xFFFF0600  }
0x23: {  	[hbm4b:s7+s3] =	stream.linear.scatter [tilespmem:s12], [sflag:$0x3], $0x7D00, $0x38;
	[tilespmem:$0x186A0] =	vst v63  }
0x24: {  	_ =	swait.ge [sflag:s10], $0x7D00  }
0x25: {  	[sflag:s10] =	ssyncset.done $0x0  }
0x26: {  	[sflag:s10] =	ssyncadd.s32 $0xFFFF8300  }
0x27: {  	[hbm4b:s6+s3] =	stream.linear.scatter [tilespmem:s13], [sflag:$0x3], $0xFA00, $0x38;
	[tilespmem:$0x186A0] =	vst v63  }
0x28: {  	s19 =	simm.s32 $0xFA;
	s20 =	simm.s32 $0x1F4;
	_ =	swait.ge [sflag:s10], $0xFA00  }
0x29: {  	s18 =	sadd.s32 $0xFA0, s7;
	s17 =	sadd.s32 $0x1F40, s6;
	[sflag:s10] =	ssyncset.done $0x0  }
.LBB2_2:
0x2a: {  	s21 =	sadd.s32 s19, s9  }
0x2b: {  	[sflag:s10] =	ssyncadd.s32 $0xFFFF0600;
	s22 =	smov.u32 s20;
	s23 =	sadd.s32 $0xFA, s20  }
0x2c: {  	[tilespmem:s3], [sflag:$0x3] =	stream.linear.gather [hbm4b:s21+s3], $0x7D0, $0x38;
	[tilespmem:$0x186A0] =	vst v63  }
0x2d: {  	p0 =	sne.s32 s20, $0x1770;
	_ =	swait.ge [sflag:s10], $0x7D0  }
0x2e: {  	[sflag:s10] =	ssyncset.done $0x0  }
0x2f: {  	s20 =	sadd.s32 s19, s8;
	s19 =	smov.u32 s22;
	[sflag:s10] =	ssyncadd.s32 $0xFFFFF830  }
0x30: {  	[tilespmem:s11], [sflag:$0x3] =	stream.linear.gather [hbm4b:s20+s3], $0x7D0, $0x38;
	[tilespmem:$0x186A0] =	vst v63  }
0x31: {  	_ =	swait.ge [sflag:s10], $0x7D0  }
0x32: {  	[sflag:s10] =	ssyncset.done $0x0  }
0x33: {  	[sflag:s10] =	ssyncadd.s32 $0xFFFFF830  }
0x34: {  	[tilespmem:s12], [sflag:$0x1] =	stream.indirect.gather [hbm4b:s0+s12], $0x10, s3, s12, $0xb8;
	[tilespmem:$0x186A0] =	vst v63  }
0x35: {  	_ = 	snop  }
0x36: {  	[tilespmem:s13], [sflag:$0x2] =	stream.indirect.gather [hbm4b:s4+s12], $0x20, s11, s12, $0xb8;
	[tilespmem:$0x186A0] =	vst v63  }
0x37: {  	_ =	swait.ge [sflag:s14], $0x7D00  }
0x38: {  	[sflag:s14] =	ssyncset.done $0x0  }
0x39: {  	[sflag:s14] =	ssyncadd.s32 $0xFFFF8300  }
0x3a: {  	_ =	swait.ge [sflag:s15], $0xFA00  }
0x3b: {  	[sflag:s15] =	ssyncset.done $0x0  }
0x3c: {  	[sflag:s15] =	ssyncadd.s32 $0xFFFF0600  }
0x3d: {  	[hbm4b:s18+s3] =	stream.linear.scatter [tilespmem:s12], [sflag:$0x3], $0x7D00, $0x38;
	[tilespmem:$0x186A0] =	vst v63  }
0x3e: {  	_ =	swait.ge [sflag:s10], $0x7D00  }
.Ltmp0:
0x3f: {  	[sflag:s10] =	ssyncset.done $0x0;
	(pc) =	sbr.rel @p0 .LBB2_2-.Ltmp0, $4  }
0x40: {  	[sflag:s10] =	ssyncadd.s32 $0xFFFF8300  }
0x41: {  	[hbm4b:s17+s3] =	stream.linear.scatter [tilespmem:s13], [sflag:$0x3], $0xFA00, $0x38;
	[tilespmem:$0x186A0] =	vst v63  }
0x42: {  	s20 =	smov.u32 s23;
	_ =	swait.ge [sflag:s10], $0xFA00  }
0x43: {  	s18 =	sadd.s32 $0xFA0, s18;
	s17 =	sadd.s32 $0x1F40, s17;
	[sflag:s10] =	ssyncset.done $0x0  }
0x44: {  	s20 =	sadd.s32 s19, s9;
	[sflag:s10] =	ssyncadd.s32 $0xFFFF0600  }
0x45: {  	[tilespmem:s3], [sflag:$0x3] =	stream.linear.gather [hbm4b:s20+s3], $0x7D0, $0x38;
	[tilespmem:$0x186A0] =	vst v63  }
0x46: {  	_ =	swait.ge [sflag:s10], $0x7D0  }
0x47: {  	[sflag:s10] =	ssyncset.done $0x0  }
0x48: {  	s31 =	sadd.s32 s19, s8;
	[sflag:s10] =	ssyncadd.s32 $0xFFFFF830  }
0x49: {  	[tilespmem:s11], [sflag:$0x3] =	stream.linear.gather [hbm4b:s31+s3], $0x7D0, $0x38;
	[tilespmem:$0x186A0] =	vst v63  }
0x4a: {  	_ =	swait.ge [sflag:s10], $0x7D0  }
0x4b: {  	[sflag:s10] =	ssyncset.done $0x0  }
0x4c: {  	[sflag:s10] =	ssyncadd.s32 $0xFFFFF830  }
0x4d: {  	[tilespmem:s12], [sflag:$0x1] =	stream.indirect.gather [hbm4b:s0+s12], $0x10, s3, s12, $0xb8;
	[tilespmem:$0x186A0] =	vst v63  }
0x4e: {  	_ = 	snop  }
0x4f: {  	[tilespmem:s13], [sflag:$0x2] =	stream.indirect.gather [hbm4b:s4+s12], $0x20, s11, s12, $0xb8;
	[tilespmem:$0x186A0] =	vst v63  }
0x50: {  	_ =	swait.ge [sflag:s14], $0x7D00  }
0x51: {  	[sflag:s14] =	ssyncset.done $0x0  }
0x52: {  	[sflag:s14] =	ssyncadd.s32 $0xFFFF8300  }
0x53: {  	_ =	swait.ge [sflag:s15], $0xFA00  }
0x54: {  	[sflag:s15] =	ssyncset.done $0x0  }
0x55: {  	[sflag:s15] =	ssyncadd.s32 $0xFFFF0600  }
0x56: {  	[hbm4b:s18+s3] =	stream.linear.scatter [tilespmem:s12], [sflag:$0x3], $0x7D00, $0x38;
	[tilespmem:$0x186A0] =	vst v63  }
0x57: {  	s16 =	sadd.s32 $0x1, s16;
	_ =	swait.ge [sflag:s10], $0x7D00  }
0x58: {  	p0 =	sne.s32 s16, s5;
	[sflag:s10] =	ssyncset.done $0x0  }
.Ltmp1:
0x59: {  	[sflag:s10] =	ssyncadd.s32 $0xFFFF8300;
	(pc) =	sbr.rel @p0 .LBB2_1-.Ltmp1, $4  }
0x5a: {  	[hbm4b:s17+s3] =	stream.linear.scatter [tilespmem:s13], [sflag:$0x3], $0xFA00, $0x38;
	[tilespmem:$0x186A0] =	vst v63  }
0x5b: {  	_ =	swait.ge [sflag:s10], $0xFA00  }
0x5c: {  	[sflag:s10] =	ssyncset.done $0x0  }
0x5d: {  	[sflag:s10] =	ssyncadd.s32 $0xFFFF0600  }
0x5e: {  	_ =	sfence.sel $0x180000  }
0x5f: {  	[bflag:$0x0] =	sbarrier.arrive $0xFFFF  }
0x60: {  	p0 =	sne.s32 s2, $0x0;
	_ =	strace $0x90000050  }
0x61: {  	s0 =	sadd.s32 @!p0 $0x100000, s1;
	[bflag:$0x2] =	sbarrier.arrive $0xFFFF  }
0x62: {  	[sflag:s0] =	ssyncadd.tile.s32 @!p0 $0x1;
	_ =	shalt  }
.Lfunc_end2:
_tile_overlayer_lowered:
.L_overlay_start_2:
0x63: {  	(tag) =	ssettag $0x2  }
0x64: {  	s0 =	rddreg [dreg:$0x0];
	s2 =	stileid.u32  }
0x65: {  	s1 =	rddreg [dreg:$0x1];
	p0 =	sne.s32 s2, $0x0  }
0x66: {  	s3 =	rddreg [dreg:$0x2];
	[bflag:$0x3] =	sbarrier.arrive $0xFFFF;
	s2 =	simm.s32 @!p0 $0x1C03  }
0x67: {  	[timem:s3], [sflag:s2] =	dma.local @!p0 [hbm:s0], s1  }
0x68: {  	s0 =	simm.s32 @!p0 $0x3  }
0x69: {  	_ =	swait.ge @!p0 [sflag:s0], s1  }
0x6a: {  	s1 =	ssub.s32 @!p0 $0x0, s1;
	[sflag:s0] =	ssyncset.done @!p0 $0x0  }
0x6b: {  	[sflag:s0] =	ssyncadd.s32 @!p0 s1  }
0x6c: {  	[bflag:$0x3] =	sbarrier.arrive $0xFFFF  }
0x6d: {  	_ =	shalt  }

// kernel: kernel.31.cloned.1.call-start
scs
__scs_entry_jumppad:
0x0: {  	(pc) =	sbr.rel $0x88, $3  }
0x1: {  	(tag) =	ssettag $0x0;
	lr =	simm.s32 $0x1  }
0x2: {  	[smem:$0x3F74] =	sst lr;
	_ =	strace $0xD0000000  }
0x3: {  	_ = 	snop  }
0x4: {  	_ = 	snop  }
0x5: {  	_ = 	snop  }
0x6: {  	_ = 	snop  }
0x7: {  	_ = 	snop  }
__scs_overlays_trampoline_lowered:
0x8: {  	[smem:$0x3F83] =	sst s0  }
0x9: {  	[smem:$0x3F84] =	sst s1  }
0xa: {  	[smem:$0x3F85] =	sst s2  }
0xb: {  	[smem:$0x3F86] =	sst s3  }
0xc: {  	[smem:$0x3F87] =	sst s4  }
0xd: {  	[smem:$0x3F88] =	sst s5  }
0xe: {  	[smem:$0x3F89] =	sst s6  }
0xf: {  	[smem:$0x3F8A] =	sst s7  }
0x10: {  	[smem:$0x3F8B] =	sst s8  }
0x11: {  	[smem:$0x3F8C] =	sst s9;
	s0 =	simm.s32 @!p0 $0x0  }
0x12: {  	s1 =	sld [smem:$0x3F72];
	s0 =	simm.s32 @p0 $0x1  }
0x13: {  	[smem:$0x3F8D] =	sst s0;
	s0 =	simm.s32 @!p1 $0x0  }
0x14: {  	s2 =	sld [smem:$0x3F71];
	s0 =	simm.s32 @p1 $0x1  }
0x15: {  	[smem:$0x3F8E] =	sst s0;
	s0 =	simm.s32 @!p2 $0x0  }
0x16: {  	s3 =	sld [smem:$0x3FDB];
	s0 =	simm.s32 @p2 $0x1  }
0x17: {  	s4 =	simm.s32 $0x1BF5;
	[smem:$0x3F90] =	sst s0  }
0x18: {  	s0 =	sld [smem:$0x3F73];
	_ =	swait.ge [sflag:s4], $0x0  }
0x19: {  	s7 =	sld [smem:$0x3F74]  }
0x1a: {  	s8 =	sadd.s32 $0xFFFFE003, lr  }
0x1b: {  	s9 =	sadd.s32 $0xFFFFFEF7, lr;
	s5 =	simm.s32 $0xFFFFFFFF;
	p2 =	slt.u32 s8, $0xFFFFF086  }
0x1c: {  	p1 =	slt.u32 s9, $0xF7A;
	s5 =	simm.s32 @!p2 $0x0  }
0x1d: {  	s5 =	simm.s32 @p1 $0x1;
	p0 =	seq.s32 s7, s2  }
0x1e: {  	s7 =	smul.u32 @!p0 $0xF7A, s2;
	p2 =	seq.s32 @!p0 s5, $0x0  }
0x1f: {  	s9 =	smul.u32 $0xF7A, s1;
	s8 =	simm.s32 @!p0 $0x1BF5;
	p2 =	por !p2, p0  }
0x20: {  	[sflag:s8] =	ssyncset.s32 @!p0 $0xFFFFF086;
	s6 =	sadd.s32 @!p0 s3, s7;
	s7 =	simm.s32 @!p0 $0x108  }
0x21: {  	s3 =	sadd.s32 s3, s9;
	s6 =	sadd.s32 @!p0 $0x88, s6;
	s7 =	simm.s32 @p2 $0x1082  }
0x22: {  	[simem:s7], [sflag:s8] =	dma.local @!p0 [hbm:s6], $0xF7A  }
0x23: {  	s9 =	sor.u32 $0xD0000000, s2;
	s6 =	simm.s32 $0x108;
	_ =	swait.ge @!p0 [sflag:s8], $0x0  }
0x24: {  	s3 =	sadd.s32 $0x88, s3;
	s6 =	simm.s32 @!p1 $0x1082;
	[sflag:s4] =	ssyncset.s32 $0xFFFFF086  }
0x25: {  	[simem:s6], [sflag:s4] =	dma.local [hbm:s3], $0xF7A  }
0x26: {  	[smem:$0x3F74] =	sst s1;
	(tag) =	ssettag s2;
	_ =	strace s9  }
0x27: {  	s1 =	sld [smem:$0x3F84]  }
0x28: {  	s2 =	sld [smem:$0x3F85]  }
0x29: {  	s4 =	sld [smem:$0x3F87]  }
0x2a: {  	p0 =	seq.s32 s5, $0x0;
	s5 =	sld [smem:$0x3F88]  }
0x2b: {  	s6 =	sld [smem:$0x3F89]  }
0x2c: {  	s7 =	sld [smem:$0x3F8A]  }
0x2d: {  	s3 =	simm.s32 $0x108;
	s8 =	sld [smem:$0x3F8B]  }
0x2e: {  	s3 =	simm.s32 @!p0 $0x1082;
	s9 =	sld [smem:$0x3F8C]  }
0x2f: {  	lr =	sadd.s32 s0, s3;
	s0 =	sld [smem:$0x3F83]  }
0x30: {  	s3 =	sld [smem:$0x3F86]  }
0x31: {  	[smem:$0x3F8F] =	sst s10  }
0x32: {  	s10 =	sld [smem:$0x3F8D];
	_ =	sdelay $0x3  }
0x33: {  	p0 =	seq.s32 s10, $0x1;
	s10 =	sld [smem:$0x3F8F];
	_ =	sdelay $0x3  }
0x34: {  	[smem:$0x3F8F] =	sst s10  }
0x35: {  	s10 =	sld [smem:$0x3F8E];
	_ =	sdelay $0x3  }
0x36: {  	p1 =	seq.s32 s10, $0x1;
	s10 =	sld [smem:$0x3F8F];
	_ =	sdelay $0x3  }
0x37: {  	[smem:$0x3F8F] =	sst s10  }
0x38: {  	s10 =	sld [smem:$0x3F90]  }
0x39: {  	_ = 	snop;
	(pc) =	sbr.ind lr, $3  }
0x3a: {  	_ = 	snop  }
0x3b: {  	_ = 	snop  }
0x3c: {  	p2 =	seq.s32 s10, $0x1;
	s10 =	sld [smem:$0x3F8F]  }
0x3d: {  	_ =	shalt  }
0x3e: {  	_ =	shalt  }
0x3f: {  	_ =	shalt  }
0x40: {  	_ =	shalt  }
0x41: {  	_ =	shalt  }
0x42: {  	_ =	shalt  }
0x43: {  	_ =	shalt  }
0x44: {  	_ =	shalt  }
0x45: {  	_ =	shalt  }
0x46: {  	_ =	shalt  }
0x47: {  	_ =	shalt  }
0x48: {  	_ =	shalt  }
0x49: {  	_ =	shalt  }
0x4a: {  	_ =	shalt  }
0x4b: {  	_ =	shalt  }
0x4c: {  	_ =	shalt  }
0x4d: {  	_ =	shalt  }
0x4e: {  	_ =	shalt  }
0x4f: {  	_ =	shalt  }
0x50: {  	_ =	shalt  }
0x51: {  	_ =	shalt  }
0x52: {  	_ =	shalt  }
0x53: {  	_ =	shalt  }
0x54: {  	_ =	shalt  }
0x55: {  	_ =	shalt  }
0x56: {  	_ =	shalt  }
0x57: {  	_ =	shalt  }
0x58: {  	_ =	shalt  }
0x59: {  	_ =	shalt  }
0x5a: {  	_ =	shalt  }
0x5b: {  	_ =	shalt  }
0x5c: {  	_ =	shalt  }
0x5d: {  	_ =	shalt  }
0x5e: {  	_ =	shalt  }
0x5f: {  	_ =	shalt  }
0x60: {  	_ =	shalt  }
0x61: {  	_ =	shalt  }
0x62: {  	_ =	shalt  }
0x63: {  	_ =	shalt  }
0x64: {  	_ =	shalt  }
0x65: {  	_ =	shalt  }
0x66: {  	_ =	shalt  }
0x67: {  	_ =	shalt  }
0x68: {  	_ =	shalt  }
0x69: {  	_ =	shalt  }
0x6a: {  	_ =	shalt  }
0x6b: {  	_ =	shalt  }
0x6c: {  	_ =	shalt  }
0x6d: {  	_ =	shalt  }
0x6e: {  	_ =	shalt  }
0x6f: {  	_ =	shalt  }
0x70: {  	_ =	shalt  }
0x71: {  	_ =	shalt  }
0x72: {  	_ =	shalt  }
0x73: {  	_ =	shalt  }
0x74: {  	_ =	shalt  }
0x75: {  	_ =	shalt  }
0x76: {  	_ =	shalt  }
0x77: {  	_ =	shalt  }
0x78: {  	_ =	shalt  }
0x79: {  	_ =	shalt  }
0x7a: {  	_ =	shalt  }
0x7b: {  	_ =	shalt  }
0x7c: {  	_ =	shalt  }
0x7d: {  	_ =	shalt  }
0x7e: {  	_ =	shalt  }
0x7f: {  	_ =	shalt  }
0x80: {  	_ =	shalt  }
0x81: {  	_ =	shalt  }
0x82: {  	_ =	shalt  }
0x83: {  	_ =	shalt  }
0x84: {  	_ =	shalt  }
0x85: {  	_ =	shalt  }
0x86: {  	_ =	shalt  }
0x87: {  	_ =	shalt  }
.Lfunc_end0:
.L_simem_size_0:
called_computation.4_lowered:
.L_overlay_start_0:
0x88: {  	s2 =	sld [smem:$0x3FD9]  }
0x89: {  	s3 =	sld [smem:$0x3FFE];
	_ =	sdelay $0x1  }
0x8a: {  	s1 =	srdreg.scid  }
0x8b: {  	s0 =	sand.u32 $0x1, s1  }
0x8c: {  	s14 =	sshll.u32 s0, $0xA;
	s2 =	sadd.s32 s3, s2  }
0x8d: {  	s2 =	sadd.s32 s2, s14  }
0x8e: {  	[smem:$0x3F9B] =	sst s2  }
0x8f: {  	_ = 	snop  }
0x90: {  	s2 =	sld [smem:$0x3FD0];
	_ =	sdelay $0x2  }
0x91: {  	s15 =	simm.s32 $0xB;
	s4 =	simm.s32 $0x10  }
0x92: {  	[smem:s4], [sflag:s15] =	dma.local [hbm:s2], $0x1  }
0x93: {  	_ =	swait.eq [sflag:s15], $0x1  }
0x94: {  	s16 =	sld [smem:$0x13];
	[sflag:s15] =	ssyncset.done $0x0  }
0x95: {  	s17 =	sld [smem:$0x14];
	[sflag:s15] =	ssyncadd.s32 $0xFFFFFFFF  }
0x96: {  	s18 =	sld [smem:$0x15];
	(tm) =	ssettm $0x1  }
0x97: {  	s5 =	sld [smem:$0x3FFB];
	_ =	sdelay $0x3  }
0x98: {  	_ =	strace s5  }
0x99: {  	s5 =	sld [smem:$0x3FFC];
	_ =	sdelay $0x3  }
0x9a: {  	_ =	strace s5  }
0x9b: {  	s5 =	sld [smem:$0x3FFD];
	_ =	sdelay $0x3  }
0x9c: {  	_ =	strace s5  }
0x9d: {  	_ =	strace $0x8FFFFFFF  }
0x9e: {  	s19 =	sld [smem:$0x3FDB];
	_ =	sdelay $0x1  }
0x9f: {  	s6 =	simm.s32 $_scs_section_size  }
0xa0: {  	s7 =	simm.s32 $_size__tile_overlayer_lowered;
	s8 =	simm.s32 $_tile_overlayer_lowered  }
0xa1: {  	s22 =	simm.s32 $0x1BFF;
	s21 =	sshll.u32 s8, $0x1;
	s5 =	sadd.s32 s6, s19  }
0xa2: {  	s9 =	simm.s32 $0x0;
	s20 =	sshll.u32 s7, $0x1;
	s7 =	sadd.s32 s21, s5  }
0xa3: {  	[timem:s9], [sflag:s22] =	dma.local [hbm:s7], s20  }
0xa4: {  	_ =	swait.ge [sflag:s22], s20  }
0xa5: {  	s6 =	ssub.s32 $0x0, s20;
	[sflag:s22] =	ssyncset.done $0x0  }
0xa6: {  	[sflag:s22] =	ssyncadd.s32 s6;
	_ =	sdelay $0x1  }
0xa7: {  	s23 =	simm.s32 $0x1B8B  }
0xa8: {  	_ =	swait.ge [sflag:s23], $0x1  }
0xa9: {  	[sflag:s23] =	ssyncset.done $0x0  }
0xaa: {  	s25 =	simm.s32 $0x1B8E;
	s24 =	sld [smem:$0x3FFE];
	[sflag:s23] =	ssyncadd.s32 $0xFFFFFFFF  }
0xab: {  	s26 =	simm.s32 $execute0_lowered;
	[smem:$0x3FD2] =	sst s25  }
0xac: {  	s7 =	sshll.u32 s26, $0x1;
	_ =	strace $0x80000052;
	[dreg:$0x1] =	wrdreg $0xFFFFFFFF  }
0xad: {  	s28 =	simm.s32 $_size_execute0_lowered;
	s5 =	sadd.s32 s5, s7;
	[dreg:$0x0] =	wrdreg $0x0  }
0xae: {  	s7 =	sshll.u32 s28, $0x1;
	[dreg:$0x2] =	wrdreg s5  }
0xaf: {  	[dreg:$0x3] =	wrdreg s7  }
0xb0: {  	[dreg:$0x4] =	wrdreg $0xC0  }
0xb1: {  	_ =	task [dreg:s9], $0x5FFFF  }
0xb2: {  	[dreg:$0x1] =	wrdreg $0xFFFFFFFF  }
0xb3: {  	[dreg:$0x0] =	wrdreg $0x60  }
0xb4: {  	[dreg:$0x2] =	wrdreg s17  }
0xb5: {  	[dreg:$0x3] =	wrdreg s18  }
0xb6: {  	[dreg:$0x4] =	wrdreg s24  }
0xb7: {  	[dreg:$0x5] =	wrdreg s16  }
0xb8: {  	[dreg:$0x6] =	wrdreg $0x84D00  }
0xb9: {  	[dreg:$0x7] =	wrdreg $0x9  }
0xba: {  	_ =	task.clear_ibuf [dreg:s9], $0x8FFFF;
	_ =	strace $0x90000052  }
0xbb: {  	s29 =	simm.s32 $0x9;
	_ =	strace $0x80000054  }
0xbc: {  	_ =	swait.ge [sflag:s29], $0x1  }
0xbd: {  	[sflag:s29] =	ssyncadd.s32 $0xFFFFFFFF  }
0xbe: {  	_ =	strace $0x90000054  }
0xbf: {  	_ =	sfence  }
0xc0: {  	s30 =	sld [smem:$0x0];
	_ =	sdelay $0x2  }
0xc1: {  	s31 =	sshll.u32 s1, $0xD;
	s1 =	sshrl.u32 s1, $0x2  }
0xc2: {  	s3 =	sand.u32 $0x4000, s31;
	s1 =	sadd.s32 s1, s30  }
0xc3: {  	s0 =	sor.u32 s3, s0;
	s1 =	sshll.u32 s1, $0x11  }
0xc4: {  	s0 =	sor.u32 s1, s0  }
0xc5: {  	s0 =	sadd.s32 $0x8F2B, s0  }
0xc6: {  	[sflag:s0] =	ssyncadd.remote.s32 $0x1  }
0xc7: {  	_ =	sfence.sel $0xFFFF  }
0xc8: {  	[dreg:$0x0] =	wrdreg $0xFFFFFFFF;
	(pc) =	sbr.abs _section_cstart, $3  }
0xc9: {  	[dreg:$0x1] =	wrdreg $0xFFFFFFFF  }
0xca: {  	_ =	task.clear_ibuf [dreg:s9], $0x2FFFF;
	_ =	strace $0x9FFFFFFF  }
0xcb: {  	(tm) =	ssettm $0x7FFFFFFF  }
tec
execute0_lowered:
.L_overlay_start_1:
0x0: {  	(tag) =	ssettag $0x1  }
0x1: {  	s1 =	rddreg [dreg:$0x0]  }
0x2: {  	s2 =	rddreg [dreg:$0x1]  }
0x3: {  	s6 =	rddreg [dreg:$0x2]  }
0x4: {  	s9 =	rddreg [dreg:$0x3]  }
0x5: {  	s4 =	rddreg [dreg:$0x4];
	s3 =	stileid.u32  }
0x6: {  	s0 =	rddreg [dreg:$0x5];
	s7 =	smul.u32 $0xC360, s3  }
0x7: {  	s8 =	srdreg.scid;
	s29 =	smul.u32 $0xC35, s3  }
0x8: {  	s5 =	simm.s32 $0x0;
	s8 =	sand.u32 $0x1, s8;
	s30 =	smul.u32 $0x30D40, s3  }
0x9: {  	[smem:$0x7FF] =	sst s5;
	s31 =	sshll.u32 s3, $0x6;
	s13 =	smul.u32 $0xC350, s8  }
0xa: {  	_ =	strace $0x80000053;
	s11 =	ssub.s32 $0x2, s8;
	s8 =	smul.u32 $0x186A0, s3  }
0xb: {  	s10 =	sshrl.u32 s7, $0x3;
	s28 =	sshrl.u32 s11, $0x1;
	s12 =	sadd.s32 s7, s4  }
0xc: {  	s7 =	sor.u32 $0x1C01, s31;
	s14 =	sshrl.u32 s30, $0x2;
	s6 =	sadd.s32 s10, s6  }
0xd: {  	s11 =	ssub.s32 s11, s28;
	s10 =	sadd.s32 s29, s13;
	s15 =	sadd.s32 s14, s4  }
0xe: {  	v0 =	vmov s13;
	s13 =	simm.s32 $0x7D0;
	s14 =	simm.s32 $0x50;
	s10 =	sshll.u32 s10, $0x1  }
0xf: {  	s6 =	sadd.s32 $0x18F000, s6;
	s15 =	sshrl.u32 s15, $0x3;
	s9 =	sadd.s32 s9, s10  }
0x10: {  	s10 =	smax.u32 s11, $0x1;
	s11 =	sshrl.u32 s12, $0x3;
	s12 =	simm.s32 $0x1  }
.LBB2_1:
0x11: {  	[spmem:s11], [sflag:s7] =	dma.local [hbm:s6], $0x186C  }
0x12: {  	_ =	swait.ge [sflag:s12], $0x186C  }
0x13: {  	[sflag:s12] =	ssyncset.done $0x0  }
0x14: {  	[sflag:s12] =	ssyncadd.s32 $0xFFFFE794  }
0x15: {  	s16 =	simm.s32 $0x0;
	[bflag:$0x0] =	sbarrier.arrive $0xFFFF  }
.LBB2_2:
0x16: {  	s17 =	smul.u32 $0x7D0, s16;
	_ =	sdelay $0x1  }
0x17: {  	s17 =	sadd.s32 s8, s17  }
0x18: {  	s18 =	smulhi.u32 $0xCCCCCCCD, s17;
	_ =	sdelay $0x1  }
0x19: {  	s18 =	sshrl.u32 s18, $0x6  }
0x1a: {  	s18 =	smul.u32 $0x50, s18;
	_ =	sdelay $0x1  }
0x1b: {  	s18 =	sshrl.u32 s18, $0x3  }
0x1c: {  	s19 =	simm.s32 $0x0;
	s18 =	sadd.s32 s2, s18  }
0x1d: {  	[tilespmem:s19], [sflag:$0x1] =	stream.linear.gather [hbm4b:s18+s19], $0x7D0, $0x38;
	[tilespmem:$0x14830] =	vst v63  }
0x1e: {  	s17 =	sshll.u32 s17, $0x1;
	_ =	swait.ge [sflag:s12], $0x7D0  }
0x1f: {  	s17 =	sand.u32 $0x1FFFFFE0, s17;
	[sflag:s12] =	ssyncset.done $0x0  }
0x20: {  	s17 =	sadd.s32 s1, s17;
	[sflag:s12] =	ssyncadd.s32 $0xFFFFF830  }
0x21: {  	[tilespmem:s13], [sflag:$0x1] =	stream.linear.gather [hbm4b:s17+s19], $0x7D00, $0x38;
	[tilespmem:$0x14830] =	vst v63  }
0x22: {  	_ =	swait.ge [sflag:s12], $0x7D00  }
0x23: {  	[sflag:s12] =	ssyncset.done $0x0  }
0x24: {  	s17 =	simm.s32 $0x0;
	[sflag:s12] =	ssyncadd.s32 $0xFFFF8300  }
0x25: {  	v3 =	vld [tilespmem:s17+$0x0]  }
0x26: {  	v4 =	vld [tilespmem:s17+$0x10]  }
0x27: {  	v2 =	vld [tilespmem:s17+$0x20]  }
0x28: {  	s18 =	simm.s32 $0x0;
	s19 =	simm.s32 $0x140;
	v1 =	vld [tilespmem:s17+$0x30]  }
.LBB2_3:
0x29: {  	p0 =	sne.s32 s19, $0x1E00;
	v5 =	vld [tilespmem:s18+$0x40]  }
0x2a: {  	v3 =	vsub.s32 v3, v0  }
0x2b: {  	v3 =	vmin.u32 v3, $0xC350;
	v4 =	vsub.s32 v4, v0  }
.Ltmp0:
0x2c: {  	s20 =	sshra.s32 s19, $0x2;
	[tilespmem:s18+$0x0] =	vst v3;
	v4 =	vmin.u32 v4, $0xC350;
	v2 =	vsub.s32 v2, v0;
	(pc) =	sbr.rel @p0 .LBB2_3-.Ltmp0, $4  }
0x2d: {  	v3 =	vld [tilespmem:s20+$0x0];
	[tilespmem:s18+$0x10] =	vst v4;
	v2 =	vmin.u32 v2, $0xC350;
	v1 =	vsub.s32 v1, v0  }
0x2e: {  	v4 =	vld [tilespmem:s20+$0x10];
	[tilespmem:s18+$0x20] =	vst v2;
	v1 =	vmin.u32 v1, $0xC350;
	v5 =	vsub.s32 v5, v0  }
0x2f: {  	v2 =	vld [tilespmem:s20+$0x20];
	[tilespmem:s18+$0x30] =	vst v1;
	v5 =	vmin.u32 v5, $0xC350  }
0x30: {  	s19 =	sadd.s32 $0x140, s19;
	v1 =	vld [tilespmem:s20+$0x30];
	[tilespmem:s18+$0x40] =	vst v5;
	s18 =	smov.u32 s20  }
0x31: {  	v5 =	vld [tilespmem:s18+$0x40]  }
0x32: {  	v3 =	vsub.s32 v3, v0  }
0x33: {  	v3 =	vmin.u32 v3, $0xC350;
	v4 =	vsub.s32 v4, v0  }
0x34: {  	[tilespmem:s18+$0x0] =	vst v3;
	v3 =	vmin.u32 v4, $0xC350;
	v2 =	vsub.s32 v2, v0  }
0x35: {  	[tilespmem:s18+$0x10] =	vst v3;
	v2 =	vmin.u32 v2, $0xC350;
	v1 =	vsub.s32 v1, v0  }
0x36: {  	[tilespmem:s18+$0x20] =	vst v2;
	v1 =	vmin.u32 v1, $0xC350;
	v2 =	vsub.s32 v5, v0  }
0x37: {  	[tilespmem:s18+$0x30] =	vst v1;
	v1 =	vmin.u32 v2, $0xC350  }
0x38: {  	[tilespmem:s18+$0x40] =	vst v1;
	s18 =	simm.s32 $0x7D0  }
0x39: {  	[spmem:s4] =	stream.indirect.scatter.add.f32 [tilespmem:s18], [sflag:$0x1], $0x10, s17, s14, $0xb8;
	[tilespmem:$0x14830] =	vst v63  }
0x3a: {  	_ =	swait.ge [sflag:s12], $0x500  }
0x3b: {  	s17 =	simm.s32 $0x140;
	[sflag:s12] =	ssyncset.done $0x0  }
.LBB2_5:
0x3c: {  	s19 =	sshra.s32 s17, $0x2  }
0x3d: {  	[sflag:s12] =	ssyncadd.s32 $0xFFFFFB00;
	s18 =	sadd.s32 $0x500, s18;
	p0 =	sne.s32 s17, $0x1E00  }
0x3e: {  	[spmem:s4] =	stream.indirect.scatter.add.f32 [tilespmem:s18], [sflag:$0x1], $0x10, s19, s14, $0xb8;
	[tilespmem:$0x14830] =	vst v63  }
.Ltmp1:
0x3f: {  	_ = 	snop;
	(pc) =	sbr.rel @p0 .LBB2_5-.Ltmp1, $4  }
0x40: {  	_ = 	snop  }
0x41: {  	s17 =	sadd.s32 $0x140, s17  }
0x42: {  	_ =	swait.ge [sflag:s12], $0x500  }
0x43: {  	[sflag:s12] =	ssyncset.done $0x0  }
0x44: {  	s16 =	sadd.s32 $0x1, s16  }
0x45: {  	p0 =	sne.s32 s16, $0x32  }
.Ltmp2:
0x46: {  	_ = 	snop;
	(pc) =	sbr.rel @p0 .LBB2_2-.Ltmp2, $2  }
0x47: {  	_ =	sdelay $0x2  }
0x48: {  	[sflag:s12] =	ssyncadd.s32 $0xFFFFFB00  }
0x49: {  	s5 =	sadd.s32 $0x1, s5  }
0x4a: {  	p0 =	sne.s32 s5, s10  }
.Ltmp3:
0x4b: {  	[bflag:$0x0] =	sbarrier.arrive $0xFFFF;
	(pc) =	sbr.rel @p0 .LBB2_1-.Ltmp3, $4  }
0x4c: {  	[hbm:s9], [sflag:s7] =	dma.local [spmem:s15], $0x186A  }
0x4d: {  	_ =	swait.ge [sflag:s12], $0x186A  }
0x4e: {  	[sflag:s12] =	ssyncset.done $0x0  }
0x4f: {  	[sflag:s12] =	ssyncadd.s32 $0xFFFFE796  }
0x50: {  	_ =	sfence.sel $0x180000  }
0x51: {  	[bflag:$0x0] =	sbarrier.arrive $0xFFFF  }
0x52: {  	p0 =	sne.s32 s3, $0x0;
	_ =	strace $0x90000053  }
0x53: {  	s0 =	sadd.s32 @!p0 $0x100000, s0;
	[bflag:$0x2] =	sbarrier.arrive $0xFFFF  }
0x54: {  	[sflag:s0] =	ssyncadd.tile.s32 @!p0 $0x1;
	_ =	shalt  }
.Lfunc_end2:
_tile_overlayer_lowered:
.L_overlay_start_2:
0x55: {  	(tag) =	ssettag $0x2  }
0x56: {  	s0 =	rddreg [dreg:$0x0];
	s2 =	stileid.u32  }
0x57: {  	s1 =	rddreg [dreg:$0x1];
	p0 =	sne.s32 s2, $0x0  }
0x58: {  	s3 =	rddreg [dreg:$0x2];
	[bflag:$0x3] =	sbarrier.arrive $0xFFFF;
	s2 =	simm.s32 @!p0 $0x1C01  }
0x59: {  	[timem:s3], [sflag:s2] =	dma.local @!p0 [hbm:s0], s1  }
0x5a: {  	s0 =	simm.s32 @!p0 $0x1  }
0x5b: {  	_ =	swait.ge @!p0 [sflag:s0], s1  }
0x5c: {  	s1 =	ssub.s32 @!p0 $0x0, s1;
	[sflag:s0] =	ssyncset.done @!p0 $0x0  }
0x5d: {  	[sflag:s0] =	ssyncadd.s32 @!p0 s1  }
0x5e: {  	[bflag:$0x3] =	sbarrier.arrive $0xFFFF  }
0x5f: {  	_ =	shalt  }

// kernel: kernel.34.cloned.1.call-start
scs
__scs_entry_jumppad:
0x0: {  	(pc) =	sbr.rel $0x88, $3  }
0x1: {  	(tag) =	ssettag $0x0;
	lr =	simm.s32 $0x1  }
0x2: {  	[smem:$0x3F74] =	sst lr;
	_ =	strace $0xD0000000  }
0x3: {  	_ = 	snop  }
0x4: {  	_ = 	snop  }
0x5: {  	_ = 	snop  }
0x6: {  	_ = 	snop  }
0x7: {  	_ = 	snop  }
__scs_overlays_trampoline_lowered:
0x8: {  	[smem:$0x3F83] =	sst s0  }
0x9: {  	[smem:$0x3F84] =	sst s1  }
0xa: {  	[smem:$0x3F85] =	sst s2  }
0xb: {  	[smem:$0x3F86] =	sst s3  }
0xc: {  	[smem:$0x3F87] =	sst s4  }
0xd: {  	[smem:$0x3F88] =	sst s5  }
0xe: {  	[smem:$0x3F89] =	sst s6  }
0xf: {  	[smem:$0x3F8A] =	sst s7  }
0x10: {  	[smem:$0x3F8B] =	sst s8  }
0x11: {  	[smem:$0x3F8C] =	sst s9;
	s0 =	simm.s32 @!p0 $0x0  }
0x12: {  	s1 =	sld [smem:$0x3F72];
	s0 =	simm.s32 @p0 $0x1  }
0x13: {  	[smem:$0x3F8D] =	sst s0;
	s0 =	simm.s32 @!p1 $0x0  }
0x14: {  	s2 =	sld [smem:$0x3F71];
	s0 =	simm.s32 @p1 $0x1  }
0x15: {  	[smem:$0x3F8E] =	sst s0;
	s0 =	simm.s32 @!p2 $0x0  }
0x16: {  	s3 =	sld [smem:$0x3FDB];
	s0 =	simm.s32 @p2 $0x1  }
0x17: {  	s4 =	simm.s32 $0x1BF5;
	[smem:$0x3F90] =	sst s0  }
0x18: {  	s0 =	sld [smem:$0x3F73];
	_ =	swait.ge [sflag:s4], $0x0  }
0x19: {  	s7 =	sld [smem:$0x3F74]  }
0x1a: {  	s8 =	sadd.s32 $0xFFFFE003, lr  }
0x1b: {  	s9 =	sadd.s32 $0xFFFFFEF7, lr;
	s5 =	simm.s32 $0xFFFFFFFF;
	p2 =	slt.u32 s8, $0xFFFFF086  }
0x1c: {  	p1 =	slt.u32 s9, $0xF7A;
	s5 =	simm.s32 @!p2 $0x0  }
0x1d: {  	s5 =	simm.s32 @p1 $0x1;
	p0 =	seq.s32 s7, s2  }
0x1e: {  	s7 =	smul.u32 @!p0 $0xF7A, s2;
	p2 =	seq.s32 @!p0 s5, $0x0  }
0x1f: {  	s9 =	smul.u32 $0xF7A, s1;
	s8 =	simm.s32 @!p0 $0x1BF5;
	p2 =	por !p2, p0  }
0x20: {  	[sflag:s8] =	ssyncset.s32 @!p0 $0xFFFFF086;
	s6 =	sadd.s32 @!p0 s3, s7;
	s7 =	simm.s32 @!p0 $0x108  }
0x21: {  	s3 =	sadd.s32 s3, s9;
	s6 =	sadd.s32 @!p0 $0x88, s6;
	s7 =	simm.s32 @p2 $0x1082  }
0x22: {  	[simem:s7], [sflag:s8] =	dma.local @!p0 [hbm:s6], $0xF7A  }
0x23: {  	s9 =	sor.u32 $0xD0000000, s2;
	s6 =	simm.s32 $0x108;
	_ =	swait.ge @!p0 [sflag:s8], $0x0  }
0x24: {  	s3 =	sadd.s32 $0x88, s3;
	s6 =	simm.s32 @!p1 $0x1082;
	[sflag:s4] =	ssyncset.s32 $0xFFFFF086  }
0x25: {  	[simem:s6], [sflag:s4] =	dma.local [hbm:s3], $0xF7A  }
0x26: {  	[smem:$0x3F74] =	sst s1;
	(tag) =	ssettag s2;
	_ =	strace s9  }
0x27: {  	s1 =	sld [smem:$0x3F84]  }
0x28: {  	s2 =	sld [smem:$0x3F85]  }
0x29: {  	s4 =	sld [smem:$0x3F87]  }
0x2a: {  	p0 =	seq.s32 s5, $0x0;
	s5 =	sld [smem:$0x3F88]  }
0x2b: {  	s6 =	sld [smem:$0x3F89]  }
0x2c: {  	s7 =	sld [smem:$0x3F8A]  }
0x2d: {  	s3 =	simm.s32 $0x108;
	s8 =	sld [smem:$0x3F8B]  }
0x2e: {  	s3 =	simm.s32 @!p0 $0x1082;
	s9 =	sld [smem:$0x3F8C]  }
0x2f: {  	lr =	sadd.s32 s0, s3;
	s0 =	sld [smem:$0x3F83]  }
0x30: {  	s3 =	sld [smem:$0x3F86]  }
0x31: {  	[smem:$0x3F8F] =	sst s10  }
0x32: {  	s10 =	sld [smem:$0x3F8D];
	_ =	sdelay $0x3  }
0x33: {  	p0 =	seq.s32 s10, $0x1;
	s10 =	sld [smem:$0x3F8F];
	_ =	sdelay $0x3  }
0x34: {  	[smem:$0x3F8F] =	sst s10  }
0x35: {  	s10 =	sld [smem:$0x3F8E];
	_ =	sdelay $0x3  }
0x36: {  	p1 =	seq.s32 s10, $0x1;
	s10 =	sld [smem:$0x3F8F];
	_ =	sdelay $0x3  }
0x37: {  	[smem:$0x3F8F] =	sst s10  }
0x38: {  	s10 =	sld [smem:$0x3F90]  }
0x39: {  	_ = 	snop;
	(pc) =	sbr.ind lr, $3  }
0x3a: {  	_ = 	snop  }
0x3b: {  	_ = 	snop  }
0x3c: {  	p2 =	seq.s32 s10, $0x1;
	s10 =	sld [smem:$0x3F8F]  }
0x3d: {  	_ =	shalt  }
0x3e: {  	_ =	shalt  }
0x3f: {  	_ =	shalt  }
0x40: {  	_ =	shalt  }
0x41: {  	_ =	shalt  }
0x42: {  	_ =	shalt  }
0x43: {  	_ =	shalt  }
0x44: {  	_ =	shalt  }
0x45: {  	_ =	shalt  }
0x46: {  	_ =	shalt  }
0x47: {  	_ =	shalt  }
0x48: {  	_ =	shalt  }
0x49: {  	_ =	shalt  }
0x4a: {  	_ =	shalt  }
0x4b: {  	_ =	shalt  }
0x4c: {  	_ =	shalt  }
0x4d: {  	_ =	shalt  }
0x4e: {  	_ =	shalt  }
0x4f: {  	_ =	shalt  }
0x50: {  	_ =	shalt  }
0x51: {  	_ =	shalt  }
0x52: {  	_ =	shalt  }
0x53: {  	_ =	shalt  }
0x54: {  	_ =	shalt  }
0x55: {  	_ =	shalt  }
0x56: {  	_ =	shalt  }
0x57: {  	_ =	shalt  }
0x58: {  	_ =	shalt  }
0x59: {  	_ =	shalt  }
0x5a: {  	_ =	shalt  }
0x5b: {  	_ =	shalt  }
0x5c: {  	_ =	shalt  }
0x5d: {  	_ =	shalt  }
0x5e: {  	_ =	shalt  }
0x5f: {  	_ =	shalt  }
0x60: {  	_ =	shalt  }
0x61: {  	_ =	shalt  }
0x62: {  	_ =	shalt  }
0x63: {  	_ =	shalt  }
0x64: {  	_ =	shalt  }
0x65: {  	_ =	shalt  }
0x66: {  	_ =	shalt  }
0x67: {  	_ =	shalt  }
0x68: {  	_ =	shalt  }
0x69: {  	_ =	shalt  }
0x6a: {  	_ =	shalt  }
0x6b: {  	_ =	shalt  }
0x6c: {  	_ =	shalt  }
0x6d: {  	_ =	shalt  }
0x6e: {  	_ =	shalt  }
0x6f: {  	_ =	shalt  }
0x70: {  	_ =	shalt  }
0x71: {  	_ =	shalt  }
0x72: {  	_ =	shalt  }
0x73: {  	_ =	shalt  }
0x74: {  	_ =	shalt  }
0x75: {  	_ =	shalt  }
0x76: {  	_ =	shalt  }
0x77: {  	_ =	shalt  }
0x78: {  	_ =	shalt  }
0x79: {  	_ =	shalt  }
0x7a: {  	_ =	shalt  }
0x7b: {  	_ =	shalt  }
0x7c: {  	_ =	shalt  }
0x7d: {  	_ =	shalt  }
0x7e: {  	_ =	shalt  }
0x7f: {  	_ =	shalt  }
0x80: {  	_ =	shalt  }
0x81: {  	_ =	shalt  }
0x82: {  	_ =	shalt  }
0x83: {  	_ =	shalt  }
0x84: {  	_ =	shalt  }
0x85: {  	_ =	shalt  }
0x86: {  	_ =	shalt  }
0x87: {  	_ =	shalt  }
.Lfunc_end0:
.L_simem_size_0:
called_computation.5_lowered:
.L_overlay_start_0:
0x88: {  	s2 =	sld [smem:$0x3FD9]  }
0x89: {  	s3 =	sld [smem:$0x3FFE];
	_ =	sdelay $0x1  }
0x8a: {  	s1 =	srdreg.scid  }
0x8b: {  	s0 =	sand.u32 $0x1, s1  }
0x8c: {  	s15 =	sshll.u32 s0, $0xA;
	s2 =	sadd.s32 s3, s2  }
0x8d: {  	s2 =	sadd.s32 s2, s15  }
0x8e: {  	[smem:$0x3F9B] =	sst s2  }
0x8f: {  	_ = 	snop  }
0x90: {  	s2 =	sld [smem:$0x3FD0];
	_ =	sdelay $0x2  }
0x91: {  	s4 =	simm.s32 $0xB;
	s16 =	simm.s32 $0x10  }
0x92: {  	[smem:s16], [sflag:s4] =	dma.local [hbm:s2], $0x1  }
0x93: {  	_ =	swait.eq [sflag:s4], $0x1  }
0x94: {  	[sflag:s4] =	ssyncset.done $0x0  }
0x95: {  	s17 =	sld [smem:$0x10];
	[sflag:s4] =	ssyncadd.s32 $0xFFFFFFFF  }
0x96: {  	s18 =	sld [smem:$0x15];
	(tm) =	ssettm $0x1  }
0x97: {  	s19 =	sld [smem:$0x3FFB];
	_ =	sdelay $0x3  }
0x98: {  	_ =	strace s19  }
0x99: {  	s2 =	sld [smem:$0x3FFC];
	_ =	sdelay $0x3  }
0x9a: {  	_ =	strace s2  }
0x9b: {  	s2 =	sld [smem:$0x3FFD];
	_ =	sdelay $0x3  }
0x9c: {  	_ =	strace s2  }
0x9d: {  	_ =	strace $0x8FFFFFFF  }
0x9e: {  	s20 =	sld [smem:$0x3FDB];
	_ =	sdelay $0x1  }
0x9f: {  	s5 =	simm.s32 $_scs_section_size  }
0xa0: {  	s6 =	simm.s32 $_size__tile_overlayer_lowered;
	s7 =	simm.s32 $_tile_overlayer_lowered  }
0xa1: {  	s8 =	simm.s32 $0x1BFF;
	s21 =	sshll.u32 s7, $0x1;
	s5 =	sadd.s32 s5, s20  }
0xa2: {  	s22 =	simm.s32 $0x0;
	s6 =	sshll.u32 s6, $0x1;
	s7 =	sadd.s32 s21, s5  }
0xa3: {  	[timem:s22], [sflag:s8] =	dma.local [hbm:s7], s6  }
0xa4: {  	_ =	swait.ge [sflag:s8], s6  }
0xa5: {  	s6 =	ssub.s32 $0x0, s6;
	[sflag:s8] =	ssyncset.done $0x0  }
0xa6: {  	[sflag:s8] =	ssyncadd.s32 s6;
	_ =	sdelay $0x1  }
0xa7: {  	s23 =	simm.s32 $0x1B8B  }
0xa8: {  	_ =	swait.ge [sflag:s23], $0x1  }
0xa9: {  	[sflag:s23] =	ssyncset.done $0x0  }
0xaa: {  	[sflag:s23] =	ssyncadd.s32 $0xFFFFFFFF  }
0xab: {  	s6 =	sld [smem:$0x0]  }
0xac: {  	s7 =	sand.u32 $0xFFFFFFFE, s1  }
0xad: {  	p0 =	sne.s32 s1, s7  }
0xae: {  	s7 =	sshll.u32 @p0 s7, $0xE  }
0xaf: {  	s7 =	sadd.s32 @p0 $0x11B8D, s7;
	s8 =	sshll.u32 @p0 s6, $0x11  }
0xb0: {  	s7 =	sor.u32 @p0 s8, s7  }
0xb1: {  	[sflag:s7] =	ssyncadd.remote.s32 @p0 $0x1;
	_ =	sdelay $0x1  }
0xb2: {  	s7 =	simm.s32 @p0 $0x1B8D  }
0xb3: {  	_ =	swait.eq @p0 [sflag:s7], $0x1  }
0xb4: {  	[sflag:s7] =	ssyncadd.s32 @p0 $0xFFFFFFFF  }
0xb5: {  	s8 =	sshll.u32 @!p0 s1, $0xE  }
0xb6: {  	s8 =	sor.u32 @!p0 $0x4000, s8;
	s7 =	simm.s32 @!p0 $0x1B8D  }
0xb7: {  	s6 =	sshll.u32 @!p0 s6, $0x11;
	s8 =	sadd.s32 @!p0 $0x11B8D, s8;
	_ =	swait.eq @!p0 [sflag:s7], $0x1  }
0xb8: {  	s6 =	sor.u32 @!p0 s6, s8;
	[sflag:s7] =	ssyncadd.s32 @!p0 $0xFFFFFFFF  }
0xb9: {  	s25 =	simm.s32 $0x1B8E;
	s24 =	sld [smem:$0x3FFE];
	[sflag:s6] =	ssyncadd.remote.s32 @!p0 $0x1  }
0xba: {  	s26 =	simm.s32 $execute0_lowered;
	[smem:$0x3FD2] =	sst s25  }
0xbb: {  	s7 =	sshll.u32 s26, $0x1;
	_ =	strace $0x80000055;
	[dreg:$0x1] =	wrdreg $0xFFFFFFFF  }
0xbc: {  	s28 =	simm.s32 $_size_execute0_lowered;
	s5 =	sadd.s32 s5, s7;
	[dreg:$0x0] =	wrdreg $0x0  }
0xbd: {  	s7 =	sshll.u32 s28, $0x1;
	[dreg:$0x2] =	wrdreg s5  }
0xbe: {  	[dreg:$0x3] =	wrdreg s7  }
0xbf: {  	[dreg:$0x4] =	wrdreg $0xC0  }
0xc0: {  	_ =	task [dreg:s22], $0x5FFFF  }
0xc1: {  	[dreg:$0x1] =	wrdreg $0xFFFFFFFF  }
0xc2: {  	[dreg:$0x0] =	wrdreg $0x60  }
0xc3: {  	[dreg:$0x2] =	wrdreg s24  }
0xc4: {  	[dreg:$0x3] =	wrdreg s18  }
0xc5: {  	[dreg:$0x4] =	wrdreg s17  }
0xc6: {  	[dreg:$0x5] =	wrdreg $0x84D00  }
0xc7: {  	[dreg:$0x6] =	wrdreg $0xA  }
0xc8: {  	_ =	task.clear_ibuf [dreg:s22], $0x7FFFF;
	_ =	strace $0x90000055  }
0xc9: {  	s29 =	simm.s32 $0xA;
	_ =	strace $0x80000057  }
0xca: {  	_ =	swait.ge [sflag:s29], $0x1  }
0xcb: {  	[sflag:s29] =	ssyncadd.s32 $0xFFFFFFFF  }
0xcc: {  	_ =	strace $0x90000057  }
0xcd: {  	_ =	sfence  }
0xce: {  	s30 =	sld [smem:$0x0];
	_ =	sdelay $0x2  }
0xcf: {  	s31 =	sshll.u32 s1, $0xD;
	s1 =	sshrl.u32 s1, $0x2  }
0xd0: {  	s4 =	sand.u32 $0x4000, s31;
	s1 =	sadd.s32 s1, s30  }
0xd1: {  	s0 =	sor.u32 s4, s0;
	s1 =	sshll.u32 s1, $0x11  }
0xd2: {  	s0 =	sor.u32 s1, s0  }
0xd3: {  	s0 =	sadd.s32 $0x8F2B, s0  }
0xd4: {  	[sflag:s0] =	ssyncadd.remote.s32 $0x1  }
0xd5: {  	_ =	sfence.sel $0xFFFF  }
0xd6: {  	[dreg:$0x0] =	wrdreg $0xFFFFFFFF;
	(pc) =	sbr.abs _section_cstart, $3  }
0xd7: {  	[dreg:$0x1] =	wrdreg $0xFFFFFFFF  }
0xd8: {  	_ =	task.clear_ibuf [dreg:s22], $0x2FFFF;
	_ =	strace $0x9FFFFFFF  }
0xd9: {  	(tm) =	ssettm $0x7FFFFFFF  }
tec
execute0_lowered:
.L_overlay_start_1:
0x0: {  	(tag) =	ssettag $0x1  }
0x1: {  	s6 =	rddreg [dreg:$0x0]  }
0x2: {  	s1 =	rddreg [dreg:$0x1]  }
0x3: {  	s9 =	rddreg [dreg:$0x2]  }
0x4: {  	s3 =	rddreg [dreg:$0x3];
	s2 =	stileid.u32  }
0x5: {  	s0 =	rddreg [dreg:$0x4];
	s7 =	smul.u32 $0xC360, s2  }
0x6: {  	s4 =	simm.s32 $0x0;
	s8 =	srdreg.scid;
	s29 =	smul.u32 $0xC35, s2  }
0x7: {  	[smem:$0x7FF] =	sst s4;
	s8 =	sand.u32 $0x1, s8;
	s30 =	smul.u32 $0x30D40, s2  }
0x8: {  	s5 =	sadd.s32 $0x7A9A00, s6;
	s31 =	sshll.u32 s2, $0x6;
	s13 =	smul.u32 $0xC350, s8  }
0x9: {  	_ =	strace $0x80000056;
	s11 =	ssub.s32 $0x2, s8;
	s8 =	smul.u32 $0x186A0, s2  }
0xa: {  	s10 =	sshrl.u32 s7, $0x3;
	s28 =	sshrl.u32 s11, $0x1;
	s12 =	sadd.s32 s7, s3  }
0xb: {  	s7 =	sor.u32 $0x1C01, s31;
	s14 =	sshrl.u32 s30, $0x2;
	s6 =	sadd.s32 s10, s6  }
0xc: {  	s11 =	ssub.s32 s11, s28;
	s10 =	sadd.s32 s29, s13;
	s15 =	sadd.s32 s14, s3  }
0xd: {  	v0 =	vmov s13;
	s13 =	simm.s32 $0x7D0;
	s14 =	simm.s32 $0x50;
	s10 =	sshll.u32 s10, $0x1  }
0xe: {  	s6 =	sadd.s32 $0x18F000, s6;
	s15 =	sshrl.u32 s15, $0x3;
	s9 =	sadd.s32 s9, s10  }
0xf: {  	s10 =	smax.u32 s11, $0x1;
	s11 =	sshrl.u32 s12, $0x3;
	s12 =	simm.s32 $0x1  }
.LBB2_1:
0x10: {  	[spmem:s11], [sflag:s7] =	dma.local [hbm:s6], $0x186C  }
0x11: {  	_ =	swait.ge [sflag:s12], $0x186C  }
0x12: {  	[sflag:s12] =	ssyncset.done $0x0  }
0x13: {  	[sflag:s12] =	ssyncadd.s32 $0xFFFFE794  }
0x14: {  	s16 =	simm.s32 $0x0;
	[bflag:$0x0] =	sbarrier.arrive $0xFFFF  }
.LBB2_2:
0x15: {  	s17 =	smul.u32 $0x7D0, s16;
	_ =	sdelay $0x1  }
0x16: {  	s17 =	sadd.s32 s8, s17  }
0x17: {  	s18 =	smulhi.u32 $0xCCCCCCCD, s17;
	_ =	sdelay $0x1  }
0x18: {  	s18 =	sshrl.u32 s18, $0x6  }
0x19: {  	s18 =	smul.u32 $0x50, s18;
	_ =	sdelay $0x1  }
0x1a: {  	s18 =	sshrl.u32 s18, $0x3  }
0x1b: {  	s19 =	simm.s32 $0x0;
	s18 =	sadd.s32 s1, s18  }
0x1c: {  	[tilespmem:s19], [sflag:$0x1] =	stream.linear.gather [hbm4b:s18+s19], $0x7D0, $0x38;
	[tilespmem:$0x14830] =	vst v63  }
0x1d: {  	s17 =	sshll.u32 s17, $0x1;
	_ =	swait.ge [sflag:s12], $0x7D0  }
0x1e: {  	s17 =	sand.u32 $0x1FFFFFE0, s17;
	[sflag:s12] =	ssyncset.done $0x0  }
0x1f: {  	s17 =	sadd.s32 s5, s17;
	[sflag:s12] =	ssyncadd.s32 $0xFFFFF830  }
0x20: {  	[tilespmem:s13], [sflag:$0x1] =	stream.linear.gather [hbm4b:s17+s19], $0x7D00, $0x38;
	[tilespmem:$0x14830] =	vst v63  }
0x21: {  	_ =	swait.ge [sflag:s12], $0x7D00  }
0x22: {  	[sflag:s12] =	ssyncset.done $0x0  }
0x23: {  	s17 =	simm.s32 $0x0;
	[sflag:s12] =	ssyncadd.s32 $0xFFFF8300  }
0x24: {  	v3 =	vld [tilespmem:s17+$0x0]  }
0x25: {  	v4 =	vld [tilespmem:s17+$0x10]  }
0x26: {  	v2 =	vld [tilespmem:s17+$0x20]  }
0x27: {  	s18 =	simm.s32 $0x0;
	s19 =	simm.s32 $0x140;
	v1 =	vld [tilespmem:s17+$0x30]  }
.LBB2_3:
0x28: {  	p0 =	sne.s32 s19, $0x1E00;
	v5 =	vld [tilespmem:s18+$0x40]  }
0x29: {  	v3 =	vsub.s32 v3, v0  }
0x2a: {  	v3 =	vmin.u32 v3, $0xC350;
	v4 =	vsub.s32 v4, v0  }
.Ltmp0:
0x2b: {  	s20 =	sshra.s32 s19, $0x2;
	[tilespmem:s18+$0x0] =	vst v3;
	v4 =	vmin.u32 v4, $0xC350;
	v2 =	vsub.s32 v2, v0;
	(pc) =	sbr.rel @p0 .LBB2_3-.Ltmp0, $4  }
0x2c: {  	v3 =	vld [tilespmem:s20+$0x0];
	[tilespmem:s18+$0x10] =	vst v4;
	v2 =	vmin.u32 v2, $0xC350;
	v1 =	vsub.s32 v1, v0  }
0x2d: {  	v4 =	vld [tilespmem:s20+$0x10];
	[tilespmem:s18+$0x20] =	vst v2;
	v1 =	vmin.u32 v1, $0xC350;
	v5 =	vsub.s32 v5, v0  }
0x2e: {  	v2 =	vld [tilespmem:s20+$0x20];
	[tilespmem:s18+$0x30] =	vst v1;
	v5 =	vmin.u32 v5, $0xC350  }
0x2f: {  	s19 =	sadd.s32 $0x140, s19;
	v1 =	vld [tilespmem:s20+$0x30];
	[tilespmem:s18+$0x40] =	vst v5;
	s18 =	smov.u32 s20  }
0x30: {  	v5 =	vld [tilespmem:s18+$0x40]  }
0x31: {  	v3 =	vsub.s32 v3, v0  }
0x32: {  	v3 =	vmin.u32 v3, $0xC350;
	v4 =	vsub.s32 v4, v0  }
0x33: {  	[tilespmem:s18+$0x0] =	vst v3;
	v3 =	vmin.u32 v4, $0xC350;
	v2 =	vsub.s32 v2, v0  }
0x34: {  	[tilespmem:s18+$0x10] =	vst v3;
	v2 =	vmin.u32 v2, $0xC350;
	v1 =	vsub.s32 v1, v0  }
0x35: {  	[tilespmem:s18+$0x20] =	vst v2;
	v1 =	vmin.u32 v1, $0xC350;
	v2 =	vsub.s32 v5, v0  }
0x36: {  	[tilespmem:s18+$0x30] =	vst v1;
	v1 =	vmin.u32 v2, $0xC350  }
0x37: {  	[tilespmem:s18+$0x40] =	vst v1;
	s18 =	simm.s32 $0x7D0  }
0x38: {  	[spmem:s3] =	stream.indirect.scatter.add.f32 [tilespmem:s18], [sflag:$0x1], $0x10, s17, s14, $0xb8;
	[tilespmem:$0x14830] =	vst v63  }
0x39: {  	_ =	swait.ge [sflag:s12], $0x500  }
0x3a: {  	s17 =	simm.s32 $0x140;
	[sflag:s12] =	ssyncset.done $0x0  }
.LBB2_5:
0x3b: {  	s19 =	sshra.s32 s17, $0x2  }
0x3c: {  	[sflag:s12] =	ssyncadd.s32 $0xFFFFFB00;
	s18 =	sadd.s32 $0x500, s18;
	p0 =	sne.s32 s17, $0x1E00  }
0x3d: {  	[spmem:s3] =	stream.indirect.scatter.add.f32 [tilespmem:s18], [sflag:$0x1], $0x10, s19, s14, $0xb8;
	[tilespmem:$0x14830] =	vst v63  }
.Ltmp1:
0x3e: {  	_ = 	snop;
	(pc) =	sbr.rel @p0 .LBB2_5-.Ltmp1, $4  }
0x3f: {  	_ = 	snop  }
0x40: {  	s17 =	sadd.s32 $0x140, s17  }
0x41: {  	_ =	swait.ge [sflag:s12], $0x500  }
0x42: {  	[sflag:s12] =	ssyncset.done $0x0  }
0x43: {  	s16 =	sadd.s32 $0x1, s16  }
0x44: {  	p0 =	sne.s32 s16, $0x32  }
.Ltmp2:
0x45: {  	_ = 	snop;
	(pc) =	sbr.rel @p0 .LBB2_2-.Ltmp2, $2  }
0x46: {  	_ =	sdelay $0x2  }
0x47: {  	[sflag:s12] =	ssyncadd.s32 $0xFFFFFB00  }
0x48: {  	s4 =	sadd.s32 $0x1, s4  }
0x49: {  	p0 =	sne.s32 s4, s10  }
.Ltmp3:
0x4a: {  	[bflag:$0x0] =	sbarrier.arrive $0xFFFF;
	(pc) =	sbr.rel @p0 .LBB2_1-.Ltmp3, $4  }
0x4b: {  	[hbm:s9], [sflag:s7] =	dma.local [spmem:s15], $0x186A  }
0x4c: {  	_ =	swait.ge [sflag:s12], $0x186A  }
0x4d: {  	[sflag:s12] =	ssyncset.done $0x0  }
0x4e: {  	[sflag:s12] =	ssyncadd.s32 $0xFFFFE796  }
0x4f: {  	_ =	sfence.sel $0x180000  }
0x50: {  	[bflag:$0x0] =	sbarrier.arrive $0xFFFF  }
0x51: {  	p0 =	sne.s32 s2, $0x0;
	_ =	strace $0x90000056  }
0x52: {  	s0 =	sadd.s32 @!p0 $0x100000, s0;
	[bflag:$0x2] =	sbarrier.arrive $0xFFFF  }
0x53: {  	[sflag:s0] =	ssyncadd.tile.s32 @!p0 $0x1;
	_ =	shalt  }
.Lfunc_end2:
_tile_overlayer_lowered:
.L_overlay_start_2:
0x54: {  	(tag) =	ssettag $0x2  }
0x55: {  	s0 =	rddreg [dreg:$0x0];
	s2 =	stileid.u32  }
0x56: {  	s1 =	rddreg [dreg:$0x1];
	p0 =	sne.s32 s2, $0x0  }
0x57: {  	s3 =	rddreg [dreg:$0x2];
	[bflag:$0x3] =	sbarrier.arrive $0xFFFF;
	s2 =	simm.s32 @!p0 $0x1C01  }
0x58: {  	[timem:s3], [sflag:s2] =	dma.local @!p0 [hbm:s0], s1  }
0x59: {  	s0 =	simm.s32 @!p0 $0x1  }
0x5a: {  	_ =	swait.ge @!p0 [sflag:s0], s1  }
0x5b: {  	s1 =	ssub.s32 @!p0 $0x0, s1;
	[sflag:s0] =	ssyncset.done @!p0 $0x0  }
0x5c: {  	[sflag:s0] =	ssyncadd.s32 @!p0 s1  }
0x5d: {  	[bflag:$0x3] =	sbarrier.arrive $0xFFFF  }
0x5e: {  	_ =	shalt  }

// kernel: kernel.37.cloned.1.call-start
scs
__scs_entry_jumppad:
0x0: {  	(pc) =	sbr.rel $0x88, $3  }
0x1: {  	(tag) =	ssettag $0x0;
	lr =	simm.s32 $0x1  }
0x2: {  	[smem:$0x3F74] =	sst lr;
	_ =	strace $0xD0000000  }
0x3: {  	_ = 	snop  }
0x4: {  	_ = 	snop  }
0x5: {  	_ = 	snop  }
0x6: {  	_ = 	snop  }
0x7: {  	_ = 	snop  }
__scs_overlays_trampoline_lowered:
0x8: {  	[smem:$0x3F83] =	sst s0  }
0x9: {  	[smem:$0x3F84] =	sst s1  }
0xa: {  	[smem:$0x3F85] =	sst s2  }
0xb: {  	[smem:$0x3F86] =	sst s3  }
0xc: {  	[smem:$0x3F87] =	sst s4  }
0xd: {  	[smem:$0x3F88] =	sst s5  }
0xe: {  	[smem:$0x3F89] =	sst s6  }
0xf: {  	[smem:$0x3F8A] =	sst s7  }
0x10: {  	[smem:$0x3F8B] =	sst s8  }
0x11: {  	[smem:$0x3F8C] =	sst s9;
	s0 =	simm.s32 @!p0 $0x0  }
0x12: {  	s1 =	sld [smem:$0x3F72];
	s0 =	simm.s32 @p0 $0x1  }
0x13: {  	[smem:$0x3F8D] =	sst s0;
	s0 =	simm.s32 @!p1 $0x0  }
0x14: {  	s2 =	sld [smem:$0x3F71];
	s0 =	simm.s32 @p1 $0x1  }
0x15: {  	[smem:$0x3F8E] =	sst s0;
	s0 =	simm.s32 @!p2 $0x0  }
0x16: {  	s3 =	sld [smem:$0x3FDB];
	s0 =	simm.s32 @p2 $0x1  }
0x17: {  	s4 =	simm.s32 $0x1BF5;
	[smem:$0x3F90] =	sst s0  }
0x18: {  	s0 =	sld [smem:$0x3F73];
	_ =	swait.ge [sflag:s4], $0x0  }
0x19: {  	s7 =	sld [smem:$0x3F74]  }
0x1a: {  	s8 =	sadd.s32 $0xFFFFE003, lr  }
0x1b: {  	s9 =	sadd.s32 $0xFFFFFEF7, lr;
	s5 =	simm.s32 $0xFFFFFFFF;
	p2 =	slt.u32 s8, $0xFFFFF086  }
0x1c: {  	p1 =	slt.u32 s9, $0xF7A;
	s5 =	simm.s32 @!p2 $0x0  }
0x1d: {  	s5 =	simm.s32 @p1 $0x1;
	p0 =	seq.s32 s7, s2  }
0x1e: {  	s7 =	smul.u32 @!p0 $0xF7A, s2;
	p2 =	seq.s32 @!p0 s5, $0x0  }
0x1f: {  	s9 =	smul.u32 $0xF7A, s1;
	s8 =	simm.s32 @!p0 $0x1BF5;
	p2 =	por !p2, p0  }
0x20: {  	[sflag:s8] =	ssyncset.s32 @!p0 $0xFFFFF086;
	s6 =	sadd.s32 @!p0 s3, s7;
	s7 =	simm.s32 @!p0 $0x108  }
0x21: {  	s3 =	sadd.s32 s3, s9;
	s6 =	sadd.s32 @!p0 $0x88, s6;
	s7 =	simm.s32 @p2 $0x1082  }
0x22: {  	[simem:s7], [sflag:s8] =	dma.local @!p0 [hbm:s6], $0xF7A  }
0x23: {  	s9 =	sor.u32 $0xD0000000, s2;
	s6 =	simm.s32 $0x108;
	_ =	swait.ge @!p0 [sflag:s8], $0x0  }
0x24: {  	s3 =	sadd.s32 $0x88, s3;
	s6 =	simm.s32 @!p1 $0x1082;
	[sflag:s4] =	ssyncset.s32 $0xFFFFF086  }
0x25: {  	[simem:s6], [sflag:s4] =	dma.local [hbm:s3], $0xF7A  }
0x26: {  	[smem:$0x3F74] =	sst s1;
	(tag) =	ssettag s2;
	_ =	strace s9  }
0x27: {  	s1 =	sld [smem:$0x3F84]  }
0x28: {  	s2 =	sld [smem:$0x3F85]  }
0x29: {  	s4 =	sld [smem:$0x3F87]  }
0x2a: {  	p0 =	seq.s32 s5, $0x0;
	s5 =	sld [smem:$0x3F88]  }
0x2b: {  	s6 =	sld [smem:$0x3F89]  }
0x2c: {  	s7 =	sld [smem:$0x3F8A]  }
0x2d: {  	s3 =	simm.s32 $0x108;
	s8 =	sld [smem:$0x3F8B]  }
0x2e: {  	s3 =	simm.s32 @!p0 $0x1082;
	s9 =	sld [smem:$0x3F8C]  }
0x2f: {  	lr =	sadd.s32 s0, s3;
	s0 =	sld [smem:$0x3F83]  }
0x30: {  	s3 =	sld [smem:$0x3F86]  }
0x31: {  	[smem:$0x3F8F] =	sst s10  }
0x32: {  	s10 =	sld [smem:$0x3F8D];
	_ =	sdelay $0x3  }
0x33: {  	p0 =	seq.s32 s10, $0x1;
	s10 =	sld [smem:$0x3F8F];
	_ =	sdelay $0x3  }
0x34: {  	[smem:$0x3F8F] =	sst s10  }
0x35: {  	s10 =	sld [smem:$0x3F8E];
	_ =	sdelay $0x3  }
0x36: {  	p1 =	seq.s32 s10, $0x1;
	s10 =	sld [smem:$0x3F8F];
	_ =	sdelay $0x3  }
0x37: {  	[smem:$0x3F8F] =	sst s10  }
0x38: {  	s10 =	sld [smem:$0x3F90]  }
0x39: {  	_ = 	snop;
	(pc) =	sbr.ind lr, $3  }
0x3a: {  	_ = 	snop  }
0x3b: {  	_ = 	snop  }
0x3c: {  	p2 =	seq.s32 s10, $0x1;
	s10 =	sld [smem:$0x3F8F]  }
0x3d: {  	_ =	shalt  }
0x3e: {  	_ =	shalt  }
0x3f: {  	_ =	shalt  }
0x40: {  	_ =	shalt  }
0x41: {  	_ =	shalt  }
0x42: {  	_ =	shalt  }
0x43: {  	_ =	shalt  }
0x44: {  	_ =	shalt  }
0x45: {  	_ =	shalt  }
0x46: {  	_ =	shalt  }
0x47: {  	_ =	shalt  }
0x48: {  	_ =	shalt  }
0x49: {  	_ =	shalt  }
0x4a: {  	_ =	shalt  }
0x4b: {  	_ =	shalt  }
0x4c: {  	_ =	shalt  }
0x4d: {  	_ =	shalt  }
0x4e: {  	_ =	shalt  }
0x4f: {  	_ =	shalt  }
0x50: {  	_ =	shalt  }
0x51: {  	_ =	shalt  }
0x52: {  	_ =	shalt  }
0x53: {  	_ =	shalt  }
0x54: {  	_ =	shalt  }
0x55: {  	_ =	shalt  }
0x56: {  	_ =	shalt  }
0x57: {  	_ =	shalt  }
0x58: {  	_ =	shalt  }
0x59: {  	_ =	shalt  }
0x5a: {  	_ =	shalt  }
0x5b: {  	_ =	shalt  }
0x5c: {  	_ =	shalt  }
0x5d: {  	_ =	shalt  }
0x5e: {  	_ =	shalt  }
0x5f: {  	_ =	shalt  }
0x60: {  	_ =	shalt  }
0x61: {  	_ =	shalt  }
0x62: {  	_ =	shalt  }
0x63: {  	_ =	shalt  }
0x64: {  	_ =	shalt  }
0x65: {  	_ =	shalt  }
0x66: {  	_ =	shalt  }
0x67: {  	_ =	shalt  }
0x68: {  	_ =	shalt  }
0x69: {  	_ =	shalt  }
0x6a: {  	_ =	shalt  }
0x6b: {  	_ =	shalt  }
0x6c: {  	_ =	shalt  }
0x6d: {  	_ =	shalt  }
0x6e: {  	_ =	shalt  }
0x6f: {  	_ =	shalt  }
0x70: {  	_ =	shalt  }
0x71: {  	_ =	shalt  }
0x72: {  	_ =	shalt  }
0x73: {  	_ =	shalt  }
0x74: {  	_ =	shalt  }
0x75: {  	_ =	shalt  }
0x76: {  	_ =	shalt  }
0x77: {  	_ =	shalt  }
0x78: {  	_ =	shalt  }
0x79: {  	_ =	shalt  }
0x7a: {  	_ =	shalt  }
0x7b: {  	_ =	shalt  }
0x7c: {  	_ =	shalt  }
0x7d: {  	_ =	shalt  }
0x7e: {  	_ =	shalt  }
0x7f: {  	_ =	shalt  }
0x80: {  	_ =	shalt  }
0x81: {  	_ =	shalt  }
0x82: {  	_ =	shalt  }
0x83: {  	_ =	shalt  }
0x84: {  	_ =	shalt  }
0x85: {  	_ =	shalt  }
0x86: {  	_ =	shalt  }
0x87: {  	_ =	shalt  }
.Lfunc_end0:
.L_simem_size_0:
called_computation.6_lowered:
.L_overlay_start_0:
0x88: {  	s2 =	sld [smem:$0x3FD9]  }
0x89: {  	s3 =	sld [smem:$0x3FFE];
	_ =	sdelay $0x1  }
0x8a: {  	s1 =	srdreg.scid  }
0x8b: {  	s0 =	sand.u32 $0x1, s1  }
0x8c: {  	s14 =	sshll.u32 s0, $0xA;
	s2 =	sadd.s32 s3, s2  }
0x8d: {  	s2 =	sadd.s32 s2, s14  }
0x8e: {  	[smem:$0x3F9B] =	sst s2  }
0x8f: {  	_ = 	snop  }
0x90: {  	s2 =	sld [smem:$0x3FD0];
	_ =	sdelay $0x2  }
0x91: {  	s15 =	simm.s32 $0xB;
	s4 =	simm.s32 $0x10  }
0x92: {  	[smem:s4], [sflag:s15] =	dma.local [hbm:s2], $0x1  }
0x93: {  	_ =	swait.eq [sflag:s15], $0x1  }
0x94: {  	s16 =	sld [smem:$0x10]  }
0x95: {  	s17 =	sld [smem:$0x11];
	[sflag:s15] =	ssyncset.done $0x0  }
0x96: {  	s5 =	sld [smem:$0x14];
	[sflag:s15] =	ssyncadd.s32 $0xFFFFFFFF  }
0x97: {  	s18 =	sld [smem:$0x15];
	(tm) =	ssettm $0x1  }
0x98: {  	s6 =	sld [smem:$0x3FFB];
	_ =	sdelay $0x3  }
0x99: {  	_ =	strace s6  }
0x9a: {  	s6 =	sld [smem:$0x3FFC];
	_ =	sdelay $0x3  }
0x9b: {  	_ =	strace s6  }
0x9c: {  	s6 =	sld [smem:$0x3FFD];
	_ =	sdelay $0x3  }
0x9d: {  	_ =	strace s6  }
0x9e: {  	_ =	strace $0x8FFFFFFF  }
0x9f: {  	s19 =	sld [smem:$0x3FDB];
	_ =	sdelay $0x1  }
0xa0: {  	s7 =	simm.s32 $_scs_section_size  }
0xa1: {  	s8 =	simm.s32 $_size__tile_overlayer_lowered;
	s9 =	simm.s32 $_tile_overlayer_lowered  }
0xa2: {  	s22 =	simm.s32 $0x1BFF;
	s21 =	sshll.u32 s9, $0x1;
	s6 =	sadd.s32 s7, s19  }
0xa3: {  	s10 =	simm.s32 $0x0;
	s20 =	sshll.u32 s8, $0x1;
	s8 =	sadd.s32 s21, s6  }
0xa4: {  	[timem:s10], [sflag:s22] =	dma.local [hbm:s8], s20  }
0xa5: {  	_ =	swait.ge [sflag:s22], s20  }
0xa6: {  	s7 =	ssub.s32 $0x0, s20;
	[sflag:s22] =	ssyncset.done $0x0  }
0xa7: {  	[sflag:s22] =	ssyncadd.s32 s7;
	_ =	sdelay $0x1  }
0xa8: {  	s23 =	simm.s32 $0x1B8B  }
0xa9: {  	_ =	swait.ge [sflag:s23], $0x1  }
0xaa: {  	[sflag:s23] =	ssyncset.done $0x0  }
0xab: {  	s25 =	simm.s32 $0x1B8E;
	s24 =	sld [smem:$0x3FFE];
	[sflag:s23] =	ssyncadd.s32 $0xFFFFFFFF  }
0xac: {  	s26 =	simm.s32 $execute0_lowered;
	[smem:$0x3FD2] =	sst s25  }
0xad: {  	s8 =	sshll.u32 s26, $0x1;
	_ =	strace $0x80000058;
	[dreg:$0x1] =	wrdreg $0xFFFFFFFF  }
0xae: {  	s28 =	simm.s32 $_size_execute0_lowered;
	s6 =	sadd.s32 s6, s8;
	[dreg:$0x0] =	wrdreg $0x0  }
0xaf: {  	s8 =	sshll.u32 s28, $0x1;
	[dreg:$0x2] =	wrdreg s6  }
0xb0: {  	[dreg:$0x3] =	wrdreg s8  }
0xb1: {  	[dreg:$0x4] =	wrdreg $0xC0  }
0xb2: {  	_ =	task [dreg:s10], $0x5FFFF  }
0xb3: {  	[dreg:$0x1] =	wrdreg $0xFFFFFFFF  }
0xb4: {  	[dreg:$0x0] =	wrdreg $0x60  }
0xb5: {  	[dreg:$0x2] =	wrdreg s16  }
0xb6: {  	[dreg:$0x3] =	wrdreg s18  }
0xb7: {  	[dreg:$0x4] =	wrdreg s24  }
0xb8: {  	[dreg:$0x5] =	wrdreg s17  }
0xb9: {  	[dreg:$0x6] =	wrdreg s5  }
0xba: {  	[dreg:$0x7] =	wrdreg $0x9  }
0xbb: {  	_ =	task.clear_ibuf [dreg:s10], $0x8FFFF;
	_ =	strace $0x90000058  }
0xbc: {  	s29 =	simm.s32 $0x9;
	_ =	strace $0x8000005A  }
0xbd: {  	_ =	swait.ge [sflag:s29], $0x1  }
0xbe: {  	[sflag:s29] =	ssyncadd.s32 $0xFFFFFFFF  }
0xbf: {  	_ =	strace $0x9000005A  }
0xc0: {  	_ =	sfence  }
0xc1: {  	s30 =	sld [smem:$0x0];
	_ =	sdelay $0x2  }
0xc2: {  	s31 =	sshll.u32 s1, $0xD;
	s1 =	sshrl.u32 s1, $0x2  }
0xc3: {  	s3 =	sand.u32 $0x4000, s31;
	s1 =	sadd.s32 s1, s30  }
0xc4: {  	s0 =	sor.u32 s3, s0;
	s1 =	sshll.u32 s1, $0x11  }
0xc5: {  	s0 =	sor.u32 s1, s0  }
0xc6: {  	s0 =	sadd.s32 $0x8F2B, s0  }
0xc7: {  	[sflag:s0] =	ssyncadd.remote.s32 $0x1  }
0xc8: {  	_ =	sfence.sel $0xFFFF  }
0xc9: {  	[dreg:$0x0] =	wrdreg $0xFFFFFFFF;
	(pc) =	sbr.abs _section_cstart, $3  }
0xca: {  	[dreg:$0x1] =	wrdreg $0xFFFFFFFF  }
0xcb: {  	_ =	task.clear_ibuf [dreg:s10], $0x2FFFF;
	_ =	strace $0x9FFFFFFF  }
0xcc: {  	(tm) =	ssettm $0x7FFFFFFF  }
0xcd: {  	_ =	shalt  }
tec
execute0_lowered:
.L_overlay_start_1:
0x0: {  	(tag) =	ssettag $0x1  }
0x1: {  	s1 =	rddreg [dreg:$0x0]  }
0x2: {  	s9 =	rddreg [dreg:$0x1]  }
0x3: {  	s5 =	rddreg [dreg:$0x2]  }
0x4: {  	s8 =	rddreg [dreg:$0x3]  }
0x5: {  	s6 =	rddreg [dreg:$0x4];
	s2 =	srdreg.scid  }
0x6: {  	s0 =	rddreg [dreg:$0x5];
	s4 =	sand.u32 $0x1, s2  }
0x7: {  	s2 =	stileid.u32;
	s7 =	smul.u32 $0x186A00, s4  }
0x8: {  	s3 =	simm.s32 $0x0;
	s15 =	simm.s32 $0x2;
	s11 =	smul.u32 $0x186A0, s2  }
0x9: {  	s16 =	simm.s32 $0x0;
	s10 =	ssub.s32 $0x2, s4;
	s13 =	smul.u32 $0xC3500, s4  }
0xa: {  	[smem:$0x7FF] =	sst s3;
	s29 =	smul.u32 $0xC350, s2;
	s12 =	sshrl.u32 s10, $0x1  }
0xb: {  	_ =	strace $0x80000059;
	s4 =	sadd.s32 $0x8600, s5;
	s10 =	ssub.s32 s10, s12  }
0xc: {  	s14 =	sadd.s32 s7, s5;
	s7 =	sadd.s32 s7, s6;
	s12 =	sadd.s32 s29, s13  }
0xd: {  	s13 =	simm.s32 $0x8CA0;
	s5 =	smax.u32 s10, $0x1;
	s30 =	sadd.s32 s11, s14  }
0xe: {  	s7 =	sadd.s32 s11, s7;
	s31 =	sshrl.u32 s12, $0x3;
	s10 =	simm.s32 $0x3  }
0xf: {  	s11 =	simm.s32 $0x84D0;
	s12 =	simm.s32 $0x7D0;
	s14 =	simm.s32 $0x1  }
0x10: {  	s6 =	sadd.s32 $0x39400, s30;
	s8 =	sadd.s32 s31, s8;
	s9 =	sadd.s32 s31, s9  }
.LBB2_1:
0x11: {  	s17 =	sadd.s32 $0x0, s9  }
0x12: {  	[tilespmem:s3], [sflag:$0x3] =	stream.linear.gather [hbm4b:s17+s3], $0x7D0, $0x38;
	[tilespmem:$0x109A0] =	vst v63  }
0x13: {  	_ =	swait.ge [sflag:s10], $0x7D0  }
0x14: {  	[sflag:s10] =	ssyncset.done $0x0  }
0x15: {  	s31 =	sadd.s32 $0x0, s8;
	[sflag:s10] =	ssyncadd.s32 $0xFFFFF830  }
0x16: {  	[tilespmem:s11], [sflag:$0x3] =	stream.linear.gather [hbm4b:s31+s3], $0x7D0, $0x38;
	[tilespmem:$0x109A0] =	vst v63  }
0x17: {  	_ =	swait.ge [sflag:s10], $0x7D0  }
0x18: {  	[sflag:s10] =	ssyncset.done $0x0  }
0x19: {  	[sflag:s10] =	ssyncadd.s32 $0xFFFFF830  }
0x1a: {  	[tilespmem:s12], [sflag:$0x1] =	stream.indirect.gather [hbm4b:s1+s12], $0x10, s3, s12, $0xb8;
	[tilespmem:$0x109A0] =	vst v63  }
0x1b: {  	_ = 	snop  }
0x1c: {  	[tilespmem:s13], [sflag:$0x2] =	stream.indirect.gather [hbm4b:s4+s12], $0x10, s11, s12, $0xb8;
	[tilespmem:$0x109A0] =	vst v63  }
0x1d: {  	_ =	swait.ge [sflag:s14], $0x7D00  }
0x1e: {  	[sflag:s14] =	ssyncset.done $0x0  }
0x1f: {  	[sflag:s14] =	ssyncadd.s32 $0xFFFF8300  }
0x20: {  	_ =	swait.ge [sflag:s15], $0x7D00  }
0x21: {  	[sflag:s15] =	ssyncset.done $0x0  }
0x22: {  	[sflag:s15] =	ssyncadd.s32 $0xFFFF8300  }
0x23: {  	[hbm4b:s7+s3] =	stream.linear.scatter [tilespmem:s12], [sflag:$0x3], $0x7D00, $0x38;
	[tilespmem:$0x109A0] =	vst v63  }
0x24: {  	_ =	swait.ge [sflag:s10], $0x7D00  }
0x25: {  	[sflag:s10] =	ssyncset.done $0x0  }
0x26: {  	[sflag:s10] =	ssyncadd.s32 $0xFFFF8300  }
0x27: {  	[hbm4b:s6+s3] =	stream.linear.scatter [tilespmem:s13], [sflag:$0x3], $0x7D00, $0x38;
	[tilespmem:$0x109A0] =	vst v63  }
0x28: {  	s19 =	simm.s32 $0xFA;
	s20 =	simm.s32 $0x1F4;
	_ =	swait.ge [sflag:s10], $0x7D00  }
0x29: {  	s18 =	sadd.s32 $0xFA0, s7;
	s17 =	sadd.s32 $0xFA0, s6;
	[sflag:s10] =	ssyncset.done $0x0  }
.LBB2_2:
0x2a: {  	s21 =	sadd.s32 s19, s9  }
0x2b: {  	[sflag:s10] =	ssyncadd.s32 $0xFFFF8300;
	s22 =	smov.u32 s20;
	s23 =	sadd.s32 $0xFA, s20  }
0x2c: {  	[tilespmem:s3], [sflag:$0x3] =	stream.linear.gather [hbm4b:s21+s3], $0x7D0, $0x38;
	[tilespmem:$0x109A0] =	vst v63  }
0x2d: {  	p0 =	sne.s32 s20, $0x1770;
	_ =	swait.ge [sflag:s10], $0x7D0  }
0x2e: {  	[sflag:s10] =	ssyncset.done $0x0  }
0x2f: {  	s20 =	sadd.s32 s19, s8;
	s19 =	smov.u32 s22;
	[sflag:s10] =	ssyncadd.s32 $0xFFFFF830  }
0x30: {  	[tilespmem:s11], [sflag:$0x3] =	stream.linear.gather [hbm4b:s20+s3], $0x7D0, $0x38;
	[tilespmem:$0x109A0] =	vst v63  }
0x31: {  	_ =	swait.ge [sflag:s10], $0x7D0  }
0x32: {  	[sflag:s10] =	ssyncset.done $0x0  }
0x33: {  	[sflag:s10] =	ssyncadd.s32 $0xFFFFF830  }
0x34: {  	[tilespmem:s12], [sflag:$0x1] =	stream.indirect.gather [hbm4b:s1+s12], $0x10, s3, s12, $0xb8;
	[tilespmem:$0x109A0] =	vst v63  }
0x35: {  	_ = 	snop  }
0x36: {  	[tilespmem:s13], [sflag:$0x2] =	stream.indirect.gather [hbm4b:s4+s12], $0x10, s11, s12, $0xb8;
	[tilespmem:$0x109A0] =	vst v63  }
0x37: {  	_ =	swait.ge [sflag:s14], $0x7D00  }
0x38: {  	[sflag:s14] =	ssyncset.done $0x0  }
0x39: {  	[sflag:s14] =	ssyncadd.s32 $0xFFFF8300  }
0x3a: {  	_ =	swait.ge [sflag:s15], $0x7D00  }
0x3b: {  	[sflag:s15] =	ssyncset.done $0x0  }
0x3c: {  	[sflag:s15] =	ssyncadd.s32 $0xFFFF8300  }
0x3d: {  	[hbm4b:s18+s3] =	stream.linear.scatter [tilespmem:s12], [sflag:$0x3], $0x7D00, $0x38;
	[tilespmem:$0x109A0] =	vst v63  }
0x3e: {  	_ =	swait.ge [sflag:s10], $0x7D00  }
.Ltmp0:
0x3f: {  	[sflag:s10] =	ssyncset.done $0x0;
	(pc) =	sbr.rel @p0 .LBB2_2-.Ltmp0, $4  }
0x40: {  	[sflag:s10] =	ssyncadd.s32 $0xFFFF8300  }
0x41: {  	[hbm4b:s17+s3] =	stream.linear.scatter [tilespmem:s13], [sflag:$0x3], $0x7D00, $0x38;
	[tilespmem:$0x109A0] =	vst v63  }
0x42: {  	s20 =	smov.u32 s23;
	_ =	swait.ge [sflag:s10], $0x7D00  }
0x43: {  	s18 =	sadd.s32 $0xFA0, s18;
	s17 =	sadd.s32 $0xFA0, s17;
	[sflag:s10] =	ssyncset.done $0x0  }
0x44: {  	s20 =	sadd.s32 s19, s9;
	[sflag:s10] =	ssyncadd.s32 $0xFFFF8300  }
0x45: {  	[tilespmem:s3], [sflag:$0x3] =	stream.linear.gather [hbm4b:s20+s3], $0x7D0, $0x38;
	[tilespmem:$0x109A0] =	vst v63  }
0x46: {  	_ =	swait.ge [sflag:s10], $0x7D0  }
0x47: {  	[sflag:s10] =	ssyncset.done $0x0  }
0x48: {  	s31 =	sadd.s32 s19, s8;
	[sflag:s10] =	ssyncadd.s32 $0xFFFFF830  }
0x49: {  	[tilespmem:s11], [sflag:$0x3] =	stream.linear.gather [hbm4b:s31+s3], $0x7D0, $0x38;
	[tilespmem:$0x109A0] =	vst v63  }
0x4a: {  	_ =	swait.ge [sflag:s10], $0x7D0  }
0x4b: {  	[sflag:s10] =	ssyncset.done $0x0  }
0x4c: {  	[sflag:s10] =	ssyncadd.s32 $0xFFFFF830  }
0x4d: {  	[tilespmem:s12], [sflag:$0x1] =	stream.indirect.gather [hbm4b:s1+s12], $0x10, s3, s12, $0xb8;
	[tilespmem:$0x109A0] =	vst v63  }
0x4e: {  	_ = 	snop  }
0x4f: {  	[tilespmem:s13], [sflag:$0x2] =	stream.indirect.gather [hbm4b:s4+s12], $0x10, s11, s12, $0xb8;
	[tilespmem:$0x109A0] =	vst v63  }
0x50: {  	_ =	swait.ge [sflag:s14], $0x7D00  }
0x51: {  	[sflag:s14] =	ssyncset.done $0x0  }
0x52: {  	[sflag:s14] =	ssyncadd.s32 $0xFFFF8300  }
0x53: {  	_ =	swait.ge [sflag:s15], $0x7D00  }
0x54: {  	[sflag:s15] =	ssyncset.done $0x0  }
0x55: {  	[sflag:s15] =	ssyncadd.s32 $0xFFFF8300  }
0x56: {  	[hbm4b:s18+s3] =	stream.linear.scatter [tilespmem:s12], [sflag:$0x3], $0x7D00, $0x38;
	[tilespmem:$0x109A0] =	vst v63  }
0x57: {  	s16 =	sadd.s32 $0x1, s16;
	_ =	swait.ge [sflag:s10], $0x7D00  }
0x58: {  	p0 =	sne.s32 s16, s5;
	[sflag:s10] =	ssyncset.done $0x0  }
.Ltmp1:
0x59: {  	[sflag:s10] =	ssyncadd.s32 $0xFFFF8300;
	(pc) =	sbr.rel @p0 .LBB2_1-.Ltmp1, $4  }
0x5a: {  	[hbm4b:s17+s3] =	stream.linear.scatter [tilespmem:s13], [sflag:$0x3], $0x7D00, $0x38;
	[tilespmem:$0x109A0] =	vst v63  }
0x5b: {  	_ =	swait.ge [sflag:s10], $0x7D00  }
0x5c: {  	[sflag:s10] =	ssyncset.done $0x0  }
0x5d: {  	[sflag:s10] =	ssyncadd.s32 $0xFFFF8300  }
0x5e: {  	_ =	sfence.sel $0x180000  }
0x5f: {  	[bflag:$0x0] =	sbarrier.arrive $0xFFFF  }
0x60: {  	p0 =	sne.s32 s2, $0x0;
	_ =	strace $0x90000059  }
0x61: {  	s0 =	sadd.s32 @!p0 $0x100000, s0;
	[bflag:$0x2] =	sbarrier.arrive $0xFFFF  }
0x62: {  	[sflag:s0] =	ssyncadd.tile.s32 @!p0 $0x1;
	_ =	shalt  }
.Lfunc_end2:
_tile_overlayer_lowered:
.L_overlay_start_2:
0x63: {  	(tag) =	ssettag $0x2  }
0x64: {  	s0 =	rddreg [dreg:$0x0];
	s2 =	stileid.u32  }
0x65: {  	s1 =	rddreg [dreg:$0x1];
	p0 =	sne.s32 s2, $0x0  }
0x66: {  	s3 =	rddreg [dreg:$0x2];
	[bflag:$0x3] =	sbarrier.arrive $0xFFFF;
	s2 =	simm.s32 @!p0 $0x1C03  }
0x67: {  	[timem:s3], [sflag:s2] =	dma.local @!p0 [hbm:s0], s1  }
0x68: {  	s0 =	simm.s32 @!p0 $0x3  }
0x69: {  	_ =	swait.ge @!p0 [sflag:s0], s1  }
0x6a: {  	s1 =	ssub.s32 @!p0 $0x0, s1;
	[sflag:s0] =	ssyncset.done @!p0 $0x0  }
0x6b: {  	[sflag:s0] =	ssyncadd.s32 @!p0 s1  }
0x6c: {  	[bflag:$0x3] =	sbarrier.arrive $0xFFFF  }
0x6d: {  	_ =	shalt  }

</sc_bundles>
